<compile_context>
chip_gen: v7x
topology: tpu7x:2x2x1
jax: 0.10.2.dev20260603
libtpu: 0.0.44.dev20260713+nightly
codegen_flags: <defaults>
</compile_context>

<pallas_src>
import functools

import jax
import jax.numpy as jnp
from jax import lax
from jax.experimental import pallas as pl
from jax.experimental.pallas import tpu as pltpu
from jax.experimental.pallas import tpu_sc as plsc

_NC = 2
_NS = 16
_NW = _NC * _NS
_CH = 128
_ROWB = 2048


def _rup(x, m):
    return (x + m - 1) // m * m




_NBUF = 4


def _sc_scatter(src_i, dst_i, table, ar):
    et = src_i.shape[0]
    d = table.shape[1]
    epw = et // _NW
    steps = epw // _CH
    ngroups = steps // _NBUF
    zr = ar // _NS
    zfull, ztail = zr // _CH, zr % _CH
    mesh = plsc.VectorSubcoreMesh(core_axis_name="c", subcore_axis_name="s")

    @functools.partial(
        pl.kernel,
        out_type=jax.ShapeDtypeStruct((_NC, ar, d), jnp.float32),
        mesh=mesh,
        scratch_types=[
            [pltpu.VMEM((_CH,), jnp.int32)] * _NBUF,
            [pltpu.VMEM((_CH,), jnp.int32)] * _NBUF,
            [pltpu.VMEM((_CH, d), jnp.float32)] * 2,
            pltpu.VMEM_SHARED((ar, d), jnp.float32),
            [pltpu.SemaphoreType.DMA] * _NBUF,
            [pltpu.SemaphoreType.DMA] * _NBUF,
            [pltpu.SemaphoreType.DMA] * 2,
        ],
    )
    def k(zeros_hbm, src_hbm, dst_hbm, table_hbm, out_hbm,
          idx_s, idx_d, rows, acc, sem_is, sem_id, sem_g):
        c = lax.axis_index("c")
        s = lax.axis_index("s")
        wid = s * _NC + c
        base = pl.multiple_of(wid * epw, _CH)
        pltpu.sync_copy(zeros_hbm, rows[0])
        zb = s * zr
        for j in range(zfull):
            pltpu.sync_copy(rows[0], acc.at[pl.ds(zb + j * _CH, _CH)])
        if ztail:
            pltpu.sync_copy(rows[0].at[pl.ds(0, ztail)],
                            acc.at[pl.ds(zb + zfull * _CH, ztail)])
        plsc.subcore_barrier()

        def start_idx(dstbuf, hbm, ch, sem):
            off = pl.multiple_of(base + ch * _CH, _CH)
            pltpu.async_copy(hbm.at[pl.ds(off, _CH)], dstbuf, sem)

        def wait_idx(dstbuf, hbm, sem):
            pltpu.make_async_copy(hbm.at[pl.ds(base, _CH)], dstbuf, sem).wait()

        for q in range(_NBUF):
            start_idx(idx_s[q], src_hbm, q, sem_is[q])
            start_idx(idx_d[q], dst_hbm, q, sem_id[q])
        for r in range(2):
            wait_idx(idx_s[r], src_hbm, sem_is[r])
            pltpu.async_copy(table_hbm.at[idx_s[r]], rows[r], sem_g[r])

        def group(g, carry):
            ch0 = g * _NBUF
            for bb in range(_NBUF):
                ch = ch0 + bb
                r = bb % 2
                q = bb
                pltpu.make_async_copy(table_hbm.at[idx_s[q]],
                                      rows[r], sem_g[r]).wait()

                @pl.when(ch + _NBUF < steps)
                def _():
                    start_idx(idx_s[q], src_hbm, ch + _NBUF, sem_is[q])

                wait_idx(idx_d[q], dst_hbm, sem_id[q])
                pltpu.sync_copy(rows[r], acc.at[idx_d[q]], add=True)

                @pl.when(ch + _NBUF < steps)
                def _():
                    start_idx(idx_d[q], dst_hbm, ch + _NBUF, sem_id[q])

                @pl.when(ch + 2 < steps)
                def _():
                    q2 = (bb + 2) % _NBUF
                    wait_idx(idx_s[q2], src_hbm, sem_is[q2])
                    pltpu.async_copy(table_hbm.at[idx_s[q2]], rows[r],
                                     sem_g[r])
            return carry

        lax.fori_loop(0, ngroups, group, 0)
        plsc.subcore_barrier()

        for cc in range(_NC):
            @pl.when(c == cc)
            def _():
                for j in range(zfull):
                    pltpu.sync_copy(acc.at[pl.ds(zb + j * _CH, _CH)],
                                    out_hbm.at[cc, pl.ds(zb + j * _CH, _CH)])
                if ztail:
                    pltpu.sync_copy(acc.at[pl.ds(zb + zfull * _CH, ztail)],
                                    out_hbm.at[cc, pl.ds(zb + zfull * _CH, ztail)])

    zeros = jnp.zeros((_CH, d), jnp.float32)
    return k(zeros, src_i, dst_i, table)


def _sc_count(dst_a, dst_b, ar):
    ea = dst_a.shape[0] - dst_a.shape[0] % _CH
    eb = dst_b.shape[0]
    et = ea + eb
    d = 128
    epw = et // _NW
    steps = epw // _CH
    ngroups = steps // _NBUF
    zr = ar // _NS
    zfull, ztail = zr // _CH, zr % _CH
    mesh = plsc.VectorSubcoreMesh(core_axis_name="c", subcore_axis_name="s")

    @functools.partial(
        pl.kernel,
        out_type=jax.ShapeDtypeStruct((_NC, ar, d), jnp.float32),
        mesh=mesh,
        scratch_types=[
            [pltpu.VMEM((_CH,), jnp.int32)] * _NBUF,
            pltpu.VMEM((_CH, d), jnp.float32),
            pltpu.VMEM_SHARED((ar, d), jnp.float32),
            [pltpu.SemaphoreType.DMA] * _NBUF,
        ],
    )
    def k(zeros_hbm, ones_hbm, dsta_hbm, dstb_hbm, out_hbm,
          idx_d, rows, acc, sem_i):
        c = lax.axis_index("c")
        s = lax.axis_index("s")
        wid = s * _NC + c
        base = pl.multiple_of(wid * epw, _CH)
        pltpu.sync_copy(zeros_hbm, rows)
        zb = s * zr
        for j in range(zfull):
            pltpu.sync_copy(rows, acc.at[pl.ds(zb + j * _CH, _CH)])
        if ztail:
            pltpu.sync_copy(rows.at[pl.ds(0, ztail)],
                            acc.at[pl.ds(zb + zfull * _CH, ztail)])
        plsc.subcore_barrier()

        pltpu.sync_copy(ones_hbm, rows)

        def start_idx(bb, off):
            @pl.when(off < ea)
            def _():
                pltpu.async_copy(dsta_hbm.at[pl.ds(pl.multiple_of(off, _CH),
                                                   _CH)],
                                 idx_d[bb], sem_i[bb])

            @pl.when(off >= ea)
            def _():
                off2 = pl.multiple_of(off - ea, _CH)
                pltpu.async_copy(dstb_hbm.at[pl.ds(off2, _CH)],
                                 idx_d[bb], sem_i[bb])

        for bb in range(_NBUF):
            start_idx(bb, base + bb * _CH)

        def group(g, carry):
            ch0 = g * _NBUF
            for bb in range(_NBUF):
                ch = ch0 + bb
                pltpu.make_async_copy(dstb_hbm.at[pl.ds(0, _CH)],
                                      idx_d[bb], sem_i[bb]).wait()
                pltpu.sync_copy(rows, acc.at[idx_d[bb]], add=True)

                @pl.when(g < ngroups - 1)
                def _():
                    start_idx(bb, base + (ch + _NBUF) * _CH)
            return carry

        lax.fori_loop(0, ngroups, group, 0)
        plsc.subcore_barrier()

        for cc in range(_NC):
            @pl.when(c == cc)
            def _():
                for j in range(zfull):
                    pltpu.sync_copy(acc.at[pl.ds(zb + j * _CH, _CH)],
                                    out_hbm.at[cc, pl.ds(zb + j * _CH, _CH)])
                if ztail:
                    pltpu.sync_copy(acc.at[pl.ds(zb + zfull * _CH, ztail)],
                                    out_hbm.at[cc, pl.ds(zb + zfull * _CH, ztail)])

    zeros = jnp.zeros((_CH, d), jnp.float32)
    ones = jnp.ones((_CH, d), jnp.float32)
    return k(zeros, ones, dst_a, dst_b)




def _tc_mm0(xp, w0):
    np_, in_ch = xp.shape
    hid = w0.shape[1]

    def body(x_ref, w0_ref, y_ref):
        y_ref[...] = jnp.dot(x_ref[...], w0_ref[...],
                             preferred_element_type=jnp.float32)

    return pl.pallas_call(
        body,
        grid=(np_ // _ROWB,),
        in_specs=[
            pl.BlockSpec((_ROWB, in_ch), lambda i: (i, 0)),
            pl.BlockSpec((in_ch, hid), lambda i: (0, 0)),
        ],
        out_specs=pl.BlockSpec((_ROWB, hid), lambda i: (i, 0)),
        out_shape=jax.ShapeDtypeStruct((np_, hid), jnp.float32),
    )(xp, w0)


def _tc_prep(dp, y0, n):
    np_, hid = y0.shape

    def body(dp_ref, y_ref, hh_ref, dinv_ref):
        i = pl.program_id(0)
        degc = (dp_ref[0] + dp_ref[1])[:, 0:1] + 1.0
        rows = i * _ROWB + lax.broadcasted_iota(jnp.int32, (_ROWB, 1), 0)
        dinv = jnp.where(rows < n, lax.rsqrt(degc), 0.0)
        hh_ref[...] = y_ref[...] * dinv
        dinv_ref[...] = dinv

    return pl.pallas_call(
        body,
        grid=(np_ // _ROWB,),
        in_specs=[
            pl.BlockSpec((2, _ROWB, 128), lambda i: (0, i, 0)),
            pl.BlockSpec((_ROWB, hid), lambda i: (i, 0)),
        ],
        out_specs=[
            pl.BlockSpec((_ROWB, hid), lambda i: (i, 0)),
            pl.BlockSpec((_ROWB, 1), lambda i: (i, 0)),
        ],
        out_shape=[
            jax.ShapeDtypeStruct((np_, hid), jnp.float32),
            jax.ShapeDtypeStruct((np_, 1), jnp.float32),
        ],
    )(dp, y0)


def _tc_layer(p, hh, dinv, bias, w):
    np_, hid = hh.shape

    def body(p_ref, hh_ref, dinv_ref, b_ref, w_ref, o_ref):
        dv = dinv_ref[...]
        h = dv * (p_ref[0] + p_ref[1] + hh_ref[...]) + b_ref[...]
        h = jnp.maximum(h, 0.0)
        o_ref[...] = jnp.dot(h, w_ref[...],
                             preferred_element_type=jnp.float32) * dv

    return pl.pallas_call(
        body,
        grid=(np_ // _ROWB,),
        in_specs=[
            pl.BlockSpec((2, _ROWB, hid), lambda i: (0, i, 0)),
            pl.BlockSpec((_ROWB, hid), lambda i: (i, 0)),
            pl.BlockSpec((_ROWB, 1), lambda i: (i, 0)),
            pl.BlockSpec((1, hid), lambda i: (0, 0)),
            pl.BlockSpec((hid, hid), lambda i: (0, 0)),
        ],
        out_specs=pl.BlockSpec((_ROWB, hid), lambda i: (i, 0)),
        out_shape=jax.ShapeDtypeStruct((np_, hid), jnp.float32),
    )(p, hh, dinv, bias, w)


def _tc_combine(p, hh, dinv, bias):
    np_, hid = hh.shape

    def body(p_ref, hh_ref, dinv_ref, b_ref, o_ref):
        o_ref[...] = (dinv_ref[...] * (p_ref[0] + p_ref[1] + hh_ref[...])
                      + b_ref[...])

    return pl.pallas_call(
        body,
        grid=(np_ // _ROWB,),
        in_specs=[
            pl.BlockSpec((2, _ROWB, hid), lambda i: (0, i, 0)),
            pl.BlockSpec((_ROWB, hid), lambda i: (i, 0)),
            pl.BlockSpec((_ROWB, 1), lambda i: (i, 0)),
            pl.BlockSpec((1, hid), lambda i: (0, 0)),
        ],
        out_specs=pl.BlockSpec((_ROWB, hid), lambda i: (i, 0)),
        out_shape=jax.ShapeDtypeStruct((np_, hid), jnp.float32),
    )(p, hh, dinv, bias)


def _tc_head(pp, cp, w1, b1, w2, b2, b, np_, hid):
    pl_ar = pp.shape[1]

    def body(pp_ref, cp_ref, w1_ref, b1_ref, w2_ref, b2_ref, o_ref):
        ps = pp_ref[0] + pp_ref[1]
        cnt = (cp_ref[0] + cp_ref[1])[:, 0:1]
        g = ps[0:b] / jnp.maximum(cnt, 1.0)
        hu = ps[b:2 * b]
        hv = ps[2 * b:3 * b]
        hid_a = (jnp.dot(g, w1_ref[0:hid],
                         preferred_element_type=jnp.float32)
                 + jnp.dot(hu, w1_ref[hid:2 * hid],
                           preferred_element_type=jnp.float32)
                 + jnp.dot(hv, w1_ref[2 * hid:3 * hid],
                           preferred_element_type=jnp.float32)
                 + b1_ref[...])
        hid_a = jnp.maximum(hid_a, 0.0)
        o_ref[...] = jnp.dot(hid_a, w2_ref[...],
                             preferred_element_type=jnp.float32) + b2_ref[...]

    return pl.pallas_call(
        body,
        grid=(1,),
        in_specs=[
            pl.BlockSpec((2, 3 * b, hid), lambda i: (0, 0, 0)),
            pl.BlockSpec((2, b, 128), lambda i: (0, np_ // b, 0)),
            pl.BlockSpec((3 * hid, hid), lambda i: (0, 0)),
            pl.BlockSpec((1, hid), lambda i: (0, 0)),
            pl.BlockSpec((hid, 1), lambda i: (0, 0)),
            pl.BlockSpec((1, 1), lambda i: (0, 0)),
        ],
        out_specs=pl.BlockSpec((b, 1), lambda i: (0, 0)),
        out_shape=jax.ShapeDtypeStruct((b, 1), jnp.float32),
    )(pp, cp, w1, b1, w2, b2)




def kernel(x, edge_index, batch_vec, u_idx, v_idx,
           conv_w0, conv_b0, conv_w1, conv_b1, conv_w2, conv_b2,
           mlp_w1, mlp_b1, mlp_w2, mlp_b2):
    n, in_ch = x.shape
    e = edge_index.shape[1]
    b = u_idx.shape[0]
    hid = conv_w0.shape[1]

    grp = _NW * _CH * _NBUF
    np_ = _rup(n + 1, 1024)
    ep = _rup(e, grp)
    ct_ar = _rup(np_ + b + 1, _CH)
    pe = _rup(n + 2 * b, grp)
    pl_ar = _rup(3 * b + 1, _CH)

    i32 = jnp.int32

    def _pad_rows(npad, lo, hi):
        return lo + jnp.arange(npad, dtype=i32) % (hi - lo)

    ei_p = jnp.concatenate(
        [edge_index, jnp.broadcast_to(_pad_rows(ep - e, n, np_), (2, ep - e))],
        axis=1)
    src_p = ei_p[0]
    dst_p = ei_p[1]
    rem = e % _CH
    ct_e = _rup(e + n, grp)
    cnt_b = jnp.concatenate([
        edge_index[1, e - rem:], np_ + batch_vec,
        _pad_rows(ct_e - e - n, np_ + b, ct_ar)])
    pool_src = jnp.concatenate([
        jnp.arange(n, dtype=i32), u_idx, v_idx,
        _pad_rows(pe - n - 2 * b, n, np_)])
    pool_dst = jnp.concatenate([
        batch_vec, b + jnp.arange(b, dtype=i32), 2 * b + jnp.arange(b, dtype=i32),
        _pad_rows(pe - n - 2 * b, 3 * b, pl_ar)])
    xp = jnp.pad(x, ((0, np_ - n), (0, 0)))

    cp = _sc_count(edge_index[1], cnt_b, ct_ar)
    y0 = _tc_mm0(xp, conv_w0)

    hh0, dinv = _tc_prep(cp, y0, n)

    p0 = _sc_scatter(src_p, dst_p, hh0, np_)
    hh1 = _tc_layer(p0, hh0, dinv, conv_b0.reshape(1, hid), conv_w1)
    p1 = _sc_scatter(src_p, dst_p, hh1, np_)
    hh2 = _tc_layer(p1, hh1, dinv, conv_b1.reshape(1, hid), conv_w2)
    p2 = _sc_scatter(src_p, dst_p, hh2, np_)
    h3 = _tc_combine(p2, hh2, dinv, conv_b2.reshape(1, hid))

    pp = _sc_scatter(pool_src, pool_dst, h3, pl_ar)

    out = _tc_head(pp, cp, mlp_w1, mlp_b1.reshape(1, hid),
                   mlp_w2, mlp_b2.reshape(1, 1), b, np_, hid)
    return out[:, 0]

# --- scband reference (transcript-rebuilt; emitter-appended) ---
"""Pipeline reference for scband-subgraph-classifier-6906307412089 (READ-ONLY COPY).

The authoritative reference and input builder live on the scoring server;
editing this copy changes nothing except your own understanding.
"""

import jax, jax.numpy as jnp
import numpy as np

N = 10000
E = 320000
IN_CH = 136
HID = 128
NUM_LAYERS = 3
B = 1024


def setup_inputs(seed: int = 0) -> dict:
    key = jax.random.key(seed)
    ks = jax.random.split(key, 20)
    x = jax.random.normal(ks[0], (N, IN_CH), dtype=jnp.float32)
    edge_index = jax.random.randint(ks[1], (2, E), 0, N, dtype=jnp.int32)
    batch_vec = jnp.sort(jax.random.randint(ks[2], (N,), 0, B, dtype=jnp.int32))
    u_idx = jax.random.randint(ks[3], (B,), 0, N, dtype=jnp.int32)
    v_idx = jax.random.randint(ks[4], (B,), 0, N, dtype=jnp.int32)
    # GCN encoder params
    conv_w0 = jax.random.normal(ks[5], (IN_CH, HID), dtype=jnp.float32) / np.sqrt(IN_CH)
    conv_b0 = jnp.zeros((HID,), dtype=jnp.float32)
    conv_w1 = jax.random.normal(ks[6], (HID, HID), dtype=jnp.float32) / np.sqrt(HID)
    conv_b1 = jnp.zeros((HID,), dtype=jnp.float32)
    conv_w2 = jax.random.normal(ks[7], (HID, HID), dtype=jnp.float32) / np.sqrt(HID)
    conv_b2 = jnp.zeros((HID,), dtype=jnp.float32)
    # MLP classifier params: Linear(3*hidden, hidden) -> ReLU -> Linear(hidden, 1)
    mlp_w1 = jax.random.normal(ks[8], (3 * HID, HID), dtype=jnp.float32) / np.sqrt(3 * HID)
    mlp_b1 = jnp.zeros((HID,), dtype=jnp.float32)
    mlp_w2 = jax.random.normal(ks[9], (HID, 1), dtype=jnp.float32) / np.sqrt(HID)
    mlp_b2 = jnp.zeros((1,), dtype=jnp.float32)
    return {
        "x": x, "edge_index": edge_index, "batch_vec": batch_vec,
        "u_idx": u_idx, "v_idx": v_idx,
        "conv_w0": conv_w0, "conv_b0": conv_b0,
        "conv_w1": conv_w1, "conv_b1": conv_b1,
        "conv_w2": conv_w2, "conv_b2": conv_b2,
        "mlp_w1": mlp_w1, "mlp_b1": mlp_b1,
        "mlp_w2": mlp_w2, "mlp_b2": mlp_b2,
    }


def _gcn_conv(h, w, b, src, dst, norm):
    h = h @ w
    msg = h[src] * norm[:, None]
    out = jax.ops.segment_sum(msg, dst, num_segments=N)
    return out + b


def reference(x, edge_index, batch_vec, u_idx, v_idx,
              conv_w0, conv_b0, conv_w1, conv_b1, conv_w2, conv_b2,
              mlp_w1, mlp_b1, mlp_w2, mlp_b2):
    # GCN normalization with self-loops: D^-1/2 (A+I) D^-1/2
    loop = jnp.arange(N, dtype=edge_index.dtype)
    src = jnp.concatenate([edge_index[0], loop])
    dst = jnp.concatenate([edge_index[1], loop])
    deg = jax.ops.segment_sum(jnp.ones_like(src, dtype=jnp.float32), dst, num_segments=N)
    dinv = jnp.where(deg > 0, jax.lax.rsqrt(jnp.maximum(deg, 1e-12)), 0.0)
    norm = dinv[src] * dinv[dst]
    # 3-layer GCN encoder (ReLU + dropout between layers; dropout=0.0 / eval mode)
    h = _gcn_conv(x, conv_w0, conv_b0, src, dst, norm)
    h = jax.nn.relu(h)
    h = _gcn_conv(h, conv_w1, conv_b1, src, dst, norm)
    h = jax.nn.relu(h)
    h = _gcn_conv(h, conv_w2, conv_b2, src, dst, norm)
    # global mean pool over batch_vec -> [B, HID]
    sums = jax.ops.segment_sum(h, batch_vec, num_segments=B)
    cnts = jax.ops.segment_sum(jnp.ones((N,), dtype=jnp.float32), batch_vec, num_segments=B)
    g = sums / jnp.maximum(cnts, 1.0)[:, None]
    # score pairs
    feat = jnp.concatenate([g, h[u_idx], h[v_idx]], axis=1)
    hid = jax.nn.relu(feat @ mlp_w1 + mlp_b1)
    logits = (hid @ mlp_w2 + mlp_b2).squeeze(-1)
    return logits

if __name__ == "__main__":
    import jax
    _d = setup_inputs()
    print(jax.jit(kernel)(*tuple(_d.values())))

</pallas_src>

<mosaic_0001>
#map = affine_map<(d0, d1) -> (0, 0)>
#map1 = affine_map<(d0, d1) -> (0)>
#map2 = affine_map<(d0, d1) -> (0, 0, 0)>
module attributes {stable_mosaic.version = 14 : i64} {
  func.func @k(%arg0: i32, %arg1: i32, %arg2: memref<128x128xf32, #tpu.memory_space<hbm>>, %arg3: memref<327680xi32, #tpu.memory_space<hbm>>, %arg4: memref<327680xi32, #tpu.memory_space<hbm>>, %arg5: memref<10240x128xf32, #tpu.memory_space<hbm>>, %arg6: memref<2x10240x128xf32, #tpu.memory_space<hbm>>, %arg7: memref<128xi32, #tpu.memory_space<vmem>>, %arg8: memref<128xi32, #tpu.memory_space<vmem>>, %arg9: memref<128xi32, #tpu.memory_space<vmem>>, %arg10: memref<128xi32, #tpu.memory_space<vmem>>, %arg11: memref<128xi32, #tpu.memory_space<vmem>>, %arg12: memref<128xi32, #tpu.memory_space<vmem>>, %arg13: memref<128xi32, #tpu.memory_space<vmem>>, %arg14: memref<128xi32, #tpu.memory_space<vmem>>, %arg15: memref<128x128xf32, #tpu.memory_space<vmem>>, %arg16: memref<128x128xf32, #tpu.memory_space<vmem>>, %arg17: memref<10240x128xf32, #tpu.memory_space<vmem_shared>>, %arg18: memref<!tpu.dma_semaphore, #tpu.memory_space<semaphore_mem>>, %arg19: memref<!tpu.dma_semaphore, #tpu.memory_space<semaphore_mem>>, %arg20: memref<!tpu.dma_semaphore, #tpu.memory_space<semaphore_mem>>, %arg21: memref<!tpu.dma_semaphore, #tpu.memory_space<semaphore_mem>>, %arg22: memref<!tpu.dma_semaphore, #tpu.memory_space<semaphore_mem>>, %arg23: memref<!tpu.dma_semaphore, #tpu.memory_space<semaphore_mem>>, %arg24: memref<!tpu.dma_semaphore, #tpu.memory_space<semaphore_mem>>, %arg25: memref<!tpu.dma_semaphore, #tpu.memory_space<semaphore_mem>>, %arg26: memref<!tpu.dma_semaphore, #tpu.memory_space<semaphore_mem>>, %arg27: memref<!tpu.dma_semaphore, #tpu.memory_space<semaphore_mem>>) attributes {dimension_semantics = [#tpu.dimension_semantics<core_parallel>, #tpu.dimension_semantics<subcore_parallel>], iteration_bounds = array<i64: 2, 16>, scalar_prefetch = 0 : i64, scratch_operands = 21 : i64, tpu.core_type = #tpu.core_type<sc_vector_subcore>, window_params = [{transform_indices = #map}, {transform_indices = #map1}, {transform_indices = #map1}, {transform_indices = #map}, {transform_indices = #map2}]} {
    %mul3A = arith.constant 2 : i32
    %mul3A_0 = arith.muli %arg1, %mul3A : i32
    %add3A = arith.addi %mul3A_0, %arg0 : i32
    %mul3A_1 = arith.constant 10240 : i32
    %mul3A_2 = arith.muli %add3A, %mul3A_1 : i32
    %multiple_of3A = tpu.assume_multiple %mul3A_2, 128 : i32
    "tpu.region"() ({
      %run_scoped3A = tpu.sem_alloc : memref<!tpu.dma_semaphore, #tpu.memory_space<semaphore_mem>>
      tpu.enqueue_dma source(%arg2 : memref<128x128xf32, #tpu.memory_space<hbm>>) target(%arg15 : memref<128x128xf32, #tpu.memory_space<vmem>>) target_semaphore(%run_scoped3A : memref<!tpu.dma_semaphore, #tpu.memory_space<semaphore_mem>>)
      tpu.wait_dma2 semaphore(%run_scoped3A : memref<!tpu.dma_semaphore, #tpu.memory_space<semaphore_mem>>) src(%arg2 : memref<128x128xf32, #tpu.memory_space<hbm>>) dst(%arg15 : memref<128x128xf32, #tpu.memory_space<vmem>>)
      tpu.yield
    }) : () -> ()
    %mul3A_3 = arith.constant 640 : i32
    %mul3A_4 = arith.muli %arg1, %mul3A_3 : i32
    %add3A_5 = arith.constant 0 : i32
    %add3A_6 = arith.addi %mul3A_4, %add3A_5 : i32
    "tpu.region"() ({
      %run_scoped3A = tpu.sem_alloc : memref<!tpu.dma_semaphore, #tpu.memory_space<semaphore_mem>>
      %dma_start3A_76 = arith.constant 0 : i32
      %dma_start3A_77 = tpu.memref_slice %arg17[%add3A_6, %dma_start3A_76] : memref<10240x128xf32, #tpu.memory_space<vmem_shared>> -> memref<128x128xf32, #tpu.memory_space<vmem_shared>>
      %dma_start3A_78 = arith.constant 0 : i32
      %dma_start3A_79 = tpu.memref_slice %arg17[%add3A_6, %dma_start3A_78] : memref<10240x128xf32, #tpu.memory_space<vmem_shared>> -> memref<128x128xf32, #tpu.memory_space<vmem_shared>>
      tpu.enqueue_dma source(%arg15 : memref<128x128xf32, #tpu.memory_space<vmem>>) target(%dma_start3A_79 : memref<128x128xf32, #tpu.memory_space<vmem_shared>>) target_semaphore(%run_scoped3A : memref<!tpu.dma_semaphore, #tpu.memory_space<semaphore_mem>>)
      %dma_wait3A_80 = arith.constant 0 : i32
      %dma_wait3A_81 = tpu.memref_slice %arg17[%add3A_6, %dma_wait3A_80] : memref<10240x128xf32, #tpu.memory_space<vmem_shared>> -> memref<128x128xf32, #tpu.memory_space<vmem_shared>>
      %dma_wait3A_82 = arith.constant 0 : i32
      %dma_wait3A_83 = tpu.memref_slice %arg17[%add3A_6, %dma_wait3A_82] : memref<10240x128xf32, #tpu.memory_space<vmem_shared>> -> memref<128x128xf32, #tpu.memory_space<vmem_shared>>
      tpu.wait_dma2 semaphore(%run_scoped3A : memref<!tpu.dma_semaphore, #tpu.memory_space<semaphore_mem>>) src(%arg15 : memref<128x128xf32, #tpu.memory_space<vmem>>) dst(%dma_wait3A_83 : memref<128x128xf32, #tpu.memory_space<vmem_shared>>)
      tpu.yield
    }) : () -> ()
    %add3A_7 = arith.constant 128 : i32
    %add3A_8 = arith.addi %mul3A_4, %add3A_7 : i32
    "tpu.region"() ({
      %run_scoped3A = tpu.sem_alloc : memref<!tpu.dma_semaphore, #tpu.memory_space<semaphore_mem>>
      %dma_start3A_76 = arith.constant 0 : i32
      %dma_start3A_77 = tpu.memref_slice %arg17[%add3A_8, %dma_start3A_76] : memref<10240x128xf32, #tpu.memory_space<vmem_shared>> -> memref<128x128xf32, #tpu.memory_space<vmem_shared>>
      %dma_start3A_78 = arith.constant 0 : i32
      %dma_start3A_79 = tpu.memref_slice %arg17[%add3A_8, %dma_start3A_78] : memref<10240x128xf32, #tpu.memory_space<vmem_shared>> -> memref<128x128xf32, #tpu.memory_space<vmem_shared>>
      tpu.enqueue_dma source(%arg15 : memref<128x128xf32, #tpu.memory_space<vmem>>) target(%dma_start3A_79 : memref<128x128xf32, #tpu.memory_space<vmem_shared>>) target_semaphore(%run_scoped3A : memref<!tpu.dma_semaphore, #tpu.memory_space<semaphore_mem>>)
      %dma_wait3A_80 = arith.constant 0 : i32
      %dma_wait3A_81 = tpu.memref_slice %arg17[%add3A_8, %dma_wait3A_80] : memref<10240x128xf32, #tpu.memory_space<vmem_shared>> -> memref<128x128xf32, #tpu.memory_space<vmem_shared>>
      %dma_wait3A_82 = arith.constant 0 : i32
      %dma_wait3A_83 = tpu.memref_slice %arg17[%add3A_8, %dma_wait3A_82] : memref<10240x128xf32, #tpu.memory_space<vmem_shared>> -> memref<128x128xf32, #tpu.memory_space<vmem_shared>>
      tpu.wait_dma2 semaphore(%run_scoped3A : memref<!tpu.dma_semaphore, #tpu.memory_space<semaphore_mem>>) src(%arg15 : memref<128x128xf32, #tpu.memory_space<vmem>>) dst(%dma_wait3A_83 : memref<128x128xf32, #tpu.memory_space<vmem_shared>>)
      tpu.yield
    }) : () -> ()
    %add3A_9 = arith.constant 256 : i32
    %add3A_10 = arith.addi %mul3A_4, %add3A_9 : i32
    "tpu.region"() ({
      %run_scoped3A = tpu.sem_alloc : memref<!tpu.dma_semaphore, #tpu.memory_space<semaphore_mem>>
      %dma_start3A_76 = arith.constant 0 : i32
      %dma_start3A_77 = tpu.memref_slice %arg17[%add3A_10, %dma_start3A_76] : memref<10240x128xf32, #tpu.memory_space<vmem_shared>> -> memref<128x128xf32, #tpu.memory_space<vmem_shared>>
      %dma_start3A_78 = arith.constant 0 : i32
      %dma_start3A_79 = tpu.memref_slice %arg17[%add3A_10, %dma_start3A_78] : memref<10240x128xf32, #tpu.memory_space<vmem_shared>> -> memref<128x128xf32, #tpu.memory_space<vmem_shared>>
      tpu.enqueue_dma source(%arg15 : memref<128x128xf32, #tpu.memory_space<vmem>>) target(%dma_start3A_79 : memref<128x128xf32, #tpu.memory_space<vmem_shared>>) target_semaphore(%run_scoped3A : memref<!tpu.dma_semaphore, #tpu.memory_space<semaphore_mem>>)
      %dma_wait3A_80 = arith.constant 0 : i32
      %dma_wait3A_81 = tpu.memref_slice %arg17[%add3A_10, %dma_wait3A_80] : memref<10240x128xf32, #tpu.memory_space<vmem_shared>> -> memref<128x128xf32, #tpu.memory_space<vmem_shared>>
      %dma_wait3A_82 = arith.constant 0 : i32
      %dma_wait3A_83 = tpu.memref_slice %arg17[%add3A_10, %dma_wait3A_82] : memref<10240x128xf32, #tpu.memory_space<vmem_shared>> -> memref<128x128xf32, #tpu.memory_space<vmem_shared>>
      tpu.wait_dma2 semaphore(%run_scoped3A : memref<!tpu.dma_semaphore, #tpu.memory_space<semaphore_mem>>) src(%arg15 : memref<128x128xf32, #tpu.memory_space<vmem>>) dst(%dma_wait3A_83 : memref<128x128xf32, #tpu.memory_space<vmem_shared>>)
      tpu.yield
    }) : () -> ()
    %add3A_11 = arith.constant 384 : i32
    %add3A_12 = arith.addi %mul3A_4, %add3A_11 : i32
    "tpu.region"() ({
      %run_scoped3A = tpu.sem_alloc : memref<!tpu.dma_semaphore, #tpu.memory_space<semaphore_mem>>
      %dma_start3A_76 = arith.constant 0 : i32
      %dma_start3A_77 = tpu.memref_slice %arg17[%add3A_12, %dma_start3A_76] : memref<10240x128xf32, #tpu.memory_space<vmem_shared>> -> memref<128x128xf32, #tpu.memory_space<vmem_shared>>
      %dma_start3A_78 = arith.constant 0 : i32
      %dma_start3A_79 = tpu.memref_slice %arg17[%add3A_12, %dma_start3A_78] : memref<10240x128xf32, #tpu.memory_space<vmem_shared>> -> memref<128x128xf32, #tpu.memory_space<vmem_shared>>
      tpu.enqueue_dma source(%arg15 : memref<128x128xf32, #tpu.memory_space<vmem>>) target(%dma_start3A_79 : memref<128x128xf32, #tpu.memory_space<vmem_shared>>) target_semaphore(%run_scoped3A : memref<!tpu.dma_semaphore, #tpu.memory_space<semaphore_mem>>)
      %dma_wait3A_80 = arith.constant 0 : i32
      %dma_wait3A_81 = tpu.memref_slice %arg17[%add3A_12, %dma_wait3A_80] : memref<10240x128xf32, #tpu.memory_space<vmem_shared>> -> memref<128x128xf32, #tpu.memory_space<vmem_shared>>
      %dma_wait3A_82 = arith.constant 0 : i32
      %dma_wait3A_83 = tpu.memref_slice %arg17[%add3A_12, %dma_wait3A_82] : memref<10240x128xf32, #tpu.memory_space<vmem_shared>> -> memref<128x128xf32, #tpu.memory_space<vmem_shared>>
      tpu.wait_dma2 semaphore(%run_scoped3A : memref<!tpu.dma_semaphore, #tpu.memory_space<semaphore_mem>>) src(%arg15 : memref<128x128xf32, #tpu.memory_space<vmem>>) dst(%dma_wait3A_83 : memref<128x128xf32, #tpu.memory_space<vmem_shared>>)
      tpu.yield
    }) : () -> ()
    %add3A_13 = arith.constant 512 : i32
    %add3A_14 = arith.addi %mul3A_4, %add3A_13 : i32
    "tpu.region"() ({
      %run_scoped3A = tpu.sem_alloc : memref<!tpu.dma_semaphore, #tpu.memory_space<semaphore_mem>>
      %dma_start3A_76 = arith.constant 0 : i32
      %dma_start3A_77 = tpu.memref_slice %arg17[%add3A_14, %dma_start3A_76] : memref<10240x128xf32, #tpu.memory_space<vmem_shared>> -> memref<128x128xf32, #tpu.memory_space<vmem_shared>>
      %dma_start3A_78 = arith.constant 0 : i32
      %dma_start3A_79 = tpu.memref_slice %arg17[%add3A_14, %dma_start3A_78] : memref<10240x128xf32, #tpu.memory_space<vmem_shared>> -> memref<128x128xf32, #tpu.memory_space<vmem_shared>>
      tpu.enqueue_dma source(%arg15 : memref<128x128xf32, #tpu.memory_space<vmem>>) target(%dma_start3A_79 : memref<128x128xf32, #tpu.memory_space<vmem_shared>>) target_semaphore(%run_scoped3A : memref<!tpu.dma_semaphore, #tpu.memory_space<semaphore_mem>>)
      %dma_wait3A_80 = arith.constant 0 : i32
      %dma_wait3A_81 = tpu.memref_slice %arg17[%add3A_14, %dma_wait3A_80] : memref<10240x128xf32, #tpu.memory_space<vmem_shared>> -> memref<128x128xf32, #tpu.memory_space<vmem_shared>>
      %dma_wait3A_82 = arith.constant 0 : i32
      %dma_wait3A_83 = tpu.memref_slice %arg17[%add3A_14, %dma_wait3A_82] : memref<10240x128xf32, #tpu.memory_space<vmem_shared>> -> memref<128x128xf32, #tpu.memory_space<vmem_shared>>
      tpu.wait_dma2 semaphore(%run_scoped3A : memref<!tpu.dma_semaphore, #tpu.memory_space<semaphore_mem>>) src(%arg15 : memref<128x128xf32, #tpu.memory_space<vmem>>) dst(%dma_wait3A_83 : memref<128x128xf32, #tpu.memory_space<vmem_shared>>)
      tpu.yield
    }) : () -> ()
    %barrier3A = arith.constant 0 : index
    tpu.barrier barrier_id(%barrier3A)
    %add3A_15 = arith.constant 0 : i32
    %add3A_16 = arith.addi %multiple_of3A, %add3A_15 : i32
    %multiple_of3A_17 = tpu.assume_multiple %add3A_16, 128 : i32
    %dma_start3A = tpu.memref_slice %arg3[%multiple_of3A_17] : memref<327680xi32, #tpu.memory_space<hbm>> -> memref<128xi32, #tpu.memory_space<hbm>>
    %dma_start3A_18 = tpu.memref_slice %arg3[%multiple_of3A_17] : memref<327680xi32, #tpu.memory_space<hbm>> -> memref<128xi32, #tpu.memory_space<hbm>>
    tpu.enqueue_dma source(%dma_start3A_18 : memref<128xi32, #tpu.memory_space<hbm>>) target(%arg7 : memref<128xi32, #tpu.memory_space<vmem>>) target_semaphore(%arg18 : memref<!tpu.dma_semaphore, #tpu.memory_space<semaphore_mem>>)
    %add3A_19 = arith.constant 0 : i32
    %add3A_20 = arith.addi %multiple_of3A, %add3A_19 : i32
    %multiple_of3A_21 = tpu.assume_multiple %add3A_20, 128 : i32
    %dma_start3A_22 = tpu.memref_slice %arg4[%multiple_of3A_21] : memref<327680xi32, #tpu.memory_space<hbm>> -> memref<128xi32, #tpu.memory_space<hbm>>
    %dma_start3A_23 = tpu.memref_slice %arg4[%multiple_of3A_21] : memref<327680xi32, #tpu.memory_space<hbm>> -> memref<128xi32, #tpu.memory_space<hbm>>
    tpu.enqueue_dma source(%dma_start3A_23 : memref<128xi32, #tpu.memory_space<hbm>>) target(%arg11 : memref<128xi32, #tpu.memory_space<vmem>>) target_semaphore(%arg22 : memref<!tpu.dma_semaphore, #tpu.memory_space<semaphore_mem>>)
    %add3A_24 = arith.constant 128 : i32
    %add3A_25 = arith.addi %multiple_of3A, %add3A_24 : i32
    %multiple_of3A_26 = tpu.assume_multiple %add3A_25, 128 : i32
    %dma_start3A_27 = tpu.memref_slice %arg3[%multiple_of3A_26] : memref<327680xi32, #tpu.memory_space<hbm>> -> memref<128xi32, #tpu.memory_space<hbm>>
    %dma_start3A_28 = tpu.memref_slice %arg3[%multiple_of3A_26] : memref<327680xi32, #tpu.memory_space<hbm>> -> memref<128xi32, #tpu.memory_space<hbm>>
    tpu.enqueue_dma source(%dma_start3A_28 : memref<128xi32, #tpu.memory_space<hbm>>) target(%arg8 : memref<128xi32, #tpu.memory_space<vmem>>) target_semaphore(%arg19 : memref<!tpu.dma_semaphore, #tpu.memory_space<semaphore_mem>>)
    %add3A_29 = arith.constant 128 : i32
    %add3A_30 = arith.addi %multiple_of3A, %add3A_29 : i32
    %multiple_of3A_31 = tpu.assume_multiple %add3A_30, 128 : i32
    %dma_start3A_32 = tpu.memref_slice %arg4[%multiple_of3A_31] : memref<327680xi32, #tpu.memory_space<hbm>> -> memref<128xi32, #tpu.memory_space<hbm>>
    %dma_start3A_33 = tpu.memref_slice %arg4[%multiple_of3A_31] : memref<327680xi32, #tpu.memory_space<hbm>> -> memref<128xi32, #tpu.memory_space<hbm>>
    tpu.enqueue_dma source(%dma_start3A_33 : memref<128xi32, #tpu.memory_space<hbm>>) target(%arg12 : memref<128xi32, #tpu.memory_space<vmem>>) target_semaphore(%arg23 : memref<!tpu.dma_semaphore, #tpu.memory_space<semaphore_mem>>)
    %add3A_34 = arith.constant 256 : i32
    %add3A_35 = arith.addi %multiple_of3A, %add3A_34 : i32
    %multiple_of3A_36 = tpu.assume_multiple %add3A_35, 128 : i32
    %dma_start3A_37 = tpu.memref_slice %arg3[%multiple_of3A_36] : memref<327680xi32, #tpu.memory_space<hbm>> -> memref<128xi32, #tpu.memory_space<hbm>>
    %dma_start3A_38 = tpu.memref_slice %arg3[%multiple_of3A_36] : memref<327680xi32, #tpu.memory_space<hbm>> -> memref<128xi32, #tpu.memory_space<hbm>>
    tpu.enqueue_dma source(%dma_start3A_38 : memref<128xi32, #tpu.memory_space<hbm>>) target(%arg9 : memref<128xi32, #tpu.memory_space<vmem>>) target_semaphore(%arg20 : memref<!tpu.dma_semaphore, #tpu.memory_space<semaphore_mem>>)
    %add3A_39 = arith.constant 256 : i32
    %add3A_40 = arith.addi %multiple_of3A, %add3A_39 : i32
    %multiple_of3A_41 = tpu.assume_multiple %add3A_40, 128 : i32
    %dma_start3A_42 = tpu.memref_slice %arg4[%multiple_of3A_41] : memref<327680xi32, #tpu.memory_space<hbm>> -> memref<128xi32, #tpu.memory_space<hbm>>
    %dma_start3A_43 = tpu.memref_slice %arg4[%multiple_of3A_41] : memref<327680xi32, #tpu.memory_space<hbm>> -> memref<128xi32, #tpu.memory_space<hbm>>
    tpu.enqueue_dma source(%dma_start3A_43 : memref<128xi32, #tpu.memory_space<hbm>>) target(%arg13 : memref<128xi32, #tpu.memory_space<vmem>>) target_semaphore(%arg24 : memref<!tpu.dma_semaphore, #tpu.memory_space<semaphore_mem>>)
    %add3A_44 = arith.constant 384 : i32
    %add3A_45 = arith.addi %multiple_of3A, %add3A_44 : i32
    %multiple_of3A_46 = tpu.assume_multiple %add3A_45, 128 : i32
    %dma_start3A_47 = tpu.memref_slice %arg3[%multiple_of3A_46] : memref<327680xi32, #tpu.memory_space<hbm>> -> memref<128xi32, #tpu.memory_space<hbm>>
    %dma_start3A_48 = tpu.memref_slice %arg3[%multiple_of3A_46] : memref<327680xi32, #tpu.memory_space<hbm>> -> memref<128xi32, #tpu.memory_space<hbm>>
    tpu.enqueue_dma source(%dma_start3A_48 : memref<128xi32, #tpu.memory_space<hbm>>) target(%arg10 : memref<128xi32, #tpu.memory_space<vmem>>) target_semaphore(%arg21 : memref<!tpu.dma_semaphore, #tpu.memory_space<semaphore_mem>>)
    %add3A_49 = arith.constant 384 : i32
    %add3A_50 = arith.addi %multiple_of3A, %add3A_49 : i32
    %multiple_of3A_51 = tpu.assume_multiple %add3A_50, 128 : i32
    %dma_start3A_52 = tpu.memref_slice %arg4[%multiple_of3A_51] : memref<327680xi32, #tpu.memory_space<hbm>> -> memref<128xi32, #tpu.memory_space<hbm>>
    %dma_start3A_53 = tpu.memref_slice %arg4[%multiple_of3A_51] : memref<327680xi32, #tpu.memory_space<hbm>> -> memref<128xi32, #tpu.memory_space<hbm>>
    tpu.enqueue_dma source(%dma_start3A_53 : memref<128xi32, #tpu.memory_space<hbm>>) target(%arg14 : memref<128xi32, #tpu.memory_space<vmem>>) target_semaphore(%arg25 : memref<!tpu.dma_semaphore, #tpu.memory_space<semaphore_mem>>)
    %dma_wait3A = tpu.memref_slice %arg3[%multiple_of3A] : memref<327680xi32, #tpu.memory_space<hbm>> -> memref<128xi32, #tpu.memory_space<hbm>>
    %dma_wait3A_54 = tpu.memref_slice %arg3[%multiple_of3A] : memref<327680xi32, #tpu.memory_space<hbm>> -> memref<128xi32, #tpu.memory_space<hbm>>
    tpu.wait_dma2 semaphore(%arg18 : memref<!tpu.dma_semaphore, #tpu.memory_space<semaphore_mem>>) src(%dma_wait3A_54 : memref<128xi32, #tpu.memory_space<hbm>>) dst(%arg7 : memref<128xi32, #tpu.memory_space<vmem>>)
    %dma_start3A_55 = arith.constant 0 : i32
    %dma_start3A_56 = arith.constant 0 : i32
    %dma_start3A_57 = tpu.memref_slice %arg5[%dma_start3A_55, %dma_start3A_56] : memref<10240x128xf32, #tpu.memory_space<hbm>> -> memref<10240x128xf32, #tpu.memory_space<hbm>>
    tpu.enqueue_indirect_dma source(%dma_start3A_57 : memref<10240x128xf32, #tpu.memory_space<hbm>>) target(%arg15 : memref<128x128xf32, #tpu.memory_space<vmem>>) offsets(%arg7 : memref<128xi32, #tpu.memory_space<vmem>>) semaphore(%arg26 : memref<!tpu.dma_semaphore, #tpu.memory_space<semaphore_mem>>)
    %dma_wait3A_58 = tpu.memref_slice %arg3[%multiple_of3A] : memref<327680xi32, #tpu.memory_space<hbm>> -> memref<128xi32, #tpu.memory_space<hbm>>
    %dma_wait3A_59 = tpu.memref_slice %arg3[%multiple_of3A] : memref<327680xi32, #tpu.memory_space<hbm>> -> memref<128xi32, #tpu.memory_space<hbm>>
    tpu.wait_dma2 semaphore(%arg19 : memref<!tpu.dma_semaphore, #tpu.memory_space<semaphore_mem>>) src(%dma_wait3A_59 : memref<128xi32, #tpu.memory_space<hbm>>) dst(%arg8 : memref<128xi32, #tpu.memory_space<vmem>>)
    %dma_start3A_60 = arith.constant 0 : i32
    %dma_start3A_61 = arith.constant 0 : i32
    %dma_start3A_62 = tpu.memref_slice %arg5[%dma_start3A_60, %dma_start3A_61] : memref<10240x128xf32, #tpu.memory_space<hbm>> -> memref<10240x128xf32, #tpu.memory_space<hbm>>
    tpu.enqueue_indirect_dma source(%dma_start3A_62 : memref<10240x128xf32, #tpu.memory_space<hbm>>) target(%arg16 : memref<128x128xf32, #tpu.memory_space<vmem>>) offsets(%arg8 : memref<128xi32, #tpu.memory_space<vmem>>) semaphore(%arg27 : memref<!tpu.dma_semaphore, #tpu.memory_space<semaphore_mem>>)
    %scan3A = arith.constant 0 : i32
    %scan3A_63 = arith.constant 0 : i32
    %scan3A_64 = arith.constant 20 : i32
    %scan3A_65 = arith.addi %scan3A_63, %scan3A_64 : i32
    %scan3A_66 = arith.constant 1 : i32
    scf.for %scan3A_76 = %scan3A_63 to %scan3A_65 step %scan3A_66  : i32 {
      %mul3A_77 = arith.constant 4 : i32
      %mul3A_78 = arith.muli %scan3A_76, %mul3A_77 : i32
      %add3A_79 = arith.constant 0 : i32
      %add3A_80 = arith.addi %mul3A_78, %add3A_79 : i32
      %dma_wait3A_81 = arith.constant 0 : i32
      %dma_wait3A_82 = arith.constant 0 : i32
      %dma_wait3A_83 = tpu.memref_slice %arg5[%dma_wait3A_81, %dma_wait3A_82] : memref<10240x128xf32, #tpu.memory_space<hbm>> -> memref<10240x128xf32, #tpu.memory_space<hbm>>
      tpu.wait_indirect_dma semaphore(%arg26 : memref<!tpu.dma_semaphore, #tpu.memory_space<semaphore_mem>>) src(%dma_wait3A_83 : memref<10240x128xf32, #tpu.memory_space<hbm>>) dst(%arg15 : memref<128x128xf32, #tpu.memory_space<vmem>>)
      %add3A_84 = arith.constant 4 : i32
      %add3A_85 = arith.addi %add3A_80, %add3A_84 : i32
      %lt3A = arith.constant 80 : i32
      %lt3A_86 = arith.cmpi slt, %add3A_85, %lt3A : i32
      %convert_element_type3A_87 = arith.extui %lt3A_86 : i1 to i32
      %cond3A_88 = arith.constant 0 : i32
      %cond3A_89 = arith.cmpi ne, %convert_element_type3A_87, %cond3A_88 : i32
      scf.if %cond3A_89 {
        %add3A_190 = arith.constant 4 : i32
        %add3A_191 = arith.addi %add3A_80, %add3A_190 : i32
        %mul3A_192 = arith.constant 128 : i32
        %mul3A_193 = arith.muli %add3A_191, %mul3A_192 : i32
        %add3A_194 = arith.addi %multiple_of3A, %mul3A_193 : i32
        %multiple_of3A_195 = tpu.assume_multiple %add3A_194, 128 : i32
        %dma_start3A_196 = tpu.memref_slice %arg3[%multiple_of3A_195] : memref<327680xi32, #tpu.memory_space<hbm>> -> memref<128xi32, #tpu.memory_space<hbm>>
        %dma_start3A_197 = tpu.memref_slice %arg3[%multiple_of3A_195] : memref<327680xi32, #tpu.memory_space<hbm>> -> memref<128xi32, #tpu.memory_space<hbm>>
        tpu.enqueue_dma source(%dma_start3A_197 : memref<128xi32, #tpu.memory_space<hbm>>) target(%arg7 : memref<128xi32, #tpu.memory_space<vmem>>) target_semaphore(%arg18 : memref<!tpu.dma_semaphore, #tpu.memory_space<semaphore_mem>>)
      } else {
      }
      %dma_wait3A_90 = tpu.memref_slice %arg4[%multiple_of3A] : memref<327680xi32, #tpu.memory_space<hbm>> -> memref<128xi32, #tpu.memory_space<hbm>>
      %dma_wait3A_91 = tpu.memref_slice %arg4[%multiple_of3A] : memref<327680xi32, #tpu.memory_space<hbm>> -> memref<128xi32, #tpu.memory_space<hbm>>
      tpu.wait_dma2 semaphore(%arg22 : memref<!tpu.dma_semaphore, #tpu.memory_space<semaphore_mem>>) src(%dma_wait3A_91 : memref<128xi32, #tpu.memory_space<hbm>>) dst(%arg11 : memref<128xi32, #tpu.memory_space<vmem>>)
      "tpu.region"() ({
        %run_scoped3A = tpu.sem_alloc : memref<!tpu.dma_semaphore, #tpu.memory_space<semaphore_mem>>
        %dma_start3A_190 = arith.constant 0 : i32
        %dma_start3A_191 = arith.constant 0 : i32
        %dma_start3A_192 = tpu.memref_slice %arg17[%dma_start3A_190, %dma_start3A_191] : memref<10240x128xf32, #tpu.memory_space<vmem_shared>> -> memref<10240x128xf32, #tpu.memory_space<vmem_shared>>
        tpu.enqueue_indirect_dma source(%arg15 : memref<128x128xf32, #tpu.memory_space<vmem>>) target(%dma_start3A_192 : memref<10240x128xf32, #tpu.memory_space<vmem_shared>>) offsets(%arg11 : memref<128xi32, #tpu.memory_space<vmem>>) semaphore(%run_scoped3A : memref<!tpu.dma_semaphore, #tpu.memory_space<semaphore_mem>>) {add = true}
        %dma_wait3A_193 = arith.constant 0 : i32
        %dma_wait3A_194 = arith.constant 0 : i32
        %dma_wait3A_195 = tpu.memref_slice %arg17[%dma_wait3A_193, %dma_wait3A_194] : memref<10240x128xf32, #tpu.memory_space<vmem_shared>> -> memref<10240x128xf32, #tpu.memory_space<vmem_shared>>
        tpu.wait_indirect_dma semaphore(%run_scoped3A : memref<!tpu.dma_semaphore, #tpu.memory_space<semaphore_mem>>) src(%arg15 : memref<128x128xf32, #tpu.memory_space<vmem>>) dst(%dma_wait3A_195 : memref<10240x128xf32, #tpu.memory_space<vmem_shared>>)
        tpu.yield
      }) : () -> ()
      %add3A_92 = arith.constant 4 : i32
      %add3A_93 = arith.addi %add3A_80, %add3A_92 : i32
      %lt3A_94 = arith.constant 80 : i32
      %lt3A_95 = arith.cmpi slt, %add3A_93, %lt3A_94 : i32
      %convert_element_type3A_96 = arith.extui %lt3A_95 : i1 to i32
      %cond3A_97 = arith.constant 0 : i32
      %cond3A_98 = arith.cmpi ne, %convert_element_type3A_96, %cond3A_97 : i32
      scf.if %cond3A_98 {
        %add3A_190 = arith.constant 4 : i32
        %add3A_191 = arith.addi %add3A_80, %add3A_190 : i32
        %mul3A_192 = arith.constant 128 : i32
        %mul3A_193 = arith.muli %add3A_191, %mul3A_192 : i32
        %add3A_194 = arith.addi %multiple_of3A, %mul3A_193 : i32
        %multiple_of3A_195 = tpu.assume_multiple %add3A_194, 128 : i32
        %dma_start3A_196 = tpu.memref_slice %arg4[%multiple_of3A_195] : memref<327680xi32, #tpu.memory_space<hbm>> -> memref<128xi32, #tpu.memory_space<hbm>>
        %dma_start3A_197 = tpu.memref_slice %arg4[%multiple_of3A_195] : memref<327680xi32, #tpu.memory_space<hbm>> -> memref<128xi32, #tpu.memory_space<hbm>>
        tpu.enqueue_dma source(%dma_start3A_197 : memref<128xi32, #tpu.memory_space<hbm>>) target(%arg11 : memref<128xi32, #tpu.memory_space<vmem>>) target_semaphore(%arg22 : memref<!tpu.dma_semaphore, #tpu.memory_space<semaphore_mem>>)
      } else {
      }
      %add3A_99 = arith.constant 2 : i32
      %add3A_100 = arith.addi %add3A_80, %add3A_99 : i32
      %lt3A_101 = arith.constant 80 : i32
      %lt3A_102 = arith.cmpi slt, %add3A_100, %lt3A_101 : i32
      %convert_element_type3A_103 = arith.extui %lt3A_102 : i1 to i32
      %cond3A_104 = arith.constant 0 : i32
      %cond3A_105 = arith.cmpi ne, %convert_element_type3A_103, %cond3A_104 : i32
      scf.if %cond3A_105 {
        %dma_wait3A_190 = tpu.memref_slice %arg3[%multiple_of3A] : memref<327680xi32, #tpu.memory_space<hbm>> -> memref<128xi32, #tpu.memory_space<hbm>>
        %dma_wait3A_191 = tpu.memref_slice %arg3[%multiple_of3A] : memref<327680xi32, #tpu.memory_space<hbm>> -> memref<128xi32, #tpu.memory_space<hbm>>
        tpu.wait_dma2 semaphore(%arg20 : memref<!tpu.dma_semaphore, #tpu.memory_space<semaphore_mem>>) src(%dma_wait3A_191 : memref<128xi32, #tpu.memory_space<hbm>>) dst(%arg9 : memref<128xi32, #tpu.memory_space<vmem>>)
        %dma_start3A_192 = arith.constant 0 : i32
        %dma_start3A_193 = arith.constant 0 : i32
        %dma_start3A_194 = tpu.memref_slice %arg5[%dma_start3A_192, %dma_start3A_193] : memref<10240x128xf32, #tpu.memory_space<hbm>> -> memref<10240x128xf32, #tpu.memory_space<hbm>>
        tpu.enqueue_indirect_dma source(%dma_start3A_194 : memref<10240x128xf32, #tpu.memory_space<hbm>>) target(%arg15 : memref<128x128xf32, #tpu.memory_space<vmem>>) offsets(%arg9 : memref<128xi32, #tpu.memory_space<vmem>>) semaphore(%arg26 : memref<!tpu.dma_semaphore, #tpu.memory_space<semaphore_mem>>)
      } else {
      }
      %add3A_106 = arith.constant 1 : i32
      %add3A_107 = arith.addi %mul3A_78, %add3A_106 : i32
      %dma_wait3A_108 = arith.constant 0 : i32
      %dma_wait3A_109 = arith.constant 0 : i32
      %dma_wait3A_110 = tpu.memref_slice %arg5[%dma_wait3A_108, %dma_wait3A_109] : memref<10240x128xf32, #tpu.memory_space<hbm>> -> memref<10240x128xf32, #tpu.memory_space<hbm>>
      tpu.wait_indirect_dma semaphore(%arg27 : memref<!tpu.dma_semaphore, #tpu.memory_space<semaphore_mem>>) src(%dma_wait3A_110 : memref<10240x128xf32, #tpu.memory_space<hbm>>) dst(%arg16 : memref<128x128xf32, #tpu.memory_space<vmem>>)
      %add3A_111 = arith.constant 4 : i32
      %add3A_112 = arith.addi %add3A_107, %add3A_111 : i32
      %lt3A_113 = arith.constant 80 : i32
      %lt3A_114 = arith.cmpi slt, %add3A_112, %lt3A_113 : i32
      %convert_element_type3A_115 = arith.extui %lt3A_114 : i1 to i32
      %cond3A_116 = arith.constant 0 : i32
      %cond3A_117 = arith.cmpi ne, %convert_element_type3A_115, %cond3A_116 : i32
      scf.if %cond3A_117 {
        %add3A_190 = arith.constant 4 : i32
        %add3A_191 = arith.addi %add3A_107, %add3A_190 : i32
        %mul3A_192 = arith.constant 128 : i32
        %mul3A_193 = arith.muli %add3A_191, %mul3A_192 : i32
        %add3A_194 = arith.addi %multiple_of3A, %mul3A_193 : i32
        %multiple_of3A_195 = tpu.assume_multiple %add3A_194, 128 : i32
        %dma_start3A_196 = tpu.memref_slice %arg3[%multiple_of3A_195] : memref<327680xi32, #tpu.memory_space<hbm>> -> memref<128xi32, #tpu.memory_space<hbm>>
        %dma_start3A_197 = tpu.memref_slice %arg3[%multiple_of3A_195] : memref<327680xi32, #tpu.memory_space<hbm>> -> memref<128xi32, #tpu.memory_space<hbm>>
        tpu.enqueue_dma source(%dma_start3A_197 : memref<128xi32, #tpu.memory_space<hbm>>) target(%arg8 : memref<128xi32, #tpu.memory_space<vmem>>) target_semaphore(%arg19 : memref<!tpu.dma_semaphore, #tpu.memory_space<semaphore_mem>>)
      } else {
      }
      %dma_wait3A_118 = tpu.memref_slice %arg4[%multiple_of3A] : memref<327680xi32, #tpu.memory_space<hbm>> -> memref<128xi32, #tpu.memory_space<hbm>>
      %dma_wait3A_119 = tpu.memref_slice %arg4[%multiple_of3A] : memref<327680xi32, #tpu.memory_space<hbm>> -> memref<128xi32, #tpu.memory_space<hbm>>
      tpu.wait_dma2 semaphore(%arg23 : memref<!tpu.dma_semaphore, #tpu.memory_space<semaphore_mem>>) src(%dma_wait3A_119 : memref<128xi32, #tpu.memory_space<hbm>>) dst(%arg12 : memref<128xi32, #tpu.memory_space<vmem>>)
      "tpu.region"() ({
        %run_scoped3A = tpu.sem_alloc : memref<!tpu.dma_semaphore, #tpu.memory_space<semaphore_mem>>
        %dma_start3A_190 = arith.constant 0 : i32
        %dma_start3A_191 = arith.constant 0 : i32
        %dma_start3A_192 = tpu.memref_slice %arg17[%dma_start3A_190, %dma_start3A_191] : memref<10240x128xf32, #tpu.memory_space<vmem_shared>> -> memref<10240x128xf32, #tpu.memory_space<vmem_shared>>
        tpu.enqueue_indirect_dma source(%arg16 : memref<128x128xf32, #tpu.memory_space<vmem>>) target(%dma_start3A_192 : memref<10240x128xf32, #tpu.memory_space<vmem_shared>>) offsets(%arg12 : memref<128xi32, #tpu.memory_space<vmem>>) semaphore(%run_scoped3A : memref<!tpu.dma_semaphore, #tpu.memory_space<semaphore_mem>>) {add = true}
        %dma_wait3A_193 = arith.constant 0 : i32
        %dma_wait3A_194 = arith.constant 0 : i32
        %dma_wait3A_195 = tpu.memref_slice %arg17[%dma_wait3A_193, %dma_wait3A_194] : memref<10240x128xf32, #tpu.memory_space<vmem_shared>> -> memref<10240x128xf32, #tpu.memory_space<vmem_shared>>
        tpu.wait_indirect_dma semaphore(%run_scoped3A : memref<!tpu.dma_semaphore, #tpu.memory_space<semaphore_mem>>) src(%arg16 : memref<128x128xf32, #tpu.memory_space<vmem>>) dst(%dma_wait3A_195 : memref<10240x128xf32, #tpu.memory_space<vmem_shared>>)
        tpu.yield
      }) : () -> ()
      %add3A_120 = arith.constant 4 : i32
      %add3A_121 = arith.addi %add3A_107, %add3A_120 : i32
      %lt3A_122 = arith.constant 80 : i32
      %lt3A_123 = arith.cmpi slt, %add3A_121, %lt3A_122 : i32
      %convert_element_type3A_124 = arith.extui %lt3A_123 : i1 to i32
      %cond3A_125 = arith.constant 0 : i32
      %cond3A_126 = arith.cmpi ne, %convert_element_type3A_124, %cond3A_125 : i32
      scf.if %cond3A_126 {
        %add3A_190 = arith.constant 4 : i32
        %add3A_191 = arith.addi %add3A_107, %add3A_190 : i32
        %mul3A_192 = arith.constant 128 : i32
        %mul3A_193 = arith.muli %add3A_191, %mul3A_192 : i32
        %add3A_194 = arith.addi %multiple_of3A, %mul3A_193 : i32
        %multiple_of3A_195 = tpu.assume_multiple %add3A_194, 128 : i32
        %dma_start3A_196 = tpu.memref_slice %arg4[%multiple_of3A_195] : memref<327680xi32, #tpu.memory_space<hbm>> -> memref<128xi32, #tpu.memory_space<hbm>>
        %dma_start3A_197 = tpu.memref_slice %arg4[%multiple_of3A_195] : memref<327680xi32, #tpu.memory_space<hbm>> -> memref<128xi32, #tpu.memory_space<hbm>>
        tpu.enqueue_dma source(%dma_start3A_197 : memref<128xi32, #tpu.memory_space<hbm>>) target(%arg12 : memref<128xi32, #tpu.memory_space<vmem>>) target_semaphore(%arg23 : memref<!tpu.dma_semaphore, #tpu.memory_space<semaphore_mem>>)
      } else {
      }
      %add3A_127 = arith.constant 2 : i32
      %add3A_128 = arith.addi %add3A_107, %add3A_127 : i32
      %lt3A_129 = arith.constant 80 : i32
      %lt3A_130 = arith.cmpi slt, %add3A_128, %lt3A_129 : i32
      %convert_element_type3A_131 = arith.extui %lt3A_130 : i1 to i32
      %cond3A_132 = arith.constant 0 : i32
      %cond3A_133 = arith.cmpi ne, %convert_element_type3A_131, %cond3A_132 : i32
      scf.if %cond3A_133 {
        %dma_wait3A_190 = tpu.memref_slice %arg3[%multiple_of3A] : memref<327680xi32, #tpu.memory_space<hbm>> -> memref<128xi32, #tpu.memory_space<hbm>>
        %dma_wait3A_191 = tpu.memref_slice %arg3[%multiple_of3A] : memref<327680xi32, #tpu.memory_space<hbm>> -> memref<128xi32, #tpu.memory_space<hbm>>
        tpu.wait_dma2 semaphore(%arg21 : memref<!tpu.dma_semaphore, #tpu.memory_space<semaphore_mem>>) src(%dma_wait3A_191 : memref<128xi32, #tpu.memory_space<hbm>>) dst(%arg10 : memref<128xi32, #tpu.memory_space<vmem>>)
        %dma_start3A_192 = arith.constant 0 : i32
        %dma_start3A_193 = arith.constant 0 : i32
        %dma_start3A_194 = tpu.memref_slice %arg5[%dma_start3A_192, %dma_start3A_193] : memref<10240x128xf32, #tpu.memory_space<hbm>> -> memref<10240x128xf32, #tpu.memory_space<hbm>>
        tpu.enqueue_indirect_dma source(%dma_start3A_194 : memref<10240x128xf32, #tpu.memory_space<hbm>>) target(%arg16 : memref<128x128xf32, #tpu.memory_space<vmem>>) offsets(%arg10 : memref<128xi32, #tpu.memory_space<vmem>>) semaphore(%arg27 : memref<!tpu.dma_semaphore, #tpu.memory_space<semaphore_mem>>)
      } else {
      }
      %add3A_134 = arith.constant 2 : i32
      %add3A_135 = arith.addi %mul3A_78, %add3A_134 : i32
      %dma_wait3A_136 = arith.constant 0 : i32
      %dma_wait3A_137 = arith.constant 0 : i32
      %dma_wait3A_138 = tpu.memref_slice %arg5[%dma_wait3A_136, %dma_wait3A_137] : memref<10240x128xf32, #tpu.memory_space<hbm>> -> memref<10240x128xf32, #tpu.memory_space<hbm>>
      tpu.wait_indirect_dma semaphore(%arg26 : memref<!tpu.dma_semaphore, #tpu.memory_space<semaphore_mem>>) src(%dma_wait3A_138 : memref<10240x128xf32, #tpu.memory_space<hbm>>) dst(%arg15 : memref<128x128xf32, #tpu.memory_space<vmem>>)
      %add3A_139 = arith.constant 4 : i32
      %add3A_140 = arith.addi %add3A_135, %add3A_139 : i32
      %lt3A_141 = arith.constant 80 : i32
      %lt3A_142 = arith.cmpi slt, %add3A_140, %lt3A_141 : i32
      %convert_element_type3A_143 = arith.extui %lt3A_142 : i1 to i32
      %cond3A_144 = arith.constant 0 : i32
      %cond3A_145 = arith.cmpi ne, %convert_element_type3A_143, %cond3A_144 : i32
      scf.if %cond3A_145 {
        %add3A_190 = arith.constant 4 : i32
        %add3A_191 = arith.addi %add3A_135, %add3A_190 : i32
        %mul3A_192 = arith.constant 128 : i32
        %mul3A_193 = arith.muli %add3A_191, %mul3A_192 : i32
        %add3A_194 = arith.addi %multiple_of3A, %mul3A_193 : i32
        %multiple_of3A_195 = tpu.assume_multiple %add3A_194, 128 : i32
        %dma_start3A_196 = tpu.memref_slice %arg3[%multiple_of3A_195] : memref<327680xi32, #tpu.memory_space<hbm>> -> memref<128xi32, #tpu.memory_space<hbm>>
        %dma_start3A_197 = tpu.memref_slice %arg3[%multiple_of3A_195] : memref<327680xi32, #tpu.memory_space<hbm>> -> memref<128xi32, #tpu.memory_space<hbm>>
        tpu.enqueue_dma source(%dma_start3A_197 : memref<128xi32, #tpu.memory_space<hbm>>) target(%arg9 : memref<128xi32, #tpu.memory_space<vmem>>) target_semaphore(%arg20 : memref<!tpu.dma_semaphore, #tpu.memory_space<semaphore_mem>>)
      } else {
      }
      %dma_wait3A_146 = tpu.memref_slice %arg4[%multiple_of3A] : memref<327680xi32, #tpu.memory_space<hbm>> -> memref<128xi32, #tpu.memory_space<hbm>>
      %dma_wait3A_147 = tpu.memref_slice %arg4[%multiple_of3A] : memref<327680xi32, #tpu.memory_space<hbm>> -> memref<128xi32, #tpu.memory_space<hbm>>
      tpu.wait_dma2 semaphore(%arg24 : memref<!tpu.dma_semaphore, #tpu.memory_space<semaphore_mem>>) src(%dma_wait3A_147 : memref<128xi32, #tpu.memory_space<hbm>>) dst(%arg13 : memref<128xi32, #tpu.memory_space<vmem>>)
      "tpu.region"() ({
        %run_scoped3A = tpu.sem_alloc : memref<!tpu.dma_semaphore, #tpu.memory_space<semaphore_mem>>
        %dma_start3A_190 = arith.constant 0 : i32
        %dma_start3A_191 = arith.constant 0 : i32
        %dma_start3A_192 = tpu.memref_slice %arg17[%dma_start3A_190, %dma_start3A_191] : memref<10240x128xf32, #tpu.memory_space<vmem_shared>> -> memref<10240x128xf32, #tpu.memory_space<vmem_shared>>
        tpu.enqueue_indirect_dma source(%arg15 : memref<128x128xf32, #tpu.memory_space<vmem>>) target(%dma_start3A_192 : memref<10240x128xf32, #tpu.memory_space<vmem_shared>>) offsets(%arg13 : memref<128xi32, #tpu.memory_space<vmem>>) semaphore(%run_scoped3A : memref<!tpu.dma_semaphore, #tpu.memory_space<semaphore_mem>>) {add = true}
        %dma_wait3A_193 = arith.constant 0 : i32
        %dma_wait3A_194 = arith.constant 0 : i32
        %dma_wait3A_195 = tpu.memref_slice %arg17[%dma_wait3A_193, %dma_wait3A_194] : memref<10240x128xf32, #tpu.memory_space<vmem_shared>> -> memref<10240x128xf32, #tpu.memory_space<vmem_shared>>
        tpu.wait_indirect_dma semaphore(%run_scoped3A : memref<!tpu.dma_semaphore, #tpu.memory_space<semaphore_mem>>) src(%arg15 : memref<128x128xf32, #tpu.memory_space<vmem>>) dst(%dma_wait3A_195 : memref<10240x128xf32, #tpu.memory_space<vmem_shared>>)
        tpu.yield
      }) : () -> ()
      %add3A_148 = arith.constant 4 : i32
      %add3A_149 = arith.addi %add3A_135, %add3A_148 : i32
      %lt3A_150 = arith.constant 80 : i32
      %lt3A_151 = arith.cmpi slt, %add3A_149, %lt3A_150 : i32
      %convert_element_type3A_152 = arith.extui %lt3A_151 : i1 to i32
      %cond3A_153 = arith.constant 0 : i32
      %cond3A_154 = arith.cmpi ne, %convert_element_type3A_152, %cond3A_153 : i32
      scf.if %cond3A_154 {
        %add3A_190 = arith.constant 4 : i32
        %add3A_191 = arith.addi %add3A_135, %add3A_190 : i32
        %mul3A_192 = arith.constant 128 : i32
        %mul3A_193 = arith.muli %add3A_191, %mul3A_192 : i32
        %add3A_194 = arith.addi %multiple_of3A, %mul3A_193 : i32
        %multiple_of3A_195 = tpu.assume_multiple %add3A_194, 128 : i32
        %dma_start3A_196 = tpu.memref_slice %arg4[%multiple_of3A_195] : memref<327680xi32, #tpu.memory_space<hbm>> -> memref<128xi32, #tpu.memory_space<hbm>>
        %dma_start3A_197 = tpu.memref_slice %arg4[%multiple_of3A_195] : memref<327680xi32, #tpu.memory_space<hbm>> -> memref<128xi32, #tpu.memory_space<hbm>>
        tpu.enqueue_dma source(%dma_start3A_197 : memref<128xi32, #tpu.memory_space<hbm>>) target(%arg13 : memref<128xi32, #tpu.memory_space<vmem>>) target_semaphore(%arg24 : memref<!tpu.dma_semaphore, #tpu.memory_space<semaphore_mem>>)
      } else {
      }
      %add3A_155 = arith.constant 2 : i32
      %add3A_156 = arith.addi %add3A_135, %add3A_155 : i32
      %lt3A_157 = arith.constant 80 : i32
      %lt3A_158 = arith.cmpi slt, %add3A_156, %lt3A_157 : i32
      %convert_element_type3A_159 = arith.extui %lt3A_158 : i1 to i32
      %cond3A_160 = arith.constant 0 : i32
      %cond3A_161 = arith.cmpi ne, %convert_element_type3A_159, %cond3A_160 : i32
      scf.if %cond3A_161 {
        %dma_wait3A_190 = tpu.memref_slice %arg3[%multiple_of3A] : memref<327680xi32, #tpu.memory_space<hbm>> -> memref<128xi32, #tpu.memory_space<hbm>>
        %dma_wait3A_191 = tpu.memref_slice %arg3[%multiple_of3A] : memref<327680xi32, #tpu.memory_space<hbm>> -> memref<128xi32, #tpu.memory_space<hbm>>
        tpu.wait_dma2 semaphore(%arg18 : memref<!tpu.dma_semaphore, #tpu.memory_space<semaphore_mem>>) src(%dma_wait3A_191 : memref<128xi32, #tpu.memory_space<hbm>>) dst(%arg7 : memref<128xi32, #tpu.memory_space<vmem>>)
        %dma_start3A_192 = arith.constant 0 : i32
        %dma_start3A_193 = arith.constant 0 : i32
        %dma_start3A_194 = tpu.memref_slice %arg5[%dma_start3A_192, %dma_start3A_193] : memref<10240x128xf32, #tpu.memory_space<hbm>> -> memref<10240x128xf32, #tpu.memory_space<hbm>>
        tpu.enqueue_indirect_dma source(%dma_start3A_194 : memref<10240x128xf32, #tpu.memory_space<hbm>>) target(%arg15 : memref<128x128xf32, #tpu.memory_space<vmem>>) offsets(%arg7 : memref<128xi32, #tpu.memory_space<vmem>>) semaphore(%arg26 : memref<!tpu.dma_semaphore, #tpu.memory_space<semaphore_mem>>)
      } else {
      }
      %add3A_162 = arith.constant 3 : i32
      %add3A_163 = arith.addi %mul3A_78, %add3A_162 : i32
      %dma_wait3A_164 = arith.constant 0 : i32
      %dma_wait3A_165 = arith.constant 0 : i32
      %dma_wait3A_166 = tpu.memref_slice %arg5[%dma_wait3A_164, %dma_wait3A_165] : memref<10240x128xf32, #tpu.memory_space<hbm>> -> memref<10240x128xf32, #tpu.memory_space<hbm>>
      tpu.wait_indirect_dma semaphore(%arg27 : memref<!tpu.dma_semaphore, #tpu.memory_space<semaphore_mem>>) src(%dma_wait3A_166 : memref<10240x128xf32, #tpu.memory_space<hbm>>) dst(%arg16 : memref<128x128xf32, #tpu.memory_space<vmem>>)
      %add3A_167 = arith.constant 4 : i32
      %add3A_168 = arith.addi %add3A_163, %add3A_167 : i32
      %lt3A_169 = arith.constant 80 : i32
      %lt3A_170 = arith.cmpi slt, %add3A_168, %lt3A_169 : i32
      %convert_element_type3A_171 = arith.extui %lt3A_170 : i1 to i32
      %cond3A_172 = arith.constant 0 : i32
      %cond3A_173 = arith.cmpi ne, %convert_element_type3A_171, %cond3A_172 : i32
      scf.if %cond3A_173 {
        %add3A_190 = arith.constant 4 : i32
        %add3A_191 = arith.addi %add3A_163, %add3A_190 : i32
        %mul3A_192 = arith.constant 128 : i32
        %mul3A_193 = arith.muli %add3A_191, %mul3A_192 : i32
        %add3A_194 = arith.addi %multiple_of3A, %mul3A_193 : i32
        %multiple_of3A_195 = tpu.assume_multiple %add3A_194, 128 : i32
        %dma_start3A_196 = tpu.memref_slice %arg3[%multiple_of3A_195] : memref<327680xi32, #tpu.memory_space<hbm>> -> memref<128xi32, #tpu.memory_space<hbm>>
        %dma_start3A_197 = tpu.memref_slice %arg3[%multiple_of3A_195] : memref<327680xi32, #tpu.memory_space<hbm>> -> memref<128xi32, #tpu.memory_space<hbm>>
        tpu.enqueue_dma source(%dma_start3A_197 : memref<128xi32, #tpu.memory_space<hbm>>) target(%arg10 : memref<128xi32, #tpu.memory_space<vmem>>) target_semaphore(%arg21 : memref<!tpu.dma_semaphore, #tpu.memory_space<semaphore_mem>>)
      } else {
      }
      %dma_wait3A_174 = tpu.memref_slice %arg4[%multiple_of3A] : memref<327680xi32, #tpu.memory_space<hbm>> -> memref<128xi32, #tpu.memory_space<hbm>>
      %dma_wait3A_175 = tpu.memref_slice %arg4[%multiple_of3A] : memref<327680xi32, #tpu.memory_space<hbm>> -> memref<128xi32, #tpu.memory_space<hbm>>
      tpu.wait_dma2 semaphore(%arg25 : memref<!tpu.dma_semaphore, #tpu.memory_space<semaphore_mem>>) src(%dma_wait3A_175 : memref<128xi32, #tpu.memory_space<hbm>>) dst(%arg14 : memref<128xi32, #tpu.memory_space<vmem>>)
      "tpu.region"() ({
        %run_scoped3A = tpu.sem_alloc : memref<!tpu.dma_semaphore, #tpu.memory_space<semaphore_mem>>
        %dma_start3A_190 = arith.constant 0 : i32
        %dma_start3A_191 = arith.constant 0 : i32
        %dma_start3A_192 = tpu.memref_slice %arg17[%dma_start3A_190, %dma_start3A_191] : memref<10240x128xf32, #tpu.memory_space<vmem_shared>> -> memref<10240x128xf32, #tpu.memory_space<vmem_shared>>
        tpu.enqueue_indirect_dma source(%arg16 : memref<128x128xf32, #tpu.memory_space<vmem>>) target(%dma_start3A_192 : memref<10240x128xf32, #tpu.memory_space<vmem_shared>>) offsets(%arg14 : memref<128xi32, #tpu.memory_space<vmem>>) semaphore(%run_scoped3A : memref<!tpu.dma_semaphore, #tpu.memory_space<semaphore_mem>>) {add = true}
        %dma_wait3A_193 = arith.constant 0 : i32
        %dma_wait3A_194 = arith.constant 0 : i32
        %dma_wait3A_195 = tpu.memref_slice %arg17[%dma_wait3A_193, %dma_wait3A_194] : memref<10240x128xf32, #tpu.memory_space<vmem_shared>> -> memref<10240x128xf32, #tpu.memory_space<vmem_shared>>
        tpu.wait_indirect_dma semaphore(%run_scoped3A : memref<!tpu.dma_semaphore, #tpu.memory_space<semaphore_mem>>) src(%arg16 : memref<128x128xf32, #tpu.memory_space<vmem>>) dst(%dma_wait3A_195 : memref<10240x128xf32, #tpu.memory_space<vmem_shared>>)
        tpu.yield
      }) : () -> ()
      %add3A_176 = arith.constant 4 : i32
      %add3A_177 = arith.addi %add3A_163, %add3A_176 : i32
      %lt3A_178 = arith.constant 80 : i32
      %lt3A_179 = arith.cmpi slt, %add3A_177, %lt3A_178 : i32
      %convert_element_type3A_180 = arith.extui %lt3A_179 : i1 to i32
      %cond3A_181 = arith.constant 0 : i32
      %cond3A_182 = arith.cmpi ne, %convert_element_type3A_180, %cond3A_181 : i32
      scf.if %cond3A_182 {
        %add3A_190 = arith.constant 4 : i32
        %add3A_191 = arith.addi %add3A_163, %add3A_190 : i32
        %mul3A_192 = arith.constant 128 : i32
        %mul3A_193 = arith.muli %add3A_191, %mul3A_192 : i32
        %add3A_194 = arith.addi %multiple_of3A, %mul3A_193 : i32
        %multiple_of3A_195 = tpu.assume_multiple %add3A_194, 128 : i32
        %dma_start3A_196 = tpu.memref_slice %arg4[%multiple_of3A_195] : memref<327680xi32, #tpu.memory_space<hbm>> -> memref<128xi32, #tpu.memory_space<hbm>>
        %dma_start3A_197 = tpu.memref_slice %arg4[%multiple_of3A_195] : memref<327680xi32, #tpu.memory_space<hbm>> -> memref<128xi32, #tpu.memory_space<hbm>>
        tpu.enqueue_dma source(%dma_start3A_197 : memref<128xi32, #tpu.memory_space<hbm>>) target(%arg14 : memref<128xi32, #tpu.memory_space<vmem>>) target_semaphore(%arg25 : memref<!tpu.dma_semaphore, #tpu.memory_space<semaphore_mem>>)
      } else {
      }
      %add3A_183 = arith.constant 2 : i32
      %add3A_184 = arith.addi %add3A_163, %add3A_183 : i32
      %lt3A_185 = arith.constant 80 : i32
      %lt3A_186 = arith.cmpi slt, %add3A_184, %lt3A_185 : i32
      %convert_element_type3A_187 = arith.extui %lt3A_186 : i1 to i32
      %cond3A_188 = arith.constant 0 : i32
      %cond3A_189 = arith.cmpi ne, %convert_element_type3A_187, %cond3A_188 : i32
      scf.if %cond3A_189 {
        %dma_wait3A_190 = tpu.memref_slice %arg3[%multiple_of3A] : memref<327680xi32, #tpu.memory_space<hbm>> -> memref<128xi32, #tpu.memory_space<hbm>>
        %dma_wait3A_191 = tpu.memref_slice %arg3[%multiple_of3A] : memref<327680xi32, #tpu.memory_space<hbm>> -> memref<128xi32, #tpu.memory_space<hbm>>
        tpu.wait_dma2 semaphore(%arg19 : memref<!tpu.dma_semaphore, #tpu.memory_space<semaphore_mem>>) src(%dma_wait3A_191 : memref<128xi32, #tpu.memory_space<hbm>>) dst(%arg8 : memref<128xi32, #tpu.memory_space<vmem>>)
        %dma_start3A_192 = arith.constant 0 : i32
        %dma_start3A_193 = arith.constant 0 : i32
        %dma_start3A_194 = tpu.memref_slice %arg5[%dma_start3A_192, %dma_start3A_193] : memref<10240x128xf32, #tpu.memory_space<hbm>> -> memref<10240x128xf32, #tpu.memory_space<hbm>>
        tpu.enqueue_indirect_dma source(%dma_start3A_194 : memref<10240x128xf32, #tpu.memory_space<hbm>>) target(%arg16 : memref<128x128xf32, #tpu.memory_space<vmem>>) offsets(%arg8 : memref<128xi32, #tpu.memory_space<vmem>>) semaphore(%arg27 : memref<!tpu.dma_semaphore, #tpu.memory_space<semaphore_mem>>)
      } else {
      }
    }
    %scan3A_67 = arith.constant 20 : i32
    %barrier3A_68 = arith.constant 0 : index
    tpu.barrier barrier_id(%barrier3A_68)
    %eq3A = arith.constant 0 : i32
    %eq3A_69 = arith.cmpi eq, %arg0, %eq3A : i32
    %convert_element_type3A = arith.extui %eq3A_69 : i1 to i32
    %cond3A = arith.constant 0 : i32
    %cond3A_70 = arith.cmpi ne, %convert_element_type3A, %cond3A : i32
    scf.if %cond3A_70 {
      %add3A_76 = arith.constant 0 : i32
      %add3A_77 = arith.addi %mul3A_4, %add3A_76 : i32
      %add3A_78 = arith.constant 0 : i32
      %add3A_79 = arith.addi %mul3A_4, %add3A_78 : i32
      %run_scoped3A = arith.constant 0 : i32
      "tpu.region"() ({
        %run_scoped3A_100 = tpu.sem_alloc : memref<!tpu.dma_semaphore, #tpu.memory_space<semaphore_mem>>
        %dma_start3A_101 = arith.constant 0 : i32
        %dma_start3A_102 = tpu.memref_slice %arg6[%run_scoped3A, %add3A_79, %dma_start3A_101] : memref<2x10240x128xf32, #tpu.memory_space<hbm>> -> memref<1x128x128xf32, #tpu.memory_space<hbm>>
        %dma_start3A_103 = tpu.memref_squeeze %dma_start3A_102 : memref<1x128x128xf32, #tpu.memory_space<hbm>> -> memref<128x128xf32, #tpu.memory_space<hbm>>
        %dma_start3A_104 = arith.constant 0 : i32
        %dma_start3A_105 = tpu.memref_slice %arg17[%add3A_77, %dma_start3A_104] : memref<10240x128xf32, #tpu.memory_space<vmem_shared>> -> memref<128x128xf32, #tpu.memory_space<vmem_shared>>
        tpu.enqueue_dma source(%dma_start3A_105 : memref<128x128xf32, #tpu.memory_space<vmem_shared>>) target(%dma_start3A_103 : memref<128x128xf32, #tpu.memory_space<hbm>>) target_semaphore(%run_scoped3A_100 : memref<!tpu.dma_semaphore, #tpu.memory_space<semaphore_mem>>)
        %dma_wait3A_106 = arith.constant 0 : i32
        %dma_wait3A_107 = tpu.memref_slice %arg6[%run_scoped3A, %add3A_79, %dma_wait3A_106] : memref<2x10240x128xf32, #tpu.memory_space<hbm>> -> memref<1x128x128xf32, #tpu.memory_space<hbm>>
        %dma_wait3A_108 = tpu.memref_squeeze %dma_wait3A_107 : memref<1x128x128xf32, #tpu.memory_space<hbm>> -> memref<128x128xf32, #tpu.memory_space<hbm>>
        %dma_wait3A_109 = arith.constant 0 : i32
        %dma_wait3A_110 = tpu.memref_slice %arg17[%add3A_77, %dma_wait3A_109] : memref<10240x128xf32, #tpu.memory_space<vmem_shared>> -> memref<128x128xf32, #tpu.memory_space<vmem_shared>>
        tpu.wait_dma2 semaphore(%run_scoped3A_100 : memref<!tpu.dma_semaphore, #tpu.memory_space<semaphore_mem>>) src(%dma_wait3A_110 : memref<128x128xf32, #tpu.memory_space<vmem_shared>>) dst(%dma_wait3A_108 : memref<128x128xf32, #tpu.memory_space<hbm>>)
        tpu.yield
      }) : () -> ()
      %add3A_80 = arith.constant 128 : i32
      %add3A_81 = arith.addi %mul3A_4, %add3A_80 : i32
      %add3A_82 = arith.constant 128 : i32
      %add3A_83 = arith.addi %mul3A_4, %add3A_82 : i32
      %run_scoped3A_84 = arith.constant 0 : i32
      "tpu.region"() ({
        %run_scoped3A_100 = tpu.sem_alloc : memref<!tpu.dma_semaphore, #tpu.memory_space<semaphore_mem>>
        %dma_start3A_101 = arith.constant 0 : i32
        %dma_start3A_102 = tpu.memref_slice %arg6[%run_scoped3A_84, %add3A_83, %dma_start3A_101] : memref<2x10240x128xf32, #tpu.memory_space<hbm>> -> memref<1x128x128xf32, #tpu.memory_space<hbm>>
        %dma_start3A_103 = tpu.memref_squeeze %dma_start3A_102 : memref<1x128x128xf32, #tpu.memory_space<hbm>> -> memref<128x128xf32, #tpu.memory_space<hbm>>
        %dma_start3A_104 = arith.constant 0 : i32
        %dma_start3A_105 = tpu.memref_slice %arg17[%add3A_81, %dma_start3A_104] : memref<10240x128xf32, #tpu.memory_space<vmem_shared>> -> memref<128x128xf32, #tpu.memory_space<vmem_shared>>
        tpu.enqueue_dma source(%dma_start3A_105 : memref<128x128xf32, #tpu.memory_space<vmem_shared>>) target(%dma_start3A_103 : memref<128x128xf32, #tpu.memory_space<hbm>>) target_semaphore(%run_scoped3A_100 : memref<!tpu.dma_semaphore, #tpu.memory_space<semaphore_mem>>)
        %dma_wait3A_106 = arith.constant 0 : i32
        %dma_wait3A_107 = tpu.memref_slice %arg6[%run_scoped3A_84, %add3A_83, %dma_wait3A_106] : memref<2x10240x128xf32, #tpu.memory_space<hbm>> -> memref<1x128x128xf32, #tpu.memory_space<hbm>>
        %dma_wait3A_108 = tpu.memref_squeeze %dma_wait3A_107 : memref<1x128x128xf32, #tpu.memory_space<hbm>> -> memref<128x128xf32, #tpu.memory_space<hbm>>
        %dma_wait3A_109 = arith.constant 0 : i32
        %dma_wait3A_110 = tpu.memref_slice %arg17[%add3A_81, %dma_wait3A_109] : memref<10240x128xf32, #tpu.memory_space<vmem_shared>> -> memref<128x128xf32, #tpu.memory_space<vmem_shared>>
        tpu.wait_dma2 semaphore(%run_scoped3A_100 : memref<!tpu.dma_semaphore, #tpu.memory_space<semaphore_mem>>) src(%dma_wait3A_110 : memref<128x128xf32, #tpu.memory_space<vmem_shared>>) dst(%dma_wait3A_108 : memref<128x128xf32, #tpu.memory_space<hbm>>)
        tpu.yield
      }) : () -> ()
      %add3A_85 = arith.constant 256 : i32
      %add3A_86 = arith.addi %mul3A_4, %add3A_85 : i32
      %add3A_87 = arith.constant 256 : i32
      %add3A_88 = arith.addi %mul3A_4, %add3A_87 : i32
      %run_scoped3A_89 = arith.constant 0 : i32
      "tpu.region"() ({
        %run_scoped3A_100 = tpu.sem_alloc : memref<!tpu.dma_semaphore, #tpu.memory_space<semaphore_mem>>
        %dma_start3A_101 = arith.constant 0 : i32
        %dma_start3A_102 = tpu.memref_slice %arg6[%run_scoped3A_89, %add3A_88, %dma_start3A_101] : memref<2x10240x128xf32, #tpu.memory_space<hbm>> -> memref<1x128x128xf32, #tpu.memory_space<hbm>>
        %dma_start3A_103 = tpu.memref_squeeze %dma_start3A_102 : memref<1x128x128xf32, #tpu.memory_space<hbm>> -> memref<128x128xf32, #tpu.memory_space<hbm>>
        %dma_start3A_104 = arith.constant 0 : i32
        %dma_start3A_105 = tpu.memref_slice %arg17[%add3A_86, %dma_start3A_104] : memref<10240x128xf32, #tpu.memory_space<vmem_shared>> -> memref<128x128xf32, #tpu.memory_space<vmem_shared>>
        tpu.enqueue_dma source(%dma_start3A_105 : memref<128x128xf32, #tpu.memory_space<vmem_shared>>) target(%dma_start3A_103 : memref<128x128xf32, #tpu.memory_space<hbm>>) target_semaphore(%run_scoped3A_100 : memref<!tpu.dma_semaphore, #tpu.memory_space<semaphore_mem>>)
        %dma_wait3A_106 = arith.constant 0 : i32
        %dma_wait3A_107 = tpu.memref_slice %arg6[%run_scoped3A_89, %add3A_88, %dma_wait3A_106] : memref<2x10240x128xf32, #tpu.memory_space<hbm>> -> memref<1x128x128xf32, #tpu.memory_space<hbm>>
        %dma_wait3A_108 = tpu.memref_squeeze %dma_wait3A_107 : memref<1x128x128xf32, #tpu.memory_space<hbm>> -> memref<128x128xf32, #tpu.memory_space<hbm>>
        %dma_wait3A_109 = arith.constant 0 : i32
        %dma_wait3A_110 = tpu.memref_slice %arg17[%add3A_86, %dma_wait3A_109] : memref<10240x128xf32, #tpu.memory_space<vmem_shared>> -> memref<128x128xf32, #tpu.memory_space<vmem_shared>>
        tpu.wait_dma2 semaphore(%run_scoped3A_100 : memref<!tpu.dma_semaphore, #tpu.memory_space<semaphore_mem>>) src(%dma_wait3A_110 : memref<128x128xf32, #tpu.memory_space<vmem_shared>>) dst(%dma_wait3A_108 : memref<128x128xf32, #tpu.memory_space<hbm>>)
        tpu.yield
      }) : () -> ()
      %add3A_90 = arith.constant 384 : i32
      %add3A_91 = arith.addi %mul3A_4, %add3A_90 : i32
      %add3A_92 = arith.constant 384 : i32
      %add3A_93 = arith.addi %mul3A_4, %add3A_92 : i32
      %run_scoped3A_94 = arith.constant 0 : i32
      "tpu.region"() ({
        %run_scoped3A_100 = tpu.sem_alloc : memref<!tpu.dma_semaphore, #tpu.memory_space<semaphore_mem>>
        %dma_start3A_101 = arith.constant 0 : i32
        %dma_start3A_102 = tpu.memref_slice %arg6[%run_scoped3A_94, %add3A_93, %dma_start3A_101] : memref<2x10240x128xf32, #tpu.memory_space<hbm>> -> memref<1x128x128xf32, #tpu.memory_space<hbm>>
        %dma_start3A_103 = tpu.memref_squeeze %dma_start3A_102 : memref<1x128x128xf32, #tpu.memory_space<hbm>> -> memref<128x128xf32, #tpu.memory_space<hbm>>
        %dma_start3A_104 = arith.constant 0 : i32
        %dma_start3A_105 = tpu.memref_slice %arg17[%add3A_91, %dma_start3A_104] : memref<10240x128xf32, #tpu.memory_space<vmem_shared>> -> memref<128x128xf32, #tpu.memory_space<vmem_shared>>
        tpu.enqueue_dma source(%dma_start3A_105 : memref<128x128xf32, #tpu.memory_space<vmem_shared>>) target(%dma_start3A_103 : memref<128x128xf32, #tpu.memory_space<hbm>>) target_semaphore(%run_scoped3A_100 : memref<!tpu.dma_semaphore, #tpu.memory_space<semaphore_mem>>)
        %dma_wait3A_106 = arith.constant 0 : i32
        %dma_wait3A_107 = tpu.memref_slice %arg6[%run_scoped3A_94, %add3A_93, %dma_wait3A_106] : memref<2x10240x128xf32, #tpu.memory_space<hbm>> -> memref<1x128x128xf32, #tpu.memory_space<hbm>>
        %dma_wait3A_108 = tpu.memref_squeeze %dma_wait3A_107 : memref<1x128x128xf32, #tpu.memory_space<hbm>> -> memref<128x128xf32, #tpu.memory_space<hbm>>
        %dma_wait3A_109 = arith.constant 0 : i32
        %dma_wait3A_110 = tpu.memref_slice %arg17[%add3A_91, %dma_wait3A_109] : memref<10240x128xf32, #tpu.memory_space<vmem_shared>> -> memref<128x128xf32, #tpu.memory_space<vmem_shared>>
        tpu.wait_dma2 semaphore(%run_scoped3A_100 : memref<!tpu.dma_semaphore, #tpu.memory_space<semaphore_mem>>) src(%dma_wait3A_110 : memref<128x128xf32, #tpu.memory_space<vmem_shared>>) dst(%dma_wait3A_108 : memref<128x128xf32, #tpu.memory_space<hbm>>)
        tpu.yield
      }) : () -> ()
      %add3A_95 = arith.constant 512 : i32
      %add3A_96 = arith.addi %mul3A_4, %add3A_95 : i32
      %add3A_97 = arith.constant 512 : i32
      %add3A_98 = arith.addi %mul3A_4, %add3A_97 : i32
      %run_scoped3A_99 = arith.constant 0 : i32
      "tpu.region"() ({
        %run_scoped3A_100 = tpu.sem_alloc : memref<!tpu.dma_semaphore, #tpu.memory_space<semaphore_mem>>
        %dma_start3A_101 = arith.constant 0 : i32
        %dma_start3A_102 = tpu.memref_slice %arg6[%run_scoped3A_99, %add3A_98, %dma_start3A_101] : memref<2x10240x128xf32, #tpu.memory_space<hbm>> -> memref<1x128x128xf32, #tpu.memory_space<hbm>>
        %dma_start3A_103 = tpu.memref_squeeze %dma_start3A_102 : memref<1x128x128xf32, #tpu.memory_space<hbm>> -> memref<128x128xf32, #tpu.memory_space<hbm>>
        %dma_start3A_104 = arith.constant 0 : i32
        %dma_start3A_105 = tpu.memref_slice %arg17[%add3A_96, %dma_start3A_104] : memref<10240x128xf32, #tpu.memory_space<vmem_shared>> -> memref<128x128xf32, #tpu.memory_space<vmem_shared>>
        tpu.enqueue_dma source(%dma_start3A_105 : memref<128x128xf32, #tpu.memory_space<vmem_shared>>) target(%dma_start3A_103 : memref<128x128xf32, #tpu.memory_space<hbm>>) target_semaphore(%run_scoped3A_100 : memref<!tpu.dma_semaphore, #tpu.memory_space<semaphore_mem>>)
        %dma_wait3A_106 = arith.constant 0 : i32
        %dma_wait3A_107 = tpu.memref_slice %arg6[%run_scoped3A_99, %add3A_98, %dma_wait3A_106] : memref<2x10240x128xf32, #tpu.memory_space<hbm>> -> memref<1x128x128xf32, #tpu.memory_space<hbm>>
        %dma_wait3A_108 = tpu.memref_squeeze %dma_wait3A_107 : memref<1x128x128xf32, #tpu.memory_space<hbm>> -> memref<128x128xf32, #tpu.memory_space<hbm>>
        %dma_wait3A_109 = arith.constant 0 : i32
        %dma_wait3A_110 = tpu.memref_slice %arg17[%add3A_96, %dma_wait3A_109] : memref<10240x128xf32, #tpu.memory_space<vmem_shared>> -> memref<128x128xf32, #tpu.memory_space<vmem_shared>>
        tpu.wait_dma2 semaphore(%run_scoped3A_100 : memref<!tpu.dma_semaphore, #tpu.memory_space<semaphore_mem>>) src(%dma_wait3A_110 : memref<128x128xf32, #tpu.memory_space<vmem_shared>>) dst(%dma_wait3A_108 : memref<128x128xf32, #tpu.memory_space<hbm>>)
        tpu.yield
      }) : () -> ()
    } else {
    }
    %eq3A_71 = arith.constant 1 : i32
    %eq3A_72 = arith.cmpi eq, %arg0, %eq3A_71 : i32
    %convert_element_type3A_73 = arith.extui %eq3A_72 : i1 to i32
    %cond3A_74 = arith.constant 0 : i32
    %cond3A_75 = arith.cmpi ne, %convert_element_type3A_73, %cond3A_74 : i32
    scf.if %cond3A_75 {
      %add3A_76 = arith.constant 0 : i32
      %add3A_77 = arith.addi %mul3A_4, %add3A_76 : i32
      %add3A_78 = arith.constant 0 : i32
      %add3A_79 = arith.addi %mul3A_4, %add3A_78 : i32
      %run_scoped3A = arith.constant 1 : i32
      "tpu.region"() ({
        %run_scoped3A_100 = tpu.sem_alloc : memref<!tpu.dma_semaphore, #tpu.memory_space<semaphore_mem>>
        %dma_start3A_101 = arith.constant 0 : i32
        %dma_start3A_102 = tpu.memref_slice %arg6[%run_scoped3A, %add3A_79, %dma_start3A_101] : memref<2x10240x128xf32, #tpu.memory_space<hbm>> -> memref<1x128x128xf32, #tpu.memory_space<hbm>>
        %dma_start3A_103 = tpu.memref_squeeze %dma_start3A_102 : memref<1x128x128xf32, #tpu.memory_space<hbm>> -> memref<128x128xf32, #tpu.memory_space<hbm>>
        %dma_start3A_104 = arith.constant 0 : i32
        %dma_start3A_105 = tpu.memref_slice %arg17[%add3A_77, %dma_start3A_104] : memref<10240x128xf32, #tpu.memory_space<vmem_shared>> -> memref<128x128xf32, #tpu.memory_space<vmem_shared>>
        tpu.enqueue_dma source(%dma_start3A_105 : memref<128x128xf32, #tpu.memory_space<vmem_shared>>) target(%dma_start3A_103 : memref<128x128xf32, #tpu.memory_space<hbm>>) target_semaphore(%run_scoped3A_100 : memref<!tpu.dma_semaphore, #tpu.memory_space<semaphore_mem>>)
        %dma_wait3A_106 = arith.constant 0 : i32
        %dma_wait3A_107 = tpu.memref_slice %arg6[%run_scoped3A, %add3A_79, %dma_wait3A_106] : memref<2x10240x128xf32, #tpu.memory_space<hbm>> -> memref<1x128x128xf32, #tpu.memory_space<hbm>>
        %dma_wait3A_108 = tpu.memref_squeeze %dma_wait3A_107 : memref<1x128x128xf32, #tpu.memory_space<hbm>> -> memref<128x128xf32, #tpu.memory_space<hbm>>
        %dma_wait3A_109 = arith.constant 0 : i32
        %dma_wait3A_110 = tpu.memref_slice %arg17[%add3A_77, %dma_wait3A_109] : memref<10240x128xf32, #tpu.memory_space<vmem_shared>> -> memref<128x128xf32, #tpu.memory_space<vmem_shared>>
        tpu.wait_dma2 semaphore(%run_scoped3A_100 : memref<!tpu.dma_semaphore, #tpu.memory_space<semaphore_mem>>) src(%dma_wait3A_110 : memref<128x128xf32, #tpu.memory_space<vmem_shared>>) dst(%dma_wait3A_108 : memref<128x128xf32, #tpu.memory_space<hbm>>)
        tpu.yield
      }) : () -> ()
      %add3A_80 = arith.constant 128 : i32
      %add3A_81 = arith.addi %mul3A_4, %add3A_80 : i32
      %add3A_82 = arith.constant 128 : i32
      %add3A_83 = arith.addi %mul3A_4, %add3A_82 : i32
      %run_scoped3A_84 = arith.constant 1 : i32
      "tpu.region"() ({
        %run_scoped3A_100 = tpu.sem_alloc : memref<!tpu.dma_semaphore, #tpu.memory_space<semaphore_mem>>
        %dma_start3A_101 = arith.constant 0 : i32
        %dma_start3A_102 = tpu.memref_slice %arg6[%run_scoped3A_84, %add3A_83, %dma_start3A_101] : memref<2x10240x128xf32, #tpu.memory_space<hbm>> -> memref<1x128x128xf32, #tpu.memory_space<hbm>>
        %dma_start3A_103 = tpu.memref_squeeze %dma_start3A_102 : memref<1x128x128xf32, #tpu.memory_space<hbm>> -> memref<128x128xf32, #tpu.memory_space<hbm>>
        %dma_start3A_104 = arith.constant 0 : i32
        %dma_start3A_105 = tpu.memref_slice %arg17[%add3A_81, %dma_start3A_104] : memref<10240x128xf32, #tpu.memory_space<vmem_shared>> -> memref<128x128xf32, #tpu.memory_space<vmem_shared>>
        tpu.enqueue_dma source(%dma_start3A_105 : memref<128x128xf32, #tpu.memory_space<vmem_shared>>) target(%dma_start3A_103 : memref<128x128xf32, #tpu.memory_space<hbm>>) target_semaphore(%run_scoped3A_100 : memref<!tpu.dma_semaphore, #tpu.memory_space<semaphore_mem>>)
        %dma_wait3A_106 = arith.constant 0 : i32
        %dma_wait3A_107 = tpu.memref_slice %arg6[%run_scoped3A_84, %add3A_83, %dma_wait3A_106] : memref<2x10240x128xf32, #tpu.memory_space<hbm>> -> memref<1x128x128xf32, #tpu.memory_space<hbm>>
        %dma_wait3A_108 = tpu.memref_squeeze %dma_wait3A_107 : memref<1x128x128xf32, #tpu.memory_space<hbm>> -> memref<128x128xf32, #tpu.memory_space<hbm>>
        %dma_wait3A_109 = arith.constant 0 : i32
        %dma_wait3A_110 = tpu.memref_slice %arg17[%add3A_81, %dma_wait3A_109] : memref<10240x128xf32, #tpu.memory_space<vmem_shared>> -> memref<128x128xf32, #tpu.memory_space<vmem_shared>>
        tpu.wait_dma2 semaphore(%run_scoped3A_100 : memref<!tpu.dma_semaphore, #tpu.memory_space<semaphore_mem>>) src(%dma_wait3A_110 : memref<128x128xf32, #tpu.memory_space<vmem_shared>>) dst(%dma_wait3A_108 : memref<128x128xf32, #tpu.memory_space<hbm>>)
        tpu.yield
      }) : () -> ()
      %add3A_85 = arith.constant 256 : i32
      %add3A_86 = arith.addi %mul3A_4, %add3A_85 : i32
      %add3A_87 = arith.constant 256 : i32
      %add3A_88 = arith.addi %mul3A_4, %add3A_87 : i32
      %run_scoped3A_89 = arith.constant 1 : i32
      "tpu.region"() ({
        %run_scoped3A_100 = tpu.sem_alloc : memref<!tpu.dma_semaphore, #tpu.memory_space<semaphore_mem>>
        %dma_start3A_101 = arith.constant 0 : i32
        %dma_start3A_102 = tpu.memref_slice %arg6[%run_scoped3A_89, %add3A_88, %dma_start3A_101] : memref<2x10240x128xf32, #tpu.memory_space<hbm>> -> memref<1x128x128xf32, #tpu.memory_space<hbm>>
        %dma_start3A_103 = tpu.memref_squeeze %dma_start3A_102 : memref<1x128x128xf32, #tpu.memory_space<hbm>> -> memref<128x128xf32, #tpu.memory_space<hbm>>
        %dma_start3A_104 = arith.constant 0 : i32
        %dma_start3A_105 = tpu.memref_slice %arg17[%add3A_86, %dma_start3A_104] : memref<10240x128xf32, #tpu.memory_space<vmem_shared>> -> memref<128x128xf32, #tpu.memory_space<vmem_shared>>
        tpu.enqueue_dma source(%dma_start3A_105 : memref<128x128xf32, #tpu.memory_space<vmem_shared>>) target(%dma_start3A_103 : memref<128x128xf32, #tpu.memory_space<hbm>>) target_semaphore(%run_scoped3A_100 : memref<!tpu.dma_semaphore, #tpu.memory_space<semaphore_mem>>)
        %dma_wait3A_106 = arith.constant 0 : i32
        %dma_wait3A_107 = tpu.memref_slice %arg6[%run_scoped3A_89, %add3A_88, %dma_wait3A_106] : memref<2x10240x128xf32, #tpu.memory_space<hbm>> -> memref<1x128x128xf32, #tpu.memory_space<hbm>>
        %dma_wait3A_108 = tpu.memref_squeeze %dma_wait3A_107 : memref<1x128x128xf32, #tpu.memory_space<hbm>> -> memref<128x128xf32, #tpu.memory_space<hbm>>
        %dma_wait3A_109 = arith.constant 0 : i32
        %dma_wait3A_110 = tpu.memref_slice %arg17[%add3A_86, %dma_wait3A_109] : memref<10240x128xf32, #tpu.memory_space<vmem_shared>> -> memref<128x128xf32, #tpu.memory_space<vmem_shared>>
        tpu.wait_dma2 semaphore(%run_scoped3A_100 : memref<!tpu.dma_semaphore, #tpu.memory_space<semaphore_mem>>) src(%dma_wait3A_110 : memref<128x128xf32, #tpu.memory_space<vmem_shared>>) dst(%dma_wait3A_108 : memref<128x128xf32, #tpu.memory_space<hbm>>)
        tpu.yield
      }) : () -> ()
      %add3A_90 = arith.constant 384 : i32
      %add3A_91 = arith.addi %mul3A_4, %add3A_90 : i32
      %add3A_92 = arith.constant 384 : i32
      %add3A_93 = arith.addi %mul3A_4, %add3A_92 : i32
      %run_scoped3A_94 = arith.constant 1 : i32
      "tpu.region"() ({
        %run_scoped3A_100 = tpu.sem_alloc : memref<!tpu.dma_semaphore, #tpu.memory_space<semaphore_mem>>
        %dma_start3A_101 = arith.constant 0 : i32
        %dma_start3A_102 = tpu.memref_slice %arg6[%run_scoped3A_94, %add3A_93, %dma_start3A_101] : memref<2x10240x128xf32, #tpu.memory_space<hbm>> -> memref<1x128x128xf32, #tpu.memory_space<hbm>>
        %dma_start3A_103 = tpu.memref_squeeze %dma_start3A_102 : memref<1x128x128xf32, #tpu.memory_space<hbm>> -> memref<128x128xf32, #tpu.memory_space<hbm>>
        %dma_start3A_104 = arith.constant 0 : i32
        %dma_start3A_105 = tpu.memref_slice %arg17[%add3A_91, %dma_start3A_104] : memref<10240x128xf32, #tpu.memory_space<vmem_shared>> -> memref<128x128xf32, #tpu.memory_space<vmem_shared>>
        tpu.enqueue_dma source(%dma_start3A_105 : memref<128x128xf32, #tpu.memory_space<vmem_shared>>) target(%dma_start3A_103 : memref<128x128xf32, #tpu.memory_space<hbm>>) target_semaphore(%run_scoped3A_100 : memref<!tpu.dma_semaphore, #tpu.memory_space<semaphore_mem>>)
        %dma_wait3A_106 = arith.constant 0 : i32
        %dma_wait3A_107 = tpu.memref_slice %arg6[%run_scoped3A_94, %add3A_93, %dma_wait3A_106] : memref<2x10240x128xf32, #tpu.memory_space<hbm>> -> memref<1x128x128xf32, #tpu.memory_space<hbm>>
        %dma_wait3A_108 = tpu.memref_squeeze %dma_wait3A_107 : memref<1x128x128xf32, #tpu.memory_space<hbm>> -> memref<128x128xf32, #tpu.memory_space<hbm>>
        %dma_wait3A_109 = arith.constant 0 : i32
        %dma_wait3A_110 = tpu.memref_slice %arg17[%add3A_91, %dma_wait3A_109] : memref<10240x128xf32, #tpu.memory_space<vmem_shared>> -> memref<128x128xf32, #tpu.memory_space<vmem_shared>>
        tpu.wait_dma2 semaphore(%run_scoped3A_100 : memref<!tpu.dma_semaphore, #tpu.memory_space<semaphore_mem>>) src(%dma_wait3A_110 : memref<128x128xf32, #tpu.memory_space<vmem_shared>>) dst(%dma_wait3A_108 : memref<128x128xf32, #tpu.memory_space<hbm>>)
        tpu.yield
      }) : () -> ()
      %add3A_95 = arith.constant 512 : i32
      %add3A_96 = arith.addi %mul3A_4, %add3A_95 : i32
      %add3A_97 = arith.constant 512 : i32
      %add3A_98 = arith.addi %mul3A_4, %add3A_97 : i32
      %run_scoped3A_99 = arith.constant 1 : i32
      "tpu.region"() ({
        %run_scoped3A_100 = tpu.sem_alloc : memref<!tpu.dma_semaphore, #tpu.memory_space<semaphore_mem>>
        %dma_start3A_101 = arith.constant 0 : i32
        %dma_start3A_102 = tpu.memref_slice %arg6[%run_scoped3A_99, %add3A_98, %dma_start3A_101] : memref<2x10240x128xf32, #tpu.memory_space<hbm>> -> memref<1x128x128xf32, #tpu.memory_space<hbm>>
        %dma_start3A_103 = tpu.memref_squeeze %dma_start3A_102 : memref<1x128x128xf32, #tpu.memory_space<hbm>> -> memref<128x128xf32, #tpu.memory_space<hbm>>
        %dma_start3A_104 = arith.constant 0 : i32
        %dma_start3A_105 = tpu.memref_slice %arg17[%add3A_96, %dma_start3A_104] : memref<10240x128xf32, #tpu.memory_space<vmem_shared>> -> memref<128x128xf32, #tpu.memory_space<vmem_shared>>
        tpu.enqueue_dma source(%dma_start3A_105 : memref<128x128xf32, #tpu.memory_space<vmem_shared>>) target(%dma_start3A_103 : memref<128x128xf32, #tpu.memory_space<hbm>>) target_semaphore(%run_scoped3A_100 : memref<!tpu.dma_semaphore, #tpu.memory_space<semaphore_mem>>)
        %dma_wait3A_106 = arith.constant 0 : i32
        %dma_wait3A_107 = tpu.memref_slice %arg6[%run_scoped3A_99, %add3A_98, %dma_wait3A_106] : memref<2x10240x128xf32, #tpu.memory_space<hbm>> -> memref<1x128x128xf32, #tpu.memory_space<hbm>>
        %dma_wait3A_108 = tpu.memref_squeeze %dma_wait3A_107 : memref<1x128x128xf32, #tpu.memory_space<hbm>> -> memref<128x128xf32, #tpu.memory_space<hbm>>
        %dma_wait3A_109 = arith.constant 0 : i32
        %dma_wait3A_110 = tpu.memref_slice %arg17[%add3A_96, %dma_wait3A_109] : memref<10240x128xf32, #tpu.memory_space<vmem_shared>> -> memref<128x128xf32, #tpu.memory_space<vmem_shared>>
        tpu.wait_dma2 semaphore(%run_scoped3A_100 : memref<!tpu.dma_semaphore, #tpu.memory_space<semaphore_mem>>) src(%dma_wait3A_110 : memref<128x128xf32, #tpu.memory_space<vmem_shared>>) dst(%dma_wait3A_108 : memref<128x128xf32, #tpu.memory_space<hbm>>)
        tpu.yield
      }) : () -> ()
    } else {
    }
    return
  }
}

#map = affine_map<(d0, d1) -> (0, 0)>
#map1 = affine_map<(d0, d1) -> (0)>
#map2 = affine_map<(d0, d1) -> (0, 0, 0)>
module attributes {stable_mosaic.version = 14 : i64} {
  func.func @k(%arg0: i32, %arg1: i32, %arg2: memref<128x128xf32, #tpu.memory_space<hbm>>, %arg3: memref<327680xi32, #tpu.memory_space<hbm>>, %arg4: memref<327680xi32, #tpu.memory_space<hbm>>, %arg5: memref<10240x128xf32, #tpu.memory_space<hbm>>, %arg6: memref<2x10240x128xf32, #tpu.memory_space<hbm>>, %arg7: memref<128xi32, #tpu.memory_space<vmem>>, %arg8: memref<128xi32, #tpu.memory_space<vmem>>, %arg9: memref<128xi32, #tpu.memory_space<vmem>>, %arg10: memref<128xi32, #tpu.memory_space<vmem>>, %arg11: memref<128xi32, #tpu.memory_space<vmem>>, %arg12: memref<128xi32, #tpu.memory_space<vmem>>, %arg13: memref<128xi32, #tpu.memory_space<vmem>>, %arg14: memref<128xi32, #tpu.memory_space<vmem>>, %arg15: memref<128x128xf32, #tpu.memory_space<vmem>>, %arg16: memref<128x128xf32, #tpu.memory_space<vmem>>, %arg17: memref<10240x128xf32, #tpu.memory_space<vmem_shared>>, %arg18: memref<!tpu.dma_semaphore, #tpu.memory_space<semaphore_mem>>, %arg19: memref<!tpu.dma_semaphore, #tpu.memory_space<semaphore_mem>>, %arg20: memref<!tpu.dma_semaphore, #tpu.memory_space<semaphore_mem>>, %arg21: memref<!tpu.dma_semaphore, #tpu.memory_space<semaphore_mem>>, %arg22: memref<!tpu.dma_semaphore, #tpu.memory_space<semaphore_mem>>, %arg23: memref<!tpu.dma_semaphore, #tpu.memory_space<semaphore_mem>>, %arg24: memref<!tpu.dma_semaphore, #tpu.memory_space<semaphore_mem>>, %arg25: memref<!tpu.dma_semaphore, #tpu.memory_space<semaphore_mem>>, %arg26: memref<!tpu.dma_semaphore, #tpu.memory_space<semaphore_mem>>, %arg27: memref<!tpu.dma_semaphore, #tpu.memory_space<semaphore_mem>>) attributes {dimension_semantics = [#tpu.dimension_semantics<core_parallel>, #tpu.dimension_semantics<subcore_parallel>], iteration_bounds = array<i64: 2, 16>, scalar_prefetch = 0 : i64, scratch_operands = 21 : i64, tpu.core_type = #tpu.core_type<sc_vector_subcore>, window_params = [{transform_indices = #map}, {transform_indices = #map1}, {transform_indices = #map1}, {transform_indices = #map}, {transform_indices = #map2}]} {
    %mul3A = arith.constant 2 : i32
    %mul3A_0 = arith.muli %arg1, %mul3A : i32
    %add3A = arith.addi %mul3A_0, %arg0 : i32
    %mul3A_1 = arith.constant 10240 : i32
    %mul3A_2 = arith.muli %add3A, %mul3A_1 : i32
    %multiple_of3A = tpu.assume_multiple %mul3A_2, 128 : i32
    "tpu.region"() ({
      %run_scoped3A = tpu.sem_alloc : memref<!tpu.dma_semaphore, #tpu.memory_space<semaphore_mem>>
      tpu.enqueue_dma source(%arg2 : memref<128x128xf32, #tpu.memory_space<hbm>>) target(%arg15 : memref<128x128xf32, #tpu.memory_space<vmem>>) target_semaphore(%run_scoped3A : memref<!tpu.dma_semaphore, #tpu.memory_space<semaphore_mem>>)
      tpu.wait_dma2 semaphore(%run_scoped3A : memref<!tpu.dma_semaphore, #tpu.memory_space<semaphore_mem>>) src(%arg2 : memref<128x128xf32, #tpu.memory_space<hbm>>) dst(%arg15 : memref<128x128xf32, #tpu.memory_space<vmem>>)
      tpu.yield
    }) : () -> ()
    %mul3A_3 = arith.constant 640 : i32
    %mul3A_4 = arith.muli %arg1, %mul3A_3 : i32
    %add3A_5 = arith.constant 0 : i32
    %add3A_6 = arith.addi %mul3A_4, %add3A_5 : i32
    "tpu.region"() ({
      %run_scoped3A = tpu.sem_alloc : memref<!tpu.dma_semaphore, #tpu.memory_space<semaphore_mem>>
      %dma_start3A_76 = arith.constant 0 : i32
      %dma_start3A_77 = tpu.memref_slice %arg17[%add3A_6, %dma_start3A_76] : memref<10240x128xf32, #tpu.memory_space<vmem_shared>> -> memref<128x128xf32, #tpu.memory_space<vmem_shared>>
      %dma_start3A_78 = arith.constant 0 : i32
      %dma_start3A_79 = tpu.memref_slice %arg17[%add3A_6, %dma_start3A_78] : memref<10240x128xf32, #tpu.memory_space<vmem_shared>> -> memref<128x128xf32, #tpu.memory_space<vmem_shared>>
      tpu.enqueue_dma source(%arg15 : memref<128x128xf32, #tpu.memory_space<vmem>>) target(%dma_start3A_79 : memref<128x128xf32, #tpu.memory_space<vmem_shared>>) target_semaphore(%run_scoped3A : memref<!tpu.dma_semaphore, #tpu.memory_space<semaphore_mem>>)
      %dma_wait3A_80 = arith.constant 0 : i32
      %dma_wait3A_81 = tpu.memref_slice %arg17[%add3A_6, %dma_wait3A_80] : memref<10240x128xf32, #tpu.memory_space<vmem_shared>> -> memref<128x128xf32, #tpu.memory_space<vmem_shared>>
      %dma_wait3A_82 = arith.constant 0 : i32
      %dma_wait3A_83 = tpu.memref_slice %arg17[%add3A_6, %dma_wait3A_82] : memref<10240x128xf32, #tpu.memory_space<vmem_shared>> -> memref<128x128xf32, #tpu.memory_space<vmem_shared>>
      tpu.wait_dma2 semaphore(%run_scoped3A : memref<!tpu.dma_semaphore, #tpu.memory_space<semaphore_mem>>) src(%arg15 : memref<128x128xf32, #tpu.memory_space<vmem>>) dst(%dma_wait3A_83 : memref<128x128xf32, #tpu.memory_space<vmem_shared>>)
      tpu.yield
    }) : () -> ()
    %add3A_7 = arith.constant 128 : i32
    %add3A_8 = arith.addi %mul3A_4, %add3A_7 : i32
    "tpu.region"() ({
      %run_scoped3A = tpu.sem_alloc : memref<!tpu.dma_semaphore, #tpu.memory_space<semaphore_mem>>
      %dma_start3A_76 = arith.constant 0 : i32
      %dma_start3A_77 = tpu.memref_slice %arg17[%add3A_8, %dma_start3A_76] : memref<10240x128xf32, #tpu.memory_space<vmem_shared>> -> memref<128x128xf32, #tpu.memory_space<vmem_shared>>
      %dma_start3A_78 = arith.constant 0 : i32
      %dma_start3A_79 = tpu.memref_slice %arg17[%add3A_8, %dma_start3A_78] : memref<10240x128xf32, #tpu.memory_space<vmem_shared>> -> memref<128x128xf32, #tpu.memory_space<vmem_shared>>
      tpu.enqueue_dma source(%arg15 : memref<128x128xf32, #tpu.memory_space<vmem>>) target(%dma_start3A_79 : memref<128x128xf32, #tpu.memory_space<vmem_shared>>) target_semaphore(%run_scoped3A : memref<!tpu.dma_semaphore, #tpu.memory_space<semaphore_mem>>)
      %dma_wait3A_80 = arith.constant 0 : i32
      %dma_wait3A_81 = tpu.memref_slice %arg17[%add3A_8, %dma_wait3A_80] : memref<10240x128xf32, #tpu.memory_space<vmem_shared>> -> memref<128x128xf32, #tpu.memory_space<vmem_shared>>
      %dma_wait3A_82 = arith.constant 0 : i32
      %dma_wait3A_83 = tpu.memref_slice %arg17[%add3A_8, %dma_wait3A_82] : memref<10240x128xf32, #tpu.memory_space<vmem_shared>> -> memref<128x128xf32, #tpu.memory_space<vmem_shared>>
      tpu.wait_dma2 semaphore(%run_scoped3A : memref<!tpu.dma_semaphore, #tpu.memory_space<semaphore_mem>>) src(%arg15 : memref<128x128xf32, #tpu.memory_space<vmem>>) dst(%dma_wait3A_83 : memref<128x128xf32, #tpu.memory_space<vmem_shared>>)
      tpu.yield
    }) : () -> ()
    %add3A_9 = arith.constant 256 : i32
    %add3A_10 = arith.addi %mul3A_4, %add3A_9 : i32
    "tpu.region"() ({
      %run_scoped3A = tpu.sem_alloc : memref<!tpu.dma_semaphore, #tpu.memory_space<semaphore_mem>>
      %dma_start3A_76 = arith.constant 0 : i32
      %dma_start3A_77 = tpu.memref_slice %arg17[%add3A_10, %dma_start3A_76] : memref<10240x128xf32, #tpu.memory_space<vmem_shared>> -> memref<128x128xf32, #tpu.memory_space<vmem_shared>>
      %dma_start3A_78 = arith.constant 0 : i32
      %dma_start3A_79 = tpu.memref_slice %arg17[%add3A_10, %dma_start3A_78] : memref<10240x128xf32, #tpu.memory_space<vmem_shared>> -> memref<128x128xf32, #tpu.memory_space<vmem_shared>>
      tpu.enqueue_dma source(%arg15 : memref<128x128xf32, #tpu.memory_space<vmem>>) target(%dma_start3A_79 : memref<128x128xf32, #tpu.memory_space<vmem_shared>>) target_semaphore(%run_scoped3A : memref<!tpu.dma_semaphore, #tpu.memory_space<semaphore_mem>>)
      %dma_wait3A_80 = arith.constant 0 : i32
      %dma_wait3A_81 = tpu.memref_slice %arg17[%add3A_10, %dma_wait3A_80] : memref<10240x128xf32, #tpu.memory_space<vmem_shared>> -> memref<128x128xf32, #tpu.memory_space<vmem_shared>>
      %dma_wait3A_82 = arith.constant 0 : i32
      %dma_wait3A_83 = tpu.memref_slice %arg17[%add3A_10, %dma_wait3A_82] : memref<10240x128xf32, #tpu.memory_space<vmem_shared>> -> memref<128x128xf32, #tpu.memory_space<vmem_shared>>
      tpu.wait_dma2 semaphore(%run_scoped3A : memref<!tpu.dma_semaphore, #tpu.memory_space<semaphore_mem>>) src(%arg15 : memref<128x128xf32, #tpu.memory_space<vmem>>) dst(%dma_wait3A_83 : memref<128x128xf32, #tpu.memory_space<vmem_shared>>)
      tpu.yield
    }) : () -> ()
    %add3A_11 = arith.constant 384 : i32
    %add3A_12 = arith.addi %mul3A_4, %add3A_11 : i32
    "tpu.region"() ({
      %run_scoped3A = tpu.sem_alloc : memref<!tpu.dma_semaphore, #tpu.memory_space<semaphore_mem>>
      %dma_start3A_76 = arith.constant 0 : i32
      %dma_start3A_77 = tpu.memref_slice %arg17[%add3A_12, %dma_start3A_76] : memref<10240x128xf32, #tpu.memory_space<vmem_shared>> -> memref<128x128xf32, #tpu.memory_space<vmem_shared>>
      %dma_start3A_78 = arith.constant 0 : i32
      %dma_start3A_79 = tpu.memref_slice %arg17[%add3A_12, %dma_start3A_78] : memref<10240x128xf32, #tpu.memory_space<vmem_shared>> -> memref<128x128xf32, #tpu.memory_space<vmem_shared>>
      tpu.enqueue_dma source(%arg15 : memref<128x128xf32, #tpu.memory_space<vmem>>) target(%dma_start3A_79 : memref<128x128xf32, #tpu.memory_space<vmem_shared>>) target_semaphore(%run_scoped3A : memref<!tpu.dma_semaphore, #tpu.memory_space<semaphore_mem>>)
      %dma_wait3A_80 = arith.constant 0 : i32
      %dma_wait3A_81 = tpu.memref_slice %arg17[%add3A_12, %dma_wait3A_80] : memref<10240x128xf32, #tpu.memory_space<vmem_shared>> -> memref<128x128xf32, #tpu.memory_space<vmem_shared>>
      %dma_wait3A_82 = arith.constant 0 : i32
      %dma_wait3A_83 = tpu.memref_slice %arg17[%add3A_12, %dma_wait3A_82] : memref<10240x128xf32, #tpu.memory_space<vmem_shared>> -> memref<128x128xf32, #tpu.memory_space<vmem_shared>>
      tpu.wait_dma2 semaphore(%run_scoped3A : memref<!tpu.dma_semaphore, #tpu.memory_space<semaphore_mem>>) src(%arg15 : memref<128x128xf32, #tpu.memory_space<vmem>>) dst(%dma_wait3A_83 : memref<128x128xf32, #tpu.memory_space<vmem_shared>>)
      tpu.yield
    }) : () -> ()
    %add3A_13 = arith.constant 512 : i32
    %add3A_14 = arith.addi %mul3A_4, %add3A_13 : i32
    "tpu.region"() ({
      %run_scoped3A = tpu.sem_alloc : memref<!tpu.dma_semaphore, #tpu.memory_space<semaphore_mem>>
      %dma_start3A_76 = arith.constant 0 : i32
      %dma_start3A_77 = tpu.memref_slice %arg17[%add3A_14, %dma_start3A_76] : memref<10240x128xf32, #tpu.memory_space<vmem_shared>> -> memref<128x128xf32, #tpu.memory_space<vmem_shared>>
      %dma_start3A_78 = arith.constant 0 : i32
      %dma_start3A_79 = tpu.memref_slice %arg17[%add3A_14, %dma_start3A_78] : memref<10240x128xf32, #tpu.memory_space<vmem_shared>> -> memref<128x128xf32, #tpu.memory_space<vmem_shared>>
      tpu.enqueue_dma source(%arg15 : memref<128x128xf32, #tpu.memory_space<vmem>>) target(%dma_start3A_79 : memref<128x128xf32, #tpu.memory_space<vmem_shared>>) target_semaphore(%run_scoped3A : memref<!tpu.dma_semaphore, #tpu.memory_space<semaphore_mem>>)
      %dma_wait3A_80 = arith.constant 0 : i32
      %dma_wait3A_81 = tpu.memref_slice %arg17[%add3A_14, %dma_wait3A_80] : memref<10240x128xf32, #tpu.memory_space<vmem_shared>> -> memref<128x128xf32, #tpu.memory_space<vmem_shared>>
      %dma_wait3A_82 = arith.constant 0 : i32
      %dma_wait3A_83 = tpu.memref_slice %arg17[%add3A_14, %dma_wait3A_82] : memref<10240x128xf32, #tpu.memory_space<vmem_shared>> -> memref<128x128xf32, #tpu.memory_space<vmem_shared>>
      tpu.wait_dma2 semaphore(%run_scoped3A : memref<!tpu.dma_semaphore, #tpu.memory_space<semaphore_mem>>) src(%arg15 : memref<128x128xf32, #tpu.memory_space<vmem>>) dst(%dma_wait3A_83 : memref<128x128xf32, #tpu.memory_space<vmem_shared>>)
      tpu.yield
    }) : () -> ()
    %barrier3A = arith.constant 0 : index
    tpu.barrier barrier_id(%barrier3A)
    %add3A_15 = arith.constant 0 : i32
    %add3A_16 = arith.addi %multiple_of3A, %add3A_15 : i32
    %multiple_of3A_17 = tpu.assume_multiple %add3A_16, 128 : i32
    %dma_start3A = tpu.memref_slice %arg3[%multiple_of3A_17] : memref<327680xi32, #tpu.memory_space<hbm>> -> memref<128xi32, #tpu.memory_space<hbm>>
    %dma_start3A_18 = tpu.memref_slice %arg3[%multiple_of3A_17] : memref<327680xi32, #tpu.memory_space<hbm>> -> memref<128xi32, #tpu.memory_space<hbm>>
    tpu.enqueue_dma source(%dma_start3A_18 : memref<128xi32, #tpu.memory_space<hbm>>) target(%arg7 : memref<128xi32, #tpu.memory_space<vmem>>) target_semaphore(%arg18 : memref<!tpu.dma_semaphore, #tpu.memory_space<semaphore_mem>>)
    %add3A_19 = arith.constant 0 : i32
    %add3A_20 = arith.addi %multiple_of3A, %add3A_19 : i32
    %multiple_of3A_21 = tpu.assume_multiple %add3A_20, 128 : i32
    %dma_start3A_22 = tpu.memref_slice %arg4[%multiple_of3A_21] : memref<327680xi32, #tpu.memory_space<hbm>> -> memref<128xi32, #tpu.memory_space<hbm>>
    %dma_start3A_23 = tpu.memref_slice %arg4[%multiple_of3A_21] : memref<327680xi32, #tpu.memory_space<hbm>> -> memref<128xi32, #tpu.memory_space<hbm>>
    tpu.enqueue_dma source(%dma_start3A_23 : memref<128xi32, #tpu.memory_space<hbm>>) target(%arg11 : memref<128xi32, #tpu.memory_space<vmem>>) target_semaphore(%arg22 : memref<!tpu.dma_semaphore, #tpu.memory_space<semaphore_mem>>)
    %add3A_24 = arith.constant 128 : i32
    %add3A_25 = arith.addi %multiple_of3A, %add3A_24 : i32
    %multiple_of3A_26 = tpu.assume_multiple %add3A_25, 128 : i32
    %dma_start3A_27 = tpu.memref_slice %arg3[%multiple_of3A_26] : memref<327680xi32, #tpu.memory_space<hbm>> -> memref<128xi32, #tpu.memory_space<hbm>>
    %dma_start3A_28 = tpu.memref_slice %arg3[%multiple_of3A_26] : memref<327680xi32, #tpu.memory_space<hbm>> -> memref<128xi32, #tpu.memory_space<hbm>>
    tpu.enqueue_dma source(%dma_start3A_28 : memref<128xi32, #tpu.memory_space<hbm>>) target(%arg8 : memref<128xi32, #tpu.memory_space<vmem>>) target_semaphore(%arg19 : memref<!tpu.dma_semaphore, #tpu.memory_space<semaphore_mem>>)
    %add3A_29 = arith.constant 128 : i32
    %add3A_30 = arith.addi %multiple_of3A, %add3A_29 : i32
    %multiple_of3A_31 = tpu.assume_multiple %add3A_30, 128 : i32
    %dma_start3A_32 = tpu.memref_slice %arg4[%multiple_of3A_31] : memref<327680xi32, #tpu.memory_space<hbm>> -> memref<128xi32, #tpu.memory_space<hbm>>
    %dma_start3A_33 = tpu.memref_slice %arg4[%multiple_of3A_31] : memref<327680xi32, #tpu.memory_space<hbm>> -> memref<128xi32, #tpu.memory_space<hbm>>
    tpu.enqueue_dma source(%dma_start3A_33 : memref<128xi32, #tpu.memory_space<hbm>>) target(%arg12 : memref<128xi32, #tpu.memory_space<vmem>>) target_semaphore(%arg23 : memref<!tpu.dma_semaphore, #tpu.memory_space<semaphore_mem>>)
    %add3A_34 = arith.constant 256 : i32
    %add3A_35 = arith.addi %multiple_of3A, %add3A_34 : i32
    %multiple_of3A_36 = tpu.assume_multiple %add3A_35, 128 : i32
    %dma_start3A_37 = tpu.memref_slice %arg3[%multiple_of3A_36] : memref<327680xi32, #tpu.memory_space<hbm>> -> memref<128xi32, #tpu.memory_space<hbm>>
    %dma_start3A_38 = tpu.memref_slice %arg3[%multiple_of3A_36] : memref<327680xi32, #tpu.memory_space<hbm>> -> memref<128xi32, #tpu.memory_space<hbm>>
    tpu.enqueue_dma source(%dma_start3A_38 : memref<128xi32, #tpu.memory_space<hbm>>) target(%arg9 : memref<128xi32, #tpu.memory_space<vmem>>) target_semaphore(%arg20 : memref<!tpu.dma_semaphore, #tpu.memory_space<semaphore_mem>>)
    %add3A_39 = arith.constant 256 : i32
    %add3A_40 = arith.addi %multiple_of3A, %add3A_39 : i32
    %multiple_of3A_41 = tpu.assume_multiple %add3A_40, 128 : i32
    %dma_start3A_42 = tpu.memref_slice %arg4[%multiple_of3A_41] : memref<327680xi32, #tpu.memory_space<hbm>> -> memref<128xi32, #tpu.memory_space<hbm>>
    %dma_start3A_43 = tpu.memref_slice %arg4[%multiple_of3A_41] : memref<327680xi32, #tpu.memory_space<hbm>> -> memref<128xi32, #tpu.memory_space<hbm>>
    tpu.enqueue_dma source(%dma_start3A_43 : memref<128xi32, #tpu.memory_space<hbm>>) target(%arg13 : memref<128xi32, #tpu.memory_space<vmem>>) target_semaphore(%arg24 : memref<!tpu.dma_semaphore, #tpu.memory_space<semaphore_mem>>)
    %add3A_44 = arith.constant 384 : i32
    %add3A_45 = arith.addi %multiple_of3A, %add3A_44 : i32
    %multiple_of3A_46 = tpu.assume_multiple %add3A_45, 128 : i32
    %dma_start3A_47 = tpu.memref_slice %arg3[%multiple_of3A_46] : memref<327680xi32, #tpu.memory_space<hbm>> -> memref<128xi32, #tpu.memory_space<hbm>>
    %dma_start3A_48 = tpu.memref_slice %arg3[%multiple_of3A_46] : memref<327680xi32, #tpu.memory_space<hbm>> -> memref<128xi32, #tpu.memory_space<hbm>>
    tpu.enqueue_dma source(%dma_start3A_48 : memref<128xi32, #tpu.memory_space<hbm>>) target(%arg10 : memref<128xi32, #tpu.memory_space<vmem>>) target_semaphore(%arg21 : memref<!tpu.dma_semaphore, #tpu.memory_space<semaphore_mem>>)
    %add3A_49 = arith.constant 384 : i32
    %add3A_50 = arith.addi %multiple_of3A, %add3A_49 : i32
    %multiple_of3A_51 = tpu.assume_multiple %add3A_50, 128 : i32
    %dma_start3A_52 = tpu.memref_slice %arg4[%multiple_of3A_51] : memref<327680xi32, #tpu.memory_space<hbm>> -> memref<128xi32, #tpu.memory_space<hbm>>
    %dma_start3A_53 = tpu.memref_slice %arg4[%multiple_of3A_51] : memref<327680xi32, #tpu.memory_space<hbm>> -> memref<128xi32, #tpu.memory_space<hbm>>
    tpu.enqueue_dma source(%dma_start3A_53 : memref<128xi32, #tpu.memory_space<hbm>>) target(%arg14 : memref<128xi32, #tpu.memory_space<vmem>>) target_semaphore(%arg25 : memref<!tpu.dma_semaphore, #tpu.memory_space<semaphore_mem>>)
    %dma_wait3A = tpu.memref_slice %arg3[%multiple_of3A] : memref<327680xi32, #tpu.memory_space<hbm>> -> memref<128xi32, #tpu.memory_space<hbm>>
    %dma_wait3A_54 = tpu.memref_slice %arg3[%multiple_of3A] : memref<327680xi32, #tpu.memory_space<hbm>> -> memref<128xi32, #tpu.memory_space<hbm>>
    tpu.wait_dma2 semaphore(%arg18 : memref<!tpu.dma_semaphore, #tpu.memory_space<semaphore_mem>>) src(%dma_wait3A_54 : memref<128xi32, #tpu.memory_space<hbm>>) dst(%arg7 : memref<128xi32, #tpu.memory_space<vmem>>)
    %dma_start3A_55 = arith.constant 0 : i32
    %dma_start3A_56 = arith.constant 0 : i32
    %dma_start3A_57 = tpu.memref_slice %arg5[%dma_start3A_55, %dma_start3A_56] : memref<10240x128xf32, #tpu.memory_space<hbm>> -> memref<10240x128xf32, #tpu.memory_space<hbm>>
    tpu.enqueue_indirect_dma source(%dma_start3A_57 : memref<10240x128xf32, #tpu.memory_space<hbm>>) target(%arg15 : memref<128x128xf32, #tpu.memory_space<vmem>>) offsets(%arg7 : memref<128xi32, #tpu.memory_space<vmem>>) semaphore(%arg26 : memref<!tpu.dma_semaphore, #tpu.memory_space<semaphore_mem>>)
    %dma_wait3A_58 = tpu.memref_slice %arg3[%multiple_of3A] : memref<327680xi32, #tpu.memory_space<hbm>> -> memref<128xi32, #tpu.memory_space<hbm>>
    %dma_wait3A_59 = tpu.memref_slice %arg3[%multiple_of3A] : memref<327680xi32, #tpu.memory_space<hbm>> -> memref<128xi32, #tpu.memory_space<hbm>>
    tpu.wait_dma2 semaphore(%arg19 : memref<!tpu.dma_semaphore, #tpu.memory_space<semaphore_mem>>) src(%dma_wait3A_59 : memref<128xi32, #tpu.memory_space<hbm>>) dst(%arg8 : memref<128xi32, #tpu.memory_space<vmem>>)
    %dma_start3A_60 = arith.constant 0 : i32
    %dma_start3A_61 = arith.constant 0 : i32
    %dma_start3A_62 = tpu.memref_slice %arg5[%dma_start3A_60, %dma_start3A_61] : memref<10240x128xf32, #tpu.memory_space<hbm>> -> memref<10240x128xf32, #tpu.memory_space<hbm>>
    tpu.enqueue_indirect_dma source(%dma_start3A_62 : memref<10240x128xf32, #tpu.memory_space<hbm>>) target(%arg16 : memref<128x128xf32, #tpu.memory_space<vmem>>) offsets(%arg8 : memref<128xi32, #tpu.memory_space<vmem>>) semaphore(%arg27 : memref<!tpu.dma_semaphore, #tpu.memory_space<semaphore_mem>>)
    %scan3A = arith.constant 0 : i32
    %scan3A_63 = arith.constant 0 : i32
    %scan3A_64 = arith.constant 20 : i32
    %scan3A_65 = arith.addi %scan3A_63, %scan3A_64 : i32
    %scan3A_66 = arith.constant 1 : i32
    scf.for %scan3A_76 = %scan3A_63 to %scan3A_65 step %scan3A_66  : i32 {
      %mul3A_77 = arith.constant 4 : i32
      %mul3A_78 = arith.muli %scan3A_76, %mul3A_77 : i32
      %add3A_79 = arith.constant 0 : i32
      %add3A_80 = arith.addi %mul3A_78, %add3A_79 : i32
      %dma_wait3A_81 = arith.constant 0 : i32
      %dma_wait3A_82 = arith.constant 0 : i32
      %dma_wait3A_83 = tpu.memref_slice %arg5[%dma_wait3A_81, %dma_wait3A_82] : memref<10240x128xf32, #tpu.memory_space<hbm>> -> memref<10240x128xf32, #tpu.memory_space<hbm>>
      tpu.wait_indirect_dma semaphore(%arg26 : memref<!tpu.dma_semaphore, #tpu.memory_space<semaphore_mem>>) src(%dma_wait3A_83 : memref<10240x128xf32, #tpu.memory_space<hbm>>) dst(%arg15 : memref<128x128xf32, #tpu.memory_space<vmem>>)
      %add3A_84 = arith.constant 4 : i32
      %add3A_85 = arith.addi %add3A_80, %add3A_84 : i32
      %lt3A = arith.constant 80 : i32
      %lt3A_86 = arith.cmpi slt, %add3A_85, %lt3A : i32
      %convert_element_type3A_87 = arith.extui %lt3A_86 : i1 to i32
      %cond3A_88 = arith.constant 0 : i32
      %cond3A_89 = arith.cmpi ne, %convert_element_type3A_87, %cond3A_88 : i32
      scf.if %cond3A_89 {
        %add3A_190 = arith.constant 4 : i32
        %add3A_191 = arith.addi %add3A_80, %add3A_190 : i32
        %mul3A_192 = arith.constant 128 : i32
        %mul3A_193 = arith.muli %add3A_191, %mul3A_192 : i32
        %add3A_194 = arith.addi %multiple_of3A, %mul3A_193 : i32
        %multiple_of3A_195 = tpu.assume_multiple %add3A_194, 128 : i32
        %dma_start3A_196 = tpu.memref_slice %arg3[%multiple_of3A_195] : memref<327680xi32, #tpu.memory_space<hbm>> -> memref<128xi32, #tpu.memory_space<hbm>>
        %dma_start3A_197 = tpu.memref_slice %arg3[%multiple_of3A_195] : memref<327680xi32, #tpu.memory_space<hbm>> -> memref<128xi32, #tpu.memory_space<hbm>>
        tpu.enqueue_dma source(%dma_start3A_197 : memref<128xi32, #tpu.memory_space<hbm>>) target(%arg7 : memref<128xi32, #tpu.memory_space<vmem>>) target_semaphore(%arg18 : memref<!tpu.dma_semaphore, #tpu.memory_space<semaphore_mem>>)
      } else {
      }
      %dma_wait3A_90 = tpu.memref_slice %arg4[%multiple_of3A] : memref<327680xi32, #tpu.memory_space<hbm>> -> memref<128xi32, #tpu.memory_space<hbm>>
      %dma_wait3A_91 = tpu.memref_slice %arg4[%multiple_of3A] : memref<327680xi32, #tpu.memory_space<hbm>> -> memref<128xi32, #tpu.memory_space<hbm>>
      tpu.wait_dma2 semaphore(%arg22 : memref<!tpu.dma_semaphore, #tpu.memory_space<semaphore_mem>>) src(%dma_wait3A_91 : memref<128xi32, #tpu.memory_space<hbm>>) dst(%arg11 : memref<128xi32, #tpu.memory_space<vmem>>)
      "tpu.region"() ({
        %run_scoped3A = tpu.sem_alloc : memref<!tpu.dma_semaphore, #tpu.memory_space<semaphore_mem>>
        %dma_start3A_190 = arith.constant 0 : i32
        %dma_start3A_191 = arith.constant 0 : i32
        %dma_start3A_192 = tpu.memref_slice %arg17[%dma_start3A_190, %dma_start3A_191] : memref<10240x128xf32, #tpu.memory_space<vmem_shared>> -> memref<10240x128xf32, #tpu.memory_space<vmem_shared>>
        tpu.enqueue_indirect_dma source(%arg15 : memref<128x128xf32, #tpu.memory_space<vmem>>) target(%dma_start3A_192 : memref<10240x128xf32, #tpu.memory_space<vmem_shared>>) offsets(%arg11 : memref<128xi32, #tpu.memory_space<vmem>>) semaphore(%run_scoped3A : memref<!tpu.dma_semaphore, #tpu.memory_space<semaphore_mem>>) {add = true}
        %dma_wait3A_193 = arith.constant 0 : i32
        %dma_wait3A_194 = arith.constant 0 : i32
        %dma_wait3A_195 = tpu.memref_slice %arg17[%dma_wait3A_193, %dma_wait3A_194] : memref<10240x128xf32, #tpu.memory_space<vmem_shared>> -> memref<10240x128xf32, #tpu.memory_space<vmem_shared>>
        tpu.wait_indirect_dma semaphore(%run_scoped3A : memref<!tpu.dma_semaphore, #tpu.memory_space<semaphore_mem>>) src(%arg15 : memref<128x128xf32, #tpu.memory_space<vmem>>) dst(%dma_wait3A_195 : memref<10240x128xf32, #tpu.memory_space<vmem_shared>>)
        tpu.yield
      }) : () -> ()
      %add3A_92 = arith.constant 4 : i32
      %add3A_93 = arith.addi %add3A_80, %add3A_92 : i32
      %lt3A_94 = arith.constant 80 : i32
      %lt3A_95 = arith.cmpi slt, %add3A_93, %lt3A_94 : i32
      %convert_element_type3A_96 = arith.extui %lt3A_95 : i1 to i32
      %cond3A_97 = arith.constant 0 : i32
      %cond3A_98 = arith.cmpi ne, %convert_element_type3A_96, %cond3A_97 : i32
      scf.if %cond3A_98 {
        %add3A_190 = arith.constant 4 : i32
        %add3A_191 = arith.addi %add3A_80, %add3A_190 : i32
        %mul3A_192 = arith.constant 128 : i32
        %mul3A_193 = arith.muli %add3A_191, %mul3A_192 : i32
        %add3A_194 = arith.addi %multiple_of3A, %mul3A_193 : i32
        %multiple_of3A_195 = tpu.assume_multiple %add3A_194, 128 : i32
        %dma_start3A_196 = tpu.memref_slice %arg4[%multiple_of3A_195] : memref<327680xi32, #tpu.memory_space<hbm>> -> memref<128xi32, #tpu.memory_space<hbm>>
        %dma_start3A_197 = tpu.memref_slice %arg4[%multiple_of3A_195] : memref<327680xi32, #tpu.memory_space<hbm>> -> memref<128xi32, #tpu.memory_space<hbm>>
        tpu.enqueue_dma source(%dma_start3A_197 : memref<128xi32, #tpu.memory_space<hbm>>) target(%arg11 : memref<128xi32, #tpu.memory_space<vmem>>) target_semaphore(%arg22 : memref<!tpu.dma_semaphore, #tpu.memory_space<semaphore_mem>>)
      } else {
      }
      %add3A_99 = arith.constant 2 : i32
      %add3A_100 = arith.addi %add3A_80, %add3A_99 : i32
      %lt3A_101 = arith.constant 80 : i32
      %lt3A_102 = arith.cmpi slt, %add3A_100, %lt3A_101 : i32
      %convert_element_type3A_103 = arith.extui %lt3A_102 : i1 to i32
      %cond3A_104 = arith.constant 0 : i32
      %cond3A_105 = arith.cmpi ne, %convert_element_type3A_103, %cond3A_104 : i32
      scf.if %cond3A_105 {
        %dma_wait3A_190 = tpu.memref_slice %arg3[%multiple_of3A] : memref<327680xi32, #tpu.memory_space<hbm>> -> memref<128xi32, #tpu.memory_space<hbm>>
        %dma_wait3A_191 = tpu.memref_slice %arg3[%multiple_of3A] : memref<327680xi32, #tpu.memory_space<hbm>> -> memref<128xi32, #tpu.memory_space<hbm>>
        tpu.wait_dma2 semaphore(%arg20 : memref<!tpu.dma_semaphore, #tpu.memory_space<semaphore_mem>>) src(%dma_wait3A_191 : memref<128xi32, #tpu.memory_space<hbm>>) dst(%arg9 : memref<128xi32, #tpu.memory_space<vmem>>)
        %dma_start3A_192 = arith.constant 0 : i32
        %dma_start3A_193 = arith.constant 0 : i32
        %dma_start3A_194 = tpu.memref_slice %arg5[%dma_start3A_192, %dma_start3A_193] : memref<10240x128xf32, #tpu.memory_space<hbm>> -> memref<10240x128xf32, #tpu.memory_space<hbm>>
        tpu.enqueue_indirect_dma source(%dma_start3A_194 : memref<10240x128xf32, #tpu.memory_space<hbm>>) target(%arg15 : memref<128x128xf32, #tpu.memory_space<vmem>>) offsets(%arg9 : memref<128xi32, #tpu.memory_space<vmem>>) semaphore(%arg26 : memref<!tpu.dma_semaphore, #tpu.memory_space<semaphore_mem>>)
      } else {
      }
      %add3A_106 = arith.constant 1 : i32
      %add3A_107 = arith.addi %mul3A_78, %add3A_106 : i32
      %dma_wait3A_108 = arith.constant 0 : i32
      %dma_wait3A_109 = arith.constant 0 : i32
      %dma_wait3A_110 = tpu.memref_slice %arg5[%dma_wait3A_108, %dma_wait3A_109] : memref<10240x128xf32, #tpu.memory_space<hbm>> -> memref<10240x128xf32, #tpu.memory_space<hbm>>
      tpu.wait_indirect_dma semaphore(%arg27 : memref<!tpu.dma_semaphore, #tpu.memory_space<semaphore_mem>>) src(%dma_wait3A_110 : memref<10240x128xf32, #tpu.memory_space<hbm>>) dst(%arg16 : memref<128x128xf32, #tpu.memory_space<vmem>>)
      %add3A_111 = arith.constant 4 : i32
      %add3A_112 = arith.addi %add3A_107, %add3A_111 : i32
      %lt3A_113 = arith.constant 80 : i32
      %lt3A_114 = arith.cmpi slt, %add3A_112, %lt3A_113 : i32
      %convert_element_type3A_115 = arith.extui %lt3A_114 : i1 to i32
      %cond3A_116 = arith.constant 0 : i32
      %cond3A_117 = arith.cmpi ne, %convert_element_type3A_115, %cond3A_116 : i32
      scf.if %cond3A_117 {
        %add3A_190 = arith.constant 4 : i32
        %add3A_191 = arith.addi %add3A_107, %add3A_190 : i32
        %mul3A_192 = arith.constant 128 : i32
        %mul3A_193 = arith.muli %add3A_191, %mul3A_192 : i32
        %add3A_194 = arith.addi %multiple_of3A, %mul3A_193 : i32
        %multiple_of3A_195 = tpu.assume_multiple %add3A_194, 128 : i32
        %dma_start3A_196 = tpu.memref_slice %arg3[%multiple_of3A_195] : memref<327680xi32, #tpu.memory_space<hbm>> -> memref<128xi32, #tpu.memory_space<hbm>>
        %dma_start3A_197 = tpu.memref_slice %arg3[%multiple_of3A_195] : memref<327680xi32, #tpu.memory_space<hbm>> -> memref<128xi32, #tpu.memory_space<hbm>>
        tpu.enqueue_dma source(%dma_start3A_197 : memref<128xi32, #tpu.memory_space<hbm>>) target(%arg8 : memref<128xi32, #tpu.memory_space<vmem>>) target_semaphore(%arg19 : memref<!tpu.dma_semaphore, #tpu.memory_space<semaphore_mem>>)
      } else {
      }
      %dma_wait3A_118 = tpu.memref_slice %arg4[%multiple_of3A] : memref<327680xi32, #tpu.memory_space<hbm>> -> memref<128xi32, #tpu.memory_space<hbm>>
      %dma_wait3A_119 = tpu.memref_slice %arg4[%multiple_of3A] : memref<327680xi32, #tpu.memory_space<hbm>> -> memref<128xi32, #tpu.memory_space<hbm>>
      tpu.wait_dma2 semaphore(%arg23 : memref<!tpu.dma_semaphore, #tpu.memory_space<semaphore_mem>>) src(%dma_wait3A_119 : memref<128xi32, #tpu.memory_space<hbm>>) dst(%arg12 : memref<128xi32, #tpu.memory_space<vmem>>)
      "tpu.region"() ({
        %run_scoped3A = tpu.sem_alloc : memref<!tpu.dma_semaphore, #tpu.memory_space<semaphore_mem>>
        %dma_start3A_190 = arith.constant 0 : i32
        %dma_start3A_191 = arith.constant 0 : i32
        %dma_start3A_192 = tpu.memref_slice %arg17[%dma_start3A_190, %dma_start3A_191] : memref<10240x128xf32, #tpu.memory_space<vmem_shared>> -> memref<10240x128xf32, #tpu.memory_space<vmem_shared>>
        tpu.enqueue_indirect_dma source(%arg16 : memref<128x128xf32, #tpu.memory_space<vmem>>) target(%dma_start3A_192 : memref<10240x128xf32, #tpu.memory_space<vmem_shared>>) offsets(%arg12 : memref<128xi32, #tpu.memory_space<vmem>>) semaphore(%run_scoped3A : memref<!tpu.dma_semaphore, #tpu.memory_space<semaphore_mem>>) {add = true}
        %dma_wait3A_193 = arith.constant 0 : i32
        %dma_wait3A_194 = arith.constant 0 : i32
        %dma_wait3A_195 = tpu.memref_slice %arg17[%dma_wait3A_193, %dma_wait3A_194] : memref<10240x128xf32, #tpu.memory_space<vmem_shared>> -> memref<10240x128xf32, #tpu.memory_space<vmem_shared>>
        tpu.wait_indirect_dma semaphore(%run_scoped3A : memref<!tpu.dma_semaphore, #tpu.memory_space<semaphore_mem>>) src(%arg16 : memref<128x128xf32, #tpu.memory_space<vmem>>) dst(%dma_wait3A_195 : memref<10240x128xf32, #tpu.memory_space<vmem_shared>>)
        tpu.yield
      }) : () -> ()
      %add3A_120 = arith.constant 4 : i32
      %add3A_121 = arith.addi %add3A_107, %add3A_120 : i32
      %lt3A_122 = arith.constant 80 : i32
      %lt3A_123 = arith.cmpi slt, %add3A_121, %lt3A_122 : i32
      %convert_element_type3A_124 = arith.extui %lt3A_123 : i1 to i32
      %cond3A_125 = arith.constant 0 : i32
      %cond3A_126 = arith.cmpi ne, %convert_element_type3A_124, %cond3A_125 : i32
      scf.if %cond3A_126 {
        %add3A_190 = arith.constant 4 : i32
        %add3A_191 = arith.addi %add3A_107, %add3A_190 : i32
        %mul3A_192 = arith.constant 128 : i32
        %mul3A_193 = arith.muli %add3A_191, %mul3A_192 : i32
        %add3A_194 = arith.addi %multiple_of3A, %mul3A_193 : i32
        %multiple_of3A_195 = tpu.assume_multiple %add3A_194, 128 : i32
        %dma_start3A_196 = tpu.memref_slice %arg4[%multiple_of3A_195] : memref<327680xi32, #tpu.memory_space<hbm>> -> memref<128xi32, #tpu.memory_space<hbm>>
        %dma_start3A_197 = tpu.memref_slice %arg4[%multiple_of3A_195] : memref<327680xi32, #tpu.memory_space<hbm>> -> memref<128xi32, #tpu.memory_space<hbm>>
        tpu.enqueue_dma source(%dma_start3A_197 : memref<128xi32, #tpu.memory_space<hbm>>) target(%arg12 : memref<128xi32, #tpu.memory_space<vmem>>) target_semaphore(%arg23 : memref<!tpu.dma_semaphore, #tpu.memory_space<semaphore_mem>>)
      } else {
      }
      %add3A_127 = arith.constant 2 : i32
      %add3A_128 = arith.addi %add3A_107, %add3A_127 : i32
      %lt3A_129 = arith.constant 80 : i32
      %lt3A_130 = arith.cmpi slt, %add3A_128, %lt3A_129 : i32
      %convert_element_type3A_131 = arith.extui %lt3A_130 : i1 to i32
      %cond3A_132 = arith.constant 0 : i32
      %cond3A_133 = arith.cmpi ne, %convert_element_type3A_131, %cond3A_132 : i32
      scf.if %cond3A_133 {
        %dma_wait3A_190 = tpu.memref_slice %arg3[%multiple_of3A] : memref<327680xi32, #tpu.memory_space<hbm>> -> memref<128xi32, #tpu.memory_space<hbm>>
        %dma_wait3A_191 = tpu.memref_slice %arg3[%multiple_of3A] : memref<327680xi32, #tpu.memory_space<hbm>> -> memref<128xi32, #tpu.memory_space<hbm>>
        tpu.wait_dma2 semaphore(%arg21 : memref<!tpu.dma_semaphore, #tpu.memory_space<semaphore_mem>>) src(%dma_wait3A_191 : memref<128xi32, #tpu.memory_space<hbm>>) dst(%arg10 : memref<128xi32, #tpu.memory_space<vmem>>)
        %dma_start3A_192 = arith.constant 0 : i32
        %dma_start3A_193 = arith.constant 0 : i32
        %dma_start3A_194 = tpu.memref_slice %arg5[%dma_start3A_192, %dma_start3A_193] : memref<10240x128xf32, #tpu.memory_space<hbm>> -> memref<10240x128xf32, #tpu.memory_space<hbm>>
        tpu.enqueue_indirect_dma source(%dma_start3A_194 : memref<10240x128xf32, #tpu.memory_space<hbm>>) target(%arg16 : memref<128x128xf32, #tpu.memory_space<vmem>>) offsets(%arg10 : memref<128xi32, #tpu.memory_space<vmem>>) semaphore(%arg27 : memref<!tpu.dma_semaphore, #tpu.memory_space<semaphore_mem>>)
      } else {
      }
      %add3A_134 = arith.constant 2 : i32
      %add3A_135 = arith.addi %mul3A_78, %add3A_134 : i32
      %dma_wait3A_136 = arith.constant 0 : i32
      %dma_wait3A_137 = arith.constant 0 : i32
      %dma_wait3A_138 = tpu.memref_slice %arg5[%dma_wait3A_136, %dma_wait3A_137] : memref<10240x128xf32, #tpu.memory_space<hbm>> -> memref<10240x128xf32, #tpu.memory_space<hbm>>
      tpu.wait_indirect_dma semaphore(%arg26 : memref<!tpu.dma_semaphore, #tpu.memory_space<semaphore_mem>>) src(%dma_wait3A_138 : memref<10240x128xf32, #tpu.memory_space<hbm>>) dst(%arg15 : memref<128x128xf32, #tpu.memory_space<vmem>>)
      %add3A_139 = arith.constant 4 : i32
      %add3A_140 = arith.addi %add3A_135, %add3A_139 : i32
      %lt3A_141 = arith.constant 80 : i32
      %lt3A_142 = arith.cmpi slt, %add3A_140, %lt3A_141 : i32
      %convert_element_type3A_143 = arith.extui %lt3A_142 : i1 to i32
      %cond3A_144 = arith.constant 0 : i32
      %cond3A_145 = arith.cmpi ne, %convert_element_type3A_143, %cond3A_144 : i32
      scf.if %cond3A_145 {
        %add3A_190 = arith.constant 4 : i32
        %add3A_191 = arith.addi %add3A_135, %add3A_190 : i32
        %mul3A_192 = arith.constant 128 : i32
        %mul3A_193 = arith.muli %add3A_191, %mul3A_192 : i32
        %add3A_194 = arith.addi %multiple_of3A, %mul3A_193 : i32
        %multiple_of3A_195 = tpu.assume_multiple %add3A_194, 128 : i32
        %dma_start3A_196 = tpu.memref_slice %arg3[%multiple_of3A_195] : memref<327680xi32, #tpu.memory_space<hbm>> -> memref<128xi32, #tpu.memory_space<hbm>>
        %dma_start3A_197 = tpu.memref_slice %arg3[%multiple_of3A_195] : memref<327680xi32, #tpu.memory_space<hbm>> -> memref<128xi32, #tpu.memory_space<hbm>>
        tpu.enqueue_dma source(%dma_start3A_197 : memref<128xi32, #tpu.memory_space<hbm>>) target(%arg9 : memref<128xi32, #tpu.memory_space<vmem>>) target_semaphore(%arg20 : memref<!tpu.dma_semaphore, #tpu.memory_space<semaphore_mem>>)
      } else {
      }
      %dma_wait3A_146 = tpu.memref_slice %arg4[%multiple_of3A] : memref<327680xi32, #tpu.memory_space<hbm>> -> memref<128xi32, #tpu.memory_space<hbm>>
      %dma_wait3A_147 = tpu.memref_slice %arg4[%multiple_of3A] : memref<327680xi32, #tpu.memory_space<hbm>> -> memref<128xi32, #tpu.memory_space<hbm>>
      tpu.wait_dma2 semaphore(%arg24 : memref<!tpu.dma_semaphore, #tpu.memory_space<semaphore_mem>>) src(%dma_wait3A_147 : memref<128xi32, #tpu.memory_space<hbm>>) dst(%arg13 : memref<128xi32, #tpu.memory_space<vmem>>)
      "tpu.region"() ({
        %run_scoped3A = tpu.sem_alloc : memref<!tpu.dma_semaphore, #tpu.memory_space<semaphore_mem>>
        %dma_start3A_190 = arith.constant 0 : i32
        %dma_start3A_191 = arith.constant 0 : i32
        %dma_start3A_192 = tpu.memref_slice %arg17[%dma_start3A_190, %dma_start3A_191] : memref<10240x128xf32, #tpu.memory_space<vmem_shared>> -> memref<10240x128xf32, #tpu.memory_space<vmem_shared>>
        tpu.enqueue_indirect_dma source(%arg15 : memref<128x128xf32, #tpu.memory_space<vmem>>) target(%dma_start3A_192 : memref<10240x128xf32, #tpu.memory_space<vmem_shared>>) offsets(%arg13 : memref<128xi32, #tpu.memory_space<vmem>>) semaphore(%run_scoped3A : memref<!tpu.dma_semaphore, #tpu.memory_space<semaphore_mem>>) {add = true}
        %dma_wait3A_193 = arith.constant 0 : i32
        %dma_wait3A_194 = arith.constant 0 : i32
        %dma_wait3A_195 = tpu.memref_slice %arg17[%dma_wait3A_193, %dma_wait3A_194] : memref<10240x128xf32, #tpu.memory_space<vmem_shared>> -> memref<10240x128xf32, #tpu.memory_space<vmem_shared>>
        tpu.wait_indirect_dma semaphore(%run_scoped3A : memref<!tpu.dma_semaphore, #tpu.memory_space<semaphore_mem>>) src(%arg15 : memref<128x128xf32, #tpu.memory_space<vmem>>) dst(%dma_wait3A_195 : memref<10240x128xf32, #tpu.memory_space<vmem_shared>>)
        tpu.yield
      }) : () -> ()
      %add3A_148 = arith.constant 4 : i32
      %add3A_149 = arith.addi %add3A_135, %add3A_148 : i32
      %lt3A_150 = arith.constant 80 : i32
      %lt3A_151 = arith.cmpi slt, %add3A_149, %lt3A_150 : i32
      %convert_element_type3A_152 = arith.extui %lt3A_151 : i1 to i32
      %cond3A_153 = arith.constant 0 : i32
      %cond3A_154 = arith.cmpi ne, %convert_element_type3A_152, %cond3A_153 : i32
      scf.if %cond3A_154 {
        %add3A_190 = arith.constant 4 : i32
        %add3A_191 = arith.addi %add3A_135, %add3A_190 : i32
        %mul3A_192 = arith.constant 128 : i32
        %mul3A_193 = arith.muli %add3A_191, %mul3A_192 : i32
        %add3A_194 = arith.addi %multiple_of3A, %mul3A_193 : i32
        %multiple_of3A_195 = tpu.assume_multiple %add3A_194, 128 : i32
        %dma_start3A_196 = tpu.memref_slice %arg4[%multiple_of3A_195] : memref<327680xi32, #tpu.memory_space<hbm>> -> memref<128xi32, #tpu.memory_space<hbm>>
        %dma_start3A_197 = tpu.memref_slice %arg4[%multiple_of3A_195] : memref<327680xi32, #tpu.memory_space<hbm>> -> memref<128xi32, #tpu.memory_space<hbm>>
        tpu.enqueue_dma source(%dma_start3A_197 : memref<128xi32, #tpu.memory_space<hbm>>) target(%arg13 : memref<128xi32, #tpu.memory_space<vmem>>) target_semaphore(%arg24 : memref<!tpu.dma_semaphore, #tpu.memory_space<semaphore_mem>>)
      } else {
      }
      %add3A_155 = arith.constant 2 : i32
      %add3A_156 = arith.addi %add3A_135, %add3A_155 : i32
      %lt3A_157 = arith.constant 80 : i32
      %lt3A_158 = arith.cmpi slt, %add3A_156, %lt3A_157 : i32
      %convert_element_type3A_159 = arith.extui %lt3A_158 : i1 to i32
      %cond3A_160 = arith.constant 0 : i32
      %cond3A_161 = arith.cmpi ne, %convert_element_type3A_159, %cond3A_160 : i32
      scf.if %cond3A_161 {
        %dma_wait3A_190 = tpu.memref_slice %arg3[%multiple_of3A] : memref<327680xi32, #tpu.memory_space<hbm>> -> memref<128xi32, #tpu.memory_space<hbm>>
        %dma_wait3A_191 = tpu.memref_slice %arg3[%multiple_of3A] : memref<327680xi32, #tpu.memory_space<hbm>> -> memref<128xi32, #tpu.memory_space<hbm>>
        tpu.wait_dma2 semaphore(%arg18 : memref<!tpu.dma_semaphore, #tpu.memory_space<semaphore_mem>>) src(%dma_wait3A_191 : memref<128xi32, #tpu.memory_space<hbm>>) dst(%arg7 : memref<128xi32, #tpu.memory_space<vmem>>)
        %dma_start3A_192 = arith.constant 0 : i32
        %dma_start3A_193 = arith.constant 0 : i32
        %dma_start3A_194 = tpu.memref_slice %arg5[%dma_start3A_192, %dma_start3A_193] : memref<10240x128xf32, #tpu.memory_space<hbm>> -> memref<10240x128xf32, #tpu.memory_space<hbm>>
        tpu.enqueue_indirect_dma source(%dma_start3A_194 : memref<10240x128xf32, #tpu.memory_space<hbm>>) target(%arg15 : memref<128x128xf32, #tpu.memory_space<vmem>>) offsets(%arg7 : memref<128xi32, #tpu.memory_space<vmem>>) semaphore(%arg26 : memref<!tpu.dma_semaphore, #tpu.memory_space<semaphore_mem>>)
      } else {
      }
      %add3A_162 = arith.constant 3 : i32
      %add3A_163 = arith.addi %mul3A_78, %add3A_162 : i32
      %dma_wait3A_164 = arith.constant 0 : i32
      %dma_wait3A_165 = arith.constant 0 : i32
      %dma_wait3A_166 = tpu.memref_slice %arg5[%dma_wait3A_164, %dma_wait3A_165] : memref<10240x128xf32, #tpu.memory_space<hbm>> -> memref<10240x128xf32, #tpu.memory_space<hbm>>
      tpu.wait_indirect_dma semaphore(%arg27 : memref<!tpu.dma_semaphore, #tpu.memory_space<semaphore_mem>>) src(%dma_wait3A_166 : memref<10240x128xf32, #tpu.memory_space<hbm>>) dst(%arg16 : memref<128x128xf32, #tpu.memory_space<vmem>>)
      %add3A_167 = arith.constant 4 : i32
      %add3A_168 = arith.addi %add3A_163, %add3A_167 : i32
      %lt3A_169 = arith.constant 80 : i32
      %lt3A_170 = arith.cmpi slt, %add3A_168, %lt3A_169 : i32
      %convert_element_type3A_171 = arith.extui %lt3A_170 : i1 to i32
      %cond3A_172 = arith.constant 0 : i32
      %cond3A_173 = arith.cmpi ne, %convert_element_type3A_171, %cond3A_172 : i32
      scf.if %cond3A_173 {
        %add3A_190 = arith.constant 4 : i32
        %add3A_191 = arith.addi %add3A_163, %add3A_190 : i32
        %mul3A_192 = arith.constant 128 : i32
        %mul3A_193 = arith.muli %add3A_191, %mul3A_192 : i32
        %add3A_194 = arith.addi %multiple_of3A, %mul3A_193 : i32
        %multiple_of3A_195 = tpu.assume_multiple %add3A_194, 128 : i32
        %dma_start3A_196 = tpu.memref_slice %arg3[%multiple_of3A_195] : memref<327680xi32, #tpu.memory_space<hbm>> -> memref<128xi32, #tpu.memory_space<hbm>>
        %dma_start3A_197 = tpu.memref_slice %arg3[%multiple_of3A_195] : memref<327680xi32, #tpu.memory_space<hbm>> -> memref<128xi32, #tpu.memory_space<hbm>>
        tpu.enqueue_dma source(%dma_start3A_197 : memref<128xi32, #tpu.memory_space<hbm>>) target(%arg10 : memref<128xi32, #tpu.memory_space<vmem>>) target_semaphore(%arg21 : memref<!tpu.dma_semaphore, #tpu.memory_space<semaphore_mem>>)
      } else {
      }
      %dma_wait3A_174 = tpu.memref_slice %arg4[%multiple_of3A] : memref<327680xi32, #tpu.memory_space<hbm>> -> memref<128xi32, #tpu.memory_space<hbm>>
      %dma_wait3A_175 = tpu.memref_slice %arg4[%multiple_of3A] : memref<327680xi32, #tpu.memory_space<hbm>> -> memref<128xi32, #tpu.memory_space<hbm>>
      tpu.wait_dma2 semaphore(%arg25 : memref<!tpu.dma_semaphore, #tpu.memory_space<semaphore_mem>>) src(%dma_wait3A_175 : memref<128xi32, #tpu.memory_space<hbm>>) dst(%arg14 : memref<128xi32, #tpu.memory_space<vmem>>)
      "tpu.region"() ({
        %run_scoped3A = tpu.sem_alloc : memref<!tpu.dma_semaphore, #tpu.memory_space<semaphore_mem>>
        %dma_start3A_190 = arith.constant 0 : i32
        %dma_start3A_191 = arith.constant 0 : i32
        %dma_start3A_192 = tpu.memref_slice %arg17[%dma_start3A_190, %dma_start3A_191] : memref<10240x128xf32, #tpu.memory_space<vmem_shared>> -> memref<10240x128xf32, #tpu.memory_space<vmem_shared>>
        tpu.enqueue_indirect_dma source(%arg16 : memref<128x128xf32, #tpu.memory_space<vmem>>) target(%dma_start3A_192 : memref<10240x128xf32, #tpu.memory_space<vmem_shared>>) offsets(%arg14 : memref<128xi32, #tpu.memory_space<vmem>>) semaphore(%run_scoped3A : memref<!tpu.dma_semaphore, #tpu.memory_space<semaphore_mem>>) {add = true}
        %dma_wait3A_193 = arith.constant 0 : i32
        %dma_wait3A_194 = arith.constant 0 : i32
        %dma_wait3A_195 = tpu.memref_slice %arg17[%dma_wait3A_193, %dma_wait3A_194] : memref<10240x128xf32, #tpu.memory_space<vmem_shared>> -> memref<10240x128xf32, #tpu.memory_space<vmem_shared>>
        tpu.wait_indirect_dma semaphore(%run_scoped3A : memref<!tpu.dma_semaphore, #tpu.memory_space<semaphore_mem>>) src(%arg16 : memref<128x128xf32, #tpu.memory_space<vmem>>) dst(%dma_wait3A_195 : memref<10240x128xf32, #tpu.memory_space<vmem_shared>>)
        tpu.yield
      }) : () -> ()
      %add3A_176 = arith.constant 4 : i32
      %add3A_177 = arith.addi %add3A_163, %add3A_176 : i32
      %lt3A_178 = arith.constant 80 : i32
      %lt3A_179 = arith.cmpi slt, %add3A_177, %lt3A_178 : i32
      %convert_element_type3A_180 = arith.extui %lt3A_179 : i1 to i32
      %cond3A_181 = arith.constant 0 : i32
      %cond3A_182 = arith.cmpi ne, %convert_element_type3A_180, %cond3A_181 : i32
      scf.if %cond3A_182 {
        %add3A_190 = arith.constant 4 : i32
        %add3A_191 = arith.addi %add3A_163, %add3A_190 : i32
        %mul3A_192 = arith.constant 128 : i32
        %mul3A_193 = arith.muli %add3A_191, %mul3A_192 : i32
        %add3A_194 = arith.addi %multiple_of3A, %mul3A_193 : i32
        %multiple_of3A_195 = tpu.assume_multiple %add3A_194, 128 : i32
        %dma_start3A_196 = tpu.memref_slice %arg4[%multiple_of3A_195] : memref<327680xi32, #tpu.memory_space<hbm>> -> memref<128xi32, #tpu.memory_space<hbm>>
        %dma_start3A_197 = tpu.memref_slice %arg4[%multiple_of3A_195] : memref<327680xi32, #tpu.memory_space<hbm>> -> memref<128xi32, #tpu.memory_space<hbm>>
        tpu.enqueue_dma source(%dma_start3A_197 : memref<128xi32, #tpu.memory_space<hbm>>) target(%arg14 : memref<128xi32, #tpu.memory_space<vmem>>) target_semaphore(%arg25 : memref<!tpu.dma_semaphore, #tpu.memory_space<semaphore_mem>>)
      } else {
      }
      %add3A_183 = arith.constant 2 : i32
      %add3A_184 = arith.addi %add3A_163, %add3A_183 : i32
      %lt3A_185 = arith.constant 80 : i32
      %lt3A_186 = arith.cmpi slt, %add3A_184, %lt3A_185 : i32
      %convert_element_type3A_187 = arith.extui %lt3A_186 : i1 to i32
      %cond3A_188 = arith.constant 0 : i32
      %cond3A_189 = arith.cmpi ne, %convert_element_type3A_187, %cond3A_188 : i32
      scf.if %cond3A_189 {
        %dma_wait3A_190 = tpu.memref_slice %arg3[%multiple_of3A] : memref<327680xi32, #tpu.memory_space<hbm>> -> memref<128xi32, #tpu.memory_space<hbm>>
        %dma_wait3A_191 = tpu.memref_slice %arg3[%multiple_of3A] : memref<327680xi32, #tpu.memory_space<hbm>> -> memref<128xi32, #tpu.memory_space<hbm>>
        tpu.wait_dma2 semaphore(%arg19 : memref<!tpu.dma_semaphore, #tpu.memory_space<semaphore_mem>>) src(%dma_wait3A_191 : memref<128xi32, #tpu.memory_space<hbm>>) dst(%arg8 : memref<128xi32, #tpu.memory_space<vmem>>)
        %dma_start3A_192 = arith.constant 0 : i32
        %dma_start3A_193 = arith.constant 0 : i32
        %dma_start3A_194 = tpu.memref_slice %arg5[%dma_start3A_192, %dma_start3A_193] : memref<10240x128xf32, #tpu.memory_space<hbm>> -> memref<10240x128xf32, #tpu.memory_space<hbm>>
        tpu.enqueue_indirect_dma source(%dma_start3A_194 : memref<10240x128xf32, #tpu.memory_space<hbm>>) target(%arg16 : memref<128x128xf32, #tpu.memory_space<vmem>>) offsets(%arg8 : memref<128xi32, #tpu.memory_space<vmem>>) semaphore(%arg27 : memref<!tpu.dma_semaphore, #tpu.memory_space<semaphore_mem>>)
      } else {
      }
    }
    %scan3A_67 = arith.constant 20 : i32
    %barrier3A_68 = arith.constant 0 : index
    tpu.barrier barrier_id(%barrier3A_68)
    %eq3A = arith.constant 0 : i32
    %eq3A_69 = arith.cmpi eq, %arg0, %eq3A : i32
    %convert_element_type3A = arith.extui %eq3A_69 : i1 to i32
    %cond3A = arith.constant 0 : i32
    %cond3A_70 = arith.cmpi ne, %convert_element_type3A, %cond3A : i32
    scf.if %cond3A_70 {
      %add3A_76 = arith.constant 0 : i32
      %add3A_77 = arith.addi %mul3A_4, %add3A_76 : i32
      %add3A_78 = arith.constant 0 : i32
      %add3A_79 = arith.addi %mul3A_4, %add3A_78 : i32
      %run_scoped3A = arith.constant 0 : i32
      "tpu.region"() ({
        %run_scoped3A_100 = tpu.sem_alloc : memref<!tpu.dma_semaphore, #tpu.memory_space<semaphore_mem>>
        %dma_start3A_101 = arith.constant 0 : i32
        %dma_start3A_102 = tpu.memref_slice %arg6[%run_scoped3A, %add3A_79, %dma_start3A_101] : memref<2x10240x128xf32, #tpu.memory_space<hbm>> -> memref<1x128x128xf32, #tpu.memory_space<hbm>>
        %dma_start3A_103 = tpu.memref_squeeze %dma_start3A_102 : memref<1x128x128xf32, #tpu.memory_space<hbm>> -> memref<128x128xf32, #tpu.memory_space<hbm>>
        %dma_start3A_104 = arith.constant 0 : i32
        %dma_start3A_105 = tpu.memref_slice %arg17[%add3A_77, %dma_start3A_104] : memref<10240x128xf32, #tpu.memory_space<vmem_shared>> -> memref<128x128xf32, #tpu.memory_space<vmem_shared>>
        tpu.enqueue_dma source(%dma_start3A_105 : memref<128x128xf32, #tpu.memory_space<vmem_shared>>) target(%dma_start3A_103 : memref<128x128xf32, #tpu.memory_space<hbm>>) target_semaphore(%run_scoped3A_100 : memref<!tpu.dma_semaphore, #tpu.memory_space<semaphore_mem>>)
        %dma_wait3A_106 = arith.constant 0 : i32
        %dma_wait3A_107 = tpu.memref_slice %arg6[%run_scoped3A, %add3A_79, %dma_wait3A_106] : memref<2x10240x128xf32, #tpu.memory_space<hbm>> -> memref<1x128x128xf32, #tpu.memory_space<hbm>>
        %dma_wait3A_108 = tpu.memref_squeeze %dma_wait3A_107 : memref<1x128x128xf32, #tpu.memory_space<hbm>> -> memref<128x128xf32, #tpu.memory_space<hbm>>
        %dma_wait3A_109 = arith.constant 0 : i32
        %dma_wait3A_110 = tpu.memref_slice %arg17[%add3A_77, %dma_wait3A_109] : memref<10240x128xf32, #tpu.memory_space<vmem_shared>> -> memref<128x128xf32, #tpu.memory_space<vmem_shared>>
        tpu.wait_dma2 semaphore(%run_scoped3A_100 : memref<!tpu.dma_semaphore, #tpu.memory_space<semaphore_mem>>) src(%dma_wait3A_110 : memref<128x128xf32, #tpu.memory_space<vmem_shared>>) dst(%dma_wait3A_108 : memref<128x128xf32, #tpu.memory_space<hbm>>)
        tpu.yield
      }) : () -> ()
      %add3A_80 = arith.constant 128 : i32
      %add3A_81 = arith.addi %mul3A_4, %add3A_80 : i32
      %add3A_82 = arith.constant 128 : i32
      %add3A_83 = arith.addi %mul3A_4, %add3A_82 : i32
      %run_scoped3A_84 = arith.constant 0 : i32
      "tpu.region"() ({
        %run_scoped3A_100 = tpu.sem_alloc : memref<!tpu.dma_semaphore, #tpu.memory_space<semaphore_mem>>
        %dma_start3A_101 = arith.constant 0 : i32
        %dma_start3A_102 = tpu.memref_slice %arg6[%run_scoped3A_84, %add3A_83, %dma_start3A_101] : memref<2x10240x128xf32, #tpu.memory_space<hbm>> -> memref<1x128x128xf32, #tpu.memory_space<hbm>>
        %dma_start3A_103 = tpu.memref_squeeze %dma_start3A_102 : memref<1x128x128xf32, #tpu.memory_space<hbm>> -> memref<128x128xf32, #tpu.memory_space<hbm>>
        %dma_start3A_104 = arith.constant 0 : i32
        %dma_start3A_105 = tpu.memref_slice %arg17[%add3A_81, %dma_start3A_104] : memref<10240x128xf32, #tpu.memory_space<vmem_shared>> -> memref<128x128xf32, #tpu.memory_space<vmem_shared>>
        tpu.enqueue_dma source(%dma_start3A_105 : memref<128x128xf32, #tpu.memory_space<vmem_shared>>) target(%dma_start3A_103 : memref<128x128xf32, #tpu.memory_space<hbm>>) target_semaphore(%run_scoped3A_100 : memref<!tpu.dma_semaphore, #tpu.memory_space<semaphore_mem>>)
        %dma_wait3A_106 = arith.constant 0 : i32
        %dma_wait3A_107 = tpu.memref_slice %arg6[%run_scoped3A_84, %add3A_83, %dma_wait3A_106] : memref<2x10240x128xf32, #tpu.memory_space<hbm>> -> memref<1x128x128xf32, #tpu.memory_space<hbm>>
        %dma_wait3A_108 = tpu.memref_squeeze %dma_wait3A_107 : memref<1x128x128xf32, #tpu.memory_space<hbm>> -> memref<128x128xf32, #tpu.memory_space<hbm>>
        %dma_wait3A_109 = arith.constant 0 : i32
        %dma_wait3A_110 = tpu.memref_slice %arg17[%add3A_81, %dma_wait3A_109] : memref<10240x128xf32, #tpu.memory_space<vmem_shared>> -> memref<128x128xf32, #tpu.memory_space<vmem_shared>>
        tpu.wait_dma2 semaphore(%run_scoped3A_100 : memref<!tpu.dma_semaphore, #tpu.memory_space<semaphore_mem>>) src(%dma_wait3A_110 : memref<128x128xf32, #tpu.memory_space<vmem_shared>>) dst(%dma_wait3A_108 : memref<128x128xf32, #tpu.memory_space<hbm>>)
        tpu.yield
      }) : () -> ()
      %add3A_85 = arith.constant 256 : i32
      %add3A_86 = arith.addi %mul3A_4, %add3A_85 : i32
      %add3A_87 = arith.constant 256 : i32
      %add3A_88 = arith.addi %mul3A_4, %add3A_87 : i32
      %run_scoped3A_89 = arith.constant 0 : i32
      "tpu.region"() ({
        %run_scoped3A_100 = tpu.sem_alloc : memref<!tpu.dma_semaphore, #tpu.memory_space<semaphore_mem>>
        %dma_start3A_101 = arith.constant 0 : i32
        %dma_start3A_102 = tpu.memref_slice %arg6[%run_scoped3A_89, %add3A_88, %dma_start3A_101] : memref<2x10240x128xf32, #tpu.memory_space<hbm>> -> memref<1x128x128xf32, #tpu.memory_space<hbm>>
        %dma_start3A_103 = tpu.memref_squeeze %dma_start3A_102 : memref<1x128x128xf32, #tpu.memory_space<hbm>> -> memref<128x128xf32, #tpu.memory_space<hbm>>
        %dma_start3A_104 = arith.constant 0 : i32
        %dma_start3A_105 = tpu.memref_slice %arg17[%add3A_86, %dma_start3A_104] : memref<10240x128xf32, #tpu.memory_space<vmem_shared>> -> memref<128x128xf32, #tpu.memory_space<vmem_shared>>
        tpu.enqueue_dma source(%dma_start3A_105 : memref<128x128xf32, #tpu.memory_space<vmem_shared>>) target(%dma_start3A_103 : memref<128x128xf32, #tpu.memory_space<hbm>>) target_semaphore(%run_scoped3A_100 : memref<!tpu.dma_semaphore, #tpu.memory_space<semaphore_mem>>)
        %dma_wait3A_106 = arith.constant 0 : i32
        %dma_wait3A_107 = tpu.memref_slice %arg6[%run_scoped3A_89, %add3A_88, %dma_wait3A_106] : memref<2x10240x128xf32, #tpu.memory_space<hbm>> -> memref<1x128x128xf32, #tpu.memory_space<hbm>>
        %dma_wait3A_108 = tpu.memref_squeeze %dma_wait3A_107 : memref<1x128x128xf32, #tpu.memory_space<hbm>> -> memref<128x128xf32, #tpu.memory_space<hbm>>
        %dma_wait3A_109 = arith.constant 0 : i32
        %dma_wait3A_110 = tpu.memref_slice %arg17[%add3A_86, %dma_wait3A_109] : memref<10240x128xf32, #tpu.memory_space<vmem_shared>> -> memref<128x128xf32, #tpu.memory_space<vmem_shared>>
        tpu.wait_dma2 semaphore(%run_scoped3A_100 : memref<!tpu.dma_semaphore, #tpu.memory_space<semaphore_mem>>) src(%dma_wait3A_110 : memref<128x128xf32, #tpu.memory_space<vmem_shared>>) dst(%dma_wait3A_108 : memref<128x128xf32, #tpu.memory_space<hbm>>)
        tpu.yield
      }) : () -> ()
      %add3A_90 = arith.constant 384 : i32
      %add3A_91 = arith.addi %mul3A_4, %add3A_90 : i32
      %add3A_92 = arith.constant 384 : i32
      %add3A_93 = arith.addi %mul3A_4, %add3A_92 : i32
      %run_scoped3A_94 = arith.constant 0 : i32
      "tpu.region"() ({
        %run_scoped3A_100 = tpu.sem_alloc : memref<!tpu.dma_semaphore, #tpu.memory_space<semaphore_mem>>
        %dma_start3A_101 = arith.constant 0 : i32
        %dma_start3A_102 = tpu.memref_slice %arg6[%run_scoped3A_94, %add3A_93, %dma_start3A_101] : memref<2x10240x128xf32, #tpu.memory_space<hbm>> -> memref<1x128x128xf32, #tpu.memory_space<hbm>>
        %dma_start3A_103 = tpu.memref_squeeze %dma_start3A_102 : memref<1x128x128xf32, #tpu.memory_space<hbm>> -> memref<128x128xf32, #tpu.memory_space<hbm>>
        %dma_start3A_104 = arith.constant 0 : i32
        %dma_start3A_105 = tpu.memref_slice %arg17[%add3A_91, %dma_start3A_104] : memref<10240x128xf32, #tpu.memory_space<vmem_shared>> -> memref<128x128xf32, #tpu.memory_space<vmem_shared>>
        tpu.enqueue_dma source(%dma_start3A_105 : memref<128x128xf32, #tpu.memory_space<vmem_shared>>) target(%dma_start3A_103 : memref<128x128xf32, #tpu.memory_space<hbm>>) target_semaphore(%run_scoped3A_100 : memref<!tpu.dma_semaphore, #tpu.memory_space<semaphore_mem>>)
        %dma_wait3A_106 = arith.constant 0 : i32
        %dma_wait3A_107 = tpu.memref_slice %arg6[%run_scoped3A_94, %add3A_93, %dma_wait3A_106] : memref<2x10240x128xf32, #tpu.memory_space<hbm>> -> memref<1x128x128xf32, #tpu.memory_space<hbm>>
        %dma_wait3A_108 = tpu.memref_squeeze %dma_wait3A_107 : memref<1x128x128xf32, #tpu.memory_space<hbm>> -> memref<128x128xf32, #tpu.memory_space<hbm>>
        %dma_wait3A_109 = arith.constant 0 : i32
        %dma_wait3A_110 = tpu.memref_slice %arg17[%add3A_91, %dma_wait3A_109] : memref<10240x128xf32, #tpu.memory_space<vmem_shared>> -> memref<128x128xf32, #tpu.memory_space<vmem_shared>>
        tpu.wait_dma2 semaphore(%run_scoped3A_100 : memref<!tpu.dma_semaphore, #tpu.memory_space<semaphore_mem>>) src(%dma_wait3A_110 : memref<128x128xf32, #tpu.memory_space<vmem_shared>>) dst(%dma_wait3A_108 : memref<128x128xf32, #tpu.memory_space<hbm>>)
        tpu.yield
      }) : () -> ()
      %add3A_95 = arith.constant 512 : i32
      %add3A_96 = arith.addi %mul3A_4, %add3A_95 : i32
      %add3A_97 = arith.constant 512 : i32
      %add3A_98 = arith.addi %mul3A_4, %add3A_97 : i32
      %run_scoped3A_99 = arith.constant 0 : i32
      "tpu.region"() ({
        %run_scoped3A_100 = tpu.sem_alloc : memref<!tpu.dma_semaphore, #tpu.memory_space<semaphore_mem>>
        %dma_start3A_101 = arith.constant 0 : i32
        %dma_start3A_102 = tpu.memref_slice %arg6[%run_scoped3A_99, %add3A_98, %dma_start3A_101] : memref<2x10240x128xf32, #tpu.memory_space<hbm>> -> memref<1x128x128xf32, #tpu.memory_space<hbm>>
        %dma_start3A_103 = tpu.memref_squeeze %dma_start3A_102 : memref<1x128x128xf32, #tpu.memory_space<hbm>> -> memref<128x128xf32, #tpu.memory_space<hbm>>
        %dma_start3A_104 = arith.constant 0 : i32
        %dma_start3A_105 = tpu.memref_slice %arg17[%add3A_96, %dma_start3A_104] : memref<10240x128xf32, #tpu.memory_space<vmem_shared>> -> memref<128x128xf32, #tpu.memory_space<vmem_shared>>
        tpu.enqueue_dma source(%dma_start3A_105 : memref<128x128xf32, #tpu.memory_space<vmem_shared>>) target(%dma_start3A_103 : memref<128x128xf32, #tpu.memory_space<hbm>>) target_semaphore(%run_scoped3A_100 : memref<!tpu.dma_semaphore, #tpu.memory_space<semaphore_mem>>)
        %dma_wait3A_106 = arith.constant 0 : i32
        %dma_wait3A_107 = tpu.memref_slice %arg6[%run_scoped3A_99, %add3A_98, %dma_wait3A_106] : memref<2x10240x128xf32, #tpu.memory_space<hbm>> -> memref<1x128x128xf32, #tpu.memory_space<hbm>>
        %dma_wait3A_108 = tpu.memref_squeeze %dma_wait3A_107 : memref<1x128x128xf32, #tpu.memory_space<hbm>> -> memref<128x128xf32, #tpu.memory_space<hbm>>
        %dma_wait3A_109 = arith.constant 0 : i32
        %dma_wait3A_110 = tpu.memref_slice %arg17[%add3A_96, %dma_wait3A_109] : memref<10240x128xf32, #tpu.memory_space<vmem_shared>> -> memref<128x128xf32, #tpu.memory_space<vmem_shared>>
        tpu.wait_dma2 semaphore(%run_scoped3A_100 : memref<!tpu.dma_semaphore, #tpu.memory_space<semaphore_mem>>) src(%dma_wait3A_110 : memref<128x128xf32, #tpu.memory_space<vmem_shared>>) dst(%dma_wait3A_108 : memref<128x128xf32, #tpu.memory_space<hbm>>)
        tpu.yield
      }) : () -> ()
    } else {
    }
    %eq3A_71 = arith.constant 1 : i32
    %eq3A_72 = arith.cmpi eq, %arg0, %eq3A_71 : i32
    %convert_element_type3A_73 = arith.extui %eq3A_72 : i1 to i32
    %cond3A_74 = arith.constant 0 : i32
    %cond3A_75 = arith.cmpi ne, %convert_element_type3A_73, %cond3A_74 : i32
    scf.if %cond3A_75 {
      %add3A_76 = arith.constant 0 : i32
      %add3A_77 = arith.addi %mul3A_4, %add3A_76 : i32
      %add3A_78 = arith.constant 0 : i32
      %add3A_79 = arith.addi %mul3A_4, %add3A_78 : i32
      %run_scoped3A = arith.constant 1 : i32
      "tpu.region"() ({
        %run_scoped3A_100 = tpu.sem_alloc : memref<!tpu.dma_semaphore, #tpu.memory_space<semaphore_mem>>
        %dma_start3A_101 = arith.constant 0 : i32
        %dma_start3A_102 = tpu.memref_slice %arg6[%run_scoped3A, %add3A_79, %dma_start3A_101] : memref<2x10240x128xf32, #tpu.memory_space<hbm>> -> memref<1x128x128xf32, #tpu.memory_space<hbm>>
        %dma_start3A_103 = tpu.memref_squeeze %dma_start3A_102 : memref<1x128x128xf32, #tpu.memory_space<hbm>> -> memref<128x128xf32, #tpu.memory_space<hbm>>
        %dma_start3A_104 = arith.constant 0 : i32
        %dma_start3A_105 = tpu.memref_slice %arg17[%add3A_77, %dma_start3A_104] : memref<10240x128xf32, #tpu.memory_space<vmem_shared>> -> memref<128x128xf32, #tpu.memory_space<vmem_shared>>
        tpu.enqueue_dma source(%dma_start3A_105 : memref<128x128xf32, #tpu.memory_space<vmem_shared>>) target(%dma_start3A_103 : memref<128x128xf32, #tpu.memory_space<hbm>>) target_semaphore(%run_scoped3A_100 : memref<!tpu.dma_semaphore, #tpu.memory_space<semaphore_mem>>)
        %dma_wait3A_106 = arith.constant 0 : i32
        %dma_wait3A_107 = tpu.memref_slice %arg6[%run_scoped3A, %add3A_79, %dma_wait3A_106] : memref<2x10240x128xf32, #tpu.memory_space<hbm>> -> memref<1x128x128xf32, #tpu.memory_space<hbm>>
        %dma_wait3A_108 = tpu.memref_squeeze %dma_wait3A_107 : memref<1x128x128xf32, #tpu.memory_space<hbm>> -> memref<128x128xf32, #tpu.memory_space<hbm>>
        %dma_wait3A_109 = arith.constant 0 : i32
        %dma_wait3A_110 = tpu.memref_slice %arg17[%add3A_77, %dma_wait3A_109] : memref<10240x128xf32, #tpu.memory_space<vmem_shared>> -> memref<128x128xf32, #tpu.memory_space<vmem_shared>>
        tpu.wait_dma2 semaphore(%run_scoped3A_100 : memref<!tpu.dma_semaphore, #tpu.memory_space<semaphore_mem>>) src(%dma_wait3A_110 : memref<128x128xf32, #tpu.memory_space<vmem_shared>>) dst(%dma_wait3A_108 : memref<128x128xf32, #tpu.memory_space<hbm>>)
        tpu.yield
      }) : () -> ()
      %add3A_80 = arith.constant 128 : i32
      %add3A_81 = arith.addi %mul3A_4, %add3A_80 : i32
      %add3A_82 = arith.constant 128 : i32
      %add3A_83 = arith.addi %mul3A_4, %add3A_82 : i32
      %run_scoped3A_84 = arith.constant 1 : i32
      "tpu.region"() ({
        %run_scoped3A_100 = tpu.sem_alloc : memref<!tpu.dma_semaphore, #tpu.memory_space<semaphore_mem>>
        %dma_start3A_101 = arith.constant 0 : i32
        %dma_start3A_102 = tpu.memref_slice %arg6[%run_scoped3A_84, %add3A_83, %dma_start3A_101] : memref<2x10240x128xf32, #tpu.memory_space<hbm>> -> memref<1x128x128xf32, #tpu.memory_space<hbm>>
        %dma_start3A_103 = tpu.memref_squeeze %dma_start3A_102 : memref<1x128x128xf32, #tpu.memory_space<hbm>> -> memref<128x128xf32, #tpu.memory_space<hbm>>
        %dma_start3A_104 = arith.constant 0 : i32
        %dma_start3A_105 = tpu.memref_slice %arg17[%add3A_81, %dma_start3A_104] : memref<10240x128xf32, #tpu.memory_space<vmem_shared>> -> memref<128x128xf32, #tpu.memory_space<vmem_shared>>
        tpu.enqueue_dma source(%dma_start3A_105 : memref<128x128xf32, #tpu.memory_space<vmem_shared>>) target(%dma_start3A_103 : memref<128x128xf32, #tpu.memory_space<hbm>>) target_semaphore(%run_scoped3A_100 : memref<!tpu.dma_semaphore, #tpu.memory_space<semaphore_mem>>)
        %dma_wait3A_106 = arith.constant 0 : i32
        %dma_wait3A_107 = tpu.memref_slice %arg6[%run_scoped3A_84, %add3A_83, %dma_wait3A_106] : memref<2x10240x128xf32, #tpu.memory_space<hbm>> -> memref<1x128x128xf32, #tpu.memory_space<hbm>>
        %dma_wait3A_108 = tpu.memref_squeeze %dma_wait3A_107 : memref<1x128x128xf32, #tpu.memory_space<hbm>> -> memref<128x128xf32, #tpu.memory_space<hbm>>
        %dma_wait3A_109 = arith.constant 0 : i32
        %dma_wait3A_110 = tpu.memref_slice %arg17[%add3A_81, %dma_wait3A_109] : memref<10240x128xf32, #tpu.memory_space<vmem_shared>> -> memref<128x128xf32, #tpu.memory_space<vmem_shared>>
        tpu.wait_dma2 semaphore(%run_scoped3A_100 : memref<!tpu.dma_semaphore, #tpu.memory_space<semaphore_mem>>) src(%dma_wait3A_110 : memref<128x128xf32, #tpu.memory_space<vmem_shared>>) dst(%dma_wait3A_108 : memref<128x128xf32, #tpu.memory_space<hbm>>)
        tpu.yield
      }) : () -> ()
      %add3A_85 = arith.constant 256 : i32
      %add3A_86 = arith.addi %mul3A_4, %add3A_85 : i32
      %add3A_87 = arith.constant 256 : i32
      %add3A_88 = arith.addi %mul3A_4, %add3A_87 : i32
      %run_scoped3A_89 = arith.constant 1 : i32
      "tpu.region"() ({
        %run_scoped3A_100 = tpu.sem_alloc : memref<!tpu.dma_semaphore, #tpu.memory_space<semaphore_mem>>
        %dma_start3A_101 = arith.constant 0 : i32
        %dma_start3A_102 = tpu.memref_slice %arg6[%run_scoped3A_89, %add3A_88, %dma_start3A_101] : memref<2x10240x128xf32, #tpu.memory_space<hbm>> -> memref<1x128x128xf32, #tpu.memory_space<hbm>>
        %dma_start3A_103 = tpu.memref_squeeze %dma_start3A_102 : memref<1x128x128xf32, #tpu.memory_space<hbm>> -> memref<128x128xf32, #tpu.memory_space<hbm>>
        %dma_start3A_104 = arith.constant 0 : i32
        %dma_start3A_105 = tpu.memref_slice %arg17[%add3A_86, %dma_start3A_104] : memref<10240x128xf32, #tpu.memory_space<vmem_shared>> -> memref<128x128xf32, #tpu.memory_space<vmem_shared>>
        tpu.enqueue_dma source(%dma_start3A_105 : memref<128x128xf32, #tpu.memory_space<vmem_shared>>) target(%dma_start3A_103 : memref<128x128xf32, #tpu.memory_space<hbm>>) target_semaphore(%run_scoped3A_100 : memref<!tpu.dma_semaphore, #tpu.memory_space<semaphore_mem>>)
        %dma_wait3A_106 = arith.constant 0 : i32
        %dma_wait3A_107 = tpu.memref_slice %arg6[%run_scoped3A_89, %add3A_88, %dma_wait3A_106] : memref<2x10240x128xf32, #tpu.memory_space<hbm>> -> memref<1x128x128xf32, #tpu.memory_space<hbm>>
        %dma_wait3A_108 = tpu.memref_squeeze %dma_wait3A_107 : memref<1x128x128xf32, #tpu.memory_space<hbm>> -> memref<128x128xf32, #tpu.memory_space<hbm>>
        %dma_wait3A_109 = arith.constant 0 : i32
        %dma_wait3A_110 = tpu.memref_slice %arg17[%add3A_86, %dma_wait3A_109] : memref<10240x128xf32, #tpu.memory_space<vmem_shared>> -> memref<128x128xf32, #tpu.memory_space<vmem_shared>>
        tpu.wait_dma2 semaphore(%run_scoped3A_100 : memref<!tpu.dma_semaphore, #tpu.memory_space<semaphore_mem>>) src(%dma_wait3A_110 : memref<128x128xf32, #tpu.memory_space<vmem_shared>>) dst(%dma_wait3A_108 : memref<128x128xf32, #tpu.memory_space<hbm>>)
        tpu.yield
      }) : () -> ()
      %add3A_90 = arith.constant 384 : i32
      %add3A_91 = arith.addi %mul3A_4, %add3A_90 : i32
      %add3A_92 = arith.constant 384 : i32
      %add3A_93 = arith.addi %mul3A_4, %add3A_92 : i32
      %run_scoped3A_94 = arith.constant 1 : i32
      "tpu.region"() ({
        %run_scoped3A_100 = tpu.sem_alloc : memref<!tpu.dma_semaphore, #tpu.memory_space<semaphore_mem>>
        %dma_start3A_101 = arith.constant 0 : i32
        %dma_start3A_102 = tpu.memref_slice %arg6[%run_scoped3A_94, %add3A_93, %dma_start3A_101] : memref<2x10240x128xf32, #tpu.memory_space<hbm>> -> memref<1x128x128xf32, #tpu.memory_space<hbm>>
        %dma_start3A_103 = tpu.memref_squeeze %dma_start3A_102 : memref<1x128x128xf32, #tpu.memory_space<hbm>> -> memref<128x128xf32, #tpu.memory_space<hbm>>
        %dma_start3A_104 = arith.constant 0 : i32
        %dma_start3A_105 = tpu.memref_slice %arg17[%add3A_91, %dma_start3A_104] : memref<10240x128xf32, #tpu.memory_space<vmem_shared>> -> memref<128x128xf32, #tpu.memory_space<vmem_shared>>
        tpu.enqueue_dma source(%dma_start3A_105 : memref<128x128xf32, #tpu.memory_space<vmem_shared>>) target(%dma_start3A_103 : memref<128x128xf32, #tpu.memory_space<hbm>>) target_semaphore(%run_scoped3A_100 : memref<!tpu.dma_semaphore, #tpu.memory_space<semaphore_mem>>)
        %dma_wait3A_106 = arith.constant 0 : i32
        %dma_wait3A_107 = tpu.memref_slice %arg6[%run_scoped3A_94, %add3A_93, %dma_wait3A_106] : memref<2x10240x128xf32, #tpu.memory_space<hbm>> -> memref<1x128x128xf32, #tpu.memory_space<hbm>>
        %dma_wait3A_108 = tpu.memref_squeeze %dma_wait3A_107 : memref<1x128x128xf32, #tpu.memory_space<hbm>> -> memref<128x128xf32, #tpu.memory_space<hbm>>
        %dma_wait3A_109 = arith.constant 0 : i32
        %dma_wait3A_110 = tpu.memref_slice %arg17[%add3A_91, %dma_wait3A_109] : memref<10240x128xf32, #tpu.memory_space<vmem_shared>> -> memref<128x128xf32, #tpu.memory_space<vmem_shared>>
        tpu.wait_dma2 semaphore(%run_scoped3A_100 : memref<!tpu.dma_semaphore, #tpu.memory_space<semaphore_mem>>) src(%dma_wait3A_110 : memref<128x128xf32, #tpu.memory_space<vmem_shared>>) dst(%dma_wait3A_108 : memref<128x128xf32, #tpu.memory_space<hbm>>)
        tpu.yield
      }) : () -> ()
      %add3A_95 = arith.constant 512 : i32
      %add3A_96 = arith.addi %mul3A_4, %add3A_95 : i32
      %add3A_97 = arith.constant 512 : i32
      %add3A_98 = arith.addi %mul3A_4, %add3A_97 : i32
      %run_scoped3A_99 = arith.constant 1 : i32
      "tpu.region"() ({
        %run_scoped3A_100 = tpu.sem_alloc : memref<!tpu.dma_semaphore, #tpu.memory_space<semaphore_mem>>
        %dma_start3A_101 = arith.constant 0 : i32
        %dma_start3A_102 = tpu.memref_slice %arg6[%run_scoped3A_99, %add3A_98, %dma_start3A_101] : memref<2x10240x128xf32, #tpu.memory_space<hbm>> -> memref<1x128x128xf32, #tpu.memory_space<hbm>>
        %dma_start3A_103 = tpu.memref_squeeze %dma_start3A_102 : memref<1x128x128xf32, #tpu.memory_space<hbm>> -> memref<128x128xf32, #tpu.memory_space<hbm>>
        %dma_start3A_104 = arith.constant 0 : i32
        %dma_start3A_105 = tpu.memref_slice %arg17[%add3A_96, %dma_start3A_104] : memref<10240x128xf32, #tpu.memory_space<vmem_shared>> -> memref<128x128xf32, #tpu.memory_space<vmem_shared>>
        tpu.enqueue_dma source(%dma_start3A_105 : memref<128x128xf32, #tpu.memory_space<vmem_shared>>) target(%dma_start3A_103 : memref<128x128xf32, #tpu.memory_space<hbm>>) target_semaphore(%run_scoped3A_100 : memref<!tpu.dma_semaphore, #tpu.memory_space<semaphore_mem>>)
        %dma_wait3A_106 = arith.constant 0 : i32
        %dma_wait3A_107 = tpu.memref_slice %arg6[%run_scoped3A_99, %add3A_98, %dma_wait3A_106] : memref<2x10240x128xf32, #tpu.memory_space<hbm>> -> memref<1x128x128xf32, #tpu.memory_space<hbm>>
        %dma_wait3A_108 = tpu.memref_squeeze %dma_wait3A_107 : memref<1x128x128xf32, #tpu.memory_space<hbm>> -> memref<128x128xf32, #tpu.memory_space<hbm>>
        %dma_wait3A_109 = arith.constant 0 : i32
        %dma_wait3A_110 = tpu.memref_slice %arg17[%add3A_96, %dma_wait3A_109] : memref<10240x128xf32, #tpu.memory_space<vmem_shared>> -> memref<128x128xf32, #tpu.memory_space<vmem_shared>>
        tpu.wait_dma2 semaphore(%run_scoped3A_100 : memref<!tpu.dma_semaphore, #tpu.memory_space<semaphore_mem>>) src(%dma_wait3A_110 : memref<128x128xf32, #tpu.memory_space<vmem_shared>>) dst(%dma_wait3A_108 : memref<128x128xf32, #tpu.memory_space<hbm>>)
        tpu.yield
      }) : () -> ()
    } else {
    }
    return
  }
}

#map = affine_map<(d0, d1) -> (0, 0)>
#map1 = affine_map<(d0, d1) -> (0)>
#map2 = affine_map<(d0, d1) -> (0, 0, 0)>
module attributes {stable_mosaic.version = 14 : i64} {
  func.func @k(%arg0: i32, %arg1: i32, %arg2: memref<128x128xf32, #tpu.memory_space<hbm>>, %arg3: memref<128x128xf32, #tpu.memory_space<hbm>>, %arg4: memref<320000xi32, #tpu.memory_space<hbm>>, %arg5: memref<24064xi32, #tpu.memory_space<hbm>>, %arg6: memref<2x11392x128xf32, #tpu.memory_space<hbm>>, %arg7: memref<128xi32, #tpu.memory_space<vmem>>, %arg8: memref<128xi32, #tpu.memory_space<vmem>>, %arg9: memref<128xi32, #tpu.memory_space<vmem>>, %arg10: memref<128xi32, #tpu.memory_space<vmem>>, %arg11: memref<128x128xf32, #tpu.memory_space<vmem>>, %arg12: memref<11392x128xf32, #tpu.memory_space<vmem_shared>>, %arg13: memref<!tpu.dma_semaphore, #tpu.memory_space<semaphore_mem>>, %arg14: memref<!tpu.dma_semaphore, #tpu.memory_space<semaphore_mem>>, %arg15: memref<!tpu.dma_semaphore, #tpu.memory_space<semaphore_mem>>, %arg16: memref<!tpu.dma_semaphore, #tpu.memory_space<semaphore_mem>>) attributes {dimension_semantics = [#tpu.dimension_semantics<core_parallel>, #tpu.dimension_semantics<subcore_parallel>], iteration_bounds = array<i64: 2, 16>, scalar_prefetch = 0 : i64, scratch_operands = 10 : i64, tpu.core_type = #tpu.core_type<sc_vector_subcore>, window_params = [{transform_indices = #map}, {transform_indices = #map}, {transform_indices = #map1}, {transform_indices = #map1}, {transform_indices = #map2}]} {
    %mul3A = arith.constant 2 : i32
    %mul3A_0 = arith.muli %arg1, %mul3A : i32
    %add3A = arith.addi %mul3A_0, %arg0 : i32
    %mul3A_1 = arith.constant 10752 : i32
    %mul3A_2 = arith.muli %add3A, %mul3A_1 : i32
    %multiple_of3A = tpu.assume_multiple %mul3A_2, 128 : i32
    "tpu.region"() ({
      %run_scoped3A = tpu.sem_alloc : memref<!tpu.dma_semaphore, #tpu.memory_space<semaphore_mem>>
      tpu.enqueue_dma source(%arg2 : memref<128x128xf32, #tpu.memory_space<hbm>>) target(%arg11 : memref<128x128xf32, #tpu.memory_space<vmem>>) target_semaphore(%run_scoped3A : memref<!tpu.dma_semaphore, #tpu.memory_space<semaphore_mem>>)
      tpu.wait_dma2 semaphore(%run_scoped3A : memref<!tpu.dma_semaphore, #tpu.memory_space<semaphore_mem>>) src(%arg2 : memref<128x128xf32, #tpu.memory_space<hbm>>) dst(%arg11 : memref<128x128xf32, #tpu.memory_space<vmem>>)
      tpu.yield
    }) : () -> ()
    %mul3A_3 = arith.constant 712 : i32
    %mul3A_4 = arith.muli %arg1, %mul3A_3 : i32
    %add3A_5 = arith.constant 0 : i32
    %add3A_6 = arith.addi %mul3A_4, %add3A_5 : i32
    "tpu.region"() ({
      %run_scoped3A = tpu.sem_alloc : memref<!tpu.dma_semaphore, #tpu.memory_space<semaphore_mem>>
      %dma_start3A = arith.constant 0 : i32
      %dma_start3A_76 = tpu.memref_slice %arg12[%add3A_6, %dma_start3A] : memref<11392x128xf32, #tpu.memory_space<vmem_shared>> -> memref<128x128xf32, #tpu.memory_space<vmem_shared>>
      %dma_start3A_77 = arith.constant 0 : i32
      %dma_start3A_78 = tpu.memref_slice %arg12[%add3A_6, %dma_start3A_77] : memref<11392x128xf32, #tpu.memory_space<vmem_shared>> -> memref<128x128xf32, #tpu.memory_space<vmem_shared>>
      tpu.enqueue_dma source(%arg11 : memref<128x128xf32, #tpu.memory_space<vmem>>) target(%dma_start3A_78 : memref<128x128xf32, #tpu.memory_space<vmem_shared>>) target_semaphore(%run_scoped3A : memref<!tpu.dma_semaphore, #tpu.memory_space<semaphore_mem>>)
      %dma_wait3A = arith.constant 0 : i32
      %dma_wait3A_79 = tpu.memref_slice %arg12[%add3A_6, %dma_wait3A] : memref<11392x128xf32, #tpu.memory_space<vmem_shared>> -> memref<128x128xf32, #tpu.memory_space<vmem_shared>>
      %dma_wait3A_80 = arith.constant 0 : i32
      %dma_wait3A_81 = tpu.memref_slice %arg12[%add3A_6, %dma_wait3A_80] : memref<11392x128xf32, #tpu.memory_space<vmem_shared>> -> memref<128x128xf32, #tpu.memory_space<vmem_shared>>
      tpu.wait_dma2 semaphore(%run_scoped3A : memref<!tpu.dma_semaphore, #tpu.memory_space<semaphore_mem>>) src(%arg11 : memref<128x128xf32, #tpu.memory_space<vmem>>) dst(%dma_wait3A_81 : memref<128x128xf32, #tpu.memory_space<vmem_shared>>)
      tpu.yield
    }) : () -> ()
    %add3A_7 = arith.constant 128 : i32
    %add3A_8 = arith.addi %mul3A_4, %add3A_7 : i32
    "tpu.region"() ({
      %run_scoped3A = tpu.sem_alloc : memref<!tpu.dma_semaphore, #tpu.memory_space<semaphore_mem>>
      %dma_start3A = arith.constant 0 : i32
      %dma_start3A_76 = tpu.memref_slice %arg12[%add3A_8, %dma_start3A] : memref<11392x128xf32, #tpu.memory_space<vmem_shared>> -> memref<128x128xf32, #tpu.memory_space<vmem_shared>>
      %dma_start3A_77 = arith.constant 0 : i32
      %dma_start3A_78 = tpu.memref_slice %arg12[%add3A_8, %dma_start3A_77] : memref<11392x128xf32, #tpu.memory_space<vmem_shared>> -> memref<128x128xf32, #tpu.memory_space<vmem_shared>>
      tpu.enqueue_dma source(%arg11 : memref<128x128xf32, #tpu.memory_space<vmem>>) target(%dma_start3A_78 : memref<128x128xf32, #tpu.memory_space<vmem_shared>>) target_semaphore(%run_scoped3A : memref<!tpu.dma_semaphore, #tpu.memory_space<semaphore_mem>>)
      %dma_wait3A = arith.constant 0 : i32
      %dma_wait3A_79 = tpu.memref_slice %arg12[%add3A_8, %dma_wait3A] : memref<11392x128xf32, #tpu.memory_space<vmem_shared>> -> memref<128x128xf32, #tpu.memory_space<vmem_shared>>
      %dma_wait3A_80 = arith.constant 0 : i32
      %dma_wait3A_81 = tpu.memref_slice %arg12[%add3A_8, %dma_wait3A_80] : memref<11392x128xf32, #tpu.memory_space<vmem_shared>> -> memref<128x128xf32, #tpu.memory_space<vmem_shared>>
      tpu.wait_dma2 semaphore(%run_scoped3A : memref<!tpu.dma_semaphore, #tpu.memory_space<semaphore_mem>>) src(%arg11 : memref<128x128xf32, #tpu.memory_space<vmem>>) dst(%dma_wait3A_81 : memref<128x128xf32, #tpu.memory_space<vmem_shared>>)
      tpu.yield
    }) : () -> ()
    %add3A_9 = arith.constant 256 : i32
    %add3A_10 = arith.addi %mul3A_4, %add3A_9 : i32
    "tpu.region"() ({
      %run_scoped3A = tpu.sem_alloc : memref<!tpu.dma_semaphore, #tpu.memory_space<semaphore_mem>>
      %dma_start3A = arith.constant 0 : i32
      %dma_start3A_76 = tpu.memref_slice %arg12[%add3A_10, %dma_start3A] : memref<11392x128xf32, #tpu.memory_space<vmem_shared>> -> memref<128x128xf32, #tpu.memory_space<vmem_shared>>
      %dma_start3A_77 = arith.constant 0 : i32
      %dma_start3A_78 = tpu.memref_slice %arg12[%add3A_10, %dma_start3A_77] : memref<11392x128xf32, #tpu.memory_space<vmem_shared>> -> memref<128x128xf32, #tpu.memory_space<vmem_shared>>
      tpu.enqueue_dma source(%arg11 : memref<128x128xf32, #tpu.memory_space<vmem>>) target(%dma_start3A_78 : memref<128x128xf32, #tpu.memory_space<vmem_shared>>) target_semaphore(%run_scoped3A : memref<!tpu.dma_semaphore, #tpu.memory_space<semaphore_mem>>)
      %dma_wait3A = arith.constant 0 : i32
      %dma_wait3A_79 = tpu.memref_slice %arg12[%add3A_10, %dma_wait3A] : memref<11392x128xf32, #tpu.memory_space<vmem_shared>> -> memref<128x128xf32, #tpu.memory_space<vmem_shared>>
      %dma_wait3A_80 = arith.constant 0 : i32
      %dma_wait3A_81 = tpu.memref_slice %arg12[%add3A_10, %dma_wait3A_80] : memref<11392x128xf32, #tpu.memory_space<vmem_shared>> -> memref<128x128xf32, #tpu.memory_space<vmem_shared>>
      tpu.wait_dma2 semaphore(%run_scoped3A : memref<!tpu.dma_semaphore, #tpu.memory_space<semaphore_mem>>) src(%arg11 : memref<128x128xf32, #tpu.memory_space<vmem>>) dst(%dma_wait3A_81 : memref<128x128xf32, #tpu.memory_space<vmem_shared>>)
      tpu.yield
    }) : () -> ()
    %add3A_11 = arith.constant 384 : i32
    %add3A_12 = arith.addi %mul3A_4, %add3A_11 : i32
    "tpu.region"() ({
      %run_scoped3A = tpu.sem_alloc : memref<!tpu.dma_semaphore, #tpu.memory_space<semaphore_mem>>
      %dma_start3A = arith.constant 0 : i32
      %dma_start3A_76 = tpu.memref_slice %arg12[%add3A_12, %dma_start3A] : memref<11392x128xf32, #tpu.memory_space<vmem_shared>> -> memref<128x128xf32, #tpu.memory_space<vmem_shared>>
      %dma_start3A_77 = arith.constant 0 : i32
      %dma_start3A_78 = tpu.memref_slice %arg12[%add3A_12, %dma_start3A_77] : memref<11392x128xf32, #tpu.memory_space<vmem_shared>> -> memref<128x128xf32, #tpu.memory_space<vmem_shared>>
      tpu.enqueue_dma source(%arg11 : memref<128x128xf32, #tpu.memory_space<vmem>>) target(%dma_start3A_78 : memref<128x128xf32, #tpu.memory_space<vmem_shared>>) target_semaphore(%run_scoped3A : memref<!tpu.dma_semaphore, #tpu.memory_space<semaphore_mem>>)
      %dma_wait3A = arith.constant 0 : i32
      %dma_wait3A_79 = tpu.memref_slice %arg12[%add3A_12, %dma_wait3A] : memref<11392x128xf32, #tpu.memory_space<vmem_shared>> -> memref<128x128xf32, #tpu.memory_space<vmem_shared>>
      %dma_wait3A_80 = arith.constant 0 : i32
      %dma_wait3A_81 = tpu.memref_slice %arg12[%add3A_12, %dma_wait3A_80] : memref<11392x128xf32, #tpu.memory_space<vmem_shared>> -> memref<128x128xf32, #tpu.memory_space<vmem_shared>>
      tpu.wait_dma2 semaphore(%run_scoped3A : memref<!tpu.dma_semaphore, #tpu.memory_space<semaphore_mem>>) src(%arg11 : memref<128x128xf32, #tpu.memory_space<vmem>>) dst(%dma_wait3A_81 : memref<128x128xf32, #tpu.memory_space<vmem_shared>>)
      tpu.yield
    }) : () -> ()
    %add3A_13 = arith.constant 512 : i32
    %add3A_14 = arith.addi %mul3A_4, %add3A_13 : i32
    "tpu.region"() ({
      %run_scoped3A = tpu.sem_alloc : memref<!tpu.dma_semaphore, #tpu.memory_space<semaphore_mem>>
      %dma_start3A = arith.constant 0 : i32
      %dma_start3A_76 = tpu.memref_slice %arg12[%add3A_14, %dma_start3A] : memref<11392x128xf32, #tpu.memory_space<vmem_shared>> -> memref<128x128xf32, #tpu.memory_space<vmem_shared>>
      %dma_start3A_77 = arith.constant 0 : i32
      %dma_start3A_78 = tpu.memref_slice %arg12[%add3A_14, %dma_start3A_77] : memref<11392x128xf32, #tpu.memory_space<vmem_shared>> -> memref<128x128xf32, #tpu.memory_space<vmem_shared>>
      tpu.enqueue_dma source(%arg11 : memref<128x128xf32, #tpu.memory_space<vmem>>) target(%dma_start3A_78 : memref<128x128xf32, #tpu.memory_space<vmem_shared>>) target_semaphore(%run_scoped3A : memref<!tpu.dma_semaphore, #tpu.memory_space<semaphore_mem>>)
      %dma_wait3A = arith.constant 0 : i32
      %dma_wait3A_79 = tpu.memref_slice %arg12[%add3A_14, %dma_wait3A] : memref<11392x128xf32, #tpu.memory_space<vmem_shared>> -> memref<128x128xf32, #tpu.memory_space<vmem_shared>>
      %dma_wait3A_80 = arith.constant 0 : i32
      %dma_wait3A_81 = tpu.memref_slice %arg12[%add3A_14, %dma_wait3A_80] : memref<11392x128xf32, #tpu.memory_space<vmem_shared>> -> memref<128x128xf32, #tpu.memory_space<vmem_shared>>
      tpu.wait_dma2 semaphore(%run_scoped3A : memref<!tpu.dma_semaphore, #tpu.memory_space<semaphore_mem>>) src(%arg11 : memref<128x128xf32, #tpu.memory_space<vmem>>) dst(%dma_wait3A_81 : memref<128x128xf32, #tpu.memory_space<vmem_shared>>)
      tpu.yield
    }) : () -> ()
    %add3A_15 = arith.constant 640 : i32
    %add3A_16 = arith.addi %mul3A_4, %add3A_15 : i32
    "tpu.region"() ({
      %run_scoped3A = tpu.sem_alloc : memref<!tpu.dma_semaphore, #tpu.memory_space<semaphore_mem>>
      %dma_start3A = arith.constant 0 : i32
      %dma_start3A_76 = arith.constant 0 : i32
      %dma_start3A_77 = tpu.memref_slice %arg11[%dma_start3A, %dma_start3A_76] : memref<128x128xf32, #tpu.memory_space<vmem>> -> memref<72x128xf32, #tpu.memory_space<vmem>>
      %dma_start3A_78 = arith.constant 0 : i32
      %dma_start3A_79 = tpu.memref_slice %arg12[%add3A_16, %dma_start3A_78] : memref<11392x128xf32, #tpu.memory_space<vmem_shared>> -> memref<72x128xf32, #tpu.memory_space<vmem_shared>>
      %dma_start3A_80 = arith.constant 0 : i32
      %dma_start3A_81 = tpu.memref_slice %arg12[%add3A_16, %dma_start3A_80] : memref<11392x128xf32, #tpu.memory_space<vmem_shared>> -> memref<72x128xf32, #tpu.memory_space<vmem_shared>>
      %dma_start3A_82 = arith.constant 0 : i32
      %dma_start3A_83 = arith.constant 0 : i32
      %dma_start3A_84 = tpu.memref_slice %arg11[%dma_start3A_82, %dma_start3A_83] : memref<128x128xf32, #tpu.memory_space<vmem>> -> memref<72x128xf32, #tpu.memory_space<vmem>>
      tpu.enqueue_dma source(%dma_start3A_84 : memref<72x128xf32, #tpu.memory_space<vmem>>) target(%dma_start3A_81 : memref<72x128xf32, #tpu.memory_space<vmem_shared>>) target_semaphore(%run_scoped3A : memref<!tpu.dma_semaphore, #tpu.memory_space<semaphore_mem>>)
      %dma_wait3A = arith.constant 0 : i32
      %dma_wait3A_85 = arith.constant 0 : i32
      %dma_wait3A_86 = tpu.memref_slice %arg11[%dma_wait3A, %dma_wait3A_85] : memref<128x128xf32, #tpu.memory_space<vmem>> -> memref<72x128xf32, #tpu.memory_space<vmem>>
      %dma_wait3A_87 = arith.constant 0 : i32
      %dma_wait3A_88 = tpu.memref_slice %arg12[%add3A_16, %dma_wait3A_87] : memref<11392x128xf32, #tpu.memory_space<vmem_shared>> -> memref<72x128xf32, #tpu.memory_space<vmem_shared>>
      %dma_wait3A_89 = arith.constant 0 : i32
      %dma_wait3A_90 = tpu.memref_slice %arg12[%add3A_16, %dma_wait3A_89] : memref<11392x128xf32, #tpu.memory_space<vmem_shared>> -> memref<72x128xf32, #tpu.memory_space<vmem_shared>>
      %dma_wait3A_91 = arith.constant 0 : i32
      %dma_wait3A_92 = arith.constant 0 : i32
      %dma_wait3A_93 = tpu.memref_slice %arg11[%dma_wait3A_91, %dma_wait3A_92] : memref<128x128xf32, #tpu.memory_space<vmem>> -> memref<72x128xf32, #tpu.memory_space<vmem>>
      tpu.wait_dma2 semaphore(%run_scoped3A : memref<!tpu.dma_semaphore, #tpu.memory_space<semaphore_mem>>) src(%dma_wait3A_93 : memref<72x128xf32, #tpu.memory_space<vmem>>) dst(%dma_wait3A_90 : memref<72x128xf32, #tpu.memory_space<vmem_shared>>)
      tpu.yield
    }) : () -> ()
    %barrier3A = arith.constant 0 : index
    tpu.barrier barrier_id(%barrier3A)
    "tpu.region"() ({
      %run_scoped3A = tpu.sem_alloc : memref<!tpu.dma_semaphore, #tpu.memory_space<semaphore_mem>>
      tpu.enqueue_dma source(%arg3 : memref<128x128xf32, #tpu.memory_space<hbm>>) target(%arg11 : memref<128x128xf32, #tpu.memory_space<vmem>>) target_semaphore(%run_scoped3A : memref<!tpu.dma_semaphore, #tpu.memory_space<semaphore_mem>>)
      tpu.wait_dma2 semaphore(%run_scoped3A : memref<!tpu.dma_semaphore, #tpu.memory_space<semaphore_mem>>) src(%arg3 : memref<128x128xf32, #tpu.memory_space<hbm>>) dst(%arg11 : memref<128x128xf32, #tpu.memory_space<vmem>>)
      tpu.yield
    }) : () -> ()
    %add3A_17 = arith.constant 0 : i32
    %add3A_18 = arith.addi %multiple_of3A, %add3A_17 : i32
    %lt3A = arith.constant 320000 : i32
    %lt3A_19 = arith.cmpi slt, %add3A_18, %lt3A : i32
    %convert_element_type3A = arith.extui %lt3A_19 : i1 to i32
    %cond3A = arith.constant 0 : i32
    %cond3A_20 = arith.cmpi ne, %convert_element_type3A, %cond3A : i32
    scf.if %cond3A_20 {
      %multiple_of3A_76 = tpu.assume_multiple %add3A_18, 128 : i32
      %dma_start3A = tpu.memref_slice %arg4[%multiple_of3A_76] : memref<320000xi32, #tpu.memory_space<hbm>> -> memref<128xi32, #tpu.memory_space<hbm>>
      %dma_start3A_77 = tpu.memref_slice %arg4[%multiple_of3A_76] : memref<320000xi32, #tpu.memory_space<hbm>> -> memref<128xi32, #tpu.memory_space<hbm>>
      tpu.enqueue_dma source(%dma_start3A_77 : memref<128xi32, #tpu.memory_space<hbm>>) target(%arg7 : memref<128xi32, #tpu.memory_space<vmem>>) target_semaphore(%arg13 : memref<!tpu.dma_semaphore, #tpu.memory_space<semaphore_mem>>)
    } else {
    }
    %ge3A = arith.constant 320000 : i32
    %ge3A_21 = arith.cmpi sge, %add3A_18, %ge3A : i32
    %convert_element_type3A_22 = arith.extui %ge3A_21 : i1 to i32
    %cond3A_23 = arith.constant 0 : i32
    %cond3A_24 = arith.cmpi ne, %convert_element_type3A_22, %cond3A_23 : i32
    scf.if %cond3A_24 {
      %sub3A = arith.constant 320000 : i32
      %sub3A_76 = arith.subi %add3A_18, %sub3A : i32
      %multiple_of3A_77 = tpu.assume_multiple %sub3A_76, 128 : i32
      %dma_start3A = tpu.memref_slice %arg5[%multiple_of3A_77] : memref<24064xi32, #tpu.memory_space<hbm>> -> memref<128xi32, #tpu.memory_space<hbm>>
      %dma_start3A_78 = tpu.memref_slice %arg5[%multiple_of3A_77] : memref<24064xi32, #tpu.memory_space<hbm>> -> memref<128xi32, #tpu.memory_space<hbm>>
      tpu.enqueue_dma source(%dma_start3A_78 : memref<128xi32, #tpu.memory_space<hbm>>) target(%arg7 : memref<128xi32, #tpu.memory_space<vmem>>) target_semaphore(%arg13 : memref<!tpu.dma_semaphore, #tpu.memory_space<semaphore_mem>>)
    } else {
    }
    %add3A_25 = arith.constant 128 : i32
    %add3A_26 = arith.addi %multiple_of3A, %add3A_25 : i32
    %lt3A_27 = arith.constant 320000 : i32
    %lt3A_28 = arith.cmpi slt, %add3A_26, %lt3A_27 : i32
    %convert_element_type3A_29 = arith.extui %lt3A_28 : i1 to i32
    %cond3A_30 = arith.constant 0 : i32
    %cond3A_31 = arith.cmpi ne, %convert_element_type3A_29, %cond3A_30 : i32
    scf.if %cond3A_31 {
      %multiple_of3A_76 = tpu.assume_multiple %add3A_26, 128 : i32
      %dma_start3A = tpu.memref_slice %arg4[%multiple_of3A_76] : memref<320000xi32, #tpu.memory_space<hbm>> -> memref<128xi32, #tpu.memory_space<hbm>>
      %dma_start3A_77 = tpu.memref_slice %arg4[%multiple_of3A_76] : memref<320000xi32, #tpu.memory_space<hbm>> -> memref<128xi32, #tpu.memory_space<hbm>>
      tpu.enqueue_dma source(%dma_start3A_77 : memref<128xi32, #tpu.memory_space<hbm>>) target(%arg8 : memref<128xi32, #tpu.memory_space<vmem>>) target_semaphore(%arg14 : memref<!tpu.dma_semaphore, #tpu.memory_space<semaphore_mem>>)
    } else {
    }
    %ge3A_32 = arith.constant 320000 : i32
    %ge3A_33 = arith.cmpi sge, %add3A_26, %ge3A_32 : i32
    %convert_element_type3A_34 = arith.extui %ge3A_33 : i1 to i32
    %cond3A_35 = arith.constant 0 : i32
    %cond3A_36 = arith.cmpi ne, %convert_element_type3A_34, %cond3A_35 : i32
    scf.if %cond3A_36 {
      %sub3A = arith.constant 320000 : i32
      %sub3A_76 = arith.subi %add3A_26, %sub3A : i32
      %multiple_of3A_77 = tpu.assume_multiple %sub3A_76, 128 : i32
      %dma_start3A = tpu.memref_slice %arg5[%multiple_of3A_77] : memref<24064xi32, #tpu.memory_space<hbm>> -> memref<128xi32, #tpu.memory_space<hbm>>
      %dma_start3A_78 = tpu.memref_slice %arg5[%multiple_of3A_77] : memref<24064xi32, #tpu.memory_space<hbm>> -> memref<128xi32, #tpu.memory_space<hbm>>
      tpu.enqueue_dma source(%dma_start3A_78 : memref<128xi32, #tpu.memory_space<hbm>>) target(%arg8 : memref<128xi32, #tpu.memory_space<vmem>>) target_semaphore(%arg14 : memref<!tpu.dma_semaphore, #tpu.memory_space<semaphore_mem>>)
    } else {
    }
    %add3A_37 = arith.constant 256 : i32
    %add3A_38 = arith.addi %multiple_of3A, %add3A_37 : i32
    %lt3A_39 = arith.constant 320000 : i32
    %lt3A_40 = arith.cmpi slt, %add3A_38, %lt3A_39 : i32
    %convert_element_type3A_41 = arith.extui %lt3A_40 : i1 to i32
    %cond3A_42 = arith.constant 0 : i32
    %cond3A_43 = arith.cmpi ne, %convert_element_type3A_41, %cond3A_42 : i32
    scf.if %cond3A_43 {
      %multiple_of3A_76 = tpu.assume_multiple %add3A_38, 128 : i32
      %dma_start3A = tpu.memref_slice %arg4[%multiple_of3A_76] : memref<320000xi32, #tpu.memory_space<hbm>> -> memref<128xi32, #tpu.memory_space<hbm>>
      %dma_start3A_77 = tpu.memref_slice %arg4[%multiple_of3A_76] : memref<320000xi32, #tpu.memory_space<hbm>> -> memref<128xi32, #tpu.memory_space<hbm>>
      tpu.enqueue_dma source(%dma_start3A_77 : memref<128xi32, #tpu.memory_space<hbm>>) target(%arg9 : memref<128xi32, #tpu.memory_space<vmem>>) target_semaphore(%arg15 : memref<!tpu.dma_semaphore, #tpu.memory_space<semaphore_mem>>)
    } else {
    }
    %ge3A_44 = arith.constant 320000 : i32
    %ge3A_45 = arith.cmpi sge, %add3A_38, %ge3A_44 : i32
    %convert_element_type3A_46 = arith.extui %ge3A_45 : i1 to i32
    %cond3A_47 = arith.constant 0 : i32
    %cond3A_48 = arith.cmpi ne, %convert_element_type3A_46, %cond3A_47 : i32
    scf.if %cond3A_48 {
      %sub3A = arith.constant 320000 : i32
      %sub3A_76 = arith.subi %add3A_38, %sub3A : i32
      %multiple_of3A_77 = tpu.assume_multiple %sub3A_76, 128 : i32
      %dma_start3A = tpu.memref_slice %arg5[%multiple_of3A_77] : memref<24064xi32, #tpu.memory_space<hbm>> -> memref<128xi32, #tpu.memory_space<hbm>>
      %dma_start3A_78 = tpu.memref_slice %arg5[%multiple_of3A_77] : memref<24064xi32, #tpu.memory_space<hbm>> -> memref<128xi32, #tpu.memory_space<hbm>>
      tpu.enqueue_dma source(%dma_start3A_78 : memref<128xi32, #tpu.memory_space<hbm>>) target(%arg9 : memref<128xi32, #tpu.memory_space<vmem>>) target_semaphore(%arg15 : memref<!tpu.dma_semaphore, #tpu.memory_space<semaphore_mem>>)
    } else {
    }
    %add3A_49 = arith.constant 384 : i32
    %add3A_50 = arith.addi %multiple_of3A, %add3A_49 : i32
    %lt3A_51 = arith.constant 320000 : i32
    %lt3A_52 = arith.cmpi slt, %add3A_50, %lt3A_51 : i32
    %convert_element_type3A_53 = arith.extui %lt3A_52 : i1 to i32
    %cond3A_54 = arith.constant 0 : i32
    %cond3A_55 = arith.cmpi ne, %convert_element_type3A_53, %cond3A_54 : i32
    scf.if %cond3A_55 {
      %multiple_of3A_76 = tpu.assume_multiple %add3A_50, 128 : i32
      %dma_start3A = tpu.memref_slice %arg4[%multiple_of3A_76] : memref<320000xi32, #tpu.memory_space<hbm>> -> memref<128xi32, #tpu.memory_space<hbm>>
      %dma_start3A_77 = tpu.memref_slice %arg4[%multiple_of3A_76] : memref<320000xi32, #tpu.memory_space<hbm>> -> memref<128xi32, #tpu.memory_space<hbm>>
      tpu.enqueue_dma source(%dma_start3A_77 : memref<128xi32, #tpu.memory_space<hbm>>) target(%arg10 : memref<128xi32, #tpu.memory_space<vmem>>) target_semaphore(%arg16 : memref<!tpu.dma_semaphore, #tpu.memory_space<semaphore_mem>>)
    } else {
    }
    %ge3A_56 = arith.constant 320000 : i32
    %ge3A_57 = arith.cmpi sge, %add3A_50, %ge3A_56 : i32
    %convert_element_type3A_58 = arith.extui %ge3A_57 : i1 to i32
    %cond3A_59 = arith.constant 0 : i32
    %cond3A_60 = arith.cmpi ne, %convert_element_type3A_58, %cond3A_59 : i32
    scf.if %cond3A_60 {
      %sub3A = arith.constant 320000 : i32
      %sub3A_76 = arith.subi %add3A_50, %sub3A : i32
      %multiple_of3A_77 = tpu.assume_multiple %sub3A_76, 128 : i32
      %dma_start3A = tpu.memref_slice %arg5[%multiple_of3A_77] : memref<24064xi32, #tpu.memory_space<hbm>> -> memref<128xi32, #tpu.memory_space<hbm>>
      %dma_start3A_78 = tpu.memref_slice %arg5[%multiple_of3A_77] : memref<24064xi32, #tpu.memory_space<hbm>> -> memref<128xi32, #tpu.memory_space<hbm>>
      tpu.enqueue_dma source(%dma_start3A_78 : memref<128xi32, #tpu.memory_space<hbm>>) target(%arg10 : memref<128xi32, #tpu.memory_space<vmem>>) target_semaphore(%arg16 : memref<!tpu.dma_semaphore, #tpu.memory_space<semaphore_mem>>)
    } else {
    }
    %scan3A = arith.constant 0 : i32
    %scan3A_61 = arith.constant 0 : i32
    %scan3A_62 = arith.constant 21 : i32
    %scan3A_63 = arith.addi %scan3A_61, %scan3A_62 : i32
    %scan3A_64 = arith.constant 1 : i32
    scf.for %scan3A_76 = %scan3A_61 to %scan3A_63 step %scan3A_64  : i32 {
      %mul3A_77 = arith.constant 4 : i32
      %mul3A_78 = arith.muli %scan3A_76, %mul3A_77 : i32
      %add3A_79 = arith.constant 0 : i32
      %add3A_80 = arith.addi %mul3A_78, %add3A_79 : i32
      %dma_wait3A = arith.constant 0 : i32
      %dma_wait3A_81 = tpu.memref_slice %arg5[%dma_wait3A] : memref<24064xi32, #tpu.memory_space<hbm>> -> memref<128xi32, #tpu.memory_space<hbm>>
      %dma_wait3A_82 = arith.constant 0 : i32
      %dma_wait3A_83 = tpu.memref_slice %arg5[%dma_wait3A_82] : memref<24064xi32, #tpu.memory_space<hbm>> -> memref<128xi32, #tpu.memory_space<hbm>>
      tpu.wait_dma2 semaphore(%arg13 : memref<!tpu.dma_semaphore, #tpu.memory_space<semaphore_mem>>) src(%dma_wait3A_83 : memref<128xi32, #tpu.memory_space<hbm>>) dst(%arg7 : memref<128xi32, #tpu.memory_space<vmem>>)
      "tpu.region"() ({
        %run_scoped3A = tpu.sem_alloc : memref<!tpu.dma_semaphore, #tpu.memory_space<semaphore_mem>>
        %dma_start3A = arith.constant 0 : i32
        %dma_start3A_122 = arith.constant 0 : i32
        %dma_start3A_123 = tpu.memref_slice %arg12[%dma_start3A, %dma_start3A_122] : memref<11392x128xf32, #tpu.memory_space<vmem_shared>> -> memref<11392x128xf32, #tpu.memory_space<vmem_shared>>
        tpu.enqueue_indirect_dma source(%arg11 : memref<128x128xf32, #tpu.memory_space<vmem>>) target(%dma_start3A_123 : memref<11392x128xf32, #tpu.memory_space<vmem_shared>>) offsets(%arg7 : memref<128xi32, #tpu.memory_space<vmem>>) semaphore(%run_scoped3A : memref<!tpu.dma_semaphore, #tpu.memory_space<semaphore_mem>>) {add = true}
        %dma_wait3A_124 = arith.constant 0 : i32
        %dma_wait3A_125 = arith.constant 0 : i32
        %dma_wait3A_126 = tpu.memref_slice %arg12[%dma_wait3A_124, %dma_wait3A_125] : memref<11392x128xf32, #tpu.memory_space<vmem_shared>> -> memref<11392x128xf32, #tpu.memory_space<vmem_shared>>
        tpu.wait_indirect_dma semaphore(%run_scoped3A : memref<!tpu.dma_semaphore, #tpu.memory_space<semaphore_mem>>) src(%arg11 : memref<128x128xf32, #tpu.memory_space<vmem>>) dst(%dma_wait3A_126 : memref<11392x128xf32, #tpu.memory_space<vmem_shared>>)
        tpu.yield
      }) : () -> ()
      %lt3A_84 = arith.constant 20 : i32
      %lt3A_85 = arith.cmpi slt, %scan3A_76, %lt3A_84 : i32
      %convert_element_type3A_86 = arith.extui %lt3A_85 : i1 to i32
      %cond3A_87 = arith.constant 0 : i32
      %cond3A_88 = arith.cmpi ne, %convert_element_type3A_86, %cond3A_87 : i32
      scf.if %cond3A_88 {
        %add3A_122 = arith.constant 4 : i32
        %add3A_123 = arith.addi %add3A_80, %add3A_122 : i32
        %mul3A_124 = arith.constant 128 : i32
        %mul3A_125 = arith.muli %add3A_123, %mul3A_124 : i32
        %add3A_126 = arith.addi %multiple_of3A, %mul3A_125 : i32
        %lt3A_127 = arith.constant 320000 : i32
        %lt3A_128 = arith.cmpi slt, %add3A_126, %lt3A_127 : i32
        %convert_element_type3A_129 = arith.extui %lt3A_128 : i1 to i32
        %cond3A_130 = arith.constant 0 : i32
        %cond3A_131 = arith.cmpi ne, %convert_element_type3A_129, %cond3A_130 : i32
        scf.if %cond3A_131 {
          %multiple_of3A_137 = tpu.assume_multiple %add3A_126, 128 : i32
          %dma_start3A = tpu.memref_slice %arg4[%multiple_of3A_137] : memref<320000xi32, #tpu.memory_space<hbm>> -> memref<128xi32, #tpu.memory_space<hbm>>
          %dma_start3A_138 = tpu.memref_slice %arg4[%multiple_of3A_137] : memref<320000xi32, #tpu.memory_space<hbm>> -> memref<128xi32, #tpu.memory_space<hbm>>
          tpu.enqueue_dma source(%dma_start3A_138 : memref<128xi32, #tpu.memory_space<hbm>>) target(%arg7 : memref<128xi32, #tpu.memory_space<vmem>>) target_semaphore(%arg13 : memref<!tpu.dma_semaphore, #tpu.memory_space<semaphore_mem>>)
        } else {
        }
        %ge3A_132 = arith.constant 320000 : i32
        %ge3A_133 = arith.cmpi sge, %add3A_126, %ge3A_132 : i32
        %convert_element_type3A_134 = arith.extui %ge3A_133 : i1 to i32
        %cond3A_135 = arith.constant 0 : i32
        %cond3A_136 = arith.cmpi ne, %convert_element_type3A_134, %cond3A_135 : i32
        scf.if %cond3A_136 {
          %sub3A = arith.constant 320000 : i32
          %sub3A_137 = arith.subi %add3A_126, %sub3A : i32
          %multiple_of3A_138 = tpu.assume_multiple %sub3A_137, 128 : i32
          %dma_start3A = tpu.memref_slice %arg5[%multiple_of3A_138] : memref<24064xi32, #tpu.memory_space<hbm>> -> memref<128xi32, #tpu.memory_space<hbm>>
          %dma_start3A_139 = tpu.memref_slice %arg5[%multiple_of3A_138] : memref<24064xi32, #tpu.memory_space<hbm>> -> memref<128xi32, #tpu.memory_space<hbm>>
          tpu.enqueue_dma source(%dma_start3A_139 : memref<128xi32, #tpu.memory_space<hbm>>) target(%arg7 : memref<128xi32, #tpu.memory_space<vmem>>) target_semaphore(%arg13 : memref<!tpu.dma_semaphore, #tpu.memory_space<semaphore_mem>>)
        } else {
        }
      } else {
      }
      %add3A_89 = arith.constant 1 : i32
      %add3A_90 = arith.addi %mul3A_78, %add3A_89 : i32
      %dma_wait3A_91 = arith.constant 0 : i32
      %dma_wait3A_92 = tpu.memref_slice %arg5[%dma_wait3A_91] : memref<24064xi32, #tpu.memory_space<hbm>> -> memref<128xi32, #tpu.memory_space<hbm>>
      %dma_wait3A_93 = arith.constant 0 : i32
      %dma_wait3A_94 = tpu.memref_slice %arg5[%dma_wait3A_93] : memref<24064xi32, #tpu.memory_space<hbm>> -> memref<128xi32, #tpu.memory_space<hbm>>
      tpu.wait_dma2 semaphore(%arg14 : memref<!tpu.dma_semaphore, #tpu.memory_space<semaphore_mem>>) src(%dma_wait3A_94 : memref<128xi32, #tpu.memory_space<hbm>>) dst(%arg8 : memref<128xi32, #tpu.memory_space<vmem>>)
      "tpu.region"() ({
        %run_scoped3A = tpu.sem_alloc : memref<!tpu.dma_semaphore, #tpu.memory_space<semaphore_mem>>
        %dma_start3A = arith.constant 0 : i32
        %dma_start3A_122 = arith.constant 0 : i32
        %dma_start3A_123 = tpu.memref_slice %arg12[%dma_start3A, %dma_start3A_122] : memref<11392x128xf32, #tpu.memory_space<vmem_shared>> -> memref<11392x128xf32, #tpu.memory_space<vmem_shared>>
        tpu.enqueue_indirect_dma source(%arg11 : memref<128x128xf32, #tpu.memory_space<vmem>>) target(%dma_start3A_123 : memref<11392x128xf32, #tpu.memory_space<vmem_shared>>) offsets(%arg8 : memref<128xi32, #tpu.memory_space<vmem>>) semaphore(%run_scoped3A : memref<!tpu.dma_semaphore, #tpu.memory_space<semaphore_mem>>) {add = true}
        %dma_wait3A_124 = arith.constant 0 : i32
        %dma_wait3A_125 = arith.constant 0 : i32
        %dma_wait3A_126 = tpu.memref_slice %arg12[%dma_wait3A_124, %dma_wait3A_125] : memref<11392x128xf32, #tpu.memory_space<vmem_shared>> -> memref<11392x128xf32, #tpu.memory_space<vmem_shared>>
        tpu.wait_indirect_dma semaphore(%run_scoped3A : memref<!tpu.dma_semaphore, #tpu.memory_space<semaphore_mem>>) src(%arg11 : memref<128x128xf32, #tpu.memory_space<vmem>>) dst(%dma_wait3A_126 : memref<11392x128xf32, #tpu.memory_space<vmem_shared>>)
        tpu.yield
      }) : () -> ()
      %lt3A_95 = arith.constant 20 : i32
      %lt3A_96 = arith.cmpi slt, %scan3A_76, %lt3A_95 : i32
      %convert_element_type3A_97 = arith.extui %lt3A_96 : i1 to i32
      %cond3A_98 = arith.constant 0 : i32
      %cond3A_99 = arith.cmpi ne, %convert_element_type3A_97, %cond3A_98 : i32
      scf.if %cond3A_99 {
        %add3A_122 = arith.constant 4 : i32
        %add3A_123 = arith.addi %add3A_90, %add3A_122 : i32
        %mul3A_124 = arith.constant 128 : i32
        %mul3A_125 = arith.muli %add3A_123, %mul3A_124 : i32
        %add3A_126 = arith.addi %multiple_of3A, %mul3A_125 : i32
        %lt3A_127 = arith.constant 320000 : i32
        %lt3A_128 = arith.cmpi slt, %add3A_126, %lt3A_127 : i32
        %convert_element_type3A_129 = arith.extui %lt3A_128 : i1 to i32
        %cond3A_130 = arith.constant 0 : i32
        %cond3A_131 = arith.cmpi ne, %convert_element_type3A_129, %cond3A_130 : i32
        scf.if %cond3A_131 {
          %multiple_of3A_137 = tpu.assume_multiple %add3A_126, 128 : i32
          %dma_start3A = tpu.memref_slice %arg4[%multiple_of3A_137] : memref<320000xi32, #tpu.memory_space<hbm>> -> memref<128xi32, #tpu.memory_space<hbm>>
          %dma_start3A_138 = tpu.memref_slice %arg4[%multiple_of3A_137] : memref<320000xi32, #tpu.memory_space<hbm>> -> memref<128xi32, #tpu.memory_space<hbm>>
          tpu.enqueue_dma source(%dma_start3A_138 : memref<128xi32, #tpu.memory_space<hbm>>) target(%arg8 : memref<128xi32, #tpu.memory_space<vmem>>) target_semaphore(%arg14 : memref<!tpu.dma_semaphore, #tpu.memory_space<semaphore_mem>>)
        } else {
        }
        %ge3A_132 = arith.constant 320000 : i32
        %ge3A_133 = arith.cmpi sge, %add3A_126, %ge3A_132 : i32
        %convert_element_type3A_134 = arith.extui %ge3A_133 : i1 to i32
        %cond3A_135 = arith.constant 0 : i32
        %cond3A_136 = arith.cmpi ne, %convert_element_type3A_134, %cond3A_135 : i32
        scf.if %cond3A_136 {
          %sub3A = arith.constant 320000 : i32
          %sub3A_137 = arith.subi %add3A_126, %sub3A : i32
          %multiple_of3A_138 = tpu.assume_multiple %sub3A_137, 128 : i32
          %dma_start3A = tpu.memref_slice %arg5[%multiple_of3A_138] : memref<24064xi32, #tpu.memory_space<hbm>> -> memref<128xi32, #tpu.memory_space<hbm>>
          %dma_start3A_139 = tpu.memref_slice %arg5[%multiple_of3A_138] : memref<24064xi32, #tpu.memory_space<hbm>> -> memref<128xi32, #tpu.memory_space<hbm>>
          tpu.enqueue_dma source(%dma_start3A_139 : memref<128xi32, #tpu.memory_space<hbm>>) target(%arg8 : memref<128xi32, #tpu.memory_space<vmem>>) target_semaphore(%arg14 : memref<!tpu.dma_semaphore, #tpu.memory_space<semaphore_mem>>)
        } else {
        }
      } else {
      }
      %add3A_100 = arith.constant 2 : i32
      %add3A_101 = arith.addi %mul3A_78, %add3A_100 : i32
      %dma_wait3A_102 = arith.constant 0 : i32
      %dma_wait3A_103 = tpu.memref_slice %arg5[%dma_wait3A_102] : memref<24064xi32, #tpu.memory_space<hbm>> -> memref<128xi32, #tpu.memory_space<hbm>>
      %dma_wait3A_104 = arith.constant 0 : i32
      %dma_wait3A_105 = tpu.memref_slice %arg5[%dma_wait3A_104] : memref<24064xi32, #tpu.memory_space<hbm>> -> memref<128xi32, #tpu.memory_space<hbm>>
      tpu.wait_dma2 semaphore(%arg15 : memref<!tpu.dma_semaphore, #tpu.memory_space<semaphore_mem>>) src(%dma_wait3A_105 : memref<128xi32, #tpu.memory_space<hbm>>) dst(%arg9 : memref<128xi32, #tpu.memory_space<vmem>>)
      "tpu.region"() ({
        %run_scoped3A = tpu.sem_alloc : memref<!tpu.dma_semaphore, #tpu.memory_space<semaphore_mem>>
        %dma_start3A = arith.constant 0 : i32
        %dma_start3A_122 = arith.constant 0 : i32
        %dma_start3A_123 = tpu.memref_slice %arg12[%dma_start3A, %dma_start3A_122] : memref<11392x128xf32, #tpu.memory_space<vmem_shared>> -> memref<11392x128xf32, #tpu.memory_space<vmem_shared>>
        tpu.enqueue_indirect_dma source(%arg11 : memref<128x128xf32, #tpu.memory_space<vmem>>) target(%dma_start3A_123 : memref<11392x128xf32, #tpu.memory_space<vmem_shared>>) offsets(%arg9 : memref<128xi32, #tpu.memory_space<vmem>>) semaphore(%run_scoped3A : memref<!tpu.dma_semaphore, #tpu.memory_space<semaphore_mem>>) {add = true}
        %dma_wait3A_124 = arith.constant 0 : i32
        %dma_wait3A_125 = arith.constant 0 : i32
        %dma_wait3A_126 = tpu.memref_slice %arg12[%dma_wait3A_124, %dma_wait3A_125] : memref<11392x128xf32, #tpu.memory_space<vmem_shared>> -> memref<11392x128xf32, #tpu.memory_space<vmem_shared>>
        tpu.wait_indirect_dma semaphore(%run_scoped3A : memref<!tpu.dma_semaphore, #tpu.memory_space<semaphore_mem>>) src(%arg11 : memref<128x128xf32, #tpu.memory_space<vmem>>) dst(%dma_wait3A_126 : memref<11392x128xf32, #tpu.memory_space<vmem_shared>>)
        tpu.yield
      }) : () -> ()
      %lt3A_106 = arith.constant 20 : i32
      %lt3A_107 = arith.cmpi slt, %scan3A_76, %lt3A_106 : i32
      %convert_element_type3A_108 = arith.extui %lt3A_107 : i1 to i32
      %cond3A_109 = arith.constant 0 : i32
      %cond3A_110 = arith.cmpi ne, %convert_element_type3A_108, %cond3A_109 : i32
      scf.if %cond3A_110 {
        %add3A_122 = arith.constant 4 : i32
        %add3A_123 = arith.addi %add3A_101, %add3A_122 : i32
        %mul3A_124 = arith.constant 128 : i32
        %mul3A_125 = arith.muli %add3A_123, %mul3A_124 : i32
        %add3A_126 = arith.addi %multiple_of3A, %mul3A_125 : i32
        %lt3A_127 = arith.constant 320000 : i32
        %lt3A_128 = arith.cmpi slt, %add3A_126, %lt3A_127 : i32
        %convert_element_type3A_129 = arith.extui %lt3A_128 : i1 to i32
        %cond3A_130 = arith.constant 0 : i32
        %cond3A_131 = arith.cmpi ne, %convert_element_type3A_129, %cond3A_130 : i32
        scf.if %cond3A_131 {
          %multiple_of3A_137 = tpu.assume_multiple %add3A_126, 128 : i32
          %dma_start3A = tpu.memref_slice %arg4[%multiple_of3A_137] : memref<320000xi32, #tpu.memory_space<hbm>> -> memref<128xi32, #tpu.memory_space<hbm>>
          %dma_start3A_138 = tpu.memref_slice %arg4[%multiple_of3A_137] : memref<320000xi32, #tpu.memory_space<hbm>> -> memref<128xi32, #tpu.memory_space<hbm>>
          tpu.enqueue_dma source(%dma_start3A_138 : memref<128xi32, #tpu.memory_space<hbm>>) target(%arg9 : memref<128xi32, #tpu.memory_space<vmem>>) target_semaphore(%arg15 : memref<!tpu.dma_semaphore, #tpu.memory_space<semaphore_mem>>)
        } else {
        }
        %ge3A_132 = arith.constant 320000 : i32
        %ge3A_133 = arith.cmpi sge, %add3A_126, %ge3A_132 : i32
        %convert_element_type3A_134 = arith.extui %ge3A_133 : i1 to i32
        %cond3A_135 = arith.constant 0 : i32
        %cond3A_136 = arith.cmpi ne, %convert_element_type3A_134, %cond3A_135 : i32
        scf.if %cond3A_136 {
          %sub3A = arith.constant 320000 : i32
          %sub3A_137 = arith.subi %add3A_126, %sub3A : i32
          %multiple_of3A_138 = tpu.assume_multiple %sub3A_137, 128 : i32
          %dma_start3A = tpu.memref_slice %arg5[%multiple_of3A_138] : memref<24064xi32, #tpu.memory_space<hbm>> -> memref<128xi32, #tpu.memory_space<hbm>>
          %dma_start3A_139 = tpu.memref_slice %arg5[%multiple_of3A_138] : memref<24064xi32, #tpu.memory_space<hbm>> -> memref<128xi32, #tpu.memory_space<hbm>>
          tpu.enqueue_dma source(%dma_start3A_139 : memref<128xi32, #tpu.memory_space<hbm>>) target(%arg9 : memref<128xi32, #tpu.memory_space<vmem>>) target_semaphore(%arg15 : memref<!tpu.dma_semaphore, #tpu.memory_space<semaphore_mem>>)
        } else {
        }
      } else {
      }
      %add3A_111 = arith.constant 3 : i32
      %add3A_112 = arith.addi %mul3A_78, %add3A_111 : i32
      %dma_wait3A_113 = arith.constant 0 : i32
      %dma_wait3A_114 = tpu.memref_slice %arg5[%dma_wait3A_113] : memref<24064xi32, #tpu.memory_space<hbm>> -> memref<128xi32, #tpu.memory_space<hbm>>
      %dma_wait3A_115 = arith.constant 0 : i32
      %dma_wait3A_116 = tpu.memref_slice %arg5[%dma_wait3A_115] : memref<24064xi32, #tpu.memory_space<hbm>> -> memref<128xi32, #tpu.memory_space<hbm>>
      tpu.wait_dma2 semaphore(%arg16 : memref<!tpu.dma_semaphore, #tpu.memory_space<semaphore_mem>>) src(%dma_wait3A_116 : memref<128xi32, #tpu.memory_space<hbm>>) dst(%arg10 : memref<128xi32, #tpu.memory_space<vmem>>)
      "tpu.region"() ({
        %run_scoped3A = tpu.sem_alloc : memref<!tpu.dma_semaphore, #tpu.memory_space<semaphore_mem>>
        %dma_start3A = arith.constant 0 : i32
        %dma_start3A_122 = arith.constant 0 : i32
        %dma_start3A_123 = tpu.memref_slice %arg12[%dma_start3A, %dma_start3A_122] : memref<11392x128xf32, #tpu.memory_space<vmem_shared>> -> memref<11392x128xf32, #tpu.memory_space<vmem_shared>>
        tpu.enqueue_indirect_dma source(%arg11 : memref<128x128xf32, #tpu.memory_space<vmem>>) target(%dma_start3A_123 : memref<11392x128xf32, #tpu.memory_space<vmem_shared>>) offsets(%arg10 : memref<128xi32, #tpu.memory_space<vmem>>) semaphore(%run_scoped3A : memref<!tpu.dma_semaphore, #tpu.memory_space<semaphore_mem>>) {add = true}
        %dma_wait3A_124 = arith.constant 0 : i32
        %dma_wait3A_125 = arith.constant 0 : i32
        %dma_wait3A_126 = tpu.memref_slice %arg12[%dma_wait3A_124, %dma_wait3A_125] : memref<11392x128xf32, #tpu.memory_space<vmem_shared>> -> memref<11392x128xf32, #tpu.memory_space<vmem_shared>>
        tpu.wait_indirect_dma semaphore(%run_scoped3A : memref<!tpu.dma_semaphore, #tpu.memory_space<semaphore_mem>>) src(%arg11 : memref<128x128xf32, #tpu.memory_space<vmem>>) dst(%dma_wait3A_126 : memref<11392x128xf32, #tpu.memory_space<vmem_shared>>)
        tpu.yield
      }) : () -> ()
      %lt3A_117 = arith.constant 20 : i32
      %lt3A_118 = arith.cmpi slt, %scan3A_76, %lt3A_117 : i32
      %convert_element_type3A_119 = arith.extui %lt3A_118 : i1 to i32
      %cond3A_120 = arith.constant 0 : i32
      %cond3A_121 = arith.cmpi ne, %convert_element_type3A_119, %cond3A_120 : i32
      scf.if %cond3A_121 {
        %add3A_122 = arith.constant 4 : i32
        %add3A_123 = arith.addi %add3A_112, %add3A_122 : i32
        %mul3A_124 = arith.constant 128 : i32
        %mul3A_125 = arith.muli %add3A_123, %mul3A_124 : i32
        %add3A_126 = arith.addi %multiple_of3A, %mul3A_125 : i32
        %lt3A_127 = arith.constant 320000 : i32
        %lt3A_128 = arith.cmpi slt, %add3A_126, %lt3A_127 : i32
        %convert_element_type3A_129 = arith.extui %lt3A_128 : i1 to i32
        %cond3A_130 = arith.constant 0 : i32
        %cond3A_131 = arith.cmpi ne, %convert_element_type3A_129, %cond3A_130 : i32
        scf.if %cond3A_131 {
          %multiple_of3A_137 = tpu.assume_multiple %add3A_126, 128 : i32
          %dma_start3A = tpu.memref_slice %arg4[%multiple_of3A_137] : memref<320000xi32, #tpu.memory_space<hbm>> -> memref<128xi32, #tpu.memory_space<hbm>>
          %dma_start3A_138 = tpu.memref_slice %arg4[%multiple_of3A_137] : memref<320000xi32, #tpu.memory_space<hbm>> -> memref<128xi32, #tpu.memory_space<hbm>>
          tpu.enqueue_dma source(%dma_start3A_138 : memref<128xi32, #tpu.memory_space<hbm>>) target(%arg10 : memref<128xi32, #tpu.memory_space<vmem>>) target_semaphore(%arg16 : memref<!tpu.dma_semaphore, #tpu.memory_space<semaphore_mem>>)
        } else {
        }
        %ge3A_132 = arith.constant 320000 : i32
        %ge3A_133 = arith.cmpi sge, %add3A_126, %ge3A_132 : i32
        %convert_element_type3A_134 = arith.extui %ge3A_133 : i1 to i32
        %cond3A_135 = arith.constant 0 : i32
        %cond3A_136 = arith.cmpi ne, %convert_element_type3A_134, %cond3A_135 : i32
        scf.if %cond3A_136 {
          %sub3A = arith.constant 320000 : i32
          %sub3A_137 = arith.subi %add3A_126, %sub3A : i32
          %multiple_of3A_138 = tpu.assume_multiple %sub3A_137, 128 : i32
          %dma_start3A = tpu.memref_slice %arg5[%multiple_of3A_138] : memref<24064xi32, #tpu.memory_space<hbm>> -> memref<128xi32, #tpu.memory_space<hbm>>
          %dma_start3A_139 = tpu.memref_slice %arg5[%multiple_of3A_138] : memref<24064xi32, #tpu.memory_space<hbm>> -> memref<128xi32, #tpu.memory_space<hbm>>
          tpu.enqueue_dma source(%dma_start3A_139 : memref<128xi32, #tpu.memory_space<hbm>>) target(%arg10 : memref<128xi32, #tpu.memory_space<vmem>>) target_semaphore(%arg16 : memref<!tpu.dma_semaphore, #tpu.memory_space<semaphore_mem>>)
        } else {
        }
      } else {
      }
    }
    %scan3A_65 = arith.constant 21 : i32
    %barrier3A_66 = arith.constant 0 : index
    tpu.barrier barrier_id(%barrier3A_66)
    %eq3A = arith.constant 0 : i32
    %eq3A_67 = arith.cmpi eq, %arg0, %eq3A : i32
    %convert_element_type3A_68 = arith.extui %eq3A_67 : i1 to i32
    %cond3A_69 = arith.constant 0 : i32
    %cond3A_70 = arith.cmpi ne, %convert_element_type3A_68, %cond3A_69 : i32
    scf.if %cond3A_70 {
      %add3A_76 = arith.constant 0 : i32
      %add3A_77 = arith.addi %mul3A_4, %add3A_76 : i32
      %add3A_78 = arith.constant 0 : i32
      %add3A_79 = arith.addi %mul3A_4, %add3A_78 : i32
      %run_scoped3A = arith.constant 0 : i32
      "tpu.region"() ({
        %run_scoped3A_105 = tpu.sem_alloc : memref<!tpu.dma_semaphore, #tpu.memory_space<semaphore_mem>>
        %dma_start3A = arith.constant 0 : i32
        %dma_start3A_106 = tpu.memref_slice %arg6[%run_scoped3A, %add3A_79, %dma_start3A] : memref<2x11392x128xf32, #tpu.memory_space<hbm>> -> memref<1x128x128xf32, #tpu.memory_space<hbm>>
        %dma_start3A_107 = tpu.memref_squeeze %dma_start3A_106 : memref<1x128x128xf32, #tpu.memory_space<hbm>> -> memref<128x128xf32, #tpu.memory_space<hbm>>
        %dma_start3A_108 = arith.constant 0 : i32
        %dma_start3A_109 = tpu.memref_slice %arg12[%add3A_77, %dma_start3A_108] : memref<11392x128xf32, #tpu.memory_space<vmem_shared>> -> memref<128x128xf32, #tpu.memory_space<vmem_shared>>
        tpu.enqueue_dma source(%dma_start3A_109 : memref<128x128xf32, #tpu.memory_space<vmem_shared>>) target(%dma_start3A_107 : memref<128x128xf32, #tpu.memory_space<hbm>>) target_semaphore(%run_scoped3A_105 : memref<!tpu.dma_semaphore, #tpu.memory_space<semaphore_mem>>)
        %dma_wait3A = arith.constant 0 : i32
        %dma_wait3A_110 = tpu.memref_slice %arg6[%run_scoped3A, %add3A_79, %dma_wait3A] : memref<2x11392x128xf32, #tpu.memory_space<hbm>> -> memref<1x128x128xf32, #tpu.memory_space<hbm>>
        %dma_wait3A_111 = tpu.memref_squeeze %dma_wait3A_110 : memref<1x128x128xf32, #tpu.memory_space<hbm>> -> memref<128x128xf32, #tpu.memory_space<hbm>>
        %dma_wait3A_112 = arith.constant 0 : i32
        %dma_wait3A_113 = tpu.memref_slice %arg12[%add3A_77, %dma_wait3A_112] : memref<11392x128xf32, #tpu.memory_space<vmem_shared>> -> memref<128x128xf32, #tpu.memory_space<vmem_shared>>
        tpu.wait_dma2 semaphore(%run_scoped3A_105 : memref<!tpu.dma_semaphore, #tpu.memory_space<semaphore_mem>>) src(%dma_wait3A_113 : memref<128x128xf32, #tpu.memory_space<vmem_shared>>) dst(%dma_wait3A_111 : memref<128x128xf32, #tpu.memory_space<hbm>>)
        tpu.yield
      }) : () -> ()
      %add3A_80 = arith.constant 128 : i32
      %add3A_81 = arith.addi %mul3A_4, %add3A_80 : i32
      %add3A_82 = arith.constant 128 : i32
      %add3A_83 = arith.addi %mul3A_4, %add3A_82 : i32
      %run_scoped3A_84 = arith.constant 0 : i32
      "tpu.region"() ({
        %run_scoped3A_105 = tpu.sem_alloc : memref<!tpu.dma_semaphore, #tpu.memory_space<semaphore_mem>>
        %dma_start3A = arith.constant 0 : i32
        %dma_start3A_106 = tpu.memref_slice %arg6[%run_scoped3A_84, %add3A_83, %dma_start3A] : memref<2x11392x128xf32, #tpu.memory_space<hbm>> -> memref<1x128x128xf32, #tpu.memory_space<hbm>>
        %dma_start3A_107 = tpu.memref_squeeze %dma_start3A_106 : memref<1x128x128xf32, #tpu.memory_space<hbm>> -> memref<128x128xf32, #tpu.memory_space<hbm>>
        %dma_start3A_108 = arith.constant 0 : i32
        %dma_start3A_109 = tpu.memref_slice %arg12[%add3A_81, %dma_start3A_108] : memref<11392x128xf32, #tpu.memory_space<vmem_shared>> -> memref<128x128xf32, #tpu.memory_space<vmem_shared>>
        tpu.enqueue_dma source(%dma_start3A_109 : memref<128x128xf32, #tpu.memory_space<vmem_shared>>) target(%dma_start3A_107 : memref<128x128xf32, #tpu.memory_space<hbm>>) target_semaphore(%run_scoped3A_105 : memref<!tpu.dma_semaphore, #tpu.memory_space<semaphore_mem>>)
        %dma_wait3A = arith.constant 0 : i32
        %dma_wait3A_110 = tpu.memref_slice %arg6[%run_scoped3A_84, %add3A_83, %dma_wait3A] : memref<2x11392x128xf32, #tpu.memory_space<hbm>> -> memref<1x128x128xf32, #tpu.memory_space<hbm>>
        %dma_wait3A_111 = tpu.memref_squeeze %dma_wait3A_110 : memref<1x128x128xf32, #tpu.memory_space<hbm>> -> memref<128x128xf32, #tpu.memory_space<hbm>>
        %dma_wait3A_112 = arith.constant 0 : i32
        %dma_wait3A_113 = tpu.memref_slice %arg12[%add3A_81, %dma_wait3A_112] : memref<11392x128xf32, #tpu.memory_space<vmem_shared>> -> memref<128x128xf32, #tpu.memory_space<vmem_shared>>
        tpu.wait_dma2 semaphore(%run_scoped3A_105 : memref<!tpu.dma_semaphore, #tpu.memory_space<semaphore_mem>>) src(%dma_wait3A_113 : memref<128x128xf32, #tpu.memory_space<vmem_shared>>) dst(%dma_wait3A_111 : memref<128x128xf32, #tpu.memory_space<hbm>>)
        tpu.yield
      }) : () -> ()
      %add3A_85 = arith.constant 256 : i32
      %add3A_86 = arith.addi %mul3A_4, %add3A_85 : i32
      %add3A_87 = arith.constant 256 : i32
      %add3A_88 = arith.addi %mul3A_4, %add3A_87 : i32
      %run_scoped3A_89 = arith.constant 0 : i32
      "tpu.region"() ({
        %run_scoped3A_105 = tpu.sem_alloc : memref<!tpu.dma_semaphore, #tpu.memory_space<semaphore_mem>>
        %dma_start3A = arith.constant 0 : i32
        %dma_start3A_106 = tpu.memref_slice %arg6[%run_scoped3A_89, %add3A_88, %dma_start3A] : memref<2x11392x128xf32, #tpu.memory_space<hbm>> -> memref<1x128x128xf32, #tpu.memory_space<hbm>>
        %dma_start3A_107 = tpu.memref_squeeze %dma_start3A_106 : memref<1x128x128xf32, #tpu.memory_space<hbm>> -> memref<128x128xf32, #tpu.memory_space<hbm>>
        %dma_start3A_108 = arith.constant 0 : i32
        %dma_start3A_109 = tpu.memref_slice %arg12[%add3A_86, %dma_start3A_108] : memref<11392x128xf32, #tpu.memory_space<vmem_shared>> -> memref<128x128xf32, #tpu.memory_space<vmem_shared>>
        tpu.enqueue_dma source(%dma_start3A_109 : memref<128x128xf32, #tpu.memory_space<vmem_shared>>) target(%dma_start3A_107 : memref<128x128xf32, #tpu.memory_space<hbm>>) target_semaphore(%run_scoped3A_105 : memref<!tpu.dma_semaphore, #tpu.memory_space<semaphore_mem>>)
        %dma_wait3A = arith.constant 0 : i32
        %dma_wait3A_110 = tpu.memref_slice %arg6[%run_scoped3A_89, %add3A_88, %dma_wait3A] : memref<2x11392x128xf32, #tpu.memory_space<hbm>> -> memref<1x128x128xf32, #tpu.memory_space<hbm>>
        %dma_wait3A_111 = tpu.memref_squeeze %dma_wait3A_110 : memref<1x128x128xf32, #tpu.memory_space<hbm>> -> memref<128x128xf32, #tpu.memory_space<hbm>>
        %dma_wait3A_112 = arith.constant 0 : i32
        %dma_wait3A_113 = tpu.memref_slice %arg12[%add3A_86, %dma_wait3A_112] : memref<11392x128xf32, #tpu.memory_space<vmem_shared>> -> memref<128x128xf32, #tpu.memory_space<vmem_shared>>
        tpu.wait_dma2 semaphore(%run_scoped3A_105 : memref<!tpu.dma_semaphore, #tpu.memory_space<semaphore_mem>>) src(%dma_wait3A_113 : memref<128x128xf32, #tpu.memory_space<vmem_shared>>) dst(%dma_wait3A_111 : memref<128x128xf32, #tpu.memory_space<hbm>>)
        tpu.yield
      }) : () -> ()
      %add3A_90 = arith.constant 384 : i32
      %add3A_91 = arith.addi %mul3A_4, %add3A_90 : i32
      %add3A_92 = arith.constant 384 : i32
      %add3A_93 = arith.addi %mul3A_4, %add3A_92 : i32
      %run_scoped3A_94 = arith.constant 0 : i32
      "tpu.region"() ({
        %run_scoped3A_105 = tpu.sem_alloc : memref<!tpu.dma_semaphore, #tpu.memory_space<semaphore_mem>>
        %dma_start3A = arith.constant 0 : i32
        %dma_start3A_106 = tpu.memref_slice %arg6[%run_scoped3A_94, %add3A_93, %dma_start3A] : memref<2x11392x128xf32, #tpu.memory_space<hbm>> -> memref<1x128x128xf32, #tpu.memory_space<hbm>>
        %dma_start3A_107 = tpu.memref_squeeze %dma_start3A_106 : memref<1x128x128xf32, #tpu.memory_space<hbm>> -> memref<128x128xf32, #tpu.memory_space<hbm>>
        %dma_start3A_108 = arith.constant 0 : i32
        %dma_start3A_109 = tpu.memref_slice %arg12[%add3A_91, %dma_start3A_108] : memref<11392x128xf32, #tpu.memory_space<vmem_shared>> -> memref<128x128xf32, #tpu.memory_space<vmem_shared>>
        tpu.enqueue_dma source(%dma_start3A_109 : memref<128x128xf32, #tpu.memory_space<vmem_shared>>) target(%dma_start3A_107 : memref<128x128xf32, #tpu.memory_space<hbm>>) target_semaphore(%run_scoped3A_105 : memref<!tpu.dma_semaphore, #tpu.memory_space<semaphore_mem>>)
        %dma_wait3A = arith.constant 0 : i32
        %dma_wait3A_110 = tpu.memref_slice %arg6[%run_scoped3A_94, %add3A_93, %dma_wait3A] : memref<2x11392x128xf32, #tpu.memory_space<hbm>> -> memref<1x128x128xf32, #tpu.memory_space<hbm>>
        %dma_wait3A_111 = tpu.memref_squeeze %dma_wait3A_110 : memref<1x128x128xf32, #tpu.memory_space<hbm>> -> memref<128x128xf32, #tpu.memory_space<hbm>>
        %dma_wait3A_112 = arith.constant 0 : i32
        %dma_wait3A_113 = tpu.memref_slice %arg12[%add3A_91, %dma_wait3A_112] : memref<11392x128xf32, #tpu.memory_space<vmem_shared>> -> memref<128x128xf32, #tpu.memory_space<vmem_shared>>
        tpu.wait_dma2 semaphore(%run_scoped3A_105 : memref<!tpu.dma_semaphore, #tpu.memory_space<semaphore_mem>>) src(%dma_wait3A_113 : memref<128x128xf32, #tpu.memory_space<vmem_shared>>) dst(%dma_wait3A_111 : memref<128x128xf32, #tpu.memory_space<hbm>>)
        tpu.yield
      }) : () -> ()
      %add3A_95 = arith.constant 512 : i32
      %add3A_96 = arith.addi %mul3A_4, %add3A_95 : i32
      %add3A_97 = arith.constant 512 : i32
      %add3A_98 = arith.addi %mul3A_4, %add3A_97 : i32
      %run_scoped3A_99 = arith.constant 0 : i32
      "tpu.region"() ({
        %run_scoped3A_105 = tpu.sem_alloc : memref<!tpu.dma_semaphore, #tpu.memory_space<semaphore_mem>>
        %dma_start3A = arith.constant 0 : i32
        %dma_start3A_106 = tpu.memref_slice %arg6[%run_scoped3A_99, %add3A_98, %dma_start3A] : memref<2x11392x128xf32, #tpu.memory_space<hbm>> -> memref<1x128x128xf32, #tpu.memory_space<hbm>>
        %dma_start3A_107 = tpu.memref_squeeze %dma_start3A_106 : memref<1x128x128xf32, #tpu.memory_space<hbm>> -> memref<128x128xf32, #tpu.memory_space<hbm>>
        %dma_start3A_108 = arith.constant 0 : i32
        %dma_start3A_109 = tpu.memref_slice %arg12[%add3A_96, %dma_start3A_108] : memref<11392x128xf32, #tpu.memory_space<vmem_shared>> -> memref<128x128xf32, #tpu.memory_space<vmem_shared>>
        tpu.enqueue_dma source(%dma_start3A_109 : memref<128x128xf32, #tpu.memory_space<vmem_shared>>) target(%dma_start3A_107 : memref<128x128xf32, #tpu.memory_space<hbm>>) target_semaphore(%run_scoped3A_105 : memref<!tpu.dma_semaphore, #tpu.memory_space<semaphore_mem>>)
        %dma_wait3A = arith.constant 0 : i32
        %dma_wait3A_110 = tpu.memref_slice %arg6[%run_scoped3A_99, %add3A_98, %dma_wait3A] : memref<2x11392x128xf32, #tpu.memory_space<hbm>> -> memref<1x128x128xf32, #tpu.memory_space<hbm>>
        %dma_wait3A_111 = tpu.memref_squeeze %dma_wait3A_110 : memref<1x128x128xf32, #tpu.memory_space<hbm>> -> memref<128x128xf32, #tpu.memory_space<hbm>>
        %dma_wait3A_112 = arith.constant 0 : i32
        %dma_wait3A_113 = tpu.memref_slice %arg12[%add3A_96, %dma_wait3A_112] : memref<11392x128xf32, #tpu.memory_space<vmem_shared>> -> memref<128x128xf32, #tpu.memory_space<vmem_shared>>
        tpu.wait_dma2 semaphore(%run_scoped3A_105 : memref<!tpu.dma_semaphore, #tpu.memory_space<semaphore_mem>>) src(%dma_wait3A_113 : memref<128x128xf32, #tpu.memory_space<vmem_shared>>) dst(%dma_wait3A_111 : memref<128x128xf32, #tpu.memory_space<hbm>>)
        tpu.yield
      }) : () -> ()
      %add3A_100 = arith.constant 640 : i32
      %add3A_101 = arith.addi %mul3A_4, %add3A_100 : i32
      %add3A_102 = arith.constant 640 : i32
      %add3A_103 = arith.addi %mul3A_4, %add3A_102 : i32
      %run_scoped3A_104 = arith.constant 0 : i32
      "tpu.region"() ({
        %run_scoped3A_105 = tpu.sem_alloc : memref<!tpu.dma_semaphore, #tpu.memory_space<semaphore_mem>>
        %dma_start3A = arith.constant 0 : i32
        %dma_start3A_106 = tpu.memref_slice %arg6[%run_scoped3A_104, %add3A_103, %dma_start3A] : memref<2x11392x128xf32, #tpu.memory_space<hbm>> -> memref<1x72x128xf32, #tpu.memory_space<hbm>>
        %dma_start3A_107 = tpu.memref_squeeze %dma_start3A_106 : memref<1x72x128xf32, #tpu.memory_space<hbm>> -> memref<72x128xf32, #tpu.memory_space<hbm>>
        %dma_start3A_108 = arith.constant 0 : i32
        %dma_start3A_109 = tpu.memref_slice %arg12[%add3A_101, %dma_start3A_108] : memref<11392x128xf32, #tpu.memory_space<vmem_shared>> -> memref<72x128xf32, #tpu.memory_space<vmem_shared>>
        tpu.enqueue_dma source(%dma_start3A_109 : memref<72x128xf32, #tpu.memory_space<vmem_shared>>) target(%dma_start3A_107 : memref<72x128xf32, #tpu.memory_space<hbm>>) target_semaphore(%run_scoped3A_105 : memref<!tpu.dma_semaphore, #tpu.memory_space<semaphore_mem>>)
        %dma_wait3A = arith.constant 0 : i32
        %dma_wait3A_110 = tpu.memref_slice %arg6[%run_scoped3A_104, %add3A_103, %dma_wait3A] : memref<2x11392x128xf32, #tpu.memory_space<hbm>> -> memref<1x72x128xf32, #tpu.memory_space<hbm>>
        %dma_wait3A_111 = tpu.memref_squeeze %dma_wait3A_110 : memref<1x72x128xf32, #tpu.memory_space<hbm>> -> memref<72x128xf32, #tpu.memory_space<hbm>>
        %dma_wait3A_112 = arith.constant 0 : i32
        %dma_wait3A_113 = tpu.memref_slice %arg12[%add3A_101, %dma_wait3A_112] : memref<11392x128xf32, #tpu.memory_space<vmem_shared>> -> memref<72x128xf32, #tpu.memory_space<vmem_shared>>
        tpu.wait_dma2 semaphore(%run_scoped3A_105 : memref<!tpu.dma_semaphore, #tpu.memory_space<semaphore_mem>>) src(%dma_wait3A_113 : memref<72x128xf32, #tpu.memory_space<vmem_shared>>) dst(%dma_wait3A_111 : memref<72x128xf32, #tpu.memory_space<hbm>>)
        tpu.yield
      }) : () -> ()
    } else {
    }
    %eq3A_71 = arith.constant 1 : i32
    %eq3A_72 = arith.cmpi eq, %arg0, %eq3A_71 : i32
    %convert_element_type3A_73 = arith.extui %eq3A_72 : i1 to i32
    %cond3A_74 = arith.constant 0 : i32
    %cond3A_75 = arith.cmpi ne, %convert_element_type3A_73, %cond3A_74 : i32
    scf.if %cond3A_75 {
      %add3A_76 = arith.constant 0 : i32
      %add3A_77 = arith.addi %mul3A_4, %add3A_76 : i32
      %add3A_78 = arith.constant 0 : i32
      %add3A_79 = arith.addi %mul3A_4, %add3A_78 : i32
      %run_scoped3A = arith.constant 1 : i32
      "tpu.region"() ({
        %run_scoped3A_105 = tpu.sem_alloc : memref<!tpu.dma_semaphore, #tpu.memory_space<semaphore_mem>>
        %dma_start3A = arith.constant 0 : i32
        %dma_start3A_106 = tpu.memref_slice %arg6[%run_scoped3A, %add3A_79, %dma_start3A] : memref<2x11392x128xf32, #tpu.memory_space<hbm>> -> memref<1x128x128xf32, #tpu.memory_space<hbm>>
        %dma_start3A_107 = tpu.memref_squeeze %dma_start3A_106 : memref<1x128x128xf32, #tpu.memory_space<hbm>> -> memref<128x128xf32, #tpu.memory_space<hbm>>
        %dma_start3A_108 = arith.constant 0 : i32
        %dma_start3A_109 = tpu.memref_slice %arg12[%add3A_77, %dma_start3A_108] : memref<11392x128xf32, #tpu.memory_space<vmem_shared>> -> memref<128x128xf32, #tpu.memory_space<vmem_shared>>
        tpu.enqueue_dma source(%dma_start3A_109 : memref<128x128xf32, #tpu.memory_space<vmem_shared>>) target(%dma_start3A_107 : memref<128x128xf32, #tpu.memory_space<hbm>>) target_semaphore(%run_scoped3A_105 : memref<!tpu.dma_semaphore, #tpu.memory_space<semaphore_mem>>)
        %dma_wait3A = arith.constant 0 : i32
        %dma_wait3A_110 = tpu.memref_slice %arg6[%run_scoped3A, %add3A_79, %dma_wait3A] : memref<2x11392x128xf32, #tpu.memory_space<hbm>> -> memref<1x128x128xf32, #tpu.memory_space<hbm>>
        %dma_wait3A_111 = tpu.memref_squeeze %dma_wait3A_110 : memref<1x128x128xf32, #tpu.memory_space<hbm>> -> memref<128x128xf32, #tpu.memory_space<hbm>>
        %dma_wait3A_112 = arith.constant 0 : i32
        %dma_wait3A_113 = tpu.memref_slice %arg12[%add3A_77, %dma_wait3A_112] : memref<11392x128xf32, #tpu.memory_space<vmem_shared>> -> memref<128x128xf32, #tpu.memory_space<vmem_shared>>
        tpu.wait_dma2 semaphore(%run_scoped3A_105 : memref<!tpu.dma_semaphore, #tpu.memory_space<semaphore_mem>>) src(%dma_wait3A_113 : memref<128x128xf32, #tpu.memory_space<vmem_shared>>) dst(%dma_wait3A_111 : memref<128x128xf32, #tpu.memory_space<hbm>>)
        tpu.yield
      }) : () -> ()
      %add3A_80 = arith.constant 128 : i32
      %add3A_81 = arith.addi %mul3A_4, %add3A_80 : i32
      %add3A_82 = arith.constant 128 : i32
      %add3A_83 = arith.addi %mul3A_4, %add3A_82 : i32
      %run_scoped3A_84 = arith.constant 1 : i32
      "tpu.region"() ({
        %run_scoped3A_105 = tpu.sem_alloc : memref<!tpu.dma_semaphore, #tpu.memory_space<semaphore_mem>>
        %dma_start3A = arith.constant 0 : i32
        %dma_start3A_106 = tpu.memref_slice %arg6[%run_scoped3A_84, %add3A_83, %dma_start3A] : memref<2x11392x128xf32, #tpu.memory_space<hbm>> -> memref<1x128x128xf32, #tpu.memory_space<hbm>>
        %dma_start3A_107 = tpu.memref_squeeze %dma_start3A_106 : memref<1x128x128xf32, #tpu.memory_space<hbm>> -> memref<128x128xf32, #tpu.memory_space<hbm>>
        %dma_start3A_108 = arith.constant 0 : i32
        %dma_start3A_109 = tpu.memref_slice %arg12[%add3A_81, %dma_start3A_108] : memref<11392x128xf32, #tpu.memory_space<vmem_shared>> -> memref<128x128xf32, #tpu.memory_space<vmem_shared>>
        tpu.enqueue_dma source(%dma_start3A_109 : memref<128x128xf32, #tpu.memory_space<vmem_shared>>) target(%dma_start3A_107 : memref<128x128xf32, #tpu.memory_space<hbm>>) target_semaphore(%run_scoped3A_105 : memref<!tpu.dma_semaphore, #tpu.memory_space<semaphore_mem>>)
        %dma_wait3A = arith.constant 0 : i32
        %dma_wait3A_110 = tpu.memref_slice %arg6[%run_scoped3A_84, %add3A_83, %dma_wait3A] : memref<2x11392x128xf32, #tpu.memory_space<hbm>> -> memref<1x128x128xf32, #tpu.memory_space<hbm>>
        %dma_wait3A_111 = tpu.memref_squeeze %dma_wait3A_110 : memref<1x128x128xf32, #tpu.memory_space<hbm>> -> memref<128x128xf32, #tpu.memory_space<hbm>>
        %dma_wait3A_112 = arith.constant 0 : i32
        %dma_wait3A_113 = tpu.memref_slice %arg12[%add3A_81, %dma_wait3A_112] : memref<11392x128xf32, #tpu.memory_space<vmem_shared>> -> memref<128x128xf32, #tpu.memory_space<vmem_shared>>
        tpu.wait_dma2 semaphore(%run_scoped3A_105 : memref<!tpu.dma_semaphore, #tpu.memory_space<semaphore_mem>>) src(%dma_wait3A_113 : memref<128x128xf32, #tpu.memory_space<vmem_shared>>) dst(%dma_wait3A_111 : memref<128x128xf32, #tpu.memory_space<hbm>>)
        tpu.yield
      }) : () -> ()
      %add3A_85 = arith.constant 256 : i32
      %add3A_86 = arith.addi %mul3A_4, %add3A_85 : i32
      %add3A_87 = arith.constant 256 : i32
      %add3A_88 = arith.addi %mul3A_4, %add3A_87 : i32
      %run_scoped3A_89 = arith.constant 1 : i32
      "tpu.region"() ({
        %run_scoped3A_105 = tpu.sem_alloc : memref<!tpu.dma_semaphore, #tpu.memory_space<semaphore_mem>>
        %dma_start3A = arith.constant 0 : i32
        %dma_start3A_106 = tpu.memref_slice %arg6[%run_scoped3A_89, %add3A_88, %dma_start3A] : memref<2x11392x128xf32, #tpu.memory_space<hbm>> -> memref<1x128x128xf32, #tpu.memory_space<hbm>>
        %dma_start3A_107 = tpu.memref_squeeze %dma_start3A_106 : memref<1x128x128xf32, #tpu.memory_space<hbm>> -> memref<128x128xf32, #tpu.memory_space<hbm>>
        %dma_start3A_108 = arith.constant 0 : i32
        %dma_start3A_109 = tpu.memref_slice %arg12[%add3A_86, %dma_start3A_108] : memref<11392x128xf32, #tpu.memory_space<vmem_shared>> -> memref<128x128xf32, #tpu.memory_space<vmem_shared>>
        tpu.enqueue_dma source(%dma_start3A_109 : memref<128x128xf32, #tpu.memory_space<vmem_shared>>) target(%dma_start3A_107 : memref<128x128xf32, #tpu.memory_space<hbm>>) target_semaphore(%run_scoped3A_105 : memref<!tpu.dma_semaphore, #tpu.memory_space<semaphore_mem>>)
        %dma_wait3A = arith.constant 0 : i32
        %dma_wait3A_110 = tpu.memref_slice %arg6[%run_scoped3A_89, %add3A_88, %dma_wait3A] : memref<2x11392x128xf32, #tpu.memory_space<hbm>> -> memref<1x128x128xf32, #tpu.memory_space<hbm>>
        %dma_wait3A_111 = tpu.memref_squeeze %dma_wait3A_110 : memref<1x128x128xf32, #tpu.memory_space<hbm>> -> memref<128x128xf32, #tpu.memory_space<hbm>>
        %dma_wait3A_112 = arith.constant 0 : i32
        %dma_wait3A_113 = tpu.memref_slice %arg12[%add3A_86, %dma_wait3A_112] : memref<11392x128xf32, #tpu.memory_space<vmem_shared>> -> memref<128x128xf32, #tpu.memory_space<vmem_shared>>
        tpu.wait_dma2 semaphore(%run_scoped3A_105 : memref<!tpu.dma_semaphore, #tpu.memory_space<semaphore_mem>>) src(%dma_wait3A_113 : memref<128x128xf32, #tpu.memory_space<vmem_shared>>) dst(%dma_wait3A_111 : memref<128x128xf32, #tpu.memory_space<hbm>>)
        tpu.yield
      }) : () -> ()
      %add3A_90 = arith.constant 384 : i32
      %add3A_91 = arith.addi %mul3A_4, %add3A_90 : i32
      %add3A_92 = arith.constant 384 : i32
      %add3A_93 = arith.addi %mul3A_4, %add3A_92 : i32
      %run_scoped3A_94 = arith.constant 1 : i32
      "tpu.region"() ({
        %run_scoped3A_105 = tpu.sem_alloc : memref<!tpu.dma_semaphore, #tpu.memory_space<semaphore_mem>>
        %dma_start3A = arith.constant 0 : i32
        %dma_start3A_106 = tpu.memref_slice %arg6[%run_scoped3A_94, %add3A_93, %dma_start3A] : memref<2x11392x128xf32, #tpu.memory_space<hbm>> -> memref<1x128x128xf32, #tpu.memory_space<hbm>>
        %dma_start3A_107 = tpu.memref_squeeze %dma_start3A_106 : memref<1x128x128xf32, #tpu.memory_space<hbm>> -> memref<128x128xf32, #tpu.memory_space<hbm>>
        %dma_start3A_108 = arith.constant 0 : i32
        %dma_start3A_109 = tpu.memref_slice %arg12[%add3A_91, %dma_start3A_108] : memref<11392x128xf32, #tpu.memory_space<vmem_shared>> -> memref<128x128xf32, #tpu.memory_space<vmem_shared>>
        tpu.enqueue_dma source(%dma_start3A_109 : memref<128x128xf32, #tpu.memory_space<vmem_shared>>) target(%dma_start3A_107 : memref<128x128xf32, #tpu.memory_space<hbm>>) target_semaphore(%run_scoped3A_105 : memref<!tpu.dma_semaphore, #tpu.memory_space<semaphore_mem>>)
        %dma_wait3A = arith.constant 0 : i32
        %dma_wait3A_110 = tpu.memref_slice %arg6[%run_scoped3A_94, %add3A_93, %dma_wait3A] : memref<2x11392x128xf32, #tpu.memory_space<hbm>> -> memref<1x128x128xf32, #tpu.memory_space<hbm>>
        %dma_wait3A_111 = tpu.memref_squeeze %dma_wait3A_110 : memref<1x128x128xf32, #tpu.memory_space<hbm>> -> memref<128x128xf32, #tpu.memory_space<hbm>>
        %dma_wait3A_112 = arith.constant 0 : i32
        %dma_wait3A_113 = tpu.memref_slice %arg12[%add3A_91, %dma_wait3A_112] : memref<11392x128xf32, #tpu.memory_space<vmem_shared>> -> memref<128x128xf32, #tpu.memory_space<vmem_shared>>
        tpu.wait_dma2 semaphore(%run_scoped3A_105 : memref<!tpu.dma_semaphore, #tpu.memory_space<semaphore_mem>>) src(%dma_wait3A_113 : memref<128x128xf32, #tpu.memory_space<vmem_shared>>) dst(%dma_wait3A_111 : memref<128x128xf32, #tpu.memory_space<hbm>>)
        tpu.yield
      }) : () -> ()
      %add3A_95 = arith.constant 512 : i32
      %add3A_96 = arith.addi %mul3A_4, %add3A_95 : i32
      %add3A_97 = arith.constant 512 : i32
      %add3A_98 = arith.addi %mul3A_4, %add3A_97 : i32
      %run_scoped3A_99 = arith.constant 1 : i32
      "tpu.region"() ({
        %run_scoped3A_105 = tpu.sem_alloc : memref<!tpu.dma_semaphore, #tpu.memory_space<semaphore_mem>>
        %dma_start3A = arith.constant 0 : i32
        %dma_start3A_106 = tpu.memref_slice %arg6[%run_scoped3A_99, %add3A_98, %dma_start3A] : memref<2x11392x128xf32, #tpu.memory_space<hbm>> -> memref<1x128x128xf32, #tpu.memory_space<hbm>>
        %dma_start3A_107 = tpu.memref_squeeze %dma_start3A_106 : memref<1x128x128xf32, #tpu.memory_space<hbm>> -> memref<128x128xf32, #tpu.memory_space<hbm>>
        %dma_start3A_108 = arith.constant 0 : i32
        %dma_start3A_109 = tpu.memref_slice %arg12[%add3A_96, %dma_start3A_108] : memref<11392x128xf32, #tpu.memory_space<vmem_shared>> -> memref<128x128xf32, #tpu.memory_space<vmem_shared>>
        tpu.enqueue_dma source(%dma_start3A_109 : memref<128x128xf32, #tpu.memory_space<vmem_shared>>) target(%dma_start3A_107 : memref<128x128xf32, #tpu.memory_space<hbm>>) target_semaphore(%run_scoped3A_105 : memref<!tpu.dma_semaphore, #tpu.memory_space<semaphore_mem>>)
        %dma_wait3A = arith.constant 0 : i32
        %dma_wait3A_110 = tpu.memref_slice %arg6[%run_scoped3A_99, %add3A_98, %dma_wait3A] : memref<2x11392x128xf32, #tpu.memory_space<hbm>> -> memref<1x128x128xf32, #tpu.memory_space<hbm>>
        %dma_wait3A_111 = tpu.memref_squeeze %dma_wait3A_110 : memref<1x128x128xf32, #tpu.memory_space<hbm>> -> memref<128x128xf32, #tpu.memory_space<hbm>>
        %dma_wait3A_112 = arith.constant 0 : i32
        %dma_wait3A_113 = tpu.memref_slice %arg12[%add3A_96, %dma_wait3A_112] : memref<11392x128xf32, #tpu.memory_space<vmem_shared>> -> memref<128x128xf32, #tpu.memory_space<vmem_shared>>
        tpu.wait_dma2 semaphore(%run_scoped3A_105 : memref<!tpu.dma_semaphore, #tpu.memory_space<semaphore_mem>>) src(%dma_wait3A_113 : memref<128x128xf32, #tpu.memory_space<vmem_shared>>) dst(%dma_wait3A_111 : memref<128x128xf32, #tpu.memory_space<hbm>>)
        tpu.yield
      }) : () -> ()
      %add3A_100 = arith.constant 640 : i32
      %add3A_101 = arith.addi %mul3A_4, %add3A_100 : i32
      %add3A_102 = arith.constant 640 : i32
      %add3A_103 = arith.addi %mul3A_4, %add3A_102 : i32
      %run_scoped3A_104 = arith.constant 1 : i32
      "tpu.region"() ({
        %run_scoped3A_105 = tpu.sem_alloc : memref<!tpu.dma_semaphore, #tpu.memory_space<semaphore_mem>>
        %dma_start3A = arith.constant 0 : i32
        %dma_start3A_106 = tpu.memref_slice %arg6[%run_scoped3A_104, %add3A_103, %dma_start3A] : memref<2x11392x128xf32, #tpu.memory_space<hbm>> -> memref<1x72x128xf32, #tpu.memory_space<hbm>>
        %dma_start3A_107 = tpu.memref_squeeze %dma_start3A_106 : memref<1x72x128xf32, #tpu.memory_space<hbm>> -> memref<72x128xf32, #tpu.memory_space<hbm>>
        %dma_start3A_108 = arith.constant 0 : i32
        %dma_start3A_109 = tpu.memref_slice %arg12[%add3A_101, %dma_start3A_108] : memref<11392x128xf32, #tpu.memory_space<vmem_shared>> -> memref<72x128xf32, #tpu.memory_space<vmem_shared>>
        tpu.enqueue_dma source(%dma_start3A_109 : memref<72x128xf32, #tpu.memory_space<vmem_shared>>) target(%dma_start3A_107 : memref<72x128xf32, #tpu.memory_space<hbm>>) target_semaphore(%run_scoped3A_105 : memref<!tpu.dma_semaphore, #tpu.memory_space<semaphore_mem>>)
        %dma_wait3A = arith.constant 0 : i32
        %dma_wait3A_110 = tpu.memref_slice %arg6[%run_scoped3A_104, %add3A_103, %dma_wait3A] : memref<2x11392x128xf32, #tpu.memory_space<hbm>> -> memref<1x72x128xf32, #tpu.memory_space<hbm>>
        %dma_wait3A_111 = tpu.memref_squeeze %dma_wait3A_110 : memref<1x72x128xf32, #tpu.memory_space<hbm>> -> memref<72x128xf32, #tpu.memory_space<hbm>>
        %dma_wait3A_112 = arith.constant 0 : i32
        %dma_wait3A_113 = tpu.memref_slice %arg12[%add3A_101, %dma_wait3A_112] : memref<11392x128xf32, #tpu.memory_space<vmem_shared>> -> memref<72x128xf32, #tpu.memory_space<vmem_shared>>
        tpu.wait_dma2 semaphore(%run_scoped3A_105 : memref<!tpu.dma_semaphore, #tpu.memory_space<semaphore_mem>>) src(%dma_wait3A_113 : memref<72x128xf32, #tpu.memory_space<vmem_shared>>) dst(%dma_wait3A_111 : memref<72x128xf32, #tpu.memory_space<hbm>>)
        tpu.yield
      }) : () -> ()
    } else {
    }
    return
  }
}

#map = affine_map<(d0, d1) -> (0, 0)>
#map1 = affine_map<(d0, d1) -> (0)>
#map2 = affine_map<(d0, d1) -> (0, 0, 0)>
module attributes {stable_mosaic.version = 14 : i64} {
  func.func @k(%arg0: i32, %arg1: i32, %arg2: memref<128x128xf32, #tpu.memory_space<hbm>>, %arg3: memref<327680xi32, #tpu.memory_space<hbm>>, %arg4: memref<327680xi32, #tpu.memory_space<hbm>>, %arg5: memref<10240x128xf32, #tpu.memory_space<hbm>>, %arg6: memref<2x10240x128xf32, #tpu.memory_space<hbm>>, %arg7: memref<128xi32, #tpu.memory_space<vmem>>, %arg8: memref<128xi32, #tpu.memory_space<vmem>>, %arg9: memref<128xi32, #tpu.memory_space<vmem>>, %arg10: memref<128xi32, #tpu.memory_space<vmem>>, %arg11: memref<128xi32, #tpu.memory_space<vmem>>, %arg12: memref<128xi32, #tpu.memory_space<vmem>>, %arg13: memref<128xi32, #tpu.memory_space<vmem>>, %arg14: memref<128xi32, #tpu.memory_space<vmem>>, %arg15: memref<128x128xf32, #tpu.memory_space<vmem>>, %arg16: memref<128x128xf32, #tpu.memory_space<vmem>>, %arg17: memref<10240x128xf32, #tpu.memory_space<vmem_shared>>, %arg18: memref<!tpu.dma_semaphore, #tpu.memory_space<semaphore_mem>>, %arg19: memref<!tpu.dma_semaphore, #tpu.memory_space<semaphore_mem>>, %arg20: memref<!tpu.dma_semaphore, #tpu.memory_space<semaphore_mem>>, %arg21: memref<!tpu.dma_semaphore, #tpu.memory_space<semaphore_mem>>, %arg22: memref<!tpu.dma_semaphore, #tpu.memory_space<semaphore_mem>>, %arg23: memref<!tpu.dma_semaphore, #tpu.memory_space<semaphore_mem>>, %arg24: memref<!tpu.dma_semaphore, #tpu.memory_space<semaphore_mem>>, %arg25: memref<!tpu.dma_semaphore, #tpu.memory_space<semaphore_mem>>, %arg26: memref<!tpu.dma_semaphore, #tpu.memory_space<semaphore_mem>>, %arg27: memref<!tpu.dma_semaphore, #tpu.memory_space<semaphore_mem>>) attributes {dimension_semantics = [#tpu.dimension_semantics<core_parallel>, #tpu.dimension_semantics<subcore_parallel>], iteration_bounds = array<i64: 2, 16>, scalar_prefetch = 0 : i64, scratch_operands = 21 : i64, tpu.core_type = #tpu.core_type<sc_vector_subcore>, window_params = [{transform_indices = #map}, {transform_indices = #map1}, {transform_indices = #map1}, {transform_indices = #map}, {transform_indices = #map2}]} {
    %mul3A = arith.constant 2 : i32
    %mul3A_0 = arith.muli %arg1, %mul3A : i32
    %add3A = arith.addi %mul3A_0, %arg0 : i32
    %mul3A_1 = arith.constant 10240 : i32
    %mul3A_2 = arith.muli %add3A, %mul3A_1 : i32
    %multiple_of3A = tpu.assume_multiple %mul3A_2, 128 : i32
    "tpu.region"() ({
      %run_scoped3A = tpu.sem_alloc : memref<!tpu.dma_semaphore, #tpu.memory_space<semaphore_mem>>
      tpu.enqueue_dma source(%arg2 : memref<128x128xf32, #tpu.memory_space<hbm>>) target(%arg15 : memref<128x128xf32, #tpu.memory_space<vmem>>) target_semaphore(%run_scoped3A : memref<!tpu.dma_semaphore, #tpu.memory_space<semaphore_mem>>)
      tpu.wait_dma2 semaphore(%run_scoped3A : memref<!tpu.dma_semaphore, #tpu.memory_space<semaphore_mem>>) src(%arg2 : memref<128x128xf32, #tpu.memory_space<hbm>>) dst(%arg15 : memref<128x128xf32, #tpu.memory_space<vmem>>)
      tpu.yield
    }) : () -> ()
    %mul3A_3 = arith.constant 640 : i32
    %mul3A_4 = arith.muli %arg1, %mul3A_3 : i32
    %add3A_5 = arith.constant 0 : i32
    %add3A_6 = arith.addi %mul3A_4, %add3A_5 : i32
    "tpu.region"() ({
      %run_scoped3A = tpu.sem_alloc : memref<!tpu.dma_semaphore, #tpu.memory_space<semaphore_mem>>
      %dma_start3A_76 = arith.constant 0 : i32
      %dma_start3A_77 = tpu.memref_slice %arg17[%add3A_6, %dma_start3A_76] : memref<10240x128xf32, #tpu.memory_space<vmem_shared>> -> memref<128x128xf32, #tpu.memory_space<vmem_shared>>
      %dma_start3A_78 = arith.constant 0 : i32
      %dma_start3A_79 = tpu.memref_slice %arg17[%add3A_6, %dma_start3A_78] : memref<10240x128xf32, #tpu.memory_space<vmem_shared>> -> memref<128x128xf32, #tpu.memory_space<vmem_shared>>
      tpu.enqueue_dma source(%arg15 : memref<128x128xf32, #tpu.memory_space<vmem>>) target(%dma_start3A_79 : memref<128x128xf32, #tpu.memory_space<vmem_shared>>) target_semaphore(%run_scoped3A : memref<!tpu.dma_semaphore, #tpu.memory_space<semaphore_mem>>)
      %dma_wait3A_80 = arith.constant 0 : i32
      %dma_wait3A_81 = tpu.memref_slice %arg17[%add3A_6, %dma_wait3A_80] : memref<10240x128xf32, #tpu.memory_space<vmem_shared>> -> memref<128x128xf32, #tpu.memory_space<vmem_shared>>
      %dma_wait3A_82 = arith.constant 0 : i32
      %dma_wait3A_83 = tpu.memref_slice %arg17[%add3A_6, %dma_wait3A_82] : memref<10240x128xf32, #tpu.memory_space<vmem_shared>> -> memref<128x128xf32, #tpu.memory_space<vmem_shared>>
      tpu.wait_dma2 semaphore(%run_scoped3A : memref<!tpu.dma_semaphore, #tpu.memory_space<semaphore_mem>>) src(%arg15 : memref<128x128xf32, #tpu.memory_space<vmem>>) dst(%dma_wait3A_83 : memref<128x128xf32, #tpu.memory_space<vmem_shared>>)
      tpu.yield
    }) : () -> ()
    %add3A_7 = arith.constant 128 : i32
    %add3A_8 = arith.addi %mul3A_4, %add3A_7 : i32
    "tpu.region"() ({
      %run_scoped3A = tpu.sem_alloc : memref<!tpu.dma_semaphore, #tpu.memory_space<semaphore_mem>>
      %dma_start3A_76 = arith.constant 0 : i32
      %dma_start3A_77 = tpu.memref_slice %arg17[%add3A_8, %dma_start3A_76] : memref<10240x128xf32, #tpu.memory_space<vmem_shared>> -> memref<128x128xf32, #tpu.memory_space<vmem_shared>>
      %dma_start3A_78 = arith.constant 0 : i32
      %dma_start3A_79 = tpu.memref_slice %arg17[%add3A_8, %dma_start3A_78] : memref<10240x128xf32, #tpu.memory_space<vmem_shared>> -> memref<128x128xf32, #tpu.memory_space<vmem_shared>>
      tpu.enqueue_dma source(%arg15 : memref<128x128xf32, #tpu.memory_space<vmem>>) target(%dma_start3A_79 : memref<128x128xf32, #tpu.memory_space<vmem_shared>>) target_semaphore(%run_scoped3A : memref<!tpu.dma_semaphore, #tpu.memory_space<semaphore_mem>>)
      %dma_wait3A_80 = arith.constant 0 : i32
      %dma_wait3A_81 = tpu.memref_slice %arg17[%add3A_8, %dma_wait3A_80] : memref<10240x128xf32, #tpu.memory_space<vmem_shared>> -> memref<128x128xf32, #tpu.memory_space<vmem_shared>>
      %dma_wait3A_82 = arith.constant 0 : i32
      %dma_wait3A_83 = tpu.memref_slice %arg17[%add3A_8, %dma_wait3A_82] : memref<10240x128xf32, #tpu.memory_space<vmem_shared>> -> memref<128x128xf32, #tpu.memory_space<vmem_shared>>
      tpu.wait_dma2 semaphore(%run_scoped3A : memref<!tpu.dma_semaphore, #tpu.memory_space<semaphore_mem>>) src(%arg15 : memref<128x128xf32, #tpu.memory_space<vmem>>) dst(%dma_wait3A_83 : memref<128x128xf32, #tpu.memory_space<vmem_shared>>)
      tpu.yield
    }) : () -> ()
    %add3A_9 = arith.constant 256 : i32
    %add3A_10 = arith.addi %mul3A_4, %add3A_9 : i32
    "tpu.region"() ({
      %run_scoped3A = tpu.sem_alloc : memref<!tpu.dma_semaphore, #tpu.memory_space<semaphore_mem>>
      %dma_start3A_76 = arith.constant 0 : i32
      %dma_start3A_77 = tpu.memref_slice %arg17[%add3A_10, %dma_start3A_76] : memref<10240x128xf32, #tpu.memory_space<vmem_shared>> -> memref<128x128xf32, #tpu.memory_space<vmem_shared>>
      %dma_start3A_78 = arith.constant 0 : i32
      %dma_start3A_79 = tpu.memref_slice %arg17[%add3A_10, %dma_start3A_78] : memref<10240x128xf32, #tpu.memory_space<vmem_shared>> -> memref<128x128xf32, #tpu.memory_space<vmem_shared>>
      tpu.enqueue_dma source(%arg15 : memref<128x128xf32, #tpu.memory_space<vmem>>) target(%dma_start3A_79 : memref<128x128xf32, #tpu.memory_space<vmem_shared>>) target_semaphore(%run_scoped3A : memref<!tpu.dma_semaphore, #tpu.memory_space<semaphore_mem>>)
      %dma_wait3A_80 = arith.constant 0 : i32
      %dma_wait3A_81 = tpu.memref_slice %arg17[%add3A_10, %dma_wait3A_80] : memref<10240x128xf32, #tpu.memory_space<vmem_shared>> -> memref<128x128xf32, #tpu.memory_space<vmem_shared>>
      %dma_wait3A_82 = arith.constant 0 : i32
      %dma_wait3A_83 = tpu.memref_slice %arg17[%add3A_10, %dma_wait3A_82] : memref<10240x128xf32, #tpu.memory_space<vmem_shared>> -> memref<128x128xf32, #tpu.memory_space<vmem_shared>>
      tpu.wait_dma2 semaphore(%run_scoped3A : memref<!tpu.dma_semaphore, #tpu.memory_space<semaphore_mem>>) src(%arg15 : memref<128x128xf32, #tpu.memory_space<vmem>>) dst(%dma_wait3A_83 : memref<128x128xf32, #tpu.memory_space<vmem_shared>>)
      tpu.yield
    }) : () -> ()
    %add3A_11 = arith.constant 384 : i32
    %add3A_12 = arith.addi %mul3A_4, %add3A_11 : i32
    "tpu.region"() ({
      %run_scoped3A = tpu.sem_alloc : memref<!tpu.dma_semaphore, #tpu.memory_space<semaphore_mem>>
      %dma_start3A_76 = arith.constant 0 : i32
      %dma_start3A_77 = tpu.memref_slice %arg17[%add3A_12, %dma_start3A_76] : memref<10240x128xf32, #tpu.memory_space<vmem_shared>> -> memref<128x128xf32, #tpu.memory_space<vmem_shared>>
      %dma_start3A_78 = arith.constant 0 : i32
      %dma_start3A_79 = tpu.memref_slice %arg17[%add3A_12, %dma_start3A_78] : memref<10240x128xf32, #tpu.memory_space<vmem_shared>> -> memref<128x128xf32, #tpu.memory_space<vmem_shared>>
      tpu.enqueue_dma source(%arg15 : memref<128x128xf32, #tpu.memory_space<vmem>>) target(%dma_start3A_79 : memref<128x128xf32, #tpu.memory_space<vmem_shared>>) target_semaphore(%run_scoped3A : memref<!tpu.dma_semaphore, #tpu.memory_space<semaphore_mem>>)
      %dma_wait3A_80 = arith.constant 0 : i32
      %dma_wait3A_81 = tpu.memref_slice %arg17[%add3A_12, %dma_wait3A_80] : memref<10240x128xf32, #tpu.memory_space<vmem_shared>> -> memref<128x128xf32, #tpu.memory_space<vmem_shared>>
      %dma_wait3A_82 = arith.constant 0 : i32
      %dma_wait3A_83 = tpu.memref_slice %arg17[%add3A_12, %dma_wait3A_82] : memref<10240x128xf32, #tpu.memory_space<vmem_shared>> -> memref<128x128xf32, #tpu.memory_space<vmem_shared>>
      tpu.wait_dma2 semaphore(%run_scoped3A : memref<!tpu.dma_semaphore, #tpu.memory_space<semaphore_mem>>) src(%arg15 : memref<128x128xf32, #tpu.memory_space<vmem>>) dst(%dma_wait3A_83 : memref<128x128xf32, #tpu.memory_space<vmem_shared>>)
      tpu.yield
    }) : () -> ()
    %add3A_13 = arith.constant 512 : i32
    %add3A_14 = arith.addi %mul3A_4, %add3A_13 : i32
    "tpu.region"() ({
      %run_scoped3A = tpu.sem_alloc : memref<!tpu.dma_semaphore, #tpu.memory_space<semaphore_mem>>
      %dma_start3A_76 = arith.constant 0 : i32
      %dma_start3A_77 = tpu.memref_slice %arg17[%add3A_14, %dma_start3A_76] : memref<10240x128xf32, #tpu.memory_space<vmem_shared>> -> memref<128x128xf32, #tpu.memory_space<vmem_shared>>
      %dma_start3A_78 = arith.constant 0 : i32
      %dma_start3A_79 = tpu.memref_slice %arg17[%add3A_14, %dma_start3A_78] : memref<10240x128xf32, #tpu.memory_space<vmem_shared>> -> memref<128x128xf32, #tpu.memory_space<vmem_shared>>
      tpu.enqueue_dma source(%arg15 : memref<128x128xf32, #tpu.memory_space<vmem>>) target(%dma_start3A_79 : memref<128x128xf32, #tpu.memory_space<vmem_shared>>) target_semaphore(%run_scoped3A : memref<!tpu.dma_semaphore, #tpu.memory_space<semaphore_mem>>)
      %dma_wait3A_80 = arith.constant 0 : i32
      %dma_wait3A_81 = tpu.memref_slice %arg17[%add3A_14, %dma_wait3A_80] : memref<10240x128xf32, #tpu.memory_space<vmem_shared>> -> memref<128x128xf32, #tpu.memory_space<vmem_shared>>
      %dma_wait3A_82 = arith.constant 0 : i32
      %dma_wait3A_83 = tpu.memref_slice %arg17[%add3A_14, %dma_wait3A_82] : memref<10240x128xf32, #tpu.memory_space<vmem_shared>> -> memref<128x128xf32, #tpu.memory_space<vmem_shared>>
      tpu.wait_dma2 semaphore(%run_scoped3A : memref<!tpu.dma_semaphore, #tpu.memory_space<semaphore_mem>>) src(%arg15 : memref<128x128xf32, #tpu.memory_space<vmem>>) dst(%dma_wait3A_83 : memref<128x128xf32, #tpu.memory_space<vmem_shared>>)
      tpu.yield
    }) : () -> ()
    %barrier3A = arith.constant 0 : index
    tpu.barrier barrier_id(%barrier3A)
    %add3A_15 = arith.constant 0 : i32
    %add3A_16 = arith.addi %multiple_of3A, %add3A_15 : i32
    %multiple_of3A_17 = tpu.assume_multiple %add3A_16, 128 : i32
    %dma_start3A = tpu.memref_slice %arg3[%multiple_of3A_17] : memref<327680xi32, #tpu.memory_space<hbm>> -> memref<128xi32, #tpu.memory_space<hbm>>
    %dma_start3A_18 = tpu.memref_slice %arg3[%multiple_of3A_17] : memref<327680xi32, #tpu.memory_space<hbm>> -> memref<128xi32, #tpu.memory_space<hbm>>
    tpu.enqueue_dma source(%dma_start3A_18 : memref<128xi32, #tpu.memory_space<hbm>>) target(%arg7 : memref<128xi32, #tpu.memory_space<vmem>>) target_semaphore(%arg18 : memref<!tpu.dma_semaphore, #tpu.memory_space<semaphore_mem>>)
    %add3A_19 = arith.constant 0 : i32
    %add3A_20 = arith.addi %multiple_of3A, %add3A_19 : i32
    %multiple_of3A_21 = tpu.assume_multiple %add3A_20, 128 : i32
    %dma_start3A_22 = tpu.memref_slice %arg4[%multiple_of3A_21] : memref<327680xi32, #tpu.memory_space<hbm>> -> memref<128xi32, #tpu.memory_space<hbm>>
    %dma_start3A_23 = tpu.memref_slice %arg4[%multiple_of3A_21] : memref<327680xi32, #tpu.memory_space<hbm>> -> memref<128xi32, #tpu.memory_space<hbm>>
    tpu.enqueue_dma source(%dma_start3A_23 : memref<128xi32, #tpu.memory_space<hbm>>) target(%arg11 : memref<128xi32, #tpu.memory_space<vmem>>) target_semaphore(%arg22 : memref<!tpu.dma_semaphore, #tpu.memory_space<semaphore_mem>>)
    %add3A_24 = arith.constant 128 : i32
    %add3A_25 = arith.addi %multiple_of3A, %add3A_24 : i32
    %multiple_of3A_26 = tpu.assume_multiple %add3A_25, 128 : i32
    %dma_start3A_27 = tpu.memref_slice %arg3[%multiple_of3A_26] : memref<327680xi32, #tpu.memory_space<hbm>> -> memref<128xi32, #tpu.memory_space<hbm>>
    %dma_start3A_28 = tpu.memref_slice %arg3[%multiple_of3A_26] : memref<327680xi32, #tpu.memory_space<hbm>> -> memref<128xi32, #tpu.memory_space<hbm>>
    tpu.enqueue_dma source(%dma_start3A_28 : memref<128xi32, #tpu.memory_space<hbm>>) target(%arg8 : memref<128xi32, #tpu.memory_space<vmem>>) target_semaphore(%arg19 : memref<!tpu.dma_semaphore, #tpu.memory_space<semaphore_mem>>)
    %add3A_29 = arith.constant 128 : i32
    %add3A_30 = arith.addi %multiple_of3A, %add3A_29 : i32
    %multiple_of3A_31 = tpu.assume_multiple %add3A_30, 128 : i32
    %dma_start3A_32 = tpu.memref_slice %arg4[%multiple_of3A_31] : memref<327680xi32, #tpu.memory_space<hbm>> -> memref<128xi32, #tpu.memory_space<hbm>>
    %dma_start3A_33 = tpu.memref_slice %arg4[%multiple_of3A_31] : memref<327680xi32, #tpu.memory_space<hbm>> -> memref<128xi32, #tpu.memory_space<hbm>>
    tpu.enqueue_dma source(%dma_start3A_33 : memref<128xi32, #tpu.memory_space<hbm>>) target(%arg12 : memref<128xi32, #tpu.memory_space<vmem>>) target_semaphore(%arg23 : memref<!tpu.dma_semaphore, #tpu.memory_space<semaphore_mem>>)
    %add3A_34 = arith.constant 256 : i32
    %add3A_35 = arith.addi %multiple_of3A, %add3A_34 : i32
    %multiple_of3A_36 = tpu.assume_multiple %add3A_35, 128 : i32
    %dma_start3A_37 = tpu.memref_slice %arg3[%multiple_of3A_36] : memref<327680xi32, #tpu.memory_space<hbm>> -> memref<128xi32, #tpu.memory_space<hbm>>
    %dma_start3A_38 = tpu.memref_slice %arg3[%multiple_of3A_36] : memref<327680xi32, #tpu.memory_space<hbm>> -> memref<128xi32, #tpu.memory_space<hbm>>
    tpu.enqueue_dma source(%dma_start3A_38 : memref<128xi32, #tpu.memory_space<hbm>>) target(%arg9 : memref<128xi32, #tpu.memory_space<vmem>>) target_semaphore(%arg20 : memref<!tpu.dma_semaphore, #tpu.memory_space<semaphore_mem>>)
    %add3A_39 = arith.constant 256 : i32
    %add3A_40 = arith.addi %multiple_of3A, %add3A_39 : i32
    %multiple_of3A_41 = tpu.assume_multiple %add3A_40, 128 : i32
    %dma_start3A_42 = tpu.memref_slice %arg4[%multiple_of3A_41] : memref<327680xi32, #tpu.memory_space<hbm>> -> memref<128xi32, #tpu.memory_space<hbm>>
    %dma_start3A_43 = tpu.memref_slice %arg4[%multiple_of3A_41] : memref<327680xi32, #tpu.memory_space<hbm>> -> memref<128xi32, #tpu.memory_space<hbm>>
    tpu.enqueue_dma source(%dma_start3A_43 : memref<128xi32, #tpu.memory_space<hbm>>) target(%arg13 : memref<128xi32, #tpu.memory_space<vmem>>) target_semaphore(%arg24 : memref<!tpu.dma_semaphore, #tpu.memory_space<semaphore_mem>>)
    %add3A_44 = arith.constant 384 : i32
    %add3A_45 = arith.addi %multiple_of3A, %add3A_44 : i32
    %multiple_of3A_46 = tpu.assume_multiple %add3A_45, 128 : i32
    %dma_start3A_47 = tpu.memref_slice %arg3[%multiple_of3A_46] : memref<327680xi32, #tpu.memory_space<hbm>> -> memref<128xi32, #tpu.memory_space<hbm>>
    %dma_start3A_48 = tpu.memref_slice %arg3[%multiple_of3A_46] : memref<327680xi32, #tpu.memory_space<hbm>> -> memref<128xi32, #tpu.memory_space<hbm>>
    tpu.enqueue_dma source(%dma_start3A_48 : memref<128xi32, #tpu.memory_space<hbm>>) target(%arg10 : memref<128xi32, #tpu.memory_space<vmem>>) target_semaphore(%arg21 : memref<!tpu.dma_semaphore, #tpu.memory_space<semaphore_mem>>)
    %add3A_49 = arith.constant 384 : i32
    %add3A_50 = arith.addi %multiple_of3A, %add3A_49 : i32
    %multiple_of3A_51 = tpu.assume_multiple %add3A_50, 128 : i32
    %dma_start3A_52 = tpu.memref_slice %arg4[%multiple_of3A_51] : memref<327680xi32, #tpu.memory_space<hbm>> -> memref<128xi32, #tpu.memory_space<hbm>>
    %dma_start3A_53 = tpu.memref_slice %arg4[%multiple_of3A_51] : memref<327680xi32, #tpu.memory_space<hbm>> -> memref<128xi32, #tpu.memory_space<hbm>>
    tpu.enqueue_dma source(%dma_start3A_53 : memref<128xi32, #tpu.memory_space<hbm>>) target(%arg14 : memref<128xi32, #tpu.memory_space<vmem>>) target_semaphore(%arg25 : memref<!tpu.dma_semaphore, #tpu.memory_space<semaphore_mem>>)
    %dma_wait3A = tpu.memref_slice %arg3[%multiple_of3A] : memref<327680xi32, #tpu.memory_space<hbm>> -> memref<128xi32, #tpu.memory_space<hbm>>
    %dma_wait3A_54 = tpu.memref_slice %arg3[%multiple_of3A] : memref<327680xi32, #tpu.memory_space<hbm>> -> memref<128xi32, #tpu.memory_space<hbm>>
    tpu.wait_dma2 semaphore(%arg18 : memref<!tpu.dma_semaphore, #tpu.memory_space<semaphore_mem>>) src(%dma_wait3A_54 : memref<128xi32, #tpu.memory_space<hbm>>) dst(%arg7 : memref<128xi32, #tpu.memory_space<vmem>>)
    %dma_start3A_55 = arith.constant 0 : i32
    %dma_start3A_56 = arith.constant 0 : i32
    %dma_start3A_57 = tpu.memref_slice %arg5[%dma_start3A_55, %dma_start3A_56] : memref<10240x128xf32, #tpu.memory_space<hbm>> -> memref<10240x128xf32, #tpu.memory_space<hbm>>
    tpu.enqueue_indirect_dma source(%dma_start3A_57 : memref<10240x128xf32, #tpu.memory_space<hbm>>) target(%arg15 : memref<128x128xf32, #tpu.memory_space<vmem>>) offsets(%arg7 : memref<128xi32, #tpu.memory_space<vmem>>) semaphore(%arg26 : memref<!tpu.dma_semaphore, #tpu.memory_space<semaphore_mem>>)
    %dma_wait3A_58 = tpu.memref_slice %arg3[%multiple_of3A] : memref<327680xi32, #tpu.memory_space<hbm>> -> memref<128xi32, #tpu.memory_space<hbm>>
    %dma_wait3A_59 = tpu.memref_slice %arg3[%multiple_of3A] : memref<327680xi32, #tpu.memory_space<hbm>> -> memref<128xi32, #tpu.memory_space<hbm>>
    tpu.wait_dma2 semaphore(%arg19 : memref<!tpu.dma_semaphore, #tpu.memory_space<semaphore_mem>>) src(%dma_wait3A_59 : memref<128xi32, #tpu.memory_space<hbm>>) dst(%arg8 : memref<128xi32, #tpu.memory_space<vmem>>)
    %dma_start3A_60 = arith.constant 0 : i32
    %dma_start3A_61 = arith.constant 0 : i32
    %dma_start3A_62 = tpu.memref_slice %arg5[%dma_start3A_60, %dma_start3A_61] : memref<10240x128xf32, #tpu.memory_space<hbm>> -> memref<10240x128xf32, #tpu.memory_space<hbm>>
    tpu.enqueue_indirect_dma source(%dma_start3A_62 : memref<10240x128xf32, #tpu.memory_space<hbm>>) target(%arg16 : memref<128x128xf32, #tpu.memory_space<vmem>>) offsets(%arg8 : memref<128xi32, #tpu.memory_space<vmem>>) semaphore(%arg27 : memref<!tpu.dma_semaphore, #tpu.memory_space<semaphore_mem>>)
    %scan3A = arith.constant 0 : i32
    %scan3A_63 = arith.constant 0 : i32
    %scan3A_64 = arith.constant 20 : i32
    %scan3A_65 = arith.addi %scan3A_63, %scan3A_64 : i32
    %scan3A_66 = arith.constant 1 : i32
    scf.for %scan3A_76 = %scan3A_63 to %scan3A_65 step %scan3A_66  : i32 {
      %mul3A_77 = arith.constant 4 : i32
      %mul3A_78 = arith.muli %scan3A_76, %mul3A_77 : i32
      %add3A_79 = arith.constant 0 : i32
      %add3A_80 = arith.addi %mul3A_78, %add3A_79 : i32
      %dma_wait3A_81 = arith.constant 0 : i32
      %dma_wait3A_82 = arith.constant 0 : i32
      %dma_wait3A_83 = tpu.memref_slice %arg5[%dma_wait3A_81, %dma_wait3A_82] : memref<10240x128xf32, #tpu.memory_space<hbm>> -> memref<10240x128xf32, #tpu.memory_space<hbm>>
      tpu.wait_indirect_dma semaphore(%arg26 : memref<!tpu.dma_semaphore, #tpu.memory_space<semaphore_mem>>) src(%dma_wait3A_83 : memref<10240x128xf32, #tpu.memory_space<hbm>>) dst(%arg15 : memref<128x128xf32, #tpu.memory_space<vmem>>)
      %add3A_84 = arith.constant 4 : i32
      %add3A_85 = arith.addi %add3A_80, %add3A_84 : i32
      %lt3A = arith.constant 80 : i32
      %lt3A_86 = arith.cmpi slt, %add3A_85, %lt3A : i32
      %convert_element_type3A_87 = arith.extui %lt3A_86 : i1 to i32
      %cond3A_88 = arith.constant 0 : i32
      %cond3A_89 = arith.cmpi ne, %convert_element_type3A_87, %cond3A_88 : i32
      scf.if %cond3A_89 {
        %add3A_190 = arith.constant 4 : i32
        %add3A_191 = arith.addi %add3A_80, %add3A_190 : i32
        %mul3A_192 = arith.constant 128 : i32
        %mul3A_193 = arith.muli %add3A_191, %mul3A_192 : i32
        %add3A_194 = arith.addi %multiple_of3A, %mul3A_193 : i32
        %multiple_of3A_195 = tpu.assume_multiple %add3A_194, 128 : i32
        %dma_start3A_196 = tpu.memref_slice %arg3[%multiple_of3A_195] : memref<327680xi32, #tpu.memory_space<hbm>> -> memref<128xi32, #tpu.memory_space<hbm>>
        %dma_start3A_197 = tpu.memref_slice %arg3[%multiple_of3A_195] : memref<327680xi32, #tpu.memory_space<hbm>> -> memref<128xi32, #tpu.memory_space<hbm>>
        tpu.enqueue_dma source(%dma_start3A_197 : memref<128xi32, #tpu.memory_space<hbm>>) target(%arg7 : memref<128xi32, #tpu.memory_space<vmem>>) target_semaphore(%arg18 : memref<!tpu.dma_semaphore, #tpu.memory_space<semaphore_mem>>)
      } else {
      }
      %dma_wait3A_90 = tpu.memref_slice %arg4[%multiple_of3A] : memref<327680xi32, #tpu.memory_space<hbm>> -> memref<128xi32, #tpu.memory_space<hbm>>
      %dma_wait3A_91 = tpu.memref_slice %arg4[%multiple_of3A] : memref<327680xi32, #tpu.memory_space<hbm>> -> memref<128xi32, #tpu.memory_space<hbm>>
      tpu.wait_dma2 semaphore(%arg22 : memref<!tpu.dma_semaphore, #tpu.memory_space<semaphore_mem>>) src(%dma_wait3A_91 : memref<128xi32, #tpu.memory_space<hbm>>) dst(%arg11 : memref<128xi32, #tpu.memory_space<vmem>>)
      "tpu.region"() ({
        %run_scoped3A = tpu.sem_alloc : memref<!tpu.dma_semaphore, #tpu.memory_space<semaphore_mem>>
        %dma_start3A_190 = arith.constant 0 : i32
        %dma_start3A_191 = arith.constant 0 : i32
        %dma_start3A_192 = tpu.memref_slice %arg17[%dma_start3A_190, %dma_start3A_191] : memref<10240x128xf32, #tpu.memory_space<vmem_shared>> -> memref<10240x128xf32, #tpu.memory_space<vmem_shared>>
        tpu.enqueue_indirect_dma source(%arg15 : memref<128x128xf32, #tpu.memory_space<vmem>>) target(%dma_start3A_192 : memref<10240x128xf32, #tpu.memory_space<vmem_shared>>) offsets(%arg11 : memref<128xi32, #tpu.memory_space<vmem>>) semaphore(%run_scoped3A : memref<!tpu.dma_semaphore, #tpu.memory_space<semaphore_mem>>) {add = true}
        %dma_wait3A_193 = arith.constant 0 : i32
        %dma_wait3A_194 = arith.constant 0 : i32
        %dma_wait3A_195 = tpu.memref_slice %arg17[%dma_wait3A_193, %dma_wait3A_194] : memref<10240x128xf32, #tpu.memory_space<vmem_shared>> -> memref<10240x128xf32, #tpu.memory_space<vmem_shared>>
        tpu.wait_indirect_dma semaphore(%run_scoped3A : memref<!tpu.dma_semaphore, #tpu.memory_space<semaphore_mem>>) src(%arg15 : memref<128x128xf32, #tpu.memory_space<vmem>>) dst(%dma_wait3A_195 : memref<10240x128xf32, #tpu.memory_space<vmem_shared>>)
        tpu.yield
      }) : () -> ()
      %add3A_92 = arith.constant 4 : i32
      %add3A_93 = arith.addi %add3A_80, %add3A_92 : i32
      %lt3A_94 = arith.constant 80 : i32
      %lt3A_95 = arith.cmpi slt, %add3A_93, %lt3A_94 : i32
      %convert_element_type3A_96 = arith.extui %lt3A_95 : i1 to i32
      %cond3A_97 = arith.constant 0 : i32
      %cond3A_98 = arith.cmpi ne, %convert_element_type3A_96, %cond3A_97 : i32
      scf.if %cond3A_98 {
        %add3A_190 = arith.constant 4 : i32
        %add3A_191 = arith.addi %add3A_80, %add3A_190 : i32
        %mul3A_192 = arith.constant 128 : i32
        %mul3A_193 = arith.muli %add3A_191, %mul3A_192 : i32
        %add3A_194 = arith.addi %multiple_of3A, %mul3A_193 : i32
        %multiple_of3A_195 = tpu.assume_multiple %add3A_194, 128 : i32
        %dma_start3A_196 = tpu.memref_slice %arg4[%multiple_of3A_195] : memref<327680xi32, #tpu.memory_space<hbm>> -> memref<128xi32, #tpu.memory_space<hbm>>
        %dma_start3A_197 = tpu.memref_slice %arg4[%multiple_of3A_195] : memref<327680xi32, #tpu.memory_space<hbm>> -> memref<128xi32, #tpu.memory_space<hbm>>
        tpu.enqueue_dma source(%dma_start3A_197 : memref<128xi32, #tpu.memory_space<hbm>>) target(%arg11 : memref<128xi32, #tpu.memory_space<vmem>>) target_semaphore(%arg22 : memref<!tpu.dma_semaphore, #tpu.memory_space<semaphore_mem>>)
      } else {
      }
      %add3A_99 = arith.constant 2 : i32
      %add3A_100 = arith.addi %add3A_80, %add3A_99 : i32
      %lt3A_101 = arith.constant 80 : i32
      %lt3A_102 = arith.cmpi slt, %add3A_100, %lt3A_101 : i32
      %convert_element_type3A_103 = arith.extui %lt3A_102 : i1 to i32
      %cond3A_104 = arith.constant 0 : i32
      %cond3A_105 = arith.cmpi ne, %convert_element_type3A_103, %cond3A_104 : i32
      scf.if %cond3A_105 {
        %dma_wait3A_190 = tpu.memref_slice %arg3[%multiple_of3A] : memref<327680xi32, #tpu.memory_space<hbm>> -> memref<128xi32, #tpu.memory_space<hbm>>
        %dma_wait3A_191 = tpu.memref_slice %arg3[%multiple_of3A] : memref<327680xi32, #tpu.memory_space<hbm>> -> memref<128xi32, #tpu.memory_space<hbm>>
        tpu.wait_dma2 semaphore(%arg20 : memref<!tpu.dma_semaphore, #tpu.memory_space<semaphore_mem>>) src(%dma_wait3A_191 : memref<128xi32, #tpu.memory_space<hbm>>) dst(%arg9 : memref<128xi32, #tpu.memory_space<vmem>>)
        %dma_start3A_192 = arith.constant 0 : i32
        %dma_start3A_193 = arith.constant 0 : i32
        %dma_start3A_194 = tpu.memref_slice %arg5[%dma_start3A_192, %dma_start3A_193] : memref<10240x128xf32, #tpu.memory_space<hbm>> -> memref<10240x128xf32, #tpu.memory_space<hbm>>
        tpu.enqueue_indirect_dma source(%dma_start3A_194 : memref<10240x128xf32, #tpu.memory_space<hbm>>) target(%arg15 : memref<128x128xf32, #tpu.memory_space<vmem>>) offsets(%arg9 : memref<128xi32, #tpu.memory_space<vmem>>) semaphore(%arg26 : memref<!tpu.dma_semaphore, #tpu.memory_space<semaphore_mem>>)
      } else {
      }
      %add3A_106 = arith.constant 1 : i32
      %add3A_107 = arith.addi %mul3A_78, %add3A_106 : i32
      %dma_wait3A_108 = arith.constant 0 : i32
      %dma_wait3A_109 = arith.constant 0 : i32
      %dma_wait3A_110 = tpu.memref_slice %arg5[%dma_wait3A_108, %dma_wait3A_109] : memref<10240x128xf32, #tpu.memory_space<hbm>> -> memref<10240x128xf32, #tpu.memory_space<hbm>>
      tpu.wait_indirect_dma semaphore(%arg27 : memref<!tpu.dma_semaphore, #tpu.memory_space<semaphore_mem>>) src(%dma_wait3A_110 : memref<10240x128xf32, #tpu.memory_space<hbm>>) dst(%arg16 : memref<128x128xf32, #tpu.memory_space<vmem>>)
      %add3A_111 = arith.constant 4 : i32
      %add3A_112 = arith.addi %add3A_107, %add3A_111 : i32
      %lt3A_113 = arith.constant 80 : i32
      %lt3A_114 = arith.cmpi slt, %add3A_112, %lt3A_113 : i32
      %convert_element_type3A_115 = arith.extui %lt3A_114 : i1 to i32
      %cond3A_116 = arith.constant 0 : i32
      %cond3A_117 = arith.cmpi ne, %convert_element_type3A_115, %cond3A_116 : i32
      scf.if %cond3A_117 {
        %add3A_190 = arith.constant 4 : i32
        %add3A_191 = arith.addi %add3A_107, %add3A_190 : i32
        %mul3A_192 = arith.constant 128 : i32
        %mul3A_193 = arith.muli %add3A_191, %mul3A_192 : i32
        %add3A_194 = arith.addi %multiple_of3A, %mul3A_193 : i32
        %multiple_of3A_195 = tpu.assume_multiple %add3A_194, 128 : i32
        %dma_start3A_196 = tpu.memref_slice %arg3[%multiple_of3A_195] : memref<327680xi32, #tpu.memory_space<hbm>> -> memref<128xi32, #tpu.memory_space<hbm>>
        %dma_start3A_197 = tpu.memref_slice %arg3[%multiple_of3A_195] : memref<327680xi32, #tpu.memory_space<hbm>> -> memref<128xi32, #tpu.memory_space<hbm>>
        tpu.enqueue_dma source(%dma_start3A_197 : memref<128xi32, #tpu.memory_space<hbm>>) target(%arg8 : memref<128xi32, #tpu.memory_space<vmem>>) target_semaphore(%arg19 : memref<!tpu.dma_semaphore, #tpu.memory_space<semaphore_mem>>)
      } else {
      }
      %dma_wait3A_118 = tpu.memref_slice %arg4[%multiple_of3A] : memref<327680xi32, #tpu.memory_space<hbm>> -> memref<128xi32, #tpu.memory_space<hbm>>
      %dma_wait3A_119 = tpu.memref_slice %arg4[%multiple_of3A] : memref<327680xi32, #tpu.memory_space<hbm>> -> memref<128xi32, #tpu.memory_space<hbm>>
      tpu.wait_dma2 semaphore(%arg23 : memref<!tpu.dma_semaphore, #tpu.memory_space<semaphore_mem>>) src(%dma_wait3A_119 : memref<128xi32, #tpu.memory_space<hbm>>) dst(%arg12 : memref<128xi32, #tpu.memory_space<vmem>>)
      "tpu.region"() ({
        %run_scoped3A = tpu.sem_alloc : memref<!tpu.dma_semaphore, #tpu.memory_space<semaphore_mem>>
        %dma_start3A_190 = arith.constant 0 : i32
        %dma_start3A_191 = arith.constant 0 : i32
        %dma_start3A_192 = tpu.memref_slice %arg17[%dma_start3A_190, %dma_start3A_191] : memref<10240x128xf32, #tpu.memory_space<vmem_shared>> -> memref<10240x128xf32, #tpu.memory_space<vmem_shared>>
        tpu.enqueue_indirect_dma source(%arg16 : memref<128x128xf32, #tpu.memory_space<vmem>>) target(%dma_start3A_192 : memref<10240x128xf32, #tpu.memory_space<vmem_shared>>) offsets(%arg12 : memref<128xi32, #tpu.memory_space<vmem>>) semaphore(%run_scoped3A : memref<!tpu.dma_semaphore, #tpu.memory_space<semaphore_mem>>) {add = true}
        %dma_wait3A_193 = arith.constant 0 : i32
        %dma_wait3A_194 = arith.constant 0 : i32
        %dma_wait3A_195 = tpu.memref_slice %arg17[%dma_wait3A_193, %dma_wait3A_194] : memref<10240x128xf32, #tpu.memory_space<vmem_shared>> -> memref<10240x128xf32, #tpu.memory_space<vmem_shared>>
        tpu.wait_indirect_dma semaphore(%run_scoped3A : memref<!tpu.dma_semaphore, #tpu.memory_space<semaphore_mem>>) src(%arg16 : memref<128x128xf32, #tpu.memory_space<vmem>>) dst(%dma_wait3A_195 : memref<10240x128xf32, #tpu.memory_space<vmem_shared>>)
        tpu.yield
      }) : () -> ()
      %add3A_120 = arith.constant 4 : i32
      %add3A_121 = arith.addi %add3A_107, %add3A_120 : i32
      %lt3A_122 = arith.constant 80 : i32
      %lt3A_123 = arith.cmpi slt, %add3A_121, %lt3A_122 : i32
      %convert_element_type3A_124 = arith.extui %lt3A_123 : i1 to i32
      %cond3A_125 = arith.constant 0 : i32
      %cond3A_126 = arith.cmpi ne, %convert_element_type3A_124, %cond3A_125 : i32
      scf.if %cond3A_126 {
        %add3A_190 = arith.constant 4 : i32
        %add3A_191 = arith.addi %add3A_107, %add3A_190 : i32
        %mul3A_192 = arith.constant 128 : i32
        %mul3A_193 = arith.muli %add3A_191, %mul3A_192 : i32
        %add3A_194 = arith.addi %multiple_of3A, %mul3A_193 : i32
        %multiple_of3A_195 = tpu.assume_multiple %add3A_194, 128 : i32
        %dma_start3A_196 = tpu.memref_slice %arg4[%multiple_of3A_195] : memref<327680xi32, #tpu.memory_space<hbm>> -> memref<128xi32, #tpu.memory_space<hbm>>
        %dma_start3A_197 = tpu.memref_slice %arg4[%multiple_of3A_195] : memref<327680xi32, #tpu.memory_space<hbm>> -> memref<128xi32, #tpu.memory_space<hbm>>
        tpu.enqueue_dma source(%dma_start3A_197 : memref<128xi32, #tpu.memory_space<hbm>>) target(%arg12 : memref<128xi32, #tpu.memory_space<vmem>>) target_semaphore(%arg23 : memref<!tpu.dma_semaphore, #tpu.memory_space<semaphore_mem>>)
      } else {
      }
      %add3A_127 = arith.constant 2 : i32
      %add3A_128 = arith.addi %add3A_107, %add3A_127 : i32
      %lt3A_129 = arith.constant 80 : i32
      %lt3A_130 = arith.cmpi slt, %add3A_128, %lt3A_129 : i32
      %convert_element_type3A_131 = arith.extui %lt3A_130 : i1 to i32
      %cond3A_132 = arith.constant 0 : i32
      %cond3A_133 = arith.cmpi ne, %convert_element_type3A_131, %cond3A_132 : i32
      scf.if %cond3A_133 {
        %dma_wait3A_190 = tpu.memref_slice %arg3[%multiple_of3A] : memref<327680xi32, #tpu.memory_space<hbm>> -> memref<128xi32, #tpu.memory_space<hbm>>
        %dma_wait3A_191 = tpu.memref_slice %arg3[%multiple_of3A] : memref<327680xi32, #tpu.memory_space<hbm>> -> memref<128xi32, #tpu.memory_space<hbm>>
        tpu.wait_dma2 semaphore(%arg21 : memref<!tpu.dma_semaphore, #tpu.memory_space<semaphore_mem>>) src(%dma_wait3A_191 : memref<128xi32, #tpu.memory_space<hbm>>) dst(%arg10 : memref<128xi32, #tpu.memory_space<vmem>>)
        %dma_start3A_192 = arith.constant 0 : i32
        %dma_start3A_193 = arith.constant 0 : i32
        %dma_start3A_194 = tpu.memref_slice %arg5[%dma_start3A_192, %dma_start3A_193] : memref<10240x128xf32, #tpu.memory_space<hbm>> -> memref<10240x128xf32, #tpu.memory_space<hbm>>
        tpu.enqueue_indirect_dma source(%dma_start3A_194 : memref<10240x128xf32, #tpu.memory_space<hbm>>) target(%arg16 : memref<128x128xf32, #tpu.memory_space<vmem>>) offsets(%arg10 : memref<128xi32, #tpu.memory_space<vmem>>) semaphore(%arg27 : memref<!tpu.dma_semaphore, #tpu.memory_space<semaphore_mem>>)
      } else {
      }
      %add3A_134 = arith.constant 2 : i32
      %add3A_135 = arith.addi %mul3A_78, %add3A_134 : i32
      %dma_wait3A_136 = arith.constant 0 : i32
      %dma_wait3A_137 = arith.constant 0 : i32
      %dma_wait3A_138 = tpu.memref_slice %arg5[%dma_wait3A_136, %dma_wait3A_137] : memref<10240x128xf32, #tpu.memory_space<hbm>> -> memref<10240x128xf32, #tpu.memory_space<hbm>>
      tpu.wait_indirect_dma semaphore(%arg26 : memref<!tpu.dma_semaphore, #tpu.memory_space<semaphore_mem>>) src(%dma_wait3A_138 : memref<10240x128xf32, #tpu.memory_space<hbm>>) dst(%arg15 : memref<128x128xf32, #tpu.memory_space<vmem>>)
      %add3A_139 = arith.constant 4 : i32
      %add3A_140 = arith.addi %add3A_135, %add3A_139 : i32
      %lt3A_141 = arith.constant 80 : i32
      %lt3A_142 = arith.cmpi slt, %add3A_140, %lt3A_141 : i32
      %convert_element_type3A_143 = arith.extui %lt3A_142 : i1 to i32
      %cond3A_144 = arith.constant 0 : i32
      %cond3A_145 = arith.cmpi ne, %convert_element_type3A_143, %cond3A_144 : i32
      scf.if %cond3A_145 {
        %add3A_190 = arith.constant 4 : i32
        %add3A_191 = arith.addi %add3A_135, %add3A_190 : i32
        %mul3A_192 = arith.constant 128 : i32
        %mul3A_193 = arith.muli %add3A_191, %mul3A_192 : i32
        %add3A_194 = arith.addi %multiple_of3A, %mul3A_193 : i32
        %multiple_of3A_195 = tpu.assume_multiple %add3A_194, 128 : i32
        %dma_start3A_196 = tpu.memref_slice %arg3[%multiple_of3A_195] : memref<327680xi32, #tpu.memory_space<hbm>> -> memref<128xi32, #tpu.memory_space<hbm>>
        %dma_start3A_197 = tpu.memref_slice %arg3[%multiple_of3A_195] : memref<327680xi32, #tpu.memory_space<hbm>> -> memref<128xi32, #tpu.memory_space<hbm>>
        tpu.enqueue_dma source(%dma_start3A_197 : memref<128xi32, #tpu.memory_space<hbm>>) target(%arg9 : memref<128xi32, #tpu.memory_space<vmem>>) target_semaphore(%arg20 : memref<!tpu.dma_semaphore, #tpu.memory_space<semaphore_mem>>)
      } else {
      }
      %dma_wait3A_146 = tpu.memref_slice %arg4[%multiple_of3A] : memref<327680xi32, #tpu.memory_space<hbm>> -> memref<128xi32, #tpu.memory_space<hbm>>
      %dma_wait3A_147 = tpu.memref_slice %arg4[%multiple_of3A] : memref<327680xi32, #tpu.memory_space<hbm>> -> memref<128xi32, #tpu.memory_space<hbm>>
      tpu.wait_dma2 semaphore(%arg24 : memref<!tpu.dma_semaphore, #tpu.memory_space<semaphore_mem>>) src(%dma_wait3A_147 : memref<128xi32, #tpu.memory_space<hbm>>) dst(%arg13 : memref<128xi32, #tpu.memory_space<vmem>>)
      "tpu.region"() ({
        %run_scoped3A = tpu.sem_alloc : memref<!tpu.dma_semaphore, #tpu.memory_space<semaphore_mem>>
        %dma_start3A_190 = arith.constant 0 : i32
        %dma_start3A_191 = arith.constant 0 : i32
        %dma_start3A_192 = tpu.memref_slice %arg17[%dma_start3A_190, %dma_start3A_191] : memref<10240x128xf32, #tpu.memory_space<vmem_shared>> -> memref<10240x128xf32, #tpu.memory_space<vmem_shared>>
        tpu.enqueue_indirect_dma source(%arg15 : memref<128x128xf32, #tpu.memory_space<vmem>>) target(%dma_start3A_192 : memref<10240x128xf32, #tpu.memory_space<vmem_shared>>) offsets(%arg13 : memref<128xi32, #tpu.memory_space<vmem>>) semaphore(%run_scoped3A : memref<!tpu.dma_semaphore, #tpu.memory_space<semaphore_mem>>) {add = true}
        %dma_wait3A_193 = arith.constant 0 : i32
        %dma_wait3A_194 = arith.constant 0 : i32
        %dma_wait3A_195 = tpu.memref_slice %arg17[%dma_wait3A_193, %dma_wait3A_194] : memref<10240x128xf32, #tpu.memory_space<vmem_shared>> -> memref<10240x128xf32, #tpu.memory_space<vmem_shared>>
        tpu.wait_indirect_dma semaphore(%run_scoped3A : memref<!tpu.dma_semaphore, #tpu.memory_space<semaphore_mem>>) src(%arg15 : memref<128x128xf32, #tpu.memory_space<vmem>>) dst(%dma_wait3A_195 : memref<10240x128xf32, #tpu.memory_space<vmem_shared>>)
        tpu.yield
      }) : () -> ()
      %add3A_148 = arith.constant 4 : i32
      %add3A_149 = arith.addi %add3A_135, %add3A_148 : i32
      %lt3A_150 = arith.constant 80 : i32
      %lt3A_151 = arith.cmpi slt, %add3A_149, %lt3A_150 : i32
      %convert_element_type3A_152 = arith.extui %lt3A_151 : i1 to i32
      %cond3A_153 = arith.constant 0 : i32
      %cond3A_154 = arith.cmpi ne, %convert_element_type3A_152, %cond3A_153 : i32
      scf.if %cond3A_154 {
        %add3A_190 = arith.constant 4 : i32
        %add3A_191 = arith.addi %add3A_135, %add3A_190 : i32
        %mul3A_192 = arith.constant 128 : i32
        %mul3A_193 = arith.muli %add3A_191, %mul3A_192 : i32
        %add3A_194 = arith.addi %multiple_of3A, %mul3A_193 : i32
        %multiple_of3A_195 = tpu.assume_multiple %add3A_194, 128 : i32
        %dma_start3A_196 = tpu.memref_slice %arg4[%multiple_of3A_195] : memref<327680xi32, #tpu.memory_space<hbm>> -> memref<128xi32, #tpu.memory_space<hbm>>
        %dma_start3A_197 = tpu.memref_slice %arg4[%multiple_of3A_195] : memref<327680xi32, #tpu.memory_space<hbm>> -> memref<128xi32, #tpu.memory_space<hbm>>
        tpu.enqueue_dma source(%dma_start3A_197 : memref<128xi32, #tpu.memory_space<hbm>>) target(%arg13 : memref<128xi32, #tpu.memory_space<vmem>>) target_semaphore(%arg24 : memref<!tpu.dma_semaphore, #tpu.memory_space<semaphore_mem>>)
      } else {
      }
      %add3A_155 = arith.constant 2 : i32
      %add3A_156 = arith.addi %add3A_135, %add3A_155 : i32
      %lt3A_157 = arith.constant 80 : i32
      %lt3A_158 = arith.cmpi slt, %add3A_156, %lt3A_157 : i32
      %convert_element_type3A_159 = arith.extui %lt3A_158 : i1 to i32
      %cond3A_160 = arith.constant 0 : i32
      %cond3A_161 = arith.cmpi ne, %convert_element_type3A_159, %cond3A_160 : i32
      scf.if %cond3A_161 {
        %dma_wait3A_190 = tpu.memref_slice %arg3[%multiple_of3A] : memref<327680xi32, #tpu.memory_space<hbm>> -> memref<128xi32, #tpu.memory_space<hbm>>
        %dma_wait3A_191 = tpu.memref_slice %arg3[%multiple_of3A] : memref<327680xi32, #tpu.memory_space<hbm>> -> memref<128xi32, #tpu.memory_space<hbm>>
        tpu.wait_dma2 semaphore(%arg18 : memref<!tpu.dma_semaphore, #tpu.memory_space<semaphore_mem>>) src(%dma_wait3A_191 : memref<128xi32, #tpu.memory_space<hbm>>) dst(%arg7 : memref<128xi32, #tpu.memory_space<vmem>>)
        %dma_start3A_192 = arith.constant 0 : i32
        %dma_start3A_193 = arith.constant 0 : i32
        %dma_start3A_194 = tpu.memref_slice %arg5[%dma_start3A_192, %dma_start3A_193] : memref<10240x128xf32, #tpu.memory_space<hbm>> -> memref<10240x128xf32, #tpu.memory_space<hbm>>
        tpu.enqueue_indirect_dma source(%dma_start3A_194 : memref<10240x128xf32, #tpu.memory_space<hbm>>) target(%arg15 : memref<128x128xf32, #tpu.memory_space<vmem>>) offsets(%arg7 : memref<128xi32, #tpu.memory_space<vmem>>) semaphore(%arg26 : memref<!tpu.dma_semaphore, #tpu.memory_space<semaphore_mem>>)
      } else {
      }
      %add3A_162 = arith.constant 3 : i32
      %add3A_163 = arith.addi %mul3A_78, %add3A_162 : i32
      %dma_wait3A_164 = arith.constant 0 : i32
      %dma_wait3A_165 = arith.constant 0 : i32
      %dma_wait3A_166 = tpu.memref_slice %arg5[%dma_wait3A_164, %dma_wait3A_165] : memref<10240x128xf32, #tpu.memory_space<hbm>> -> memref<10240x128xf32, #tpu.memory_space<hbm>>
      tpu.wait_indirect_dma semaphore(%arg27 : memref<!tpu.dma_semaphore, #tpu.memory_space<semaphore_mem>>) src(%dma_wait3A_166 : memref<10240x128xf32, #tpu.memory_space<hbm>>) dst(%arg16 : memref<128x128xf32, #tpu.memory_space<vmem>>)
      %add3A_167 = arith.constant 4 : i32
      %add3A_168 = arith.addi %add3A_163, %add3A_167 : i32
      %lt3A_169 = arith.constant 80 : i32
      %lt3A_170 = arith.cmpi slt, %add3A_168, %lt3A_169 : i32
      %convert_element_type3A_171 = arith.extui %lt3A_170 : i1 to i32
      %cond3A_172 = arith.constant 0 : i32
      %cond3A_173 = arith.cmpi ne, %convert_element_type3A_171, %cond3A_172 : i32
      scf.if %cond3A_173 {
        %add3A_190 = arith.constant 4 : i32
        %add3A_191 = arith.addi %add3A_163, %add3A_190 : i32
        %mul3A_192 = arith.constant 128 : i32
        %mul3A_193 = arith.muli %add3A_191, %mul3A_192 : i32
        %add3A_194 = arith.addi %multiple_of3A, %mul3A_193 : i32
        %multiple_of3A_195 = tpu.assume_multiple %add3A_194, 128 : i32
        %dma_start3A_196 = tpu.memref_slice %arg3[%multiple_of3A_195] : memref<327680xi32, #tpu.memory_space<hbm>> -> memref<128xi32, #tpu.memory_space<hbm>>
        %dma_start3A_197 = tpu.memref_slice %arg3[%multiple_of3A_195] : memref<327680xi32, #tpu.memory_space<hbm>> -> memref<128xi32, #tpu.memory_space<hbm>>
        tpu.enqueue_dma source(%dma_start3A_197 : memref<128xi32, #tpu.memory_space<hbm>>) target(%arg10 : memref<128xi32, #tpu.memory_space<vmem>>) target_semaphore(%arg21 : memref<!tpu.dma_semaphore, #tpu.memory_space<semaphore_mem>>)
      } else {
      }
      %dma_wait3A_174 = tpu.memref_slice %arg4[%multiple_of3A] : memref<327680xi32, #tpu.memory_space<hbm>> -> memref<128xi32, #tpu.memory_space<hbm>>
      %dma_wait3A_175 = tpu.memref_slice %arg4[%multiple_of3A] : memref<327680xi32, #tpu.memory_space<hbm>> -> memref<128xi32, #tpu.memory_space<hbm>>
      tpu.wait_dma2 semaphore(%arg25 : memref<!tpu.dma_semaphore, #tpu.memory_space<semaphore_mem>>) src(%dma_wait3A_175 : memref<128xi32, #tpu.memory_space<hbm>>) dst(%arg14 : memref<128xi32, #tpu.memory_space<vmem>>)
      "tpu.region"() ({
        %run_scoped3A = tpu.sem_alloc : memref<!tpu.dma_semaphore, #tpu.memory_space<semaphore_mem>>
        %dma_start3A_190 = arith.constant 0 : i32
        %dma_start3A_191 = arith.constant 0 : i32
        %dma_start3A_192 = tpu.memref_slice %arg17[%dma_start3A_190, %dma_start3A_191] : memref<10240x128xf32, #tpu.memory_space<vmem_shared>> -> memref<10240x128xf32, #tpu.memory_space<vmem_shared>>
        tpu.enqueue_indirect_dma source(%arg16 : memref<128x128xf32, #tpu.memory_space<vmem>>) target(%dma_start3A_192 : memref<10240x128xf32, #tpu.memory_space<vmem_shared>>) offsets(%arg14 : memref<128xi32, #tpu.memory_space<vmem>>) semaphore(%run_scoped3A : memref<!tpu.dma_semaphore, #tpu.memory_space<semaphore_mem>>) {add = true}
        %dma_wait3A_193 = arith.constant 0 : i32
        %dma_wait3A_194 = arith.constant 0 : i32
        %dma_wait3A_195 = tpu.memref_slice %arg17[%dma_wait3A_193, %dma_wait3A_194] : memref<10240x128xf32, #tpu.memory_space<vmem_shared>> -> memref<10240x128xf32, #tpu.memory_space<vmem_shared>>
        tpu.wait_indirect_dma semaphore(%run_scoped3A : memref<!tpu.dma_semaphore, #tpu.memory_space<semaphore_mem>>) src(%arg16 : memref<128x128xf32, #tpu.memory_space<vmem>>) dst(%dma_wait3A_195 : memref<10240x128xf32, #tpu.memory_space<vmem_shared>>)
        tpu.yield
      }) : () -> ()
      %add3A_176 = arith.constant 4 : i32
      %add3A_177 = arith.addi %add3A_163, %add3A_176 : i32
      %lt3A_178 = arith.constant 80 : i32
      %lt3A_179 = arith.cmpi slt, %add3A_177, %lt3A_178 : i32
      %convert_element_type3A_180 = arith.extui %lt3A_179 : i1 to i32
      %cond3A_181 = arith.constant 0 : i32
      %cond3A_182 = arith.cmpi ne, %convert_element_type3A_180, %cond3A_181 : i32
      scf.if %cond3A_182 {
        %add3A_190 = arith.constant 4 : i32
        %add3A_191 = arith.addi %add3A_163, %add3A_190 : i32
        %mul3A_192 = arith.constant 128 : i32
        %mul3A_193 = arith.muli %add3A_191, %mul3A_192 : i32
        %add3A_194 = arith.addi %multiple_of3A, %mul3A_193 : i32
        %multiple_of3A_195 = tpu.assume_multiple %add3A_194, 128 : i32
        %dma_start3A_196 = tpu.memref_slice %arg4[%multiple_of3A_195] : memref<327680xi32, #tpu.memory_space<hbm>> -> memref<128xi32, #tpu.memory_space<hbm>>
        %dma_start3A_197 = tpu.memref_slice %arg4[%multiple_of3A_195] : memref<327680xi32, #tpu.memory_space<hbm>> -> memref<128xi32, #tpu.memory_space<hbm>>
        tpu.enqueue_dma source(%dma_start3A_197 : memref<128xi32, #tpu.memory_space<hbm>>) target(%arg14 : memref<128xi32, #tpu.memory_space<vmem>>) target_semaphore(%arg25 : memref<!tpu.dma_semaphore, #tpu.memory_space<semaphore_mem>>)
      } else {
      }
      %add3A_183 = arith.constant 2 : i32
      %add3A_184 = arith.addi %add3A_163, %add3A_183 : i32
      %lt3A_185 = arith.constant 80 : i32
      %lt3A_186 = arith.cmpi slt, %add3A_184, %lt3A_185 : i32
      %convert_element_type3A_187 = arith.extui %lt3A_186 : i1 to i32
      %cond3A_188 = arith.constant 0 : i32
      %cond3A_189 = arith.cmpi ne, %convert_element_type3A_187, %cond3A_188 : i32
      scf.if %cond3A_189 {
        %dma_wait3A_190 = tpu.memref_slice %arg3[%multiple_of3A] : memref<327680xi32, #tpu.memory_space<hbm>> -> memref<128xi32, #tpu.memory_space<hbm>>
        %dma_wait3A_191 = tpu.memref_slice %arg3[%multiple_of3A] : memref<327680xi32, #tpu.memory_space<hbm>> -> memref<128xi32, #tpu.memory_space<hbm>>
        tpu.wait_dma2 semaphore(%arg19 : memref<!tpu.dma_semaphore, #tpu.memory_space<semaphore_mem>>) src(%dma_wait3A_191 : memref<128xi32, #tpu.memory_space<hbm>>) dst(%arg8 : memref<128xi32, #tpu.memory_space<vmem>>)
        %dma_start3A_192 = arith.constant 0 : i32
        %dma_start3A_193 = arith.constant 0 : i32
        %dma_start3A_194 = tpu.memref_slice %arg5[%dma_start3A_192, %dma_start3A_193] : memref<10240x128xf32, #tpu.memory_space<hbm>> -> memref<10240x128xf32, #tpu.memory_space<hbm>>
        tpu.enqueue_indirect_dma source(%dma_start3A_194 : memref<10240x128xf32, #tpu.memory_space<hbm>>) target(%arg16 : memref<128x128xf32, #tpu.memory_space<vmem>>) offsets(%arg8 : memref<128xi32, #tpu.memory_space<vmem>>) semaphore(%arg27 : memref<!tpu.dma_semaphore, #tpu.memory_space<semaphore_mem>>)
      } else {
      }
    }
    %scan3A_67 = arith.constant 20 : i32
    %barrier3A_68 = arith.constant 0 : index
    tpu.barrier barrier_id(%barrier3A_68)
    %eq3A = arith.constant 0 : i32
    %eq3A_69 = arith.cmpi eq, %arg0, %eq3A : i32
    %convert_element_type3A = arith.extui %eq3A_69 : i1 to i32
    %cond3A = arith.constant 0 : i32
    %cond3A_70 = arith.cmpi ne, %convert_element_type3A, %cond3A : i32
    scf.if %cond3A_70 {
      %add3A_76 = arith.constant 0 : i32
      %add3A_77 = arith.addi %mul3A_4, %add3A_76 : i32
      %add3A_78 = arith.constant 0 : i32
      %add3A_79 = arith.addi %mul3A_4, %add3A_78 : i32
      %run_scoped3A = arith.constant 0 : i32
      "tpu.region"() ({
        %run_scoped3A_100 = tpu.sem_alloc : memref<!tpu.dma_semaphore, #tpu.memory_space<semaphore_mem>>
        %dma_start3A_101 = arith.constant 0 : i32
        %dma_start3A_102 = tpu.memref_slice %arg6[%run_scoped3A, %add3A_79, %dma_start3A_101] : memref<2x10240x128xf32, #tpu.memory_space<hbm>> -> memref<1x128x128xf32, #tpu.memory_space<hbm>>
        %dma_start3A_103 = tpu.memref_squeeze %dma_start3A_102 : memref<1x128x128xf32, #tpu.memory_space<hbm>> -> memref<128x128xf32, #tpu.memory_space<hbm>>
        %dma_start3A_104 = arith.constant 0 : i32
        %dma_start3A_105 = tpu.memref_slice %arg17[%add3A_77, %dma_start3A_104] : memref<10240x128xf32, #tpu.memory_space<vmem_shared>> -> memref<128x128xf32, #tpu.memory_space<vmem_shared>>
        tpu.enqueue_dma source(%dma_start3A_105 : memref<128x128xf32, #tpu.memory_space<vmem_shared>>) target(%dma_start3A_103 : memref<128x128xf32, #tpu.memory_space<hbm>>) target_semaphore(%run_scoped3A_100 : memref<!tpu.dma_semaphore, #tpu.memory_space<semaphore_mem>>)
        %dma_wait3A_106 = arith.constant 0 : i32
        %dma_wait3A_107 = tpu.memref_slice %arg6[%run_scoped3A, %add3A_79, %dma_wait3A_106] : memref<2x10240x128xf32, #tpu.memory_space<hbm>> -> memref<1x128x128xf32, #tpu.memory_space<hbm>>
        %dma_wait3A_108 = tpu.memref_squeeze %dma_wait3A_107 : memref<1x128x128xf32, #tpu.memory_space<hbm>> -> memref<128x128xf32, #tpu.memory_space<hbm>>
        %dma_wait3A_109 = arith.constant 0 : i32
        %dma_wait3A_110 = tpu.memref_slice %arg17[%add3A_77, %dma_wait3A_109] : memref<10240x128xf32, #tpu.memory_space<vmem_shared>> -> memref<128x128xf32, #tpu.memory_space<vmem_shared>>
        tpu.wait_dma2 semaphore(%run_scoped3A_100 : memref<!tpu.dma_semaphore, #tpu.memory_space<semaphore_mem>>) src(%dma_wait3A_110 : memref<128x128xf32, #tpu.memory_space<vmem_shared>>) dst(%dma_wait3A_108 : memref<128x128xf32, #tpu.memory_space<hbm>>)
        tpu.yield
      }) : () -> ()
      %add3A_80 = arith.constant 128 : i32
      %add3A_81 = arith.addi %mul3A_4, %add3A_80 : i32
      %add3A_82 = arith.constant 128 : i32
      %add3A_83 = arith.addi %mul3A_4, %add3A_82 : i32
      %run_scoped3A_84 = arith.constant 0 : i32
      "tpu.region"() ({
        %run_scoped3A_100 = tpu.sem_alloc : memref<!tpu.dma_semaphore, #tpu.memory_space<semaphore_mem>>
        %dma_start3A_101 = arith.constant 0 : i32
        %dma_start3A_102 = tpu.memref_slice %arg6[%run_scoped3A_84, %add3A_83, %dma_start3A_101] : memref<2x10240x128xf32, #tpu.memory_space<hbm>> -> memref<1x128x128xf32, #tpu.memory_space<hbm>>
        %dma_start3A_103 = tpu.memref_squeeze %dma_start3A_102 : memref<1x128x128xf32, #tpu.memory_space<hbm>> -> memref<128x128xf32, #tpu.memory_space<hbm>>
        %dma_start3A_104 = arith.constant 0 : i32
        %dma_start3A_105 = tpu.memref_slice %arg17[%add3A_81, %dma_start3A_104] : memref<10240x128xf32, #tpu.memory_space<vmem_shared>> -> memref<128x128xf32, #tpu.memory_space<vmem_shared>>
        tpu.enqueue_dma source(%dma_start3A_105 : memref<128x128xf32, #tpu.memory_space<vmem_shared>>) target(%dma_start3A_103 : memref<128x128xf32, #tpu.memory_space<hbm>>) target_semaphore(%run_scoped3A_100 : memref<!tpu.dma_semaphore, #tpu.memory_space<semaphore_mem>>)
        %dma_wait3A_106 = arith.constant 0 : i32
        %dma_wait3A_107 = tpu.memref_slice %arg6[%run_scoped3A_84, %add3A_83, %dma_wait3A_106] : memref<2x10240x128xf32, #tpu.memory_space<hbm>> -> memref<1x128x128xf32, #tpu.memory_space<hbm>>
        %dma_wait3A_108 = tpu.memref_squeeze %dma_wait3A_107 : memref<1x128x128xf32, #tpu.memory_space<hbm>> -> memref<128x128xf32, #tpu.memory_space<hbm>>
        %dma_wait3A_109 = arith.constant 0 : i32
        %dma_wait3A_110 = tpu.memref_slice %arg17[%add3A_81, %dma_wait3A_109] : memref<10240x128xf32, #tpu.memory_space<vmem_shared>> -> memref<128x128xf32, #tpu.memory_space<vmem_shared>>
        tpu.wait_dma2 semaphore(%run_scoped3A_100 : memref<!tpu.dma_semaphore, #tpu.memory_space<semaphore_mem>>) src(%dma_wait3A_110 : memref<128x128xf32, #tpu.memory_space<vmem_shared>>) dst(%dma_wait3A_108 : memref<128x128xf32, #tpu.memory_space<hbm>>)
        tpu.yield
      }) : () -> ()
      %add3A_85 = arith.constant 256 : i32
      %add3A_86 = arith.addi %mul3A_4, %add3A_85 : i32
      %add3A_87 = arith.constant 256 : i32
      %add3A_88 = arith.addi %mul3A_4, %add3A_87 : i32
      %run_scoped3A_89 = arith.constant 0 : i32
      "tpu.region"() ({
        %run_scoped3A_100 = tpu.sem_alloc : memref<!tpu.dma_semaphore, #tpu.memory_space<semaphore_mem>>
        %dma_start3A_101 = arith.constant 0 : i32
        %dma_start3A_102 = tpu.memref_slice %arg6[%run_scoped3A_89, %add3A_88, %dma_start3A_101] : memref<2x10240x128xf32, #tpu.memory_space<hbm>> -> memref<1x128x128xf32, #tpu.memory_space<hbm>>
        %dma_start3A_103 = tpu.memref_squeeze %dma_start3A_102 : memref<1x128x128xf32, #tpu.memory_space<hbm>> -> memref<128x128xf32, #tpu.memory_space<hbm>>
        %dma_start3A_104 = arith.constant 0 : i32
        %dma_start3A_105 = tpu.memref_slice %arg17[%add3A_86, %dma_start3A_104] : memref<10240x128xf32, #tpu.memory_space<vmem_shared>> -> memref<128x128xf32, #tpu.memory_space<vmem_shared>>
        tpu.enqueue_dma source(%dma_start3A_105 : memref<128x128xf32, #tpu.memory_space<vmem_shared>>) target(%dma_start3A_103 : memref<128x128xf32, #tpu.memory_space<hbm>>) target_semaphore(%run_scoped3A_100 : memref<!tpu.dma_semaphore, #tpu.memory_space<semaphore_mem>>)
        %dma_wait3A_106 = arith.constant 0 : i32
        %dma_wait3A_107 = tpu.memref_slice %arg6[%run_scoped3A_89, %add3A_88, %dma_wait3A_106] : memref<2x10240x128xf32, #tpu.memory_space<hbm>> -> memref<1x128x128xf32, #tpu.memory_space<hbm>>
        %dma_wait3A_108 = tpu.memref_squeeze %dma_wait3A_107 : memref<1x128x128xf32, #tpu.memory_space<hbm>> -> memref<128x128xf32, #tpu.memory_space<hbm>>
        %dma_wait3A_109 = arith.constant 0 : i32
        %dma_wait3A_110 = tpu.memref_slice %arg17[%add3A_86, %dma_wait3A_109] : memref<10240x128xf32, #tpu.memory_space<vmem_shared>> -> memref<128x128xf32, #tpu.memory_space<vmem_shared>>
        tpu.wait_dma2 semaphore(%run_scoped3A_100 : memref<!tpu.dma_semaphore, #tpu.memory_space<semaphore_mem>>) src(%dma_wait3A_110 : memref<128x128xf32, #tpu.memory_space<vmem_shared>>) dst(%dma_wait3A_108 : memref<128x128xf32, #tpu.memory_space<hbm>>)
        tpu.yield
      }) : () -> ()
      %add3A_90 = arith.constant 384 : i32
      %add3A_91 = arith.addi %mul3A_4, %add3A_90 : i32
      %add3A_92 = arith.constant 384 : i32
      %add3A_93 = arith.addi %mul3A_4, %add3A_92 : i32
      %run_scoped3A_94 = arith.constant 0 : i32
      "tpu.region"() ({
        %run_scoped3A_100 = tpu.sem_alloc : memref<!tpu.dma_semaphore, #tpu.memory_space<semaphore_mem>>
        %dma_start3A_101 = arith.constant 0 : i32
        %dma_start3A_102 = tpu.memref_slice %arg6[%run_scoped3A_94, %add3A_93, %dma_start3A_101] : memref<2x10240x128xf32, #tpu.memory_space<hbm>> -> memref<1x128x128xf32, #tpu.memory_space<hbm>>
        %dma_start3A_103 = tpu.memref_squeeze %dma_start3A_102 : memref<1x128x128xf32, #tpu.memory_space<hbm>> -> memref<128x128xf32, #tpu.memory_space<hbm>>
        %dma_start3A_104 = arith.constant 0 : i32
        %dma_start3A_105 = tpu.memref_slice %arg17[%add3A_91, %dma_start3A_104] : memref<10240x128xf32, #tpu.memory_space<vmem_shared>> -> memref<128x128xf32, #tpu.memory_space<vmem_shared>>
        tpu.enqueue_dma source(%dma_start3A_105 : memref<128x128xf32, #tpu.memory_space<vmem_shared>>) target(%dma_start3A_103 : memref<128x128xf32, #tpu.memory_space<hbm>>) target_semaphore(%run_scoped3A_100 : memref<!tpu.dma_semaphore, #tpu.memory_space<semaphore_mem>>)
        %dma_wait3A_106 = arith.constant 0 : i32
        %dma_wait3A_107 = tpu.memref_slice %arg6[%run_scoped3A_94, %add3A_93, %dma_wait3A_106] : memref<2x10240x128xf32, #tpu.memory_space<hbm>> -> memref<1x128x128xf32, #tpu.memory_space<hbm>>
        %dma_wait3A_108 = tpu.memref_squeeze %dma_wait3A_107 : memref<1x128x128xf32, #tpu.memory_space<hbm>> -> memref<128x128xf32, #tpu.memory_space<hbm>>
        %dma_wait3A_109 = arith.constant 0 : i32
        %dma_wait3A_110 = tpu.memref_slice %arg17[%add3A_91, %dma_wait3A_109] : memref<10240x128xf32, #tpu.memory_space<vmem_shared>> -> memref<128x128xf32, #tpu.memory_space<vmem_shared>>
        tpu.wait_dma2 semaphore(%run_scoped3A_100 : memref<!tpu.dma_semaphore, #tpu.memory_space<semaphore_mem>>) src(%dma_wait3A_110 : memref<128x128xf32, #tpu.memory_space<vmem_shared>>) dst(%dma_wait3A_108 : memref<128x128xf32, #tpu.memory_space<hbm>>)
        tpu.yield
      }) : () -> ()
      %add3A_95 = arith.constant 512 : i32
      %add3A_96 = arith.addi %mul3A_4, %add3A_95 : i32
      %add3A_97 = arith.constant 512 : i32
      %add3A_98 = arith.addi %mul3A_4, %add3A_97 : i32
      %run_scoped3A_99 = arith.constant 0 : i32
      "tpu.region"() ({
        %run_scoped3A_100 = tpu.sem_alloc : memref<!tpu.dma_semaphore, #tpu.memory_space<semaphore_mem>>
        %dma_start3A_101 = arith.constant 0 : i32
        %dma_start3A_102 = tpu.memref_slice %arg6[%run_scoped3A_99, %add3A_98, %dma_start3A_101] : memref<2x10240x128xf32, #tpu.memory_space<hbm>> -> memref<1x128x128xf32, #tpu.memory_space<hbm>>
        %dma_start3A_103 = tpu.memref_squeeze %dma_start3A_102 : memref<1x128x128xf32, #tpu.memory_space<hbm>> -> memref<128x128xf32, #tpu.memory_space<hbm>>
        %dma_start3A_104 = arith.constant 0 : i32
        %dma_start3A_105 = tpu.memref_slice %arg17[%add3A_96, %dma_start3A_104] : memref<10240x128xf32, #tpu.memory_space<vmem_shared>> -> memref<128x128xf32, #tpu.memory_space<vmem_shared>>
        tpu.enqueue_dma source(%dma_start3A_105 : memref<128x128xf32, #tpu.memory_space<vmem_shared>>) target(%dma_start3A_103 : memref<128x128xf32, #tpu.memory_space<hbm>>) target_semaphore(%run_scoped3A_100 : memref<!tpu.dma_semaphore, #tpu.memory_space<semaphore_mem>>)
        %dma_wait3A_106 = arith.constant 0 : i32
        %dma_wait3A_107 = tpu.memref_slice %arg6[%run_scoped3A_99, %add3A_98, %dma_wait3A_106] : memref<2x10240x128xf32, #tpu.memory_space<hbm>> -> memref<1x128x128xf32, #tpu.memory_space<hbm>>
        %dma_wait3A_108 = tpu.memref_squeeze %dma_wait3A_107 : memref<1x128x128xf32, #tpu.memory_space<hbm>> -> memref<128x128xf32, #tpu.memory_space<hbm>>
        %dma_wait3A_109 = arith.constant 0 : i32
        %dma_wait3A_110 = tpu.memref_slice %arg17[%add3A_96, %dma_wait3A_109] : memref<10240x128xf32, #tpu.memory_space<vmem_shared>> -> memref<128x128xf32, #tpu.memory_space<vmem_shared>>
        tpu.wait_dma2 semaphore(%run_scoped3A_100 : memref<!tpu.dma_semaphore, #tpu.memory_space<semaphore_mem>>) src(%dma_wait3A_110 : memref<128x128xf32, #tpu.memory_space<vmem_shared>>) dst(%dma_wait3A_108 : memref<128x128xf32, #tpu.memory_space<hbm>>)
        tpu.yield
      }) : () -> ()
    } else {
    }
    %eq3A_71 = arith.constant 1 : i32
    %eq3A_72 = arith.cmpi eq, %arg0, %eq3A_71 : i32
    %convert_element_type3A_73 = arith.extui %eq3A_72 : i1 to i32
    %cond3A_74 = arith.constant 0 : i32
    %cond3A_75 = arith.cmpi ne, %convert_element_type3A_73, %cond3A_74 : i32
    scf.if %cond3A_75 {
      %add3A_76 = arith.constant 0 : i32
      %add3A_77 = arith.addi %mul3A_4, %add3A_76 : i32
      %add3A_78 = arith.constant 0 : i32
      %add3A_79 = arith.addi %mul3A_4, %add3A_78 : i32
      %run_scoped3A = arith.constant 1 : i32
      "tpu.region"() ({
        %run_scoped3A_100 = tpu.sem_alloc : memref<!tpu.dma_semaphore, #tpu.memory_space<semaphore_mem>>
        %dma_start3A_101 = arith.constant 0 : i32
        %dma_start3A_102 = tpu.memref_slice %arg6[%run_scoped3A, %add3A_79, %dma_start3A_101] : memref<2x10240x128xf32, #tpu.memory_space<hbm>> -> memref<1x128x128xf32, #tpu.memory_space<hbm>>
        %dma_start3A_103 = tpu.memref_squeeze %dma_start3A_102 : memref<1x128x128xf32, #tpu.memory_space<hbm>> -> memref<128x128xf32, #tpu.memory_space<hbm>>
        %dma_start3A_104 = arith.constant 0 : i32
        %dma_start3A_105 = tpu.memref_slice %arg17[%add3A_77, %dma_start3A_104] : memref<10240x128xf32, #tpu.memory_space<vmem_shared>> -> memref<128x128xf32, #tpu.memory_space<vmem_shared>>
        tpu.enqueue_dma source(%dma_start3A_105 : memref<128x128xf32, #tpu.memory_space<vmem_shared>>) target(%dma_start3A_103 : memref<128x128xf32, #tpu.memory_space<hbm>>) target_semaphore(%run_scoped3A_100 : memref<!tpu.dma_semaphore, #tpu.memory_space<semaphore_mem>>)
        %dma_wait3A_106 = arith.constant 0 : i32
        %dma_wait3A_107 = tpu.memref_slice %arg6[%run_scoped3A, %add3A_79, %dma_wait3A_106] : memref<2x10240x128xf32, #tpu.memory_space<hbm>> -> memref<1x128x128xf32, #tpu.memory_space<hbm>>
        %dma_wait3A_108 = tpu.memref_squeeze %dma_wait3A_107 : memref<1x128x128xf32, #tpu.memory_space<hbm>> -> memref<128x128xf32, #tpu.memory_space<hbm>>
        %dma_wait3A_109 = arith.constant 0 : i32
        %dma_wait3A_110 = tpu.memref_slice %arg17[%add3A_77, %dma_wait3A_109] : memref<10240x128xf32, #tpu.memory_space<vmem_shared>> -> memref<128x128xf32, #tpu.memory_space<vmem_shared>>
        tpu.wait_dma2 semaphore(%run_scoped3A_100 : memref<!tpu.dma_semaphore, #tpu.memory_space<semaphore_mem>>) src(%dma_wait3A_110 : memref<128x128xf32, #tpu.memory_space<vmem_shared>>) dst(%dma_wait3A_108 : memref<128x128xf32, #tpu.memory_space<hbm>>)
        tpu.yield
      }) : () -> ()
      %add3A_80 = arith.constant 128 : i32
      %add3A_81 = arith.addi %mul3A_4, %add3A_80 : i32
      %add3A_82 = arith.constant 128 : i32
      %add3A_83 = arith.addi %mul3A_4, %add3A_82 : i32
      %run_scoped3A_84 = arith.constant 1 : i32
      "tpu.region"() ({
        %run_scoped3A_100 = tpu.sem_alloc : memref<!tpu.dma_semaphore, #tpu.memory_space<semaphore_mem>>
        %dma_start3A_101 = arith.constant 0 : i32
        %dma_start3A_102 = tpu.memref_slice %arg6[%run_scoped3A_84, %add3A_83, %dma_start3A_101] : memref<2x10240x128xf32, #tpu.memory_space<hbm>> -> memref<1x128x128xf32, #tpu.memory_space<hbm>>
        %dma_start3A_103 = tpu.memref_squeeze %dma_start3A_102 : memref<1x128x128xf32, #tpu.memory_space<hbm>> -> memref<128x128xf32, #tpu.memory_space<hbm>>
        %dma_start3A_104 = arith.constant 0 : i32
        %dma_start3A_105 = tpu.memref_slice %arg17[%add3A_81, %dma_start3A_104] : memref<10240x128xf32, #tpu.memory_space<vmem_shared>> -> memref<128x128xf32, #tpu.memory_space<vmem_shared>>
        tpu.enqueue_dma source(%dma_start3A_105 : memref<128x128xf32, #tpu.memory_space<vmem_shared>>) target(%dma_start3A_103 : memref<128x128xf32, #tpu.memory_space<hbm>>) target_semaphore(%run_scoped3A_100 : memref<!tpu.dma_semaphore, #tpu.memory_space<semaphore_mem>>)
        %dma_wait3A_106 = arith.constant 0 : i32
        %dma_wait3A_107 = tpu.memref_slice %arg6[%run_scoped3A_84, %add3A_83, %dma_wait3A_106] : memref<2x10240x128xf32, #tpu.memory_space<hbm>> -> memref<1x128x128xf32, #tpu.memory_space<hbm>>
        %dma_wait3A_108 = tpu.memref_squeeze %dma_wait3A_107 : memref<1x128x128xf32, #tpu.memory_space<hbm>> -> memref<128x128xf32, #tpu.memory_space<hbm>>
        %dma_wait3A_109 = arith.constant 0 : i32
        %dma_wait3A_110 = tpu.memref_slice %arg17[%add3A_81, %dma_wait3A_109] : memref<10240x128xf32, #tpu.memory_space<vmem_shared>> -> memref<128x128xf32, #tpu.memory_space<vmem_shared>>
        tpu.wait_dma2 semaphore(%run_scoped3A_100 : memref<!tpu.dma_semaphore, #tpu.memory_space<semaphore_mem>>) src(%dma_wait3A_110 : memref<128x128xf32, #tpu.memory_space<vmem_shared>>) dst(%dma_wait3A_108 : memref<128x128xf32, #tpu.memory_space<hbm>>)
        tpu.yield
      }) : () -> ()
      %add3A_85 = arith.constant 256 : i32
      %add3A_86 = arith.addi %mul3A_4, %add3A_85 : i32
      %add3A_87 = arith.constant 256 : i32
      %add3A_88 = arith.addi %mul3A_4, %add3A_87 : i32
      %run_scoped3A_89 = arith.constant 1 : i32
      "tpu.region"() ({
        %run_scoped3A_100 = tpu.sem_alloc : memref<!tpu.dma_semaphore, #tpu.memory_space<semaphore_mem>>
        %dma_start3A_101 = arith.constant 0 : i32
        %dma_start3A_102 = tpu.memref_slice %arg6[%run_scoped3A_89, %add3A_88, %dma_start3A_101] : memref<2x10240x128xf32, #tpu.memory_space<hbm>> -> memref<1x128x128xf32, #tpu.memory_space<hbm>>
        %dma_start3A_103 = tpu.memref_squeeze %dma_start3A_102 : memref<1x128x128xf32, #tpu.memory_space<hbm>> -> memref<128x128xf32, #tpu.memory_space<hbm>>
        %dma_start3A_104 = arith.constant 0 : i32
        %dma_start3A_105 = tpu.memref_slice %arg17[%add3A_86, %dma_start3A_104] : memref<10240x128xf32, #tpu.memory_space<vmem_shared>> -> memref<128x128xf32, #tpu.memory_space<vmem_shared>>
        tpu.enqueue_dma source(%dma_start3A_105 : memref<128x128xf32, #tpu.memory_space<vmem_shared>>) target(%dma_start3A_103 : memref<128x128xf32, #tpu.memory_space<hbm>>) target_semaphore(%run_scoped3A_100 : memref<!tpu.dma_semaphore, #tpu.memory_space<semaphore_mem>>)
        %dma_wait3A_106 = arith.constant 0 : i32
        %dma_wait3A_107 = tpu.memref_slice %arg6[%run_scoped3A_89, %add3A_88, %dma_wait3A_106] : memref<2x10240x128xf32, #tpu.memory_space<hbm>> -> memref<1x128x128xf32, #tpu.memory_space<hbm>>
        %dma_wait3A_108 = tpu.memref_squeeze %dma_wait3A_107 : memref<1x128x128xf32, #tpu.memory_space<hbm>> -> memref<128x128xf32, #tpu.memory_space<hbm>>
        %dma_wait3A_109 = arith.constant 0 : i32
        %dma_wait3A_110 = tpu.memref_slice %arg17[%add3A_86, %dma_wait3A_109] : memref<10240x128xf32, #tpu.memory_space<vmem_shared>> -> memref<128x128xf32, #tpu.memory_space<vmem_shared>>
        tpu.wait_dma2 semaphore(%run_scoped3A_100 : memref<!tpu.dma_semaphore, #tpu.memory_space<semaphore_mem>>) src(%dma_wait3A_110 : memref<128x128xf32, #tpu.memory_space<vmem_shared>>) dst(%dma_wait3A_108 : memref<128x128xf32, #tpu.memory_space<hbm>>)
        tpu.yield
      }) : () -> ()
      %add3A_90 = arith.constant 384 : i32
      %add3A_91 = arith.addi %mul3A_4, %add3A_90 : i32
      %add3A_92 = arith.constant 384 : i32
      %add3A_93 = arith.addi %mul3A_4, %add3A_92 : i32
      %run_scoped3A_94 = arith.constant 1 : i32
      "tpu.region"() ({
        %run_scoped3A_100 = tpu.sem_alloc : memref<!tpu.dma_semaphore, #tpu.memory_space<semaphore_mem>>
        %dma_start3A_101 = arith.constant 0 : i32
        %dma_start3A_102 = tpu.memref_slice %arg6[%run_scoped3A_94, %add3A_93, %dma_start3A_101] : memref<2x10240x128xf32, #tpu.memory_space<hbm>> -> memref<1x128x128xf32, #tpu.memory_space<hbm>>
        %dma_start3A_103 = tpu.memref_squeeze %dma_start3A_102 : memref<1x128x128xf32, #tpu.memory_space<hbm>> -> memref<128x128xf32, #tpu.memory_space<hbm>>
        %dma_start3A_104 = arith.constant 0 : i32
        %dma_start3A_105 = tpu.memref_slice %arg17[%add3A_91, %dma_start3A_104] : memref<10240x128xf32, #tpu.memory_space<vmem_shared>> -> memref<128x128xf32, #tpu.memory_space<vmem_shared>>
        tpu.enqueue_dma source(%dma_start3A_105 : memref<128x128xf32, #tpu.memory_space<vmem_shared>>) target(%dma_start3A_103 : memref<128x128xf32, #tpu.memory_space<hbm>>) target_semaphore(%run_scoped3A_100 : memref<!tpu.dma_semaphore, #tpu.memory_space<semaphore_mem>>)
        %dma_wait3A_106 = arith.constant 0 : i32
        %dma_wait3A_107 = tpu.memref_slice %arg6[%run_scoped3A_94, %add3A_93, %dma_wait3A_106] : memref<2x10240x128xf32, #tpu.memory_space<hbm>> -> memref<1x128x128xf32, #tpu.memory_space<hbm>>
        %dma_wait3A_108 = tpu.memref_squeeze %dma_wait3A_107 : memref<1x128x128xf32, #tpu.memory_space<hbm>> -> memref<128x128xf32, #tpu.memory_space<hbm>>
        %dma_wait3A_109 = arith.constant 0 : i32
        %dma_wait3A_110 = tpu.memref_slice %arg17[%add3A_91, %dma_wait3A_109] : memref<10240x128xf32, #tpu.memory_space<vmem_shared>> -> memref<128x128xf32, #tpu.memory_space<vmem_shared>>
        tpu.wait_dma2 semaphore(%run_scoped3A_100 : memref<!tpu.dma_semaphore, #tpu.memory_space<semaphore_mem>>) src(%dma_wait3A_110 : memref<128x128xf32, #tpu.memory_space<vmem_shared>>) dst(%dma_wait3A_108 : memref<128x128xf32, #tpu.memory_space<hbm>>)
        tpu.yield
      }) : () -> ()
      %add3A_95 = arith.constant 512 : i32
      %add3A_96 = arith.addi %mul3A_4, %add3A_95 : i32
      %add3A_97 = arith.constant 512 : i32
      %add3A_98 = arith.addi %mul3A_4, %add3A_97 : i32
      %run_scoped3A_99 = arith.constant 1 : i32
      "tpu.region"() ({
        %run_scoped3A_100 = tpu.sem_alloc : memref<!tpu.dma_semaphore, #tpu.memory_space<semaphore_mem>>
        %dma_start3A_101 = arith.constant 0 : i32
        %dma_start3A_102 = tpu.memref_slice %arg6[%run_scoped3A_99, %add3A_98, %dma_start3A_101] : memref<2x10240x128xf32, #tpu.memory_space<hbm>> -> memref<1x128x128xf32, #tpu.memory_space<hbm>>
        %dma_start3A_103 = tpu.memref_squeeze %dma_start3A_102 : memref<1x128x128xf32, #tpu.memory_space<hbm>> -> memref<128x128xf32, #tpu.memory_space<hbm>>
        %dma_start3A_104 = arith.constant 0 : i32
        %dma_start3A_105 = tpu.memref_slice %arg17[%add3A_96, %dma_start3A_104] : memref<10240x128xf32, #tpu.memory_space<vmem_shared>> -> memref<128x128xf32, #tpu.memory_space<vmem_shared>>
        tpu.enqueue_dma source(%dma_start3A_105 : memref<128x128xf32, #tpu.memory_space<vmem_shared>>) target(%dma_start3A_103 : memref<128x128xf32, #tpu.memory_space<hbm>>) target_semaphore(%run_scoped3A_100 : memref<!tpu.dma_semaphore, #tpu.memory_space<semaphore_mem>>)
        %dma_wait3A_106 = arith.constant 0 : i32
        %dma_wait3A_107 = tpu.memref_slice %arg6[%run_scoped3A_99, %add3A_98, %dma_wait3A_106] : memref<2x10240x128xf32, #tpu.memory_space<hbm>> -> memref<1x128x128xf32, #tpu.memory_space<hbm>>
        %dma_wait3A_108 = tpu.memref_squeeze %dma_wait3A_107 : memref<1x128x128xf32, #tpu.memory_space<hbm>> -> memref<128x128xf32, #tpu.memory_space<hbm>>
        %dma_wait3A_109 = arith.constant 0 : i32
        %dma_wait3A_110 = tpu.memref_slice %arg17[%add3A_96, %dma_wait3A_109] : memref<10240x128xf32, #tpu.memory_space<vmem_shared>> -> memref<128x128xf32, #tpu.memory_space<vmem_shared>>
        tpu.wait_dma2 semaphore(%run_scoped3A_100 : memref<!tpu.dma_semaphore, #tpu.memory_space<semaphore_mem>>) src(%dma_wait3A_110 : memref<128x128xf32, #tpu.memory_space<vmem_shared>>) dst(%dma_wait3A_108 : memref<128x128xf32, #tpu.memory_space<hbm>>)
        tpu.yield
      }) : () -> ()
    } else {
    }
    return
  }
}

#map = affine_map<(d0, d1) -> (0, 0)>
#map1 = affine_map<(d0, d1) -> (0)>
#map2 = affine_map<(d0, d1) -> (0, 0, 0)>
module attributes {stable_mosaic.version = 14 : i64} {
  func.func @k(%arg0: i32, %arg1: i32, %arg2: memref<128x128xf32, #tpu.memory_space<hbm>>, %arg3: memref<16384xi32, #tpu.memory_space<hbm>>, %arg4: memref<16384xi32, #tpu.memory_space<hbm>>, %arg5: memref<10240x128xf32, #tpu.memory_space<hbm>>, %arg6: memref<2x3200x128xf32, #tpu.memory_space<hbm>>, %arg7: memref<128xi32, #tpu.memory_space<vmem>>, %arg8: memref<128xi32, #tpu.memory_space<vmem>>, %arg9: memref<128xi32, #tpu.memory_space<vmem>>, %arg10: memref<128xi32, #tpu.memory_space<vmem>>, %arg11: memref<128xi32, #tpu.memory_space<vmem>>, %arg12: memref<128xi32, #tpu.memory_space<vmem>>, %arg13: memref<128xi32, #tpu.memory_space<vmem>>, %arg14: memref<128xi32, #tpu.memory_space<vmem>>, %arg15: memref<128x128xf32, #tpu.memory_space<vmem>>, %arg16: memref<128x128xf32, #tpu.memory_space<vmem>>, %arg17: memref<3200x128xf32, #tpu.memory_space<vmem_shared>>, %arg18: memref<!tpu.dma_semaphore, #tpu.memory_space<semaphore_mem>>, %arg19: memref<!tpu.dma_semaphore, #tpu.memory_space<semaphore_mem>>, %arg20: memref<!tpu.dma_semaphore, #tpu.memory_space<semaphore_mem>>, %arg21: memref<!tpu.dma_semaphore, #tpu.memory_space<semaphore_mem>>, %arg22: memref<!tpu.dma_semaphore, #tpu.memory_space<semaphore_mem>>, %arg23: memref<!tpu.dma_semaphore, #tpu.memory_space<semaphore_mem>>, %arg24: memref<!tpu.dma_semaphore, #tpu.memory_space<semaphore_mem>>, %arg25: memref<!tpu.dma_semaphore, #tpu.memory_space<semaphore_mem>>, %arg26: memref<!tpu.dma_semaphore, #tpu.memory_space<semaphore_mem>>, %arg27: memref<!tpu.dma_semaphore, #tpu.memory_space<semaphore_mem>>) attributes {dimension_semantics = [#tpu.dimension_semantics<core_parallel>, #tpu.dimension_semantics<subcore_parallel>], iteration_bounds = array<i64: 2, 16>, scalar_prefetch = 0 : i64, scratch_operands = 21 : i64, tpu.core_type = #tpu.core_type<sc_vector_subcore>, window_params = [{transform_indices = #map}, {transform_indices = #map1}, {transform_indices = #map1}, {transform_indices = #map}, {transform_indices = #map2}]} {
    %mul3A = arith.constant 2 : i32
    %mul3A_0 = arith.muli %arg1, %mul3A : i32
    %add3A = arith.addi %mul3A_0, %arg0 : i32
    %mul3A_1 = arith.constant 512 : i32
    %mul3A_2 = arith.muli %add3A, %mul3A_1 : i32
    %multiple_of3A = tpu.assume_multiple %mul3A_2, 128 : i32
    "tpu.region"() ({
      %run_scoped3A = tpu.sem_alloc : memref<!tpu.dma_semaphore, #tpu.memory_space<semaphore_mem>>
      tpu.enqueue_dma source(%arg2 : memref<128x128xf32, #tpu.memory_space<hbm>>) target(%arg15 : memref<128x128xf32, #tpu.memory_space<vmem>>) target_semaphore(%run_scoped3A : memref<!tpu.dma_semaphore, #tpu.memory_space<semaphore_mem>>)
      tpu.wait_dma2 semaphore(%run_scoped3A : memref<!tpu.dma_semaphore, #tpu.memory_space<semaphore_mem>>) src(%arg2 : memref<128x128xf32, #tpu.memory_space<hbm>>) dst(%arg15 : memref<128x128xf32, #tpu.memory_space<vmem>>)
      tpu.yield
    }) : () -> ()
    %mul3A_3 = arith.constant 200 : i32
    %mul3A_4 = arith.muli %arg1, %mul3A_3 : i32
    %add3A_5 = arith.constant 0 : i32
    %add3A_6 = arith.addi %mul3A_4, %add3A_5 : i32
    "tpu.region"() ({
      %run_scoped3A = tpu.sem_alloc : memref<!tpu.dma_semaphore, #tpu.memory_space<semaphore_mem>>
      %dma_start3A_180 = arith.constant 0 : i32
      %dma_start3A_181 = tpu.memref_slice %arg17[%add3A_6, %dma_start3A_180] : memref<3200x128xf32, #tpu.memory_space<vmem_shared>> -> memref<128x128xf32, #tpu.memory_space<vmem_shared>>
      %dma_start3A_182 = arith.constant 0 : i32
      %dma_start3A_183 = tpu.memref_slice %arg17[%add3A_6, %dma_start3A_182] : memref<3200x128xf32, #tpu.memory_space<vmem_shared>> -> memref<128x128xf32, #tpu.memory_space<vmem_shared>>
      tpu.enqueue_dma source(%arg15 : memref<128x128xf32, #tpu.memory_space<vmem>>) target(%dma_start3A_183 : memref<128x128xf32, #tpu.memory_space<vmem_shared>>) target_semaphore(%run_scoped3A : memref<!tpu.dma_semaphore, #tpu.memory_space<semaphore_mem>>)
      %dma_wait3A_184 = arith.constant 0 : i32
      %dma_wait3A_185 = tpu.memref_slice %arg17[%add3A_6, %dma_wait3A_184] : memref<3200x128xf32, #tpu.memory_space<vmem_shared>> -> memref<128x128xf32, #tpu.memory_space<vmem_shared>>
      %dma_wait3A_186 = arith.constant 0 : i32
      %dma_wait3A_187 = tpu.memref_slice %arg17[%add3A_6, %dma_wait3A_186] : memref<3200x128xf32, #tpu.memory_space<vmem_shared>> -> memref<128x128xf32, #tpu.memory_space<vmem_shared>>
      tpu.wait_dma2 semaphore(%run_scoped3A : memref<!tpu.dma_semaphore, #tpu.memory_space<semaphore_mem>>) src(%arg15 : memref<128x128xf32, #tpu.memory_space<vmem>>) dst(%dma_wait3A_187 : memref<128x128xf32, #tpu.memory_space<vmem_shared>>)
      tpu.yield
    }) : () -> ()
    %add3A_7 = arith.constant 128 : i32
    %add3A_8 = arith.addi %mul3A_4, %add3A_7 : i32
    "tpu.region"() ({
      %run_scoped3A = tpu.sem_alloc : memref<!tpu.dma_semaphore, #tpu.memory_space<semaphore_mem>>
      %dma_start3A_180 = arith.constant 0 : i32
      %dma_start3A_181 = arith.constant 0 : i32
      %dma_start3A_182 = tpu.memref_slice %arg15[%dma_start3A_180, %dma_start3A_181] : memref<128x128xf32, #tpu.memory_space<vmem>> -> memref<72x128xf32, #tpu.memory_space<vmem>>
      %dma_start3A_183 = arith.constant 0 : i32
      %dma_start3A_184 = tpu.memref_slice %arg17[%add3A_8, %dma_start3A_183] : memref<3200x128xf32, #tpu.memory_space<vmem_shared>> -> memref<72x128xf32, #tpu.memory_space<vmem_shared>>
      %dma_start3A_185 = arith.constant 0 : i32
      %dma_start3A_186 = tpu.memref_slice %arg17[%add3A_8, %dma_start3A_185] : memref<3200x128xf32, #tpu.memory_space<vmem_shared>> -> memref<72x128xf32, #tpu.memory_space<vmem_shared>>
      %dma_start3A_187 = arith.constant 0 : i32
      %dma_start3A_188 = arith.constant 0 : i32
      %dma_start3A_189 = tpu.memref_slice %arg15[%dma_start3A_187, %dma_start3A_188] : memref<128x128xf32, #tpu.memory_space<vmem>> -> memref<72x128xf32, #tpu.memory_space<vmem>>
      tpu.enqueue_dma source(%dma_start3A_189 : memref<72x128xf32, #tpu.memory_space<vmem>>) target(%dma_start3A_186 : memref<72x128xf32, #tpu.memory_space<vmem_shared>>) target_semaphore(%run_scoped3A : memref<!tpu.dma_semaphore, #tpu.memory_space<semaphore_mem>>)
      %dma_wait3A_190 = arith.constant 0 : i32
      %dma_wait3A_191 = arith.constant 0 : i32
      %dma_wait3A_192 = tpu.memref_slice %arg15[%dma_wait3A_190, %dma_wait3A_191] : memref<128x128xf32, #tpu.memory_space<vmem>> -> memref<72x128xf32, #tpu.memory_space<vmem>>
      %dma_wait3A_193 = arith.constant 0 : i32
      %dma_wait3A_194 = tpu.memref_slice %arg17[%add3A_8, %dma_wait3A_193] : memref<3200x128xf32, #tpu.memory_space<vmem_shared>> -> memref<72x128xf32, #tpu.memory_space<vmem_shared>>
      %dma_wait3A_195 = arith.constant 0 : i32
      %dma_wait3A_196 = tpu.memref_slice %arg17[%add3A_8, %dma_wait3A_195] : memref<3200x128xf32, #tpu.memory_space<vmem_shared>> -> memref<72x128xf32, #tpu.memory_space<vmem_shared>>
      %dma_wait3A_197 = arith.constant 0 : i32
      %dma_wait3A_198 = arith.constant 0 : i32
      %dma_wait3A_199 = tpu.memref_slice %arg15[%dma_wait3A_197, %dma_wait3A_198] : memref<128x128xf32, #tpu.memory_space<vmem>> -> memref<72x128xf32, #tpu.memory_space<vmem>>
      tpu.wait_dma2 semaphore(%run_scoped3A : memref<!tpu.dma_semaphore, #tpu.memory_space<semaphore_mem>>) src(%dma_wait3A_199 : memref<72x128xf32, #tpu.memory_space<vmem>>) dst(%dma_wait3A_196 : memref<72x128xf32, #tpu.memory_space<vmem_shared>>)
      tpu.yield
    }) : () -> ()
    %barrier3A = arith.constant 0 : index
    tpu.barrier barrier_id(%barrier3A)
    %add3A_9 = arith.constant 0 : i32
    %add3A_10 = arith.addi %multiple_of3A, %add3A_9 : i32
    %multiple_of3A_11 = tpu.assume_multiple %add3A_10, 128 : i32
    %dma_start3A = tpu.memref_slice %arg3[%multiple_of3A_11] : memref<16384xi32, #tpu.memory_space<hbm>> -> memref<128xi32, #tpu.memory_space<hbm>>
    %dma_start3A_12 = tpu.memref_slice %arg3[%multiple_of3A_11] : memref<16384xi32, #tpu.memory_space<hbm>> -> memref<128xi32, #tpu.memory_space<hbm>>
    tpu.enqueue_dma source(%dma_start3A_12 : memref<128xi32, #tpu.memory_space<hbm>>) target(%arg7 : memref<128xi32, #tpu.memory_space<vmem>>) target_semaphore(%arg18 : memref<!tpu.dma_semaphore, #tpu.memory_space<semaphore_mem>>)
    %add3A_13 = arith.constant 0 : i32
    %add3A_14 = arith.addi %multiple_of3A, %add3A_13 : i32
    %multiple_of3A_15 = tpu.assume_multiple %add3A_14, 128 : i32
    %dma_start3A_16 = tpu.memref_slice %arg4[%multiple_of3A_15] : memref<16384xi32, #tpu.memory_space<hbm>> -> memref<128xi32, #tpu.memory_space<hbm>>
    %dma_start3A_17 = tpu.memref_slice %arg4[%multiple_of3A_15] : memref<16384xi32, #tpu.memory_space<hbm>> -> memref<128xi32, #tpu.memory_space<hbm>>
    tpu.enqueue_dma source(%dma_start3A_17 : memref<128xi32, #tpu.memory_space<hbm>>) target(%arg11 : memref<128xi32, #tpu.memory_space<vmem>>) target_semaphore(%arg22 : memref<!tpu.dma_semaphore, #tpu.memory_space<semaphore_mem>>)
    %add3A_18 = arith.constant 128 : i32
    %add3A_19 = arith.addi %multiple_of3A, %add3A_18 : i32
    %multiple_of3A_20 = tpu.assume_multiple %add3A_19, 128 : i32
    %dma_start3A_21 = tpu.memref_slice %arg3[%multiple_of3A_20] : memref<16384xi32, #tpu.memory_space<hbm>> -> memref<128xi32, #tpu.memory_space<hbm>>
    %dma_start3A_22 = tpu.memref_slice %arg3[%multiple_of3A_20] : memref<16384xi32, #tpu.memory_space<hbm>> -> memref<128xi32, #tpu.memory_space<hbm>>
    tpu.enqueue_dma source(%dma_start3A_22 : memref<128xi32, #tpu.memory_space<hbm>>) target(%arg8 : memref<128xi32, #tpu.memory_space<vmem>>) target_semaphore(%arg19 : memref<!tpu.dma_semaphore, #tpu.memory_space<semaphore_mem>>)
    %add3A_23 = arith.constant 128 : i32
    %add3A_24 = arith.addi %multiple_of3A, %add3A_23 : i32
    %multiple_of3A_25 = tpu.assume_multiple %add3A_24, 128 : i32
    %dma_start3A_26 = tpu.memref_slice %arg4[%multiple_of3A_25] : memref<16384xi32, #tpu.memory_space<hbm>> -> memref<128xi32, #tpu.memory_space<hbm>>
    %dma_start3A_27 = tpu.memref_slice %arg4[%multiple_of3A_25] : memref<16384xi32, #tpu.memory_space<hbm>> -> memref<128xi32, #tpu.memory_space<hbm>>
    tpu.enqueue_dma source(%dma_start3A_27 : memref<128xi32, #tpu.memory_space<hbm>>) target(%arg12 : memref<128xi32, #tpu.memory_space<vmem>>) target_semaphore(%arg23 : memref<!tpu.dma_semaphore, #tpu.memory_space<semaphore_mem>>)
    %add3A_28 = arith.constant 256 : i32
    %add3A_29 = arith.addi %multiple_of3A, %add3A_28 : i32
    %multiple_of3A_30 = tpu.assume_multiple %add3A_29, 128 : i32
    %dma_start3A_31 = tpu.memref_slice %arg3[%multiple_of3A_30] : memref<16384xi32, #tpu.memory_space<hbm>> -> memref<128xi32, #tpu.memory_space<hbm>>
    %dma_start3A_32 = tpu.memref_slice %arg3[%multiple_of3A_30] : memref<16384xi32, #tpu.memory_space<hbm>> -> memref<128xi32, #tpu.memory_space<hbm>>
    tpu.enqueue_dma source(%dma_start3A_32 : memref<128xi32, #tpu.memory_space<hbm>>) target(%arg9 : memref<128xi32, #tpu.memory_space<vmem>>) target_semaphore(%arg20 : memref<!tpu.dma_semaphore, #tpu.memory_space<semaphore_mem>>)
    %add3A_33 = arith.constant 256 : i32
    %add3A_34 = arith.addi %multiple_of3A, %add3A_33 : i32
    %multiple_of3A_35 = tpu.assume_multiple %add3A_34, 128 : i32
    %dma_start3A_36 = tpu.memref_slice %arg4[%multiple_of3A_35] : memref<16384xi32, #tpu.memory_space<hbm>> -> memref<128xi32, #tpu.memory_space<hbm>>
    %dma_start3A_37 = tpu.memref_slice %arg4[%multiple_of3A_35] : memref<16384xi32, #tpu.memory_space<hbm>> -> memref<128xi32, #tpu.memory_space<hbm>>
    tpu.enqueue_dma source(%dma_start3A_37 : memref<128xi32, #tpu.memory_space<hbm>>) target(%arg13 : memref<128xi32, #tpu.memory_space<vmem>>) target_semaphore(%arg24 : memref<!tpu.dma_semaphore, #tpu.memory_space<semaphore_mem>>)
    %add3A_38 = arith.constant 384 : i32
    %add3A_39 = arith.addi %multiple_of3A, %add3A_38 : i32
    %multiple_of3A_40 = tpu.assume_multiple %add3A_39, 128 : i32
    %dma_start3A_41 = tpu.memref_slice %arg3[%multiple_of3A_40] : memref<16384xi32, #tpu.memory_space<hbm>> -> memref<128xi32, #tpu.memory_space<hbm>>
    %dma_start3A_42 = tpu.memref_slice %arg3[%multiple_of3A_40] : memref<16384xi32, #tpu.memory_space<hbm>> -> memref<128xi32, #tpu.memory_space<hbm>>
    tpu.enqueue_dma source(%dma_start3A_42 : memref<128xi32, #tpu.memory_space<hbm>>) target(%arg10 : memref<128xi32, #tpu.memory_space<vmem>>) target_semaphore(%arg21 : memref<!tpu.dma_semaphore, #tpu.memory_space<semaphore_mem>>)
    %add3A_43 = arith.constant 384 : i32
    %add3A_44 = arith.addi %multiple_of3A, %add3A_43 : i32
    %multiple_of3A_45 = tpu.assume_multiple %add3A_44, 128 : i32
    %dma_start3A_46 = tpu.memref_slice %arg4[%multiple_of3A_45] : memref<16384xi32, #tpu.memory_space<hbm>> -> memref<128xi32, #tpu.memory_space<hbm>>
    %dma_start3A_47 = tpu.memref_slice %arg4[%multiple_of3A_45] : memref<16384xi32, #tpu.memory_space<hbm>> -> memref<128xi32, #tpu.memory_space<hbm>>
    tpu.enqueue_dma source(%dma_start3A_47 : memref<128xi32, #tpu.memory_space<hbm>>) target(%arg14 : memref<128xi32, #tpu.memory_space<vmem>>) target_semaphore(%arg25 : memref<!tpu.dma_semaphore, #tpu.memory_space<semaphore_mem>>)
    %dma_wait3A = tpu.memref_slice %arg3[%multiple_of3A] : memref<16384xi32, #tpu.memory_space<hbm>> -> memref<128xi32, #tpu.memory_space<hbm>>
    %dma_wait3A_48 = tpu.memref_slice %arg3[%multiple_of3A] : memref<16384xi32, #tpu.memory_space<hbm>> -> memref<128xi32, #tpu.memory_space<hbm>>
    tpu.wait_dma2 semaphore(%arg18 : memref<!tpu.dma_semaphore, #tpu.memory_space<semaphore_mem>>) src(%dma_wait3A_48 : memref<128xi32, #tpu.memory_space<hbm>>) dst(%arg7 : memref<128xi32, #tpu.memory_space<vmem>>)
    %dma_start3A_49 = arith.constant 0 : i32
    %dma_start3A_50 = arith.constant 0 : i32
    %dma_start3A_51 = tpu.memref_slice %arg5[%dma_start3A_49, %dma_start3A_50] : memref<10240x128xf32, #tpu.memory_space<hbm>> -> memref<10240x128xf32, #tpu.memory_space<hbm>>
    tpu.enqueue_indirect_dma source(%dma_start3A_51 : memref<10240x128xf32, #tpu.memory_space<hbm>>) target(%arg15 : memref<128x128xf32, #tpu.memory_space<vmem>>) offsets(%arg7 : memref<128xi32, #tpu.memory_space<vmem>>) semaphore(%arg26 : memref<!tpu.dma_semaphore, #tpu.memory_space<semaphore_mem>>)
    %dma_wait3A_52 = tpu.memref_slice %arg3[%multiple_of3A] : memref<16384xi32, #tpu.memory_space<hbm>> -> memref<128xi32, #tpu.memory_space<hbm>>
    %dma_wait3A_53 = tpu.memref_slice %arg3[%multiple_of3A] : memref<16384xi32, #tpu.memory_space<hbm>> -> memref<128xi32, #tpu.memory_space<hbm>>
    tpu.wait_dma2 semaphore(%arg19 : memref<!tpu.dma_semaphore, #tpu.memory_space<semaphore_mem>>) src(%dma_wait3A_53 : memref<128xi32, #tpu.memory_space<hbm>>) dst(%arg8 : memref<128xi32, #tpu.memory_space<vmem>>)
    %dma_start3A_54 = arith.constant 0 : i32
    %dma_start3A_55 = arith.constant 0 : i32
    %dma_start3A_56 = tpu.memref_slice %arg5[%dma_start3A_54, %dma_start3A_55] : memref<10240x128xf32, #tpu.memory_space<hbm>> -> memref<10240x128xf32, #tpu.memory_space<hbm>>
    tpu.enqueue_indirect_dma source(%dma_start3A_56 : memref<10240x128xf32, #tpu.memory_space<hbm>>) target(%arg16 : memref<128x128xf32, #tpu.memory_space<vmem>>) offsets(%arg8 : memref<128xi32, #tpu.memory_space<vmem>>) semaphore(%arg27 : memref<!tpu.dma_semaphore, #tpu.memory_space<semaphore_mem>>)
    %scan3A = arith.constant 0 : i32
    %scan3A_57 = arith.constant 0 : i32
    %mul3A_58 = arith.constant 4 : i32
    %mul3A_59 = arith.muli %scan3A_57, %mul3A_58 : i32
    %add3A_60 = arith.constant 0 : i32
    %add3A_61 = arith.addi %mul3A_59, %add3A_60 : i32
    %dma_wait3A_62 = arith.constant 0 : i32
    %dma_wait3A_63 = arith.constant 0 : i32
    %dma_wait3A_64 = tpu.memref_slice %arg5[%dma_wait3A_62, %dma_wait3A_63] : memref<10240x128xf32, #tpu.memory_space<hbm>> -> memref<10240x128xf32, #tpu.memory_space<hbm>>
    tpu.wait_indirect_dma semaphore(%arg26 : memref<!tpu.dma_semaphore, #tpu.memory_space<semaphore_mem>>) src(%dma_wait3A_64 : memref<10240x128xf32, #tpu.memory_space<hbm>>) dst(%arg15 : memref<128x128xf32, #tpu.memory_space<vmem>>)
    %add3A_65 = arith.constant 4 : i32
    %add3A_66 = arith.addi %add3A_61, %add3A_65 : i32
    %lt3A = arith.constant 4 : i32
    %lt3A_67 = arith.cmpi slt, %add3A_66, %lt3A : i32
    %convert_element_type3A = arith.extui %lt3A_67 : i1 to i32
    %cond3A = arith.constant 0 : i32
    %cond3A_68 = arith.cmpi ne, %convert_element_type3A, %cond3A : i32
    scf.if %cond3A_68 {
      %add3A_180 = arith.constant 4 : i32
      %add3A_181 = arith.addi %add3A_61, %add3A_180 : i32
      %mul3A_182 = arith.constant 128 : i32
      %mul3A_183 = arith.muli %add3A_181, %mul3A_182 : i32
      %add3A_184 = arith.addi %multiple_of3A, %mul3A_183 : i32
      %multiple_of3A_185 = tpu.assume_multiple %add3A_184, 128 : i32
      %dma_start3A_186 = tpu.memref_slice %arg3[%multiple_of3A_185] : memref<16384xi32, #tpu.memory_space<hbm>> -> memref<128xi32, #tpu.memory_space<hbm>>
      %dma_start3A_187 = tpu.memref_slice %arg3[%multiple_of3A_185] : memref<16384xi32, #tpu.memory_space<hbm>> -> memref<128xi32, #tpu.memory_space<hbm>>
      tpu.enqueue_dma source(%dma_start3A_187 : memref<128xi32, #tpu.memory_space<hbm>>) target(%arg7 : memref<128xi32, #tpu.memory_space<vmem>>) target_semaphore(%arg18 : memref<!tpu.dma_semaphore, #tpu.memory_space<semaphore_mem>>)
    } else {
    }
    %dma_wait3A_69 = tpu.memref_slice %arg4[%multiple_of3A] : memref<16384xi32, #tpu.memory_space<hbm>> -> memref<128xi32, #tpu.memory_space<hbm>>
    %dma_wait3A_70 = tpu.memref_slice %arg4[%multiple_of3A] : memref<16384xi32, #tpu.memory_space<hbm>> -> memref<128xi32, #tpu.memory_space<hbm>>
    tpu.wait_dma2 semaphore(%arg22 : memref<!tpu.dma_semaphore, #tpu.memory_space<semaphore_mem>>) src(%dma_wait3A_70 : memref<128xi32, #tpu.memory_space<hbm>>) dst(%arg11 : memref<128xi32, #tpu.memory_space<vmem>>)
    "tpu.region"() ({
      %run_scoped3A = tpu.sem_alloc : memref<!tpu.dma_semaphore, #tpu.memory_space<semaphore_mem>>
      %dma_start3A_180 = arith.constant 0 : i32
      %dma_start3A_181 = arith.constant 0 : i32
      %dma_start3A_182 = tpu.memref_slice %arg17[%dma_start3A_180, %dma_start3A_181] : memref<3200x128xf32, #tpu.memory_space<vmem_shared>> -> memref<3200x128xf32, #tpu.memory_space<vmem_shared>>
      tpu.enqueue_indirect_dma source(%arg15 : memref<128x128xf32, #tpu.memory_space<vmem>>) target(%dma_start3A_182 : memref<3200x128xf32, #tpu.memory_space<vmem_shared>>) offsets(%arg11 : memref<128xi32, #tpu.memory_space<vmem>>) semaphore(%run_scoped3A : memref<!tpu.dma_semaphore, #tpu.memory_space<semaphore_mem>>) {add = true}
      %dma_wait3A_183 = arith.constant 0 : i32
      %dma_wait3A_184 = arith.constant 0 : i32
      %dma_wait3A_185 = tpu.memref_slice %arg17[%dma_wait3A_183, %dma_wait3A_184] : memref<3200x128xf32, #tpu.memory_space<vmem_shared>> -> memref<3200x128xf32, #tpu.memory_space<vmem_shared>>
      tpu.wait_indirect_dma semaphore(%run_scoped3A : memref<!tpu.dma_semaphore, #tpu.memory_space<semaphore_mem>>) src(%arg15 : memref<128x128xf32, #tpu.memory_space<vmem>>) dst(%dma_wait3A_185 : memref<3200x128xf32, #tpu.memory_space<vmem_shared>>)
      tpu.yield
    }) : () -> ()
    %add3A_71 = arith.constant 4 : i32
    %add3A_72 = arith.addi %add3A_61, %add3A_71 : i32
    %lt3A_73 = arith.constant 4 : i32
    %lt3A_74 = arith.cmpi slt, %add3A_72, %lt3A_73 : i32
    %convert_element_type3A_75 = arith.extui %lt3A_74 : i1 to i32
    %cond3A_76 = arith.constant 0 : i32
    %cond3A_77 = arith.cmpi ne, %convert_element_type3A_75, %cond3A_76 : i32
    scf.if %cond3A_77 {
      %add3A_180 = arith.constant 4 : i32
      %add3A_181 = arith.addi %add3A_61, %add3A_180 : i32
      %mul3A_182 = arith.constant 128 : i32
      %mul3A_183 = arith.muli %add3A_181, %mul3A_182 : i32
      %add3A_184 = arith.addi %multiple_of3A, %mul3A_183 : i32
      %multiple_of3A_185 = tpu.assume_multiple %add3A_184, 128 : i32
      %dma_start3A_186 = tpu.memref_slice %arg4[%multiple_of3A_185] : memref<16384xi32, #tpu.memory_space<hbm>> -> memref<128xi32, #tpu.memory_space<hbm>>
      %dma_start3A_187 = tpu.memref_slice %arg4[%multiple_of3A_185] : memref<16384xi32, #tpu.memory_space<hbm>> -> memref<128xi32, #tpu.memory_space<hbm>>
      tpu.enqueue_dma source(%dma_start3A_187 : memref<128xi32, #tpu.memory_space<hbm>>) target(%arg11 : memref<128xi32, #tpu.memory_space<vmem>>) target_semaphore(%arg22 : memref<!tpu.dma_semaphore, #tpu.memory_space<semaphore_mem>>)
    } else {
    }
    %add3A_78 = arith.constant 2 : i32
    %add3A_79 = arith.addi %add3A_61, %add3A_78 : i32
    %lt3A_80 = arith.constant 4 : i32
    %lt3A_81 = arith.cmpi slt, %add3A_79, %lt3A_80 : i32
    %convert_element_type3A_82 = arith.extui %lt3A_81 : i1 to i32
    %cond3A_83 = arith.constant 0 : i32
    %cond3A_84 = arith.cmpi ne, %convert_element_type3A_82, %cond3A_83 : i32
    scf.if %cond3A_84 {
      %dma_wait3A_180 = tpu.memref_slice %arg3[%multiple_of3A] : memref<16384xi32, #tpu.memory_space<hbm>> -> memref<128xi32, #tpu.memory_space<hbm>>
      %dma_wait3A_181 = tpu.memref_slice %arg3[%multiple_of3A] : memref<16384xi32, #tpu.memory_space<hbm>> -> memref<128xi32, #tpu.memory_space<hbm>>
      tpu.wait_dma2 semaphore(%arg20 : memref<!tpu.dma_semaphore, #tpu.memory_space<semaphore_mem>>) src(%dma_wait3A_181 : memref<128xi32, #tpu.memory_space<hbm>>) dst(%arg9 : memref<128xi32, #tpu.memory_space<vmem>>)
      %dma_start3A_182 = arith.constant 0 : i32
      %dma_start3A_183 = arith.constant 0 : i32
      %dma_start3A_184 = tpu.memref_slice %arg5[%dma_start3A_182, %dma_start3A_183] : memref<10240x128xf32, #tpu.memory_space<hbm>> -> memref<10240x128xf32, #tpu.memory_space<hbm>>
      tpu.enqueue_indirect_dma source(%dma_start3A_184 : memref<10240x128xf32, #tpu.memory_space<hbm>>) target(%arg15 : memref<128x128xf32, #tpu.memory_space<vmem>>) offsets(%arg9 : memref<128xi32, #tpu.memory_space<vmem>>) semaphore(%arg26 : memref<!tpu.dma_semaphore, #tpu.memory_space<semaphore_mem>>)
    } else {
    }
    %add3A_85 = arith.constant 1 : i32
    %add3A_86 = arith.addi %mul3A_59, %add3A_85 : i32
    %dma_wait3A_87 = arith.constant 0 : i32
    %dma_wait3A_88 = arith.constant 0 : i32
    %dma_wait3A_89 = tpu.memref_slice %arg5[%dma_wait3A_87, %dma_wait3A_88] : memref<10240x128xf32, #tpu.memory_space<hbm>> -> memref<10240x128xf32, #tpu.memory_space<hbm>>
    tpu.wait_indirect_dma semaphore(%arg27 : memref<!tpu.dma_semaphore, #tpu.memory_space<semaphore_mem>>) src(%dma_wait3A_89 : memref<10240x128xf32, #tpu.memory_space<hbm>>) dst(%arg16 : memref<128x128xf32, #tpu.memory_space<vmem>>)
    %add3A_90 = arith.constant 4 : i32
    %add3A_91 = arith.addi %add3A_86, %add3A_90 : i32
    %lt3A_92 = arith.constant 4 : i32
    %lt3A_93 = arith.cmpi slt, %add3A_91, %lt3A_92 : i32
    %convert_element_type3A_94 = arith.extui %lt3A_93 : i1 to i32
    %cond3A_95 = arith.constant 0 : i32
    %cond3A_96 = arith.cmpi ne, %convert_element_type3A_94, %cond3A_95 : i32
    scf.if %cond3A_96 {
      %add3A_180 = arith.constant 4 : i32
      %add3A_181 = arith.addi %add3A_86, %add3A_180 : i32
      %mul3A_182 = arith.constant 128 : i32
      %mul3A_183 = arith.muli %add3A_181, %mul3A_182 : i32
      %add3A_184 = arith.addi %multiple_of3A, %mul3A_183 : i32
      %multiple_of3A_185 = tpu.assume_multiple %add3A_184, 128 : i32
      %dma_start3A_186 = tpu.memref_slice %arg3[%multiple_of3A_185] : memref<16384xi32, #tpu.memory_space<hbm>> -> memref<128xi32, #tpu.memory_space<hbm>>
      %dma_start3A_187 = tpu.memref_slice %arg3[%multiple_of3A_185] : memref<16384xi32, #tpu.memory_space<hbm>> -> memref<128xi32, #tpu.memory_space<hbm>>
      tpu.enqueue_dma source(%dma_start3A_187 : memref<128xi32, #tpu.memory_space<hbm>>) target(%arg8 : memref<128xi32, #tpu.memory_space<vmem>>) target_semaphore(%arg19 : memref<!tpu.dma_semaphore, #tpu.memory_space<semaphore_mem>>)
    } else {
    }
    %dma_wait3A_97 = tpu.memref_slice %arg4[%multiple_of3A] : memref<16384xi32, #tpu.memory_space<hbm>> -> memref<128xi32, #tpu.memory_space<hbm>>
    %dma_wait3A_98 = tpu.memref_slice %arg4[%multiple_of3A] : memref<16384xi32, #tpu.memory_space<hbm>> -> memref<128xi32, #tpu.memory_space<hbm>>
    tpu.wait_dma2 semaphore(%arg23 : memref<!tpu.dma_semaphore, #tpu.memory_space<semaphore_mem>>) src(%dma_wait3A_98 : memref<128xi32, #tpu.memory_space<hbm>>) dst(%arg12 : memref<128xi32, #tpu.memory_space<vmem>>)
    "tpu.region"() ({
      %run_scoped3A = tpu.sem_alloc : memref<!tpu.dma_semaphore, #tpu.memory_space<semaphore_mem>>
      %dma_start3A_180 = arith.constant 0 : i32
      %dma_start3A_181 = arith.constant 0 : i32
      %dma_start3A_182 = tpu.memref_slice %arg17[%dma_start3A_180, %dma_start3A_181] : memref<3200x128xf32, #tpu.memory_space<vmem_shared>> -> memref<3200x128xf32, #tpu.memory_space<vmem_shared>>
      tpu.enqueue_indirect_dma source(%arg16 : memref<128x128xf32, #tpu.memory_space<vmem>>) target(%dma_start3A_182 : memref<3200x128xf32, #tpu.memory_space<vmem_shared>>) offsets(%arg12 : memref<128xi32, #tpu.memory_space<vmem>>) semaphore(%run_scoped3A : memref<!tpu.dma_semaphore, #tpu.memory_space<semaphore_mem>>) {add = true}
      %dma_wait3A_183 = arith.constant 0 : i32
      %dma_wait3A_184 = arith.constant 0 : i32
      %dma_wait3A_185 = tpu.memref_slice %arg17[%dma_wait3A_183, %dma_wait3A_184] : memref<3200x128xf32, #tpu.memory_space<vmem_shared>> -> memref<3200x128xf32, #tpu.memory_space<vmem_shared>>
      tpu.wait_indirect_dma semaphore(%run_scoped3A : memref<!tpu.dma_semaphore, #tpu.memory_space<semaphore_mem>>) src(%arg16 : memref<128x128xf32, #tpu.memory_space<vmem>>) dst(%dma_wait3A_185 : memref<3200x128xf32, #tpu.memory_space<vmem_shared>>)
      tpu.yield
    }) : () -> ()
    %add3A_99 = arith.constant 4 : i32
    %add3A_100 = arith.addi %add3A_86, %add3A_99 : i32
    %lt3A_101 = arith.constant 4 : i32
    %lt3A_102 = arith.cmpi slt, %add3A_100, %lt3A_101 : i32
    %convert_element_type3A_103 = arith.extui %lt3A_102 : i1 to i32
    %cond3A_104 = arith.constant 0 : i32
    %cond3A_105 = arith.cmpi ne, %convert_element_type3A_103, %cond3A_104 : i32
    scf.if %cond3A_105 {
      %add3A_180 = arith.constant 4 : i32
      %add3A_181 = arith.addi %add3A_86, %add3A_180 : i32
      %mul3A_182 = arith.constant 128 : i32
      %mul3A_183 = arith.muli %add3A_181, %mul3A_182 : i32
      %add3A_184 = arith.addi %multiple_of3A, %mul3A_183 : i32
      %multiple_of3A_185 = tpu.assume_multiple %add3A_184, 128 : i32
      %dma_start3A_186 = tpu.memref_slice %arg4[%multiple_of3A_185] : memref<16384xi32, #tpu.memory_space<hbm>> -> memref<128xi32, #tpu.memory_space<hbm>>
      %dma_start3A_187 = tpu.memref_slice %arg4[%multiple_of3A_185] : memref<16384xi32, #tpu.memory_space<hbm>> -> memref<128xi32, #tpu.memory_space<hbm>>
      tpu.enqueue_dma source(%dma_start3A_187 : memref<128xi32, #tpu.memory_space<hbm>>) target(%arg12 : memref<128xi32, #tpu.memory_space<vmem>>) target_semaphore(%arg23 : memref<!tpu.dma_semaphore, #tpu.memory_space<semaphore_mem>>)
    } else {
    }
    %add3A_106 = arith.constant 2 : i32
    %add3A_107 = arith.addi %add3A_86, %add3A_106 : i32
    %lt3A_108 = arith.constant 4 : i32
    %lt3A_109 = arith.cmpi slt, %add3A_107, %lt3A_108 : i32
    %convert_element_type3A_110 = arith.extui %lt3A_109 : i1 to i32
    %cond3A_111 = arith.constant 0 : i32
    %cond3A_112 = arith.cmpi ne, %convert_element_type3A_110, %cond3A_111 : i32
    scf.if %cond3A_112 {
      %dma_wait3A_180 = tpu.memref_slice %arg3[%multiple_of3A] : memref<16384xi32, #tpu.memory_space<hbm>> -> memref<128xi32, #tpu.memory_space<hbm>>
      %dma_wait3A_181 = tpu.memref_slice %arg3[%multiple_of3A] : memref<16384xi32, #tpu.memory_space<hbm>> -> memref<128xi32, #tpu.memory_space<hbm>>
      tpu.wait_dma2 semaphore(%arg21 : memref<!tpu.dma_semaphore, #tpu.memory_space<semaphore_mem>>) src(%dma_wait3A_181 : memref<128xi32, #tpu.memory_space<hbm>>) dst(%arg10 : memref<128xi32, #tpu.memory_space<vmem>>)
      %dma_start3A_182 = arith.constant 0 : i32
      %dma_start3A_183 = arith.constant 0 : i32
      %dma_start3A_184 = tpu.memref_slice %arg5[%dma_start3A_182, %dma_start3A_183] : memref<10240x128xf32, #tpu.memory_space<hbm>> -> memref<10240x128xf32, #tpu.memory_space<hbm>>
      tpu.enqueue_indirect_dma source(%dma_start3A_184 : memref<10240x128xf32, #tpu.memory_space<hbm>>) target(%arg16 : memref<128x128xf32, #tpu.memory_space<vmem>>) offsets(%arg10 : memref<128xi32, #tpu.memory_space<vmem>>) semaphore(%arg27 : memref<!tpu.dma_semaphore, #tpu.memory_space<semaphore_mem>>)
    } else {
    }
    %add3A_113 = arith.constant 2 : i32
    %add3A_114 = arith.addi %mul3A_59, %add3A_113 : i32
    %dma_wait3A_115 = arith.constant 0 : i32
    %dma_wait3A_116 = arith.constant 0 : i32
    %dma_wait3A_117 = tpu.memref_slice %arg5[%dma_wait3A_115, %dma_wait3A_116] : memref<10240x128xf32, #tpu.memory_space<hbm>> -> memref<10240x128xf32, #tpu.memory_space<hbm>>
    tpu.wait_indirect_dma semaphore(%arg26 : memref<!tpu.dma_semaphore, #tpu.memory_space<semaphore_mem>>) src(%dma_wait3A_117 : memref<10240x128xf32, #tpu.memory_space<hbm>>) dst(%arg15 : memref<128x128xf32, #tpu.memory_space<vmem>>)
    %add3A_118 = arith.constant 4 : i32
    %add3A_119 = arith.addi %add3A_114, %add3A_118 : i32
    %lt3A_120 = arith.constant 4 : i32
    %lt3A_121 = arith.cmpi slt, %add3A_119, %lt3A_120 : i32
    %convert_element_type3A_122 = arith.extui %lt3A_121 : i1 to i32
    %cond3A_123 = arith.constant 0 : i32
    %cond3A_124 = arith.cmpi ne, %convert_element_type3A_122, %cond3A_123 : i32
    scf.if %cond3A_124 {
      %add3A_180 = arith.constant 4 : i32
      %add3A_181 = arith.addi %add3A_114, %add3A_180 : i32
      %mul3A_182 = arith.constant 128 : i32
      %mul3A_183 = arith.muli %add3A_181, %mul3A_182 : i32
      %add3A_184 = arith.addi %multiple_of3A, %mul3A_183 : i32
      %multiple_of3A_185 = tpu.assume_multiple %add3A_184, 128 : i32
      %dma_start3A_186 = tpu.memref_slice %arg3[%multiple_of3A_185] : memref<16384xi32, #tpu.memory_space<hbm>> -> memref<128xi32, #tpu.memory_space<hbm>>
      %dma_start3A_187 = tpu.memref_slice %arg3[%multiple_of3A_185] : memref<16384xi32, #tpu.memory_space<hbm>> -> memref<128xi32, #tpu.memory_space<hbm>>
      tpu.enqueue_dma source(%dma_start3A_187 : memref<128xi32, #tpu.memory_space<hbm>>) target(%arg9 : memref<128xi32, #tpu.memory_space<vmem>>) target_semaphore(%arg20 : memref<!tpu.dma_semaphore, #tpu.memory_space<semaphore_mem>>)
    } else {
    }
    %dma_wait3A_125 = tpu.memref_slice %arg4[%multiple_of3A] : memref<16384xi32, #tpu.memory_space<hbm>> -> memref<128xi32, #tpu.memory_space<hbm>>
    %dma_wait3A_126 = tpu.memref_slice %arg4[%multiple_of3A] : memref<16384xi32, #tpu.memory_space<hbm>> -> memref<128xi32, #tpu.memory_space<hbm>>
    tpu.wait_dma2 semaphore(%arg24 : memref<!tpu.dma_semaphore, #tpu.memory_space<semaphore_mem>>) src(%dma_wait3A_126 : memref<128xi32, #tpu.memory_space<hbm>>) dst(%arg13 : memref<128xi32, #tpu.memory_space<vmem>>)
    "tpu.region"() ({
      %run_scoped3A = tpu.sem_alloc : memref<!tpu.dma_semaphore, #tpu.memory_space<semaphore_mem>>
      %dma_start3A_180 = arith.constant 0 : i32
      %dma_start3A_181 = arith.constant 0 : i32
      %dma_start3A_182 = tpu.memref_slice %arg17[%dma_start3A_180, %dma_start3A_181] : memref<3200x128xf32, #tpu.memory_space<vmem_shared>> -> memref<3200x128xf32, #tpu.memory_space<vmem_shared>>
      tpu.enqueue_indirect_dma source(%arg15 : memref<128x128xf32, #tpu.memory_space<vmem>>) target(%dma_start3A_182 : memref<3200x128xf32, #tpu.memory_space<vmem_shared>>) offsets(%arg13 : memref<128xi32, #tpu.memory_space<vmem>>) semaphore(%run_scoped3A : memref<!tpu.dma_semaphore, #tpu.memory_space<semaphore_mem>>) {add = true}
      %dma_wait3A_183 = arith.constant 0 : i32
      %dma_wait3A_184 = arith.constant 0 : i32
      %dma_wait3A_185 = tpu.memref_slice %arg17[%dma_wait3A_183, %dma_wait3A_184] : memref<3200x128xf32, #tpu.memory_space<vmem_shared>> -> memref<3200x128xf32, #tpu.memory_space<vmem_shared>>
      tpu.wait_indirect_dma semaphore(%run_scoped3A : memref<!tpu.dma_semaphore, #tpu.memory_space<semaphore_mem>>) src(%arg15 : memref<128x128xf32, #tpu.memory_space<vmem>>) dst(%dma_wait3A_185 : memref<3200x128xf32, #tpu.memory_space<vmem_shared>>)
      tpu.yield
    }) : () -> ()
    %add3A_127 = arith.constant 4 : i32
    %add3A_128 = arith.addi %add3A_114, %add3A_127 : i32
    %lt3A_129 = arith.constant 4 : i32
    %lt3A_130 = arith.cmpi slt, %add3A_128, %lt3A_129 : i32
    %convert_element_type3A_131 = arith.extui %lt3A_130 : i1 to i32
    %cond3A_132 = arith.constant 0 : i32
    %cond3A_133 = arith.cmpi ne, %convert_element_type3A_131, %cond3A_132 : i32
    scf.if %cond3A_133 {
      %add3A_180 = arith.constant 4 : i32
      %add3A_181 = arith.addi %add3A_114, %add3A_180 : i32
      %mul3A_182 = arith.constant 128 : i32
      %mul3A_183 = arith.muli %add3A_181, %mul3A_182 : i32
      %add3A_184 = arith.addi %multiple_of3A, %mul3A_183 : i32
      %multiple_of3A_185 = tpu.assume_multiple %add3A_184, 128 : i32
      %dma_start3A_186 = tpu.memref_slice %arg4[%multiple_of3A_185] : memref<16384xi32, #tpu.memory_space<hbm>> -> memref<128xi32, #tpu.memory_space<hbm>>
      %dma_start3A_187 = tpu.memref_slice %arg4[%multiple_of3A_185] : memref<16384xi32, #tpu.memory_space<hbm>> -> memref<128xi32, #tpu.memory_space<hbm>>
      tpu.enqueue_dma source(%dma_start3A_187 : memref<128xi32, #tpu.memory_space<hbm>>) target(%arg13 : memref<128xi32, #tpu.memory_space<vmem>>) target_semaphore(%arg24 : memref<!tpu.dma_semaphore, #tpu.memory_space<semaphore_mem>>)
    } else {
    }
    %add3A_134 = arith.constant 2 : i32
    %add3A_135 = arith.addi %add3A_114, %add3A_134 : i32
    %lt3A_136 = arith.constant 4 : i32
    %lt3A_137 = arith.cmpi slt, %add3A_135, %lt3A_136 : i32
    %convert_element_type3A_138 = arith.extui %lt3A_137 : i1 to i32
    %cond3A_139 = arith.constant 0 : i32
    %cond3A_140 = arith.cmpi ne, %convert_element_type3A_138, %cond3A_139 : i32
    scf.if %cond3A_140 {
      %dma_wait3A_180 = tpu.memref_slice %arg3[%multiple_of3A] : memref<16384xi32, #tpu.memory_space<hbm>> -> memref<128xi32, #tpu.memory_space<hbm>>
      %dma_wait3A_181 = tpu.memref_slice %arg3[%multiple_of3A] : memref<16384xi32, #tpu.memory_space<hbm>> -> memref<128xi32, #tpu.memory_space<hbm>>
      tpu.wait_dma2 semaphore(%arg18 : memref<!tpu.dma_semaphore, #tpu.memory_space<semaphore_mem>>) src(%dma_wait3A_181 : memref<128xi32, #tpu.memory_space<hbm>>) dst(%arg7 : memref<128xi32, #tpu.memory_space<vmem>>)
      %dma_start3A_182 = arith.constant 0 : i32
      %dma_start3A_183 = arith.constant 0 : i32
      %dma_start3A_184 = tpu.memref_slice %arg5[%dma_start3A_182, %dma_start3A_183] : memref<10240x128xf32, #tpu.memory_space<hbm>> -> memref<10240x128xf32, #tpu.memory_space<hbm>>
      tpu.enqueue_indirect_dma source(%dma_start3A_184 : memref<10240x128xf32, #tpu.memory_space<hbm>>) target(%arg15 : memref<128x128xf32, #tpu.memory_space<vmem>>) offsets(%arg7 : memref<128xi32, #tpu.memory_space<vmem>>) semaphore(%arg26 : memref<!tpu.dma_semaphore, #tpu.memory_space<semaphore_mem>>)
    } else {
    }
    %add3A_141 = arith.constant 3 : i32
    %add3A_142 = arith.addi %mul3A_59, %add3A_141 : i32
    %dma_wait3A_143 = arith.constant 0 : i32
    %dma_wait3A_144 = arith.constant 0 : i32
    %dma_wait3A_145 = tpu.memref_slice %arg5[%dma_wait3A_143, %dma_wait3A_144] : memref<10240x128xf32, #tpu.memory_space<hbm>> -> memref<10240x128xf32, #tpu.memory_space<hbm>>
    tpu.wait_indirect_dma semaphore(%arg27 : memref<!tpu.dma_semaphore, #tpu.memory_space<semaphore_mem>>) src(%dma_wait3A_145 : memref<10240x128xf32, #tpu.memory_space<hbm>>) dst(%arg16 : memref<128x128xf32, #tpu.memory_space<vmem>>)
    %add3A_146 = arith.constant 4 : i32
    %add3A_147 = arith.addi %add3A_142, %add3A_146 : i32
    %lt3A_148 = arith.constant 4 : i32
    %lt3A_149 = arith.cmpi slt, %add3A_147, %lt3A_148 : i32
    %convert_element_type3A_150 = arith.extui %lt3A_149 : i1 to i32
    %cond3A_151 = arith.constant 0 : i32
    %cond3A_152 = arith.cmpi ne, %convert_element_type3A_150, %cond3A_151 : i32
    scf.if %cond3A_152 {
      %add3A_180 = arith.constant 4 : i32
      %add3A_181 = arith.addi %add3A_142, %add3A_180 : i32
      %mul3A_182 = arith.constant 128 : i32
      %mul3A_183 = arith.muli %add3A_181, %mul3A_182 : i32
      %add3A_184 = arith.addi %multiple_of3A, %mul3A_183 : i32
      %multiple_of3A_185 = tpu.assume_multiple %add3A_184, 128 : i32
      %dma_start3A_186 = tpu.memref_slice %arg3[%multiple_of3A_185] : memref<16384xi32, #tpu.memory_space<hbm>> -> memref<128xi32, #tpu.memory_space<hbm>>
      %dma_start3A_187 = tpu.memref_slice %arg3[%multiple_of3A_185] : memref<16384xi32, #tpu.memory_space<hbm>> -> memref<128xi32, #tpu.memory_space<hbm>>
      tpu.enqueue_dma source(%dma_start3A_187 : memref<128xi32, #tpu.memory_space<hbm>>) target(%arg10 : memref<128xi32, #tpu.memory_space<vmem>>) target_semaphore(%arg21 : memref<!tpu.dma_semaphore, #tpu.memory_space<semaphore_mem>>)
    } else {
    }
    %dma_wait3A_153 = tpu.memref_slice %arg4[%multiple_of3A] : memref<16384xi32, #tpu.memory_space<hbm>> -> memref<128xi32, #tpu.memory_space<hbm>>
    %dma_wait3A_154 = tpu.memref_slice %arg4[%multiple_of3A] : memref<16384xi32, #tpu.memory_space<hbm>> -> memref<128xi32, #tpu.memory_space<hbm>>
    tpu.wait_dma2 semaphore(%arg25 : memref<!tpu.dma_semaphore, #tpu.memory_space<semaphore_mem>>) src(%dma_wait3A_154 : memref<128xi32, #tpu.memory_space<hbm>>) dst(%arg14 : memref<128xi32, #tpu.memory_space<vmem>>)
    "tpu.region"() ({
      %run_scoped3A = tpu.sem_alloc : memref<!tpu.dma_semaphore, #tpu.memory_space<semaphore_mem>>
      %dma_start3A_180 = arith.constant 0 : i32
      %dma_start3A_181 = arith.constant 0 : i32
      %dma_start3A_182 = tpu.memref_slice %arg17[%dma_start3A_180, %dma_start3A_181] : memref<3200x128xf32, #tpu.memory_space<vmem_shared>> -> memref<3200x128xf32, #tpu.memory_space<vmem_shared>>
      tpu.enqueue_indirect_dma source(%arg16 : memref<128x128xf32, #tpu.memory_space<vmem>>) target(%dma_start3A_182 : memref<3200x128xf32, #tpu.memory_space<vmem_shared>>) offsets(%arg14 : memref<128xi32, #tpu.memory_space<vmem>>) semaphore(%run_scoped3A : memref<!tpu.dma_semaphore, #tpu.memory_space<semaphore_mem>>) {add = true}
      %dma_wait3A_183 = arith.constant 0 : i32
      %dma_wait3A_184 = arith.constant 0 : i32
      %dma_wait3A_185 = tpu.memref_slice %arg17[%dma_wait3A_183, %dma_wait3A_184] : memref<3200x128xf32, #tpu.memory_space<vmem_shared>> -> memref<3200x128xf32, #tpu.memory_space<vmem_shared>>
      tpu.wait_indirect_dma semaphore(%run_scoped3A : memref<!tpu.dma_semaphore, #tpu.memory_space<semaphore_mem>>) src(%arg16 : memref<128x128xf32, #tpu.memory_space<vmem>>) dst(%dma_wait3A_185 : memref<3200x128xf32, #tpu.memory_space<vmem_shared>>)
      tpu.yield
    }) : () -> ()
    %add3A_155 = arith.constant 4 : i32
    %add3A_156 = arith.addi %add3A_142, %add3A_155 : i32
    %lt3A_157 = arith.constant 4 : i32
    %lt3A_158 = arith.cmpi slt, %add3A_156, %lt3A_157 : i32
    %convert_element_type3A_159 = arith.extui %lt3A_158 : i1 to i32
    %cond3A_160 = arith.constant 0 : i32
    %cond3A_161 = arith.cmpi ne, %convert_element_type3A_159, %cond3A_160 : i32
    scf.if %cond3A_161 {
      %add3A_180 = arith.constant 4 : i32
      %add3A_181 = arith.addi %add3A_142, %add3A_180 : i32
      %mul3A_182 = arith.constant 128 : i32
      %mul3A_183 = arith.muli %add3A_181, %mul3A_182 : i32
      %add3A_184 = arith.addi %multiple_of3A, %mul3A_183 : i32
      %multiple_of3A_185 = tpu.assume_multiple %add3A_184, 128 : i32
      %dma_start3A_186 = tpu.memref_slice %arg4[%multiple_of3A_185] : memref<16384xi32, #tpu.memory_space<hbm>> -> memref<128xi32, #tpu.memory_space<hbm>>
      %dma_start3A_187 = tpu.memref_slice %arg4[%multiple_of3A_185] : memref<16384xi32, #tpu.memory_space<hbm>> -> memref<128xi32, #tpu.memory_space<hbm>>
      tpu.enqueue_dma source(%dma_start3A_187 : memref<128xi32, #tpu.memory_space<hbm>>) target(%arg14 : memref<128xi32, #tpu.memory_space<vmem>>) target_semaphore(%arg25 : memref<!tpu.dma_semaphore, #tpu.memory_space<semaphore_mem>>)
    } else {
    }
    %add3A_162 = arith.constant 2 : i32
    %add3A_163 = arith.addi %add3A_142, %add3A_162 : i32
    %lt3A_164 = arith.constant 4 : i32
    %lt3A_165 = arith.cmpi slt, %add3A_163, %lt3A_164 : i32
    %convert_element_type3A_166 = arith.extui %lt3A_165 : i1 to i32
    %cond3A_167 = arith.constant 0 : i32
    %cond3A_168 = arith.cmpi ne, %convert_element_type3A_166, %cond3A_167 : i32
    scf.if %cond3A_168 {
      %dma_wait3A_180 = tpu.memref_slice %arg3[%multiple_of3A] : memref<16384xi32, #tpu.memory_space<hbm>> -> memref<128xi32, #tpu.memory_space<hbm>>
      %dma_wait3A_181 = tpu.memref_slice %arg3[%multiple_of3A] : memref<16384xi32, #tpu.memory_space<hbm>> -> memref<128xi32, #tpu.memory_space<hbm>>
      tpu.wait_dma2 semaphore(%arg19 : memref<!tpu.dma_semaphore, #tpu.memory_space<semaphore_mem>>) src(%dma_wait3A_181 : memref<128xi32, #tpu.memory_space<hbm>>) dst(%arg8 : memref<128xi32, #tpu.memory_space<vmem>>)
      %dma_start3A_182 = arith.constant 0 : i32
      %dma_start3A_183 = arith.constant 0 : i32
      %dma_start3A_184 = tpu.memref_slice %arg5[%dma_start3A_182, %dma_start3A_183] : memref<10240x128xf32, #tpu.memory_space<hbm>> -> memref<10240x128xf32, #tpu.memory_space<hbm>>
      tpu.enqueue_indirect_dma source(%dma_start3A_184 : memref<10240x128xf32, #tpu.memory_space<hbm>>) target(%arg16 : memref<128x128xf32, #tpu.memory_space<vmem>>) offsets(%arg8 : memref<128xi32, #tpu.memory_space<vmem>>) semaphore(%arg27 : memref<!tpu.dma_semaphore, #tpu.memory_space<semaphore_mem>>)
    } else {
    }
    %scan3A_169 = arith.constant 1 : i32
    %barrier3A_170 = arith.constant 0 : index
    tpu.barrier barrier_id(%barrier3A_170)
    %eq3A = arith.constant 0 : i32
    %eq3A_171 = arith.cmpi eq, %arg0, %eq3A : i32
    %convert_element_type3A_172 = arith.extui %eq3A_171 : i1 to i32
    %cond3A_173 = arith.constant 0 : i32
    %cond3A_174 = arith.cmpi ne, %convert_element_type3A_172, %cond3A_173 : i32
    scf.if %cond3A_174 {
      %add3A_180 = arith.constant 0 : i32
      %add3A_181 = arith.addi %mul3A_4, %add3A_180 : i32
      %add3A_182 = arith.constant 0 : i32
      %add3A_183 = arith.addi %mul3A_4, %add3A_182 : i32
      %run_scoped3A = arith.constant 0 : i32
      "tpu.region"() ({
        %run_scoped3A_189 = tpu.sem_alloc : memref<!tpu.dma_semaphore, #tpu.memory_space<semaphore_mem>>
        %dma_start3A_190 = arith.constant 0 : i32
        %dma_start3A_191 = tpu.memref_slice %arg6[%run_scoped3A, %add3A_183, %dma_start3A_190] : memref<2x3200x128xf32, #tpu.memory_space<hbm>> -> memref<1x128x128xf32, #tpu.memory_space<hbm>>
        %dma_start3A_192 = tpu.memref_squeeze %dma_start3A_191 : memref<1x128x128xf32, #tpu.memory_space<hbm>> -> memref<128x128xf32, #tpu.memory_space<hbm>>
        %dma_start3A_193 = arith.constant 0 : i32
        %dma_start3A_194 = tpu.memref_slice %arg17[%add3A_181, %dma_start3A_193] : memref<3200x128xf32, #tpu.memory_space<vmem_shared>> -> memref<128x128xf32, #tpu.memory_space<vmem_shared>>
        tpu.enqueue_dma source(%dma_start3A_194 : memref<128x128xf32, #tpu.memory_space<vmem_shared>>) target(%dma_start3A_192 : memref<128x128xf32, #tpu.memory_space<hbm>>) target_semaphore(%run_scoped3A_189 : memref<!tpu.dma_semaphore, #tpu.memory_space<semaphore_mem>>)
        %dma_wait3A_195 = arith.constant 0 : i32
        %dma_wait3A_196 = tpu.memref_slice %arg6[%run_scoped3A, %add3A_183, %dma_wait3A_195] : memref<2x3200x128xf32, #tpu.memory_space<hbm>> -> memref<1x128x128xf32, #tpu.memory_space<hbm>>
        %dma_wait3A_197 = tpu.memref_squeeze %dma_wait3A_196 : memref<1x128x128xf32, #tpu.memory_space<hbm>> -> memref<128x128xf32, #tpu.memory_space<hbm>>
        %dma_wait3A_198 = arith.constant 0 : i32
        %dma_wait3A_199 = tpu.memref_slice %arg17[%add3A_181, %dma_wait3A_198] : memref<3200x128xf32, #tpu.memory_space<vmem_shared>> -> memref<128x128xf32, #tpu.memory_space<vmem_shared>>
        tpu.wait_dma2 semaphore(%run_scoped3A_189 : memref<!tpu.dma_semaphore, #tpu.memory_space<semaphore_mem>>) src(%dma_wait3A_199 : memref<128x128xf32, #tpu.memory_space<vmem_shared>>) dst(%dma_wait3A_197 : memref<128x128xf32, #tpu.memory_space<hbm>>)
        tpu.yield
      }) : () -> ()
      %add3A_184 = arith.constant 128 : i32
      %add3A_185 = arith.addi %mul3A_4, %add3A_184 : i32
      %add3A_186 = arith.constant 128 : i32
      %add3A_187 = arith.addi %mul3A_4, %add3A_186 : i32
      %run_scoped3A_188 = arith.constant 0 : i32
      "tpu.region"() ({
        %run_scoped3A_189 = tpu.sem_alloc : memref<!tpu.dma_semaphore, #tpu.memory_space<semaphore_mem>>
        %dma_start3A_190 = arith.constant 0 : i32
        %dma_start3A_191 = tpu.memref_slice %arg6[%run_scoped3A_188, %add3A_187, %dma_start3A_190] : memref<2x3200x128xf32, #tpu.memory_space<hbm>> -> memref<1x72x128xf32, #tpu.memory_space<hbm>>
        %dma_start3A_192 = tpu.memref_squeeze %dma_start3A_191 : memref<1x72x128xf32, #tpu.memory_space<hbm>> -> memref<72x128xf32, #tpu.memory_space<hbm>>
        %dma_start3A_193 = arith.constant 0 : i32
        %dma_start3A_194 = tpu.memref_slice %arg17[%add3A_185, %dma_start3A_193] : memref<3200x128xf32, #tpu.memory_space<vmem_shared>> -> memref<72x128xf32, #tpu.memory_space<vmem_shared>>
        tpu.enqueue_dma source(%dma_start3A_194 : memref<72x128xf32, #tpu.memory_space<vmem_shared>>) target(%dma_start3A_192 : memref<72x128xf32, #tpu.memory_space<hbm>>) target_semaphore(%run_scoped3A_189 : memref<!tpu.dma_semaphore, #tpu.memory_space<semaphore_mem>>)
        %dma_wait3A_195 = arith.constant 0 : i32
        %dma_wait3A_196 = tpu.memref_slice %arg6[%run_scoped3A_188, %add3A_187, %dma_wait3A_195] : memref<2x3200x128xf32, #tpu.memory_space<hbm>> -> memref<1x72x128xf32, #tpu.memory_space<hbm>>
        %dma_wait3A_197 = tpu.memref_squeeze %dma_wait3A_196 : memref<1x72x128xf32, #tpu.memory_space<hbm>> -> memref<72x128xf32, #tpu.memory_space<hbm>>
        %dma_wait3A_198 = arith.constant 0 : i32
        %dma_wait3A_199 = tpu.memref_slice %arg17[%add3A_185, %dma_wait3A_198] : memref<3200x128xf32, #tpu.memory_space<vmem_shared>> -> memref<72x128xf32, #tpu.memory_space<vmem_shared>>
        tpu.wait_dma2 semaphore(%run_scoped3A_189 : memref<!tpu.dma_semaphore, #tpu.memory_space<semaphore_mem>>) src(%dma_wait3A_199 : memref<72x128xf32, #tpu.memory_space<vmem_shared>>) dst(%dma_wait3A_197 : memref<72x128xf32, #tpu.memory_space<hbm>>)
        tpu.yield
      }) : () -> ()
    } else {
    }
    %eq3A_175 = arith.constant 1 : i32
    %eq3A_176 = arith.cmpi eq, %arg0, %eq3A_175 : i32
    %convert_element_type3A_177 = arith.extui %eq3A_176 : i1 to i32
    %cond3A_178 = arith.constant 0 : i32
    %cond3A_179 = arith.cmpi ne, %convert_element_type3A_177, %cond3A_178 : i32
    scf.if %cond3A_179 {
      %add3A_180 = arith.constant 0 : i32
      %add3A_181 = arith.addi %mul3A_4, %add3A_180 : i32
      %add3A_182 = arith.constant 0 : i32
      %add3A_183 = arith.addi %mul3A_4, %add3A_182 : i32
      %run_scoped3A = arith.constant 1 : i32
      "tpu.region"() ({
        %run_scoped3A_189 = tpu.sem_alloc : memref<!tpu.dma_semaphore, #tpu.memory_space<semaphore_mem>>
        %dma_start3A_190 = arith.constant 0 : i32
        %dma_start3A_191 = tpu.memref_slice %arg6[%run_scoped3A, %add3A_183, %dma_start3A_190] : memref<2x3200x128xf32, #tpu.memory_space<hbm>> -> memref<1x128x128xf32, #tpu.memory_space<hbm>>
        %dma_start3A_192 = tpu.memref_squeeze %dma_start3A_191 : memref<1x128x128xf32, #tpu.memory_space<hbm>> -> memref<128x128xf32, #tpu.memory_space<hbm>>
        %dma_start3A_193 = arith.constant 0 : i32
        %dma_start3A_194 = tpu.memref_slice %arg17[%add3A_181, %dma_start3A_193] : memref<3200x128xf32, #tpu.memory_space<vmem_shared>> -> memref<128x128xf32, #tpu.memory_space<vmem_shared>>
        tpu.enqueue_dma source(%dma_start3A_194 : memref<128x128xf32, #tpu.memory_space<vmem_shared>>) target(%dma_start3A_192 : memref<128x128xf32, #tpu.memory_space<hbm>>) target_semaphore(%run_scoped3A_189 : memref<!tpu.dma_semaphore, #tpu.memory_space<semaphore_mem>>)
        %dma_wait3A_195 = arith.constant 0 : i32
        %dma_wait3A_196 = tpu.memref_slice %arg6[%run_scoped3A, %add3A_183, %dma_wait3A_195] : memref<2x3200x128xf32, #tpu.memory_space<hbm>> -> memref<1x128x128xf32, #tpu.memory_space<hbm>>
        %dma_wait3A_197 = tpu.memref_squeeze %dma_wait3A_196 : memref<1x128x128xf32, #tpu.memory_space<hbm>> -> memref<128x128xf32, #tpu.memory_space<hbm>>
        %dma_wait3A_198 = arith.constant 0 : i32
        %dma_wait3A_199 = tpu.memref_slice %arg17[%add3A_181, %dma_wait3A_198] : memref<3200x128xf32, #tpu.memory_space<vmem_shared>> -> memref<128x128xf32, #tpu.memory_space<vmem_shared>>
        tpu.wait_dma2 semaphore(%run_scoped3A_189 : memref<!tpu.dma_semaphore, #tpu.memory_space<semaphore_mem>>) src(%dma_wait3A_199 : memref<128x128xf32, #tpu.memory_space<vmem_shared>>) dst(%dma_wait3A_197 : memref<128x128xf32, #tpu.memory_space<hbm>>)
        tpu.yield
      }) : () -> ()
      %add3A_184 = arith.constant 128 : i32
      %add3A_185 = arith.addi %mul3A_4, %add3A_184 : i32
      %add3A_186 = arith.constant 128 : i32
      %add3A_187 = arith.addi %mul3A_4, %add3A_186 : i32
      %run_scoped3A_188 = arith.constant 1 : i32
      "tpu.region"() ({
        %run_scoped3A_189 = tpu.sem_alloc : memref<!tpu.dma_semaphore, #tpu.memory_space<semaphore_mem>>
        %dma_start3A_190 = arith.constant 0 : i32
        %dma_start3A_191 = tpu.memref_slice %arg6[%run_scoped3A_188, %add3A_187, %dma_start3A_190] : memref<2x3200x128xf32, #tpu.memory_space<hbm>> -> memref<1x72x128xf32, #tpu.memory_space<hbm>>
        %dma_start3A_192 = tpu.memref_squeeze %dma_start3A_191 : memref<1x72x128xf32, #tpu.memory_space<hbm>> -> memref<72x128xf32, #tpu.memory_space<hbm>>
        %dma_start3A_193 = arith.constant 0 : i32
        %dma_start3A_194 = tpu.memref_slice %arg17[%add3A_185, %dma_start3A_193] : memref<3200x128xf32, #tpu.memory_space<vmem_shared>> -> memref<72x128xf32, #tpu.memory_space<vmem_shared>>
        tpu.enqueue_dma source(%dma_start3A_194 : memref<72x128xf32, #tpu.memory_space<vmem_shared>>) target(%dma_start3A_192 : memref<72x128xf32, #tpu.memory_space<hbm>>) target_semaphore(%run_scoped3A_189 : memref<!tpu.dma_semaphore, #tpu.memory_space<semaphore_mem>>)
        %dma_wait3A_195 = arith.constant 0 : i32
        %dma_wait3A_196 = tpu.memref_slice %arg6[%run_scoped3A_188, %add3A_187, %dma_wait3A_195] : memref<2x3200x128xf32, #tpu.memory_space<hbm>> -> memref<1x72x128xf32, #tpu.memory_space<hbm>>
        %dma_wait3A_197 = tpu.memref_squeeze %dma_wait3A_196 : memref<1x72x128xf32, #tpu.memory_space<hbm>> -> memref<72x128xf32, #tpu.memory_space<hbm>>
        %dma_wait3A_198 = arith.constant 0 : i32
        %dma_wait3A_199 = tpu.memref_slice %arg17[%add3A_185, %dma_wait3A_198] : memref<3200x128xf32, #tpu.memory_space<vmem_shared>> -> memref<72x128xf32, #tpu.memory_space<vmem_shared>>
        tpu.wait_dma2 semaphore(%run_scoped3A_189 : memref<!tpu.dma_semaphore, #tpu.memory_space<semaphore_mem>>) src(%dma_wait3A_199 : memref<72x128xf32, #tpu.memory_space<vmem_shared>>) dst(%dma_wait3A_197 : memref<72x128xf32, #tpu.memory_space<hbm>>)
        tpu.yield
      }) : () -> ()
    } else {
    }
    return
  }
}

module attributes {stable_mosaic.version = 14 : i64} {
  func.func @body(%arg0: i32, %arg1: memref<2048x136xf32, #tpu.memory_space<vmem>>, %arg2: memref<136x128xf32, #tpu.memory_space<vmem>>, %arg3: memref<2048x128xf32, #tpu.memory_space<vmem>>) attributes {dimension_semantics = [#tpu.dimension_semantics<arbitrary>], iteration_bounds = array<i64: 5>, scalar_prefetch = 0 : i64, scratch_operands = 0 : i64, tpu.core_type = #tpu.core_type<tc>, window_params = [{transform_indices = @transform_0, window_bounds = array<i64: 2048, 136>}, {pipeline_mode = #tpu.pipeline_mode<synchronous>, transform_indices = @transform_1, window_bounds = array<i64: 136, 128>}, {transform_indices = @transform_2, window_bounds = array<i64: 2048, 128>}]} {
    %get3A = arith.constant 0 : index
    %get3A_0 = arith.constant 0 : index
    %get3A_1 = vector.load %arg1[%get3A, %get3A_0] : memref<2048x136xf32, #tpu.memory_space<vmem>>, vector<2048x136xf32>
    %get3A_2 = arith.constant 0 : index
    %get3A_3 = arith.constant 0 : index
    %get3A_4 = vector.load %arg2[%get3A_2, %get3A_3] : memref<136x128xf32, #tpu.memory_space<vmem>>, vector<136x128xf32>
    %dot_general3A = arith.constant dense<0.000000e+00> : vector<2048x128xf32>
    %dot_general3A_5 = tpu.matmul %get3A_1, %get3A_4, %dot_general3A {dimension_numbers = #tpu.dot_dimension_numbers<[1], [0], [0], [1], [0, 0, 1, 1], [], []>, transpose_lhs_hint = false} : vector<2048x136xf32>, vector<136x128xf32>, vector<2048x128xf32> -> vector<2048x128xf32>
    %swap3A = arith.constant 0 : index
    %swap3A_6 = arith.constant 0 : index
    %swap3A_7 = vector.load %arg3[%swap3A, %swap3A_6] : memref<2048x128xf32, #tpu.memory_space<vmem>>, vector<2048x128xf32>
    tpu.vector_store %arg3[%swap3A, %swap3A_6], %dot_general3A_5 {strides = array<i32>} : memref<2048x128xf32, #tpu.memory_space<vmem>>, vector<2048x128xf32>,
    return
  }
  func.func @transform_0(%arg0: i32) -> (i32, i32) {
    %c0_i32 = arith.constant 0 : i32
    %c0_i32_0 = arith.constant 0 : i32
    return %arg0, %c0_i32 : i32, i32
  }
  func.func @transform_1(%arg0: i32) -> (i32, i32) {
    %c0_i32 = arith.constant 0 : i32
    %c0_i32_0 = arith.constant 0 : i32
    %c0_i32_1 = arith.constant 0 : i32
    return %c0_i32, %c0_i32_0 : i32, i32
  }
  func.func @transform_2(%arg0: i32) -> (i32, i32) {
    %c0_i32 = arith.constant 0 : i32
    %c0_i32_0 = arith.constant 0 : i32
    return %arg0, %c0_i32 : i32, i32
  }
}

module attributes {stable_mosaic.version = 14 : i64} {
  func.func @body(%arg0: i32, %arg1: memref<2x2048x128xf32, #tpu.memory_space<vmem>>, %arg2: memref<2048x128xf32, #tpu.memory_space<vmem>>, %arg3: memref<2048x128xf32, #tpu.memory_space<vmem>>, %arg4: memref<2048x1xf32, #tpu.memory_space<vmem>>) attributes {dimension_semantics = [#tpu.dimension_semantics<arbitrary>], iteration_bounds = array<i64: 5>, scalar_prefetch = 0 : i64, scratch_operands = 0 : i64, tpu.core_type = #tpu.core_type<tc>, window_params = [{transform_indices = @transform_0, window_bounds = array<i64: 2, 2048, 128>}, {transform_indices = @transform_1, window_bounds = array<i64: 2048, 128>}, {transform_indices = @transform_2, window_bounds = array<i64: 2048, 128>}, {transform_indices = @transform_3, window_bounds = array<i64: 2048, 1>}]} {
    %get3A = arith.constant 0 : index
    %get3A_0 = arith.constant 0 : index
    %get3A_1 = arith.constant 0 : index
    %get3A_2 = vector.load %arg1[%get3A, %get3A_0, %get3A_1] : memref<2x2048x128xf32, #tpu.memory_space<vmem>>, vector<1x2048x128xf32>
    %get3A_3 = vector.shape_cast %get3A_2 : vector<1x2048x128xf32> to vector<2048x128xf32>
    %get3A_4 = arith.constant 1 : index
    %get3A_5 = arith.constant 0 : index
    %get3A_6 = arith.constant 0 : index
    %get3A_7 = vector.load %arg1[%get3A_4, %get3A_5, %get3A_6] : memref<2x2048x128xf32, #tpu.memory_space<vmem>>, vector<1x2048x128xf32>
    %get3A_8 = vector.shape_cast %get3A_7 : vector<1x2048x128xf32> to vector<2048x128xf32>
    %add3A = arith.addf %get3A_3, %get3A_8 : vector<2048x128xf32>
    %slice3A = vector.extract_strided_slice %add3A {offsets = [0, 0], sizes = [2048, 1], strides = [1, 1]} : vector<2048x128xf32> to vector<2048x1xf32>
    %add3A_9 = arith.constant 1.000000e+00 : f32
    %add3A_10 = vector.broadcast %add3A_9 : f32 to vector<2048x1xf32>
    %add3A_11 = arith.addf %slice3A, %add3A_10 : vector<2048x1xf32>
    %mul3A = arith.constant 2048 : i32
    %mul3A_12 = arith.muli %arg0, %mul3A : i32
    %iota3A = tpu.iota {dimensions = array<i32: 0>} : vector<2048x1xi32>
    %add3A_13 = vector.broadcast %mul3A_12 : i32 to vector<2048x1xi32>
    %add3A_14 = arith.addi %add3A_13, %iota3A : vector<2048x1xi32>
    %lt3A = arith.constant 10000 : i32
    %lt3A_15 = vector.broadcast %lt3A : i32 to vector<2048x1xi32>
    %lt3A_16 = arith.cmpi slt, %add3A_14, %lt3A_15 : vector<2048x1xi32>
    %rsqrt3A = math.rsqrt %add3A_11 : vector<2048x1xf32>
    %jit3A = arith.constant 0.000000e+00 : f32
    %broadcast_in_dim3A = vector.broadcast %jit3A : f32 to vector<2048x1xf32>
    %select_n3A = arith.select %lt3A_16, %rsqrt3A, %broadcast_in_dim3A : vector<2048x1xi1>, vector<2048x1xf32>
    %get3A_17 = arith.constant 0 : index
    %get3A_18 = arith.constant 0 : index
    %get3A_19 = vector.load %arg2[%get3A_17, %get3A_18] : memref<2048x128xf32, #tpu.memory_space<vmem>>, vector<2048x128xf32>
    %mul3A_20 = vector.broadcast %select_n3A : vector<2048x1xf32> to vector<2048x128xf32>
    %mul3A_21 = arith.mulf %get3A_19, %mul3A_20 : vector<2048x128xf32>
    %swap3A = arith.constant 0 : index
    %swap3A_22 = arith.constant 0 : index
    %swap3A_23 = vector.load %arg3[%swap3A, %swap3A_22] : memref<2048x128xf32, #tpu.memory_space<vmem>>, vector<2048x128xf32>
    tpu.vector_store %arg3[%swap3A, %swap3A_22], %mul3A_21 {strides = array<i32>} : memref<2048x128xf32, #tpu.memory_space<vmem>>, vector<2048x128xf32>,
    %swap3A_24 = arith.constant 0 : index
    %swap3A_25 = arith.constant 0 : index
    %swap3A_26 = vector.load %arg4[%swap3A_24, %swap3A_25] : memref<2048x1xf32, #tpu.memory_space<vmem>>, vector<2048x1xf32>
    tpu.vector_store %arg4[%swap3A_24, %swap3A_25], %select_n3A {strides = array<i32>} : memref<2048x1xf32, #tpu.memory_space<vmem>>, vector<2048x1xf32>,
    return
  }
  func.func @transform_0(%arg0: i32) -> (i32, i32, i32) {
    %c0_i32 = arith.constant 0 : i32
    %c0_i32_0 = arith.constant 0 : i32
    %c0_i32_1 = arith.constant 0 : i32
    return %c0_i32, %arg0, %c0_i32_0 : i32, i32, i32
  }
  func.func @transform_1(%arg0: i32) -> (i32, i32) {
    %c0_i32 = arith.constant 0 : i32
    %c0_i32_0 = arith.constant 0 : i32
    return %arg0, %c0_i32 : i32, i32
  }
  func.func @transform_2(%arg0: i32) -> (i32, i32) {
    %c0_i32 = arith.constant 0 : i32
    %c0_i32_0 = arith.constant 0 : i32
    return %arg0, %c0_i32 : i32, i32
  }
  func.func @transform_3(%arg0: i32) -> (i32, i32) {
    %c0_i32 = arith.constant 0 : i32
    %c0_i32_0 = arith.constant 0 : i32
    return %arg0, %c0_i32 : i32, i32
  }
}

module attributes {stable_mosaic.version = 14 : i64} {
  func.func @body(%arg0: i32, %arg1: memref<2x2048x128xf32, #tpu.memory_space<vmem>>, %arg2: memref<2048x128xf32, #tpu.memory_space<vmem>>, %arg3: memref<2048x1xf32, #tpu.memory_space<vmem>>, %arg4: memref<1x128xf32, #tpu.memory_space<vmem>>, %arg5: memref<128x128xf32, #tpu.memory_space<vmem>>, %arg6: memref<2048x128xf32, #tpu.memory_space<vmem>>) attributes {dimension_semantics = [#tpu.dimension_semantics<arbitrary>], iteration_bounds = array<i64: 5>, scalar_prefetch = 0 : i64, scratch_operands = 0 : i64, tpu.core_type = #tpu.core_type<tc>, window_params = [{transform_indices = @transform_0, window_bounds = array<i64: 2, 2048, 128>}, {transform_indices = @transform_1, window_bounds = array<i64: 2048, 128>}, {transform_indices = @transform_2, window_bounds = array<i64: 2048, 1>}, {pipeline_mode = #tpu.pipeline_mode<synchronous>, transform_indices = @transform_3, window_bounds = array<i64: 1, 128>}, {pipeline_mode = #tpu.pipeline_mode<synchronous>, transform_indices = @transform_4, window_bounds = array<i64: 128, 128>}, {transform_indices = @transform_5, window_bounds = array<i64: 2048, 128>}]} {
    %get3A = arith.constant 0 : index
    %get3A_0 = arith.constant 0 : index
    %get3A_1 = vector.load %arg3[%get3A, %get3A_0] : memref<2048x1xf32, #tpu.memory_space<vmem>>, vector<2048x1xf32>
    %get3A_2 = arith.constant 0 : index
    %get3A_3 = arith.constant 0 : index
    %get3A_4 = arith.constant 0 : index
    %get3A_5 = vector.load %arg1[%get3A_2, %get3A_3, %get3A_4] : memref<2x2048x128xf32, #tpu.memory_space<vmem>>, vector<1x2048x128xf32>
    %get3A_6 = vector.shape_cast %get3A_5 : vector<1x2048x128xf32> to vector<2048x128xf32>
    %get3A_7 = arith.constant 1 : index
    %get3A_8 = arith.constant 0 : index
    %get3A_9 = arith.constant 0 : index
    %get3A_10 = vector.load %arg1[%get3A_7, %get3A_8, %get3A_9] : memref<2x2048x128xf32, #tpu.memory_space<vmem>>, vector<1x2048x128xf32>
    %get3A_11 = vector.shape_cast %get3A_10 : vector<1x2048x128xf32> to vector<2048x128xf32>
    %add3A = arith.addf %get3A_6, %get3A_11 : vector<2048x128xf32>
    %get3A_12 = arith.constant 0 : index
    %get3A_13 = arith.constant 0 : index
    %get3A_14 = vector.load %arg2[%get3A_12, %get3A_13] : memref<2048x128xf32, #tpu.memory_space<vmem>>, vector<2048x128xf32>
    %add3A_15 = arith.addf %add3A, %get3A_14 : vector<2048x128xf32>
    %mul3A = vector.broadcast %get3A_1 : vector<2048x1xf32> to vector<2048x128xf32>
    %mul3A_16 = arith.mulf %mul3A, %add3A_15 : vector<2048x128xf32>
    %get3A_17 = arith.constant 0 : index
    %get3A_18 = arith.constant 0 : index
    %get3A_19 = vector.load %arg4[%get3A_17, %get3A_18] : memref<1x128xf32, #tpu.memory_space<vmem>>, vector<1x128xf32>
    %add3A_20 = vector.broadcast %get3A_19 : vector<1x128xf32> to vector<2048x128xf32>
    %add3A_21 = arith.addf %mul3A_16, %add3A_20 : vector<2048x128xf32>
    %max3A = arith.constant 0.000000e+00 : f32
    %max3A_22 = vector.broadcast %max3A : f32 to vector<2048x128xf32>
    %max3A_23 = arith.maximumf %add3A_21, %max3A_22 : vector<2048x128xf32>
    %get3A_24 = arith.constant 0 : index
    %get3A_25 = arith.constant 0 : index
    %get3A_26 = vector.load %arg5[%get3A_24, %get3A_25] : memref<128x128xf32, #tpu.memory_space<vmem>>, vector<128x128xf32>
    %dot_general3A = arith.constant dense<0.000000e+00> : vector<2048x128xf32>
    %dot_general3A_27 = tpu.matmul %max3A_23, %get3A_26, %dot_general3A {dimension_numbers = #tpu.dot_dimension_numbers<[1], [0], [0], [1], [0, 0, 1, 1], [], []>, transpose_lhs_hint = false} : vector<2048x128xf32>, vector<128x128xf32>, vector<2048x128xf32> -> vector<2048x128xf32>
    %mul3A_28 = vector.broadcast %get3A_1 : vector<2048x1xf32> to vector<2048x128xf32>
    %mul3A_29 = arith.mulf %dot_general3A_27, %mul3A_28 : vector<2048x128xf32>
    %swap3A = arith.constant 0 : index
    %swap3A_30 = arith.constant 0 : index
    %swap3A_31 = vector.load %arg6[%swap3A, %swap3A_30] : memref<2048x128xf32, #tpu.memory_space<vmem>>, vector<2048x128xf32>
    tpu.vector_store %arg6[%swap3A, %swap3A_30], %mul3A_29 {strides = array<i32>} : memref<2048x128xf32, #tpu.memory_space<vmem>>, vector<2048x128xf32>,
    return
  }
  func.func @transform_0(%arg0: i32) -> (i32, i32, i32) {
    %c0_i32 = arith.constant 0 : i32
    %c0_i32_0 = arith.constant 0 : i32
    %c0_i32_1 = arith.constant 0 : i32
    return %c0_i32, %arg0, %c0_i32_0 : i32, i32, i32
  }
  func.func @transform_1(%arg0: i32) -> (i32, i32) {
    %c0_i32 = arith.constant 0 : i32
    %c0_i32_0 = arith.constant 0 : i32
    return %arg0, %c0_i32 : i32, i32
  }
  func.func @transform_2(%arg0: i32) -> (i32, i32) {
    %c0_i32 = arith.constant 0 : i32
    %c0_i32_0 = arith.constant 0 : i32
    return %arg0, %c0_i32 : i32, i32
  }
  func.func @transform_3(%arg0: i32) -> (i32, i32) {
    %c0_i32 = arith.constant 0 : i32
    %c0_i32_0 = arith.constant 0 : i32
    %c0_i32_1 = arith.constant 0 : i32
    return %c0_i32, %c0_i32_0 : i32, i32
  }
  func.func @transform_4(%arg0: i32) -> (i32, i32) {
    %c0_i32 = arith.constant 0 : i32
    %c0_i32_0 = arith.constant 0 : i32
    %c0_i32_1 = arith.constant 0 : i32
    return %c0_i32, %c0_i32_0 : i32, i32
  }
  func.func @transform_5(%arg0: i32) -> (i32, i32) {
    %c0_i32 = arith.constant 0 : i32
    %c0_i32_0 = arith.constant 0 : i32
    return %arg0, %c0_i32 : i32, i32
  }
}

module attributes {stable_mosaic.version = 14 : i64} {
  func.func @body(%arg0: i32, %arg1: memref<2x2048x128xf32, #tpu.memory_space<vmem>>, %arg2: memref<2048x128xf32, #tpu.memory_space<vmem>>, %arg3: memref<2048x1xf32, #tpu.memory_space<vmem>>, %arg4: memref<1x128xf32, #tpu.memory_space<vmem>>, %arg5: memref<2048x128xf32, #tpu.memory_space<vmem>>) attributes {dimension_semantics = [#tpu.dimension_semantics<arbitrary>], iteration_bounds = array<i64: 5>, scalar_prefetch = 0 : i64, scratch_operands = 0 : i64, tpu.core_type = #tpu.core_type<tc>, window_params = [{transform_indices = @transform_0, window_bounds = array<i64: 2, 2048, 128>}, {transform_indices = @transform_1, window_bounds = array<i64: 2048, 128>}, {transform_indices = @transform_2, window_bounds = array<i64: 2048, 1>}, {pipeline_mode = #tpu.pipeline_mode<synchronous>, transform_indices = @transform_3, window_bounds = array<i64: 1, 128>}, {transform_indices = @transform_4, window_bounds = array<i64: 2048, 128>}]} {
    %get3A = arith.constant 0 : index
    %get3A_0 = arith.constant 0 : index
    %get3A_1 = vector.load %arg3[%get3A, %get3A_0] : memref<2048x1xf32, #tpu.memory_space<vmem>>, vector<2048x1xf32>
    %get3A_2 = arith.constant 0 : index
    %get3A_3 = arith.constant 0 : index
    %get3A_4 = arith.constant 0 : index
    %get3A_5 = vector.load %arg1[%get3A_2, %get3A_3, %get3A_4] : memref<2x2048x128xf32, #tpu.memory_space<vmem>>, vector<1x2048x128xf32>
    %get3A_6 = vector.shape_cast %get3A_5 : vector<1x2048x128xf32> to vector<2048x128xf32>
    %get3A_7 = arith.constant 1 : index
    %get3A_8 = arith.constant 0 : index
    %get3A_9 = arith.constant 0 : index
    %get3A_10 = vector.load %arg1[%get3A_7, %get3A_8, %get3A_9] : memref<2x2048x128xf32, #tpu.memory_space<vmem>>, vector<1x2048x128xf32>
    %get3A_11 = vector.shape_cast %get3A_10 : vector<1x2048x128xf32> to vector<2048x128xf32>
    %add3A = arith.addf %get3A_6, %get3A_11 : vector<2048x128xf32>
    %get3A_12 = arith.constant 0 : index
    %get3A_13 = arith.constant 0 : index
    %get3A_14 = vector.load %arg2[%get3A_12, %get3A_13] : memref<2048x128xf32, #tpu.memory_space<vmem>>, vector<2048x128xf32>
    %add3A_15 = arith.addf %add3A, %get3A_14 : vector<2048x128xf32>
    %mul3A = vector.broadcast %get3A_1 : vector<2048x1xf32> to vector<2048x128xf32>
    %mul3A_16 = arith.mulf %mul3A, %add3A_15 : vector<2048x128xf32>
    %get3A_17 = arith.constant 0 : index
    %get3A_18 = arith.constant 0 : index
    %get3A_19 = vector.load %arg4[%get3A_17, %get3A_18] : memref<1x128xf32, #tpu.memory_space<vmem>>, vector<1x128xf32>
    %add3A_20 = vector.broadcast %get3A_19 : vector<1x128xf32> to vector<2048x128xf32>
    %add3A_21 = arith.addf %mul3A_16, %add3A_20 : vector<2048x128xf32>
    %swap3A = arith.constant 0 : index
    %swap3A_22 = arith.constant 0 : index
    %swap3A_23 = vector.load %arg5[%swap3A, %swap3A_22] : memref<2048x128xf32, #tpu.memory_space<vmem>>, vector<2048x128xf32>
    tpu.vector_store %arg5[%swap3A, %swap3A_22], %add3A_21 {strides = array<i32>} : memref<2048x128xf32, #tpu.memory_space<vmem>>, vector<2048x128xf32>,
    return
  }
  func.func @transform_0(%arg0: i32) -> (i32, i32, i32) {
    %c0_i32 = arith.constant 0 : i32
    %c0_i32_0 = arith.constant 0 : i32
    %c0_i32_1 = arith.constant 0 : i32
    return %c0_i32, %arg0, %c0_i32_0 : i32, i32, i32
  }
  func.func @transform_1(%arg0: i32) -> (i32, i32) {
    %c0_i32 = arith.constant 0 : i32
    %c0_i32_0 = arith.constant 0 : i32
    return %arg0, %c0_i32 : i32, i32
  }
  func.func @transform_2(%arg0: i32) -> (i32, i32) {
    %c0_i32 = arith.constant 0 : i32
    %c0_i32_0 = arith.constant 0 : i32
    return %arg0, %c0_i32 : i32, i32
  }
  func.func @transform_3(%arg0: i32) -> (i32, i32) {
    %c0_i32 = arith.constant 0 : i32
    %c0_i32_0 = arith.constant 0 : i32
    %c0_i32_1 = arith.constant 0 : i32
    return %c0_i32, %c0_i32_0 : i32, i32
  }
  func.func @transform_4(%arg0: i32) -> (i32, i32) {
    %c0_i32 = arith.constant 0 : i32
    %c0_i32_0 = arith.constant 0 : i32
    return %arg0, %c0_i32 : i32, i32
  }
}

module attributes {stable_mosaic.version = 14 : i64} {
  func.func @body(%arg0: i32, %arg1: memref<2x3072x128xf32, #tpu.memory_space<vmem>>, %arg2: memref<2x1024x128xf32, #tpu.memory_space<vmem>>, %arg3: memref<384x128xf32, #tpu.memory_space<vmem>>, %arg4: memref<1x128xf32, #tpu.memory_space<vmem>>, %arg5: memref<128x1xf32, #tpu.memory_space<vmem>>, %arg6: memref<1x1xf32, #tpu.memory_space<vmem>>, %arg7: memref<1024x1xf32, #tpu.memory_space<vmem>>) attributes {dimension_semantics = [#tpu.dimension_semantics<arbitrary>], iteration_bounds = array<i64: 1>, scalar_prefetch = 0 : i64, scratch_operands = 0 : i64, tpu.core_type = #tpu.core_type<tc>, window_params = [{transform_indices = @transform_0, window_bounds = array<i64: 2, 3072, 128>}, {transform_indices = @transform_1, window_bounds = array<i64: 2, 1024, 128>}, {pipeline_mode = #tpu.pipeline_mode<synchronous>, transform_indices = @transform_2, window_bounds = array<i64: 384, 128>}, {pipeline_mode = #tpu.pipeline_mode<synchronous>, transform_indices = @transform_3, window_bounds = array<i64: 1, 128>}, {pipeline_mode = #tpu.pipeline_mode<synchronous>, transform_indices = @transform_4, window_bounds = array<i64: 128, 1>}, {pipeline_mode = #tpu.pipeline_mode<synchronous>, transform_indices = @transform_5, window_bounds = array<i64: 1, 1>}, {pipeline_mode = #tpu.pipeline_mode<synchronous>, transform_indices = @transform_6, window_bounds = array<i64: 1024, 1>}]} {
    %get3A = arith.constant 0 : index
    %get3A_0 = arith.constant 0 : index
    %get3A_1 = arith.constant 0 : index
    %get3A_2 = vector.load %arg1[%get3A, %get3A_0, %get3A_1] : memref<2x3072x128xf32, #tpu.memory_space<vmem>>, vector<1x3072x128xf32>
    %get3A_3 = vector.shape_cast %get3A_2 : vector<1x3072x128xf32> to vector<3072x128xf32>
    %get3A_4 = arith.constant 1 : index
    %get3A_5 = arith.constant 0 : index
    %get3A_6 = arith.constant 0 : index
    %get3A_7 = vector.load %arg1[%get3A_4, %get3A_5, %get3A_6] : memref<2x3072x128xf32, #tpu.memory_space<vmem>>, vector<1x3072x128xf32>
    %get3A_8 = vector.shape_cast %get3A_7 : vector<1x3072x128xf32> to vector<3072x128xf32>
    %add3A = arith.addf %get3A_3, %get3A_8 : vector<3072x128xf32>
    %get3A_9 = arith.constant 0 : index
    %get3A_10 = arith.constant 0 : index
    %get3A_11 = arith.constant 0 : index
    %get3A_12 = vector.load %arg2[%get3A_9, %get3A_10, %get3A_11] : memref<2x1024x128xf32, #tpu.memory_space<vmem>>, vector<1x1024x128xf32>
    %get3A_13 = vector.shape_cast %get3A_12 : vector<1x1024x128xf32> to vector<1024x128xf32>
    %get3A_14 = arith.constant 1 : index
    %get3A_15 = arith.constant 0 : index
    %get3A_16 = arith.constant 0 : index
    %get3A_17 = vector.load %arg2[%get3A_14, %get3A_15, %get3A_16] : memref<2x1024x128xf32, #tpu.memory_space<vmem>>, vector<1x1024x128xf32>
    %get3A_18 = vector.shape_cast %get3A_17 : vector<1x1024x128xf32> to vector<1024x128xf32>
    %add3A_19 = arith.addf %get3A_13, %get3A_18 : vector<1024x128xf32>
    %slice3A = vector.extract_strided_slice %add3A_19 {offsets = [0, 0], sizes = [1024, 1], strides = [1, 1]} : vector<1024x128xf32> to vector<1024x1xf32>
    %slice3A_20 = vector.extract_strided_slice %add3A {offsets = [0, 0], sizes = [1024, 128], strides = [1, 1]} : vector<3072x128xf32> to vector<1024x128xf32>
    %max3A = arith.constant 1.000000e+00 : f32
    %max3A_21 = vector.broadcast %max3A : f32 to vector<1024x1xf32>
    %max3A_22 = arith.maximumf %slice3A, %max3A_21 : vector<1024x1xf32>
    %div3A = vector.broadcast %max3A_22 : vector<1024x1xf32> to vector<1024x128xf32>
    %div3A_23 = arith.divf %slice3A_20, %div3A : vector<1024x128xf32>
    %slice3A_24 = vector.extract_strided_slice %add3A {offsets = [1024, 0], sizes = [1024, 128], strides = [1, 1]} : vector<3072x128xf32> to vector<1024x128xf32>
    %slice3A_25 = vector.extract_strided_slice %add3A {offsets = [2048, 0], sizes = [1024, 128], strides = [1, 1]} : vector<3072x128xf32> to vector<1024x128xf32>
    %get3A_26 = arith.constant 0 : index
    %get3A_27 = arith.constant 0 : index
    %get3A_28 = vector.load %arg3[%get3A_26, %get3A_27] : memref<384x128xf32, #tpu.memory_space<vmem>>, vector<128x128xf32>
    %dot_general3A = arith.constant dense<0.000000e+00> : vector<1024x128xf32>
    %dot_general3A_29 = tpu.matmul %div3A_23, %get3A_28, %dot_general3A {dimension_numbers = #tpu.dot_dimension_numbers<[1], [0], [0], [1], [0, 0, 1, 1], [], []>, transpose_lhs_hint = false} : vector<1024x128xf32>, vector<128x128xf32>, vector<1024x128xf32> -> vector<1024x128xf32>
    %get3A_30 = arith.constant 128 : index
    %get3A_31 = arith.constant 0 : index
    %get3A_32 = vector.load %arg3[%get3A_30, %get3A_31] : memref<384x128xf32, #tpu.memory_space<vmem>>, vector<128x128xf32>
    %dot_general3A_33 = arith.constant dense<0.000000e+00> : vector<1024x128xf32>
    %dot_general3A_34 = tpu.matmul %slice3A_24, %get3A_32, %dot_general3A_33 {dimension_numbers = #tpu.dot_dimension_numbers<[1], [0], [0], [1], [0, 0, 1, 1], [], []>, transpose_lhs_hint = false} : vector<1024x128xf32>, vector<128x128xf32>, vector<1024x128xf32> -> vector<1024x128xf32>
    %add3A_35 = arith.addf %dot_general3A_29, %dot_general3A_34 : vector<1024x128xf32>
    %get3A_36 = arith.constant 256 : index
    %get3A_37 = arith.constant 0 : index
    %get3A_38 = vector.load %arg3[%get3A_36, %get3A_37] : memref<384x128xf32, #tpu.memory_space<vmem>>, vector<128x128xf32>
    %dot_general3A_39 = arith.constant dense<0.000000e+00> : vector<1024x128xf32>
    %dot_general3A_40 = tpu.matmul %slice3A_25, %get3A_38, %dot_general3A_39 {dimension_numbers = #tpu.dot_dimension_numbers<[1], [0], [0], [1], [0, 0, 1, 1], [], []>, transpose_lhs_hint = false} : vector<1024x128xf32>, vector<128x128xf32>, vector<1024x128xf32> -> vector<1024x128xf32>
    %add3A_41 = arith.addf %add3A_35, %dot_general3A_40 : vector<1024x128xf32>
    %get3A_42 = arith.constant 0 : index
    %get3A_43 = arith.constant 0 : index
    %get3A_44 = vector.load %arg4[%get3A_42, %get3A_43] : memref<1x128xf32, #tpu.memory_space<vmem>>, vector<1x128xf32>
    %add3A_45 = vector.broadcast %get3A_44 : vector<1x128xf32> to vector<1024x128xf32>
    %add3A_46 = arith.addf %add3A_41, %add3A_45 : vector<1024x128xf32>
    %max3A_47 = arith.constant 0.000000e+00 : f32
    %max3A_48 = vector.broadcast %max3A_47 : f32 to vector<1024x128xf32>
    %max3A_49 = arith.maximumf %add3A_46, %max3A_48 : vector<1024x128xf32>
    %get3A_50 = arith.constant 0 : index
    %get3A_51 = arith.constant 0 : index
    %get3A_52 = vector.load %arg5[%get3A_50, %get3A_51] : memref<128x1xf32, #tpu.memory_space<vmem>>, vector<128x1xf32>
    %dot_general3A_53 = arith.constant dense<0.000000e+00> : vector<1024x1xf32>
    %dot_general3A_54 = tpu.matmul %max3A_49, %get3A_52, %dot_general3A_53 {dimension_numbers = #tpu.dot_dimension_numbers<[1], [0], [0], [1], [0, 0, 1, 1], [], []>, transpose_lhs_hint = false} : vector<1024x128xf32>, vector<128x1xf32>, vector<1024x1xf32> -> vector<1024x1xf32>
    %get3A_55 = arith.constant 0 : index
    %get3A_56 = arith.constant 0 : index
    %get3A_57 = vector.load %arg6[%get3A_55, %get3A_56] : memref<1x1xf32, #tpu.memory_space<vmem>>, vector<1x1xf32>
    %add3A_58 = vector.broadcast %get3A_57 : vector<1x1xf32> to vector<1024x1xf32>
    %add3A_59 = arith.addf %dot_general3A_54, %add3A_58 : vector<1024x1xf32>
    %swap3A = arith.constant 0 : index
    %swap3A_60 = arith.constant 0 : index
    %swap3A_61 = vector.load %arg7[%swap3A, %swap3A_60] : memref<1024x1xf32, #tpu.memory_space<vmem>>, vector<1024x1xf32>
    tpu.vector_store %arg7[%swap3A, %swap3A_60], %add3A_59 {strides = array<i32>} : memref<1024x1xf32, #tpu.memory_space<vmem>>, vector<1024x1xf32>,
    return
  }
  func.func @transform_0(%arg0: i32) -> (i32, i32, i32) {
    %c0_i32 = arith.constant 0 : i32
    %c0_i32_0 = arith.constant 0 : i32
    %c0_i32_1 = arith.constant 0 : i32
    %c0_i32_2 = arith.constant 0 : i32
    return %c0_i32, %c0_i32_0, %c0_i32_1 : i32, i32, i32
  }
  func.func @transform_1(%arg0: i32) -> (i32, i32, i32) {
    %c0_i32 = arith.constant 0 : i32
    %c10_i32 = arith.constant 10 : i32
    %c0_i32_0 = arith.constant 0 : i32
    %c0_i32_1 = arith.constant 0 : i32
    return %c0_i32, %c10_i32, %c0_i32_0 : i32, i32, i32
  }
  func.func @transform_2(%arg0: i32) -> (i32, i32) {
    %c0_i32 = arith.constant 0 : i32
    %c0_i32_0 = arith.constant 0 : i32
    %c0_i32_1 = arith.constant 0 : i32
    return %c0_i32, %c0_i32_0 : i32, i32
  }
  func.func @transform_3(%arg0: i32) -> (i32, i32) {
    %c0_i32 = arith.constant 0 : i32
    %c0_i32_0 = arith.constant 0 : i32
    %c0_i32_1 = arith.constant 0 : i32
    return %c0_i32, %c0_i32_0 : i32, i32
  }
  func.func @transform_4(%arg0: i32) -> (i32, i32) {
    %c0_i32 = arith.constant 0 : i32
    %c0_i32_0 = arith.constant 0 : i32
    %c0_i32_1 = arith.constant 0 : i32
    return %c0_i32, %c0_i32_0 : i32, i32
  }
  func.func @transform_5(%arg0: i32) -> (i32, i32) {
    %c0_i32 = arith.constant 0 : i32
    %c0_i32_0 = arith.constant 0 : i32
    %c0_i32_1 = arith.constant 0 : i32
    return %c0_i32, %c0_i32_0 : i32, i32
  }
  func.func @transform_6(%arg0: i32) -> (i32, i32) {
    %c0_i32 = arith.constant 0 : i32
    %c0_i32_0 = arith.constant 0 : i32
    %c0_i32_1 = arith.constant 0 : i32
    return %c0_i32, %c0_i32_0 : i32, i32
  }
}

</mosaic_0001>

<sc_bundles>
// kernel: kernel.13.cloned.1.call-start
scs
__scs_entry_jumppad:
0x0: {  	(pc) =	sbr.rel $0x88, $3  }
0x1: {  	(tag) =	ssettag $0x0;
	lr =	simm.s32 $0x1  }
0x2: {  	[smem:$0x3F92] =	sst lr;
	_ =	strace $0xD0000000  }
0x3: {  	_ = 	snop  }
0x4: {  	_ = 	snop  }
0x5: {  	_ = 	snop  }
0x6: {  	_ = 	snop  }
0x7: {  	_ = 	snop  }
__scs_overlays_trampoline_lowered:
0x8: {  	[smem:$0x3FA1] =	sst s0  }
0x9: {  	[smem:$0x3FA2] =	sst s1  }
0xa: {  	[smem:$0x3FA3] =	sst s2  }
0xb: {  	[smem:$0x3FA4] =	sst s3  }
0xc: {  	[smem:$0x3FA5] =	sst s4  }
0xd: {  	[smem:$0x3FA6] =	sst s5  }
0xe: {  	[smem:$0x3FA7] =	sst s6  }
0xf: {  	[smem:$0x3FA8] =	sst s7  }
0x10: {  	[smem:$0x3FA9] =	sst s8  }
0x11: {  	[smem:$0x3FAA] =	sst s9;
	s0 =	simm.s32 @!p0 $0x0  }
0x12: {  	s1 =	sld [smem:$0x3F90];
	s0 =	simm.s32 @p0 $0x1  }
0x13: {  	[smem:$0x3FAB] =	sst s0;
	s0 =	simm.s32 @!p1 $0x0  }
0x14: {  	s2 =	sld [smem:$0x3F8F];
	s0 =	simm.s32 @p1 $0x1  }
0x15: {  	[smem:$0x3FAC] =	sst s0;
	s0 =	simm.s32 @!p2 $0x0  }
0x16: {  	s3 =	sld [smem:$0x3FDB];
	s0 =	simm.s32 @p2 $0x1  }
0x17: {  	s4 =	simm.s32 $0x1BF5;
	[smem:$0x3FAE] =	sst s0  }
0x18: {  	s0 =	sld [smem:$0x3F91];
	_ =	swait.ge [sflag:s4], $0x0  }
0x19: {  	s7 =	sld [smem:$0x3F92]  }
0x1a: {  	s8 =	sadd.s32 $0xFFFFE003, lr  }
0x1b: {  	s9 =	sadd.s32 $0xFFFFFEF7, lr;
	s5 =	simm.s32 $0xFFFFFFFF;
	p2 =	slt.u32 s8, $0xFFFFF086  }
0x1c: {  	p1 =	slt.u32 s9, $0xF7A;
	s5 =	simm.s32 @!p2 $0x0  }
0x1d: {  	s5 =	simm.s32 @p1 $0x1;
	p0 =	seq.s32 s7, s2  }
0x1e: {  	s7 =	smul.u32 @!p0 $0xF7A, s2;
	p2 =	seq.s32 @!p0 s5, $0x0  }
0x1f: {  	s9 =	smul.u32 $0xF7A, s1;
	s8 =	simm.s32 @!p0 $0x1BF5;
	p2 =	por !p2, p0  }
0x20: {  	[sflag:s8] =	ssyncset.s32 @!p0 $0xFFFFF086;
	s6 =	sadd.s32 @!p0 s3, s7;
	s7 =	simm.s32 @!p0 $0x108  }
0x21: {  	s3 =	sadd.s32 s3, s9;
	s6 =	sadd.s32 @!p0 $0x88, s6;
	s7 =	simm.s32 @p2 $0x1082  }
0x22: {  	[simem:s7], [sflag:s8] =	dma.local @!p0 [hbm:s6], $0xF7A  }
0x23: {  	s9 =	sor.u32 $0xD0000000, s2;
	s6 =	simm.s32 $0x108;
	_ =	swait.ge @!p0 [sflag:s8], $0x0  }
0x24: {  	s3 =	sadd.s32 $0x88, s3;
	s6 =	simm.s32 @!p1 $0x1082;
	[sflag:s4] =	ssyncset.s32 $0xFFFFF086  }
0x25: {  	[simem:s6], [sflag:s4] =	dma.local [hbm:s3], $0xF7A  }
0x26: {  	[smem:$0x3F92] =	sst s1;
	(tag) =	ssettag s2;
	_ =	strace s9  }
0x27: {  	s1 =	sld [smem:$0x3FA2]  }
0x28: {  	s2 =	sld [smem:$0x3FA3]  }
0x29: {  	s4 =	sld [smem:$0x3FA5]  }
0x2a: {  	p0 =	seq.s32 s5, $0x0;
	s5 =	sld [smem:$0x3FA6]  }
0x2b: {  	s6 =	sld [smem:$0x3FA7]  }
0x2c: {  	s7 =	sld [smem:$0x3FA8]  }
0x2d: {  	s3 =	simm.s32 $0x108;
	s8 =	sld [smem:$0x3FA9]  }
0x2e: {  	s3 =	simm.s32 @!p0 $0x1082;
	s9 =	sld [smem:$0x3FAA]  }
0x2f: {  	lr =	sadd.s32 s0, s3;
	s0 =	sld [smem:$0x3FA1]  }
0x30: {  	s3 =	sld [smem:$0x3FA4]  }
0x31: {  	[smem:$0x3FAD] =	sst s10  }
0x32: {  	s10 =	sld [smem:$0x3FAB];
	_ =	sdelay $0x3  }
0x33: {  	p0 =	seq.s32 s10, $0x1;
	s10 =	sld [smem:$0x3FAD];
	_ =	sdelay $0x3  }
0x34: {  	[smem:$0x3FAD] =	sst s10  }
0x35: {  	s10 =	sld [smem:$0x3FAC];
	_ =	sdelay $0x3  }
0x36: {  	p1 =	seq.s32 s10, $0x1;
	s10 =	sld [smem:$0x3FAD];
	_ =	sdelay $0x3  }
0x37: {  	[smem:$0x3FAD] =	sst s10  }
0x38: {  	s10 =	sld [smem:$0x3FAE]  }
0x39: {  	_ = 	snop;
	(pc) =	sbr.ind lr, $3  }
0x3a: {  	_ = 	snop  }
0x3b: {  	_ = 	snop  }
0x3c: {  	p2 =	seq.s32 s10, $0x1;
	s10 =	sld [smem:$0x3FAD]  }
0x3d: {  	_ =	shalt  }
0x3e: {  	_ =	shalt  }
0x3f: {  	_ =	shalt  }
0x40: {  	_ =	shalt  }
0x41: {  	_ =	shalt  }
0x42: {  	_ =	shalt  }
0x43: {  	_ =	shalt  }
0x44: {  	_ =	shalt  }
0x45: {  	_ =	shalt  }
0x46: {  	_ =	shalt  }
0x47: {  	_ =	shalt  }
0x48: {  	_ =	shalt  }
0x49: {  	_ =	shalt  }
0x4a: {  	_ =	shalt  }
0x4b: {  	_ =	shalt  }
0x4c: {  	_ =	shalt  }
0x4d: {  	_ =	shalt  }
0x4e: {  	_ =	shalt  }
0x4f: {  	_ =	shalt  }
0x50: {  	_ =	shalt  }
0x51: {  	_ =	shalt  }
0x52: {  	_ =	shalt  }
0x53: {  	_ =	shalt  }
0x54: {  	_ =	shalt  }
0x55: {  	_ =	shalt  }
0x56: {  	_ =	shalt  }
0x57: {  	_ =	shalt  }
0x58: {  	_ =	shalt  }
0x59: {  	_ =	shalt  }
0x5a: {  	_ =	shalt  }
0x5b: {  	_ =	shalt  }
0x5c: {  	_ =	shalt  }
0x5d: {  	_ =	shalt  }
0x5e: {  	_ =	shalt  }
0x5f: {  	_ =	shalt  }
0x60: {  	_ =	shalt  }
0x61: {  	_ =	shalt  }
0x62: {  	_ =	shalt  }
0x63: {  	_ =	shalt  }
0x64: {  	_ =	shalt  }
0x65: {  	_ =	shalt  }
0x66: {  	_ =	shalt  }
0x67: {  	_ =	shalt  }
0x68: {  	_ =	shalt  }
0x69: {  	_ =	shalt  }
0x6a: {  	_ =	shalt  }
0x6b: {  	_ =	shalt  }
0x6c: {  	_ =	shalt  }
0x6d: {  	_ =	shalt  }
0x6e: {  	_ =	shalt  }
0x6f: {  	_ =	shalt  }
0x70: {  	_ =	shalt  }
0x71: {  	_ =	shalt  }
0x72: {  	_ =	shalt  }
0x73: {  	_ =	shalt  }
0x74: {  	_ =	shalt  }
0x75: {  	_ =	shalt  }
0x76: {  	_ =	shalt  }
0x77: {  	_ =	shalt  }
0x78: {  	_ =	shalt  }
0x79: {  	_ =	shalt  }
0x7a: {  	_ =	shalt  }
0x7b: {  	_ =	shalt  }
0x7c: {  	_ =	shalt  }
0x7d: {  	_ =	shalt  }
0x7e: {  	_ =	shalt  }
0x7f: {  	_ =	shalt  }
0x80: {  	_ =	shalt  }
0x81: {  	_ =	shalt  }
0x82: {  	_ =	shalt  }
0x83: {  	_ =	shalt  }
0x84: {  	_ =	shalt  }
0x85: {  	_ =	shalt  }
0x86: {  	_ =	shalt  }
0x87: {  	_ =	shalt  }
.Lfunc_end0:
.L_simem_size_0:
called_computation_lowered:
.L_overlay_start_0:
0x88: {  	s2 =	sld [smem:$0x3FD9]  }
0x89: {  	s3 =	sld [smem:$0x3FFE];
	_ =	sdelay $0x1  }
0x8a: {  	s1 =	srdreg.scid  }
0x8b: {  	s0 =	sand.u32 $0x1, s1  }
0x8c: {  	s16 =	sshll.u32 s0, $0xA;
	s2 =	sadd.s32 s3, s2  }
0x8d: {  	s2 =	sadd.s32 s2, s16  }
0x8e: {  	[smem:$0x3FB9] =	sst s2  }
0x8f: {  	_ = 	snop  }
0x90: {  	(tm) =	ssettm $0x1  }
0x91: {  	s17 =	sld [smem:$0x3FFB];
	_ =	sdelay $0x3  }
0x92: {  	_ =	strace s17  }
0x93: {  	s2 =	sld [smem:$0x3FFC];
	_ =	sdelay $0x3  }
0x94: {  	_ =	strace s2  }
0x95: {  	s2 =	sld [smem:$0x3FFD];
	_ =	sdelay $0x3  }
0x96: {  	_ =	strace s2  }
0x97: {  	_ =	strace $0x8FFFFFFF  }
0x98: {  	s18 =	sld [smem:$0x3FDB];
	_ =	sdelay $0x1  }
0x99: {  	s19 =	simm.s32 $_scs_section_size  }
0x9a: {  	s4 =	simm.s32 $_size__tile_overlayer_lowered;
	s5 =	simm.s32 $_tile_overlayer_lowered  }
0x9b: {  	s22 =	simm.s32 $0x1BFF;
	s21 =	sshll.u32 s5, $0x1;
	s2 =	sadd.s32 s19, s18  }
0x9c: {  	s6 =	simm.s32 $0x0;
	s20 =	sshll.u32 s4, $0x1;
	s4 =	sadd.s32 s21, s2  }
0x9d: {  	[timem:s6], [sflag:s22] =	dma.local [hbm:s4], s20  }
0x9e: {  	_ =	swait.ge [sflag:s22], s20  }
0x9f: {  	s3 =	ssub.s32 $0x0, s20;
	[sflag:s22] =	ssyncset.done $0x0  }
0xa0: {  	[sflag:s22] =	ssyncadd.s32 s3;
	_ =	sdelay $0x1  }
0xa1: {  	s23 =	simm.s32 $0x1B8B  }
0xa2: {  	_ =	swait.ge [sflag:s23], $0x1  }
0xa3: {  	[sflag:s23] =	ssyncset.done $0x0  }
0xa4: {  	s25 =	simm.s32 $0x1B8E;
	s24 =	sld [smem:$0x3FFE];
	[sflag:s23] =	ssyncadd.s32 $0xFFFFFFFF  }
0xa5: {  	s26 =	simm.s32 $execute0_lowered;
	[smem:$0x3FD2] =	sst s25  }
0xa6: {  	s4 =	sshll.u32 s26, $0x1;
	_ =	strace $0x80000046;
	[dreg:$0x1] =	wrdreg $0xFFFFFFFF  }
0xa7: {  	s28 =	simm.s32 $_size_execute0_lowered;
	s2 =	sadd.s32 s2, s4;
	[dreg:$0x0] =	wrdreg $0x0  }
0xa8: {  	s4 =	sshll.u32 s28, $0x1;
	[dreg:$0x2] =	wrdreg s2  }
0xa9: {  	[dreg:$0x3] =	wrdreg s4  }
0xaa: {  	[dreg:$0x4] =	wrdreg $0xC0  }
0xab: {  	_ =	task [dreg:s6], $0x5FFFF  }
0xac: {  	[dreg:$0x1] =	wrdreg $0xFFFFFFFF  }
0xad: {  	[dreg:$0x0] =	wrdreg $0x60  }
0xae: {  	[dreg:$0x2] =	wrdreg s24  }
0xaf: {  	[dreg:$0x3] =	wrdreg $0x42000  }
0xb0: {  	[dreg:$0x4] =	wrdreg $0x9  }
0xb1: {  	_ =	task.clear_ibuf [dreg:s6], $0x5FFFF;
	_ =	strace $0x90000046  }
0xb2: {  	s29 =	simm.s32 $0x9;
	_ =	strace $0x80000048  }
0xb3: {  	_ =	swait.ge [sflag:s29], $0x1  }
0xb4: {  	[sflag:s29] =	ssyncadd.s32 $0xFFFFFFFF  }
0xb5: {  	_ =	strace $0x90000048  }
0xb6: {  	_ =	sfence  }
0xb7: {  	s30 =	sld [smem:$0x0];
	_ =	sdelay $0x2  }
0xb8: {  	s31 =	sshll.u32 s1, $0xD;
	s1 =	sshrl.u32 s1, $0x2  }
0xb9: {  	s3 =	sand.u32 $0x4000, s31;
	s1 =	sadd.s32 s1, s30  }
0xba: {  	s0 =	sor.u32 s3, s0;
	s1 =	sshll.u32 s1, $0x11  }
0xbb: {  	s0 =	sor.u32 s1, s0  }
0xbc: {  	s0 =	sadd.s32 $0x8F2B, s0  }
0xbd: {  	[sflag:s0] =	ssyncadd.remote.s32 $0x1  }
0xbe: {  	_ =	sfence.sel $0xFFFF  }
0xbf: {  	[dreg:$0x0] =	wrdreg $0xFFFFFFFF;
	(pc) =	sbr.abs _section_cstart, $3  }
0xc0: {  	[dreg:$0x1] =	wrdreg $0xFFFFFFFF  }
0xc1: {  	_ =	task.clear_ibuf [dreg:s6], $0x2FFFF;
	_ =	strace $0x9FFFFFFF  }
0xc2: {  	(tm) =	ssettm $0x7FFFFFFF  }
0xc3: {  	_ =	shalt  }
tec
execute0_lowered:
.L_overlay_start_1:
0x0: {  	(tag) =	ssettag $0x1  }
0x1: {  	s0 =	rddreg [dreg:$0x0]  }
0x2: {  	s1 =	rddreg [dreg:$0x1];
	s3 =	simm.s32 $0x0  }
0x3: {  	s2 =	srdreg.scid;
	s17 =	stileid.u32;
	s28 =	simm.s32 $0x200  }
0x4: {  	s29 =	simm.s32 $0x5;
	s30 =	simm.s32 $0x80;
	s31 =	simm.s32 $0x100  }
0x5: {  	[smem:$0x7FF] =	sst s3;
	s4 =	sadd.s32 $0x5400, s0;
	s9 =	smul.u32 $0x2C8, s17  }
0x6: {  	s7 =	sand.u32 $0x1, s2;
	s5 =	sadd.s32 $0xF200, s0;
	s11 =	smul.u32 $0x59000, s17  }
0x7: {  	s6 =	sshll.u32 s17, $0x1;
	s10 =	sadd.s32 $0x10E00, s0;
	s15 =	smul.u32 $0x16400, s17  }
0x8: {  	p0 =	seq.s32 s17, $0xF;
	s26 =	smul.u32 $0x5400, s17;
	s2 =	ssub.s32 $0x2, s7  }
0x9: {  	s6 =	sor.u32 s7, s6;
	p1 =	seq.s32 s7, $0x1;
	s7 =	smul.u32 $0x2A00, s7  }
0xa: {  	s8 =	sshrl.u32 s2, $0x1;
	s16 =	smul.u32 $0x2A00, s6;
	s20 =	sadd.s32 $0x80, s9  }
0xb: {  	s21 =	sadd.s32 $0x100, s9;
	s22 =	sadd.s32 $0x180, s9;
	s23 =	sadd.s32 $0x200, s9  }
0xc: {  	s9 =	sadd.s32 $0x280, s9;
	s15 =	sshrl.u32 s15, $0x3;
	s2 =	ssub.s32 s2, s8  }
0xd: {  	s15 =	sadd.s32 $0x2C800, s15;
	s25 =	sshll.u32 s23, $0x4;
	s6 =	sshrl.u32 s16, $0x3  }
0xe: {  	s12 =	sadd.s32 $0xFFFB1E00, s16;
	s13 =	sadd.s32 $0xFFFB1E80, s16;
	s14 =	sadd.s32 $0xFFFB1F00, s16  }
0xf: {  	s8 =	sadd.s32 $0xFFFB1F80, s16;
	s16 =	smul.u32 $0x2C80, s17;
	s6 =	sadd.s32 s4, s6  }
0x10: {  	s12 =	sshrl.u32 s12, $0x3;
	s13 =	sshrl.u32 s13, $0x3;
	s14 =	sshrl.u32 s14, $0x3  }
0x11: {  	s8 =	sshrl.u32 s8, $0x3;
	s18 =	sadd.s32 $0x10, s6;
	s19 =	sadd.s32 $0x20, s6  }
0x12: {  	s24 =	sadd.s32 $0x30, s6;
	s12 =	sadd.s32 s5, s12;
	s13 =	sadd.s32 s5, s13  }
0x13: {  	s14 =	sadd.s32 s5, s14;
	s8 =	sadd.s32 s5, s8;
	s16 =	smov.u32 @p1 s15  }
0x14: {  	s15 =	sadd.s32 $0x3D600, s0;
	s6 =	smov.u32 @p0 s12;
	s12 =	sshll.u32 s20, $0x4  }
0x15: {  	s18 =	smov.u32 @p0 s13;
	s19 =	smov.u32 @p0 s14;
	[dreg:$0x3] =	wrdreg s6  }
0x16: {  	s24 =	smov.u32 @p0 s8;
	s20 =	sshll.u32 s20, $0x7;
	[dreg:$0x4] =	wrdreg s18  }
0x17: {  	s8 =	simm.s32 $0x4;
	s18 =	sshll.u32 s21, $0x4;
	[dreg:$0x5] =	wrdreg s19  }
0x18: {  	s19 =	sshll.u32 s22, $0x4;
	[dreg:$0x6] =	wrdreg s24;
	s24 =	sadd.s32 s10, s16  }
0x19: {  	s10 =	smov.u32 @p1 s15;
	s16 =	sadd.s32 s7, s26;
	s21 =	sshll.u32 s21, $0x7  }
0x1a: {  	s20 =	sadd.s32 s20, s1;
	s22 =	sshll.u32 s22, $0x7;
	s26 =	sshll.u32 s9, $0x7  }
0x1b: {  	[dreg:$0x7] =	wrdreg s24;
	s12 =	sadd.s32 s12, s10;
	s13 =	sadd.s32 s18, s10  }
0x1c: {  	s15 =	sadd.s32 s19, s10;
	s17 =	sadd.s32 s25, s10;
	s18 =	sshll.u32 s9, $0x4  }
0x1d: {  	s19 =	sshrl.u32 s11, $0x2;
	s21 =	sadd.s32 s21, s1;
	[dreg:$0x8] =	wrdreg s12  }
0x1e: {  	s22 =	sadd.s32 s22, s1;
	s24 =	sshll.u32 s23, $0x7;
	[dreg:$0x9] =	wrdreg s13  }
0x1f: {  	s25 =	sadd.s32 $0x280, s16;
	s9 =	simm.s32 $0x0;
	[dreg:$0xa] =	wrdreg s15  }
.Ltmp0:
0x20: {  	[dreg:$0xb] =	wrdreg s17;
	s15 =	sadd.s32 s18, s10;
	(pc) =	sbr.rel .LBB2_1-.Ltmp0, $4  }
0x21: {  	s17 =	sadd.s32 $0xFE00, s0;
	s18 =	sadd.s32 $0x10600, s0;
	s19 =	sadd.s32 s19, s1  }
0x22: {  	s23 =	sadd.s32 s24, s1;
	s7 =	sshrl.u32 s25, $0x3;
	s24 =	sadd.s32 s26, s1  }
0x23: {  	s25 =	smax.u32 s2, $0x1;
	s0 =	simm.s32 $0x180;
	s2 =	simm.s32 $0x1  }
0x24: {  	_ =	strace $0x80000047;
	s10 =	sadd.s32 s7, s4;
	s7 =	simm.s32 $0x3  }
.LBB2_4:
0x25: {  	_ =	swait.ge [sflag:s8], $0x80  }
0x26: {  	[sflag:s8] =	ssyncset.done $0x0  }
0x27: {  	[sflag:s8] =	ssyncadd.s32 $0xFFFFFF80  }
0x28: {  	[spmem:s1] =	stream.indirect.scatter.add.f32 [tilespmem:s28], [sflag:$0x5], $0x80, s0, s30, $0xb8;
	[tilespmem:$0x1A600] =	vst v63  }
0x29: {  	_ =	swait.ge [sflag:s29], $0x4000  }
0x2a: {  	[sflag:s29] =	ssyncset.done $0x0  }
0x2b: {  	s6 =	stileid.u32;
	[sflag:s29] =	ssyncadd.s32 $0xFFFFC000  }
0x2c: {  	s6 =	sshll.u32 s6, $0x6;
	[bflag:$0x0] =	sbarrier.arrive $0xFFFF  }
0x2d: {  	s11 =	sshrl.u32 s19, $0x3;
	s6 =	sor.u32 $0x1C05, s6;
	s12 =	rddreg [dreg:$0x7]  }
0x2e: {  	[hbm:s12], [sflag:s6] =	dma.local [spmem:s11], $0x800  }
0x2f: {  	_ =	swait.ge [sflag:s29], $0x800  }
0x30: {  	[sflag:s29] =	ssyncset.done $0x0  }
0x31: {  	s14 =	sshrl.u32 s20, $0x3;
	s26 =	rddreg [dreg:$0x8];
	[sflag:s29] =	ssyncadd.s32 $0xFFFFF800  }
0x32: {  	[hbm:s26], [sflag:s6] =	dma.local [spmem:s14], $0x800  }
0x33: {  	_ =	swait.ge [sflag:s29], $0x800  }
0x34: {  	[sflag:s29] =	ssyncset.done $0x0  }
0x35: {  	s12 =	sshrl.u32 s21, $0x3;
	s13 =	rddreg [dreg:$0x9];
	[sflag:s29] =	ssyncadd.s32 $0xFFFFF800  }
0x36: {  	[hbm:s13], [sflag:s6] =	dma.local [spmem:s12], $0x800  }
0x37: {  	_ =	swait.ge [sflag:s29], $0x800  }
0x38: {  	[sflag:s29] =	ssyncset.done $0x0  }
0x39: {  	s14 =	sshrl.u32 s22, $0x3;
	s26 =	rddreg [dreg:$0xa];
	[sflag:s29] =	ssyncadd.s32 $0xFFFFF800  }
0x3a: {  	[hbm:s26], [sflag:s6] =	dma.local [spmem:s14], $0x800  }
0x3b: {  	_ =	swait.ge [sflag:s29], $0x800  }
0x3c: {  	[sflag:s29] =	ssyncset.done $0x0  }
0x3d: {  	s13 =	sshrl.u32 s23, $0x3;
	s14 =	rddreg [dreg:$0xb];
	[sflag:s29] =	ssyncadd.s32 $0xFFFFF800  }
0x3e: {  	[hbm:s14], [sflag:s6] =	dma.local [spmem:s13], $0x800  }
0x3f: {  	s9 =	sadd.s32 $0x1, s9;
	_ =	swait.ge [sflag:s29], $0x800  }
0x40: {  	p0 =	sne.s32 s9, s25;
	[sflag:s29] =	ssyncset.done $0x0  }
.Ltmp1:
0x41: {  	s26 =	sshrl.u32 s24, $0x3;
	[sflag:s29] =	ssyncadd.s32 $0xFFFFF800;
	(pc) =	sbr.rel @!p0 .LBB2_5-.Ltmp1, $4  }
0x42: {  	[hbm:s15], [sflag:s6] =	dma.local [spmem:s26], $0x480  }
0x43: {  	_ =	swait.ge [sflag:s29], $0x480  }
0x44: {  	[sflag:s29] =	ssyncset.done $0x0  }
0x45: {  	[sflag:s29] =	ssyncadd.s32 $0xFFFFFB80  }
.LBB2_1:
0x46: {  	[tilespmem:s28], [sflag:$0x5] =	stream.linear.gather [hbm4b:s17+s3], $0x4000, $0x38;
	[tilespmem:$0x1A600] =	vst v63  }
0x47: {  	_ =	swait.ge [sflag:s29], $0x4000  }
0x48: {  	[sflag:s29] =	ssyncset.done $0x0  }
0x49: {  	[sflag:s29] =	ssyncadd.s32 $0xFFFFC000  }
0x4a: {  	[spmem:s19] =	stream.linear.scatter [tilespmem:s28], [sflag:$0x5], $0x4000, $0x38;
	[tilespmem:$0x1A600] =	vst v63  }
0x4b: {  	_ =	swait.ge [sflag:s29], $0x4000  }
0x4c: {  	[sflag:s29] =	ssyncset.done $0x0  }
0x4d: {  	[sflag:s29] =	ssyncadd.s32 $0xFFFFC000  }
0x4e: {  	[spmem:s20] =	stream.linear.scatter [tilespmem:s28], [sflag:$0x5], $0x4000, $0x38;
	[tilespmem:$0x1A600] =	vst v63  }
0x4f: {  	_ =	swait.ge [sflag:s29], $0x4000  }
0x50: {  	[sflag:s29] =	ssyncset.done $0x0  }
0x51: {  	[sflag:s29] =	ssyncadd.s32 $0xFFFFC000  }
0x52: {  	[spmem:s21] =	stream.linear.scatter [tilespmem:s28], [sflag:$0x5], $0x4000, $0x38;
	[tilespmem:$0x1A600] =	vst v63  }
0x53: {  	_ =	swait.ge [sflag:s29], $0x4000  }
0x54: {  	[sflag:s29] =	ssyncset.done $0x0  }
0x55: {  	[sflag:s29] =	ssyncadd.s32 $0xFFFFC000  }
0x56: {  	[spmem:s22] =	stream.linear.scatter [tilespmem:s28], [sflag:$0x5], $0x4000, $0x38;
	[tilespmem:$0x1A600] =	vst v63  }
0x57: {  	_ =	swait.ge [sflag:s29], $0x4000  }
0x58: {  	[sflag:s29] =	ssyncset.done $0x0  }
0x59: {  	[sflag:s29] =	ssyncadd.s32 $0xFFFFC000  }
0x5a: {  	[spmem:s23] =	stream.linear.scatter [tilespmem:s28], [sflag:$0x5], $0x4000, $0x38;
	[tilespmem:$0x1A600] =	vst v63  }
0x5b: {  	_ =	swait.ge [sflag:s29], $0x4000  }
0x5c: {  	[sflag:s29] =	ssyncset.done $0x0  }
0x5d: {  	[sflag:s29] =	ssyncadd.s32 $0xFFFFC000  }
0x5e: {  	[spmem:s24] =	stream.linear.scatter [tilespmem:s28], [sflag:$0x5], $0x2400, $0x38;
	[tilespmem:$0x1A600] =	vst v63  }
0x5f: {  	_ =	swait.ge [sflag:s29], $0x2400  }
0x60: {  	[sflag:s29] =	ssyncset.done $0x0  }
0x61: {  	[sflag:s29] =	ssyncadd.s32 $0xFFFFDC00  }
0x62: {  	[bflag:$0x0] =	sbarrier.arrive $0xFFFF  }
0x63: {  	[tilespmem:s28], [sflag:$0x5] =	stream.linear.gather [hbm4b:s18+s3], $0x4000, $0x38;
	[tilespmem:$0x1A600] =	vst v63  }
0x64: {  	_ =	swait.ge [sflag:s29], $0x4000  }
0x65: {  	[sflag:s29] =	ssyncset.done $0x0  }
0x66: {  	s6 =	rddreg [dreg:$0x3];
	[sflag:s29] =	ssyncadd.s32 $0xFFFFC000  }
0x67: {  	[tilespmem:s3], [sflag:$0x1] =	stream.linear.gather [hbm4b:s6+s3], $0x80, $0x38;
	[tilespmem:$0x1A600] =	vst v63  }
0x68: {  	s13 =	rddreg [dreg:$0x4]  }
0x69: {  	[tilespmem:s30], [sflag:$0x2] =	stream.linear.gather [hbm4b:s13+s3], $0x80, $0x38;
	[tilespmem:$0x1A600] =	vst v63  }
0x6a: {  	s14 =	rddreg [dreg:$0x5]  }
0x6b: {  	[tilespmem:s31], [sflag:$0x3] =	stream.linear.gather [hbm4b:s14+s3], $0x80, $0x38;
	[tilespmem:$0x1A600] =	vst v63  }
0x6c: {  	s26 =	rddreg [dreg:$0x6]  }
0x6d: {  	[tilespmem:s0], [sflag:$0x4] =	stream.linear.gather [hbm4b:s26+s3], $0x80, $0x38;
	[tilespmem:$0x1A600] =	vst v63  }
0x6e: {  	s11 =	simm.s32 $0x0;
	s26 =	smov.u32 s10  }
.LBB2_2:
0x6f: {  	_ =	swait.ge [sflag:s2], $0x80  }
0x70: {  	[sflag:s2] =	ssyncset.done $0x0  }
0x71: {  	[sflag:s2] =	ssyncadd.s32 $0xFFFFFF80  }
0x72: {  	[spmem:s1] =	stream.indirect.scatter.add.f32 [tilespmem:s28], [sflag:$0x5], $0x80, s3, s30, $0xb8;
	[tilespmem:$0x1A600] =	vst v63  }
0x73: {  	_ =	swait.ge [sflag:s29], $0x4000  }
0x74: {  	p0 =	seq.s32 s11, $0x2800;
	[sflag:s29] =	ssyncset.done $0x0  }
0x75: {  	s12 =	simm.s32 @p0 $0x2;
	[sflag:s29] =	ssyncadd.s32 $0xFFFFC000  }
0x76: {  	_ =	swait.ge @p0 [sflag:s12], $0x80  }
0x77: {  	[sflag:s12] =	ssyncset.done @p0 $0x0  }
0x78: {  	s6 =	simm.s32 @p0 $0x200;
	[sflag:s12] =	ssyncadd.s32 @p0 $0xFFFFFF80;
	s12 =	simm.s32 @p0 $0x80  }
0x79: {  	[spmem:s1] =	stream.indirect.scatter.add.f32 @p0 [tilespmem:s6], [sflag:$0x5], $0x80, s12, s12, $0xb8;
	[tilespmem:$0x1A600] =	vst v63  }
0x7a: {  	s6 =	sadd.s32 @!p0 s11, s16  }
0x7b: {  	s12 =	sadd.s32 @!p0 $0x200, s6  }
0x7c: {  	p1 =	slt.u32 @!p0 s12, $0x4E200  }
0x7d: {  	s13 =	simm.s32 @p0 $0x5;
	s14 =	sadd.s32 @!p0 $0xFFFB2000, s6;
	p1 =	por !p1, p0  }
0x7e: {  	_ =	swait.ge @p0 [sflag:s13], $0x4000;
	s12 =	smov.u32 @p1 s14;
	s14 =	smov.u32 s4  }
0x7f: {  	[sflag:s13] =	ssyncset.done @p0 $0x0;
	s14 =	smov.u32 @p1 s5;
	s12 =	sshrl.u32 @!p0 s12, $0x3  }
0x80: {  	[sflag:s13] =	ssyncadd.s32 @p0 $0xFFFFC000;
	s13 =	simm.s32 @!p0 $0x0;
	s12 =	sadd.s32 @!p0 s14, s12  }
0x81: {  	[tilespmem:s13], [sflag:$0x1] =	stream.linear.gather @!p0 [hbm4b:s12+s13], $0x80, $0x38;
	[tilespmem:$0x1A600] =	vst v63  }
0x82: {  	s6 =	sadd.s32 @!p0 $0x280, s6;
	s12 =	simm.s32 @!p0 $0x2  }
0x83: {  	p1 =	sgt.u32 @!p0 s6, $0x4E1FF;
	_ =	swait.ge @!p0 [sflag:s12], $0x80  }
0x84: {  	s6 =	simm.s32 @!p0 $0x5;
	p2 =	por !p1, p0;
	[sflag:s12] =	ssyncset.done @!p0 $0x0  }
0x85: {  	s13 =	simm.s32 @!p0 $0x200;
	[sflag:s12] =	ssyncadd.s32 @!p0 $0xFFFFFF80;
	s12 =	simm.s32 @!p0 $0x80  }
0x86: {  	[spmem:s1] =	stream.indirect.scatter.add.f32 @!p0 [tilespmem:s13], [sflag:$0x5], $0x80, s12, s12, $0xb8;
	[tilespmem:$0x1A600] =	vst v63  }
0x87: {  	s12 =	sadd.s32 @!p2 s11, s16;
	_ =	swait.ge @!p0 [sflag:s6], $0x4000  }
0x88: {  	s12 =	sadd.s32 @!p2 $0xFFFB2080, s12;
	[sflag:s6] =	ssyncset.done @!p0 $0x0  }
0x89: {  	p1 =	por p1, p0;
	[sflag:s6] =	ssyncadd.s32 @!p0 $0xFFFFC000;
	s6 =	sshrl.u32 @!p2 s12, $0x3  }
0x8a: {  	s13 =	simm.s32 @!p2 $0x80;
	s12 =	simm.s32 @!p2 $0x0;
	s6 =	sadd.s32 @!p2 s5, s6  }
0x8b: {  	[tilespmem:s13], [sflag:$0x2] =	stream.linear.gather @!p2 [hbm4b:s6+s12], $0x80, $0x38;
	[tilespmem:$0x1A600] =	vst v63  }
0x8c: {  	s6 =	simm.s32 @!p1 $0x0;
	s12 =	simm.s32 @!p1 $0x80  }
0x8d: {  	[tilespmem:s12], [sflag:$0x2] =	stream.linear.gather @!p1 [hbm4b:s26+s6], $0x80, $0x38;
	[tilespmem:$0x1A600] =	vst v63  }
0x8e: {  	_ =	swait.ge [sflag:s7], $0x80  }
0x8f: {  	[sflag:s7] =	ssyncset.done $0x0  }
.Ltmp2:
0x90: {  	[sflag:s7] =	ssyncadd.s32 $0xFFFFFF80;
	(pc) =	sbr.rel @p0 .LBB2_4-.Ltmp2, $4  }
0x91: {  	[spmem:s1] =	stream.indirect.scatter.add.f32 [tilespmem:s28], [sflag:$0x5], $0x80, s31, s30, $0xb8;
	[tilespmem:$0x1A600] =	vst v63  }
0x92: {  	_ =	swait.ge [sflag:s29], $0x4000  }
0x93: {  	[sflag:s29] =	ssyncset.done $0x0  }
0x94: {  	[sflag:s29] =	ssyncadd.s32 $0xFFFFC000  }
0x95: {  	s6 =	sadd.s32 s11, s16  }
0x96: {  	s12 =	sadd.s32 $0x300, s6  }
0x97: {  	s13 =	sadd.s32 $0xFFFB2100, s6;
	p0 =	slt.u32 s12, $0x4E200  }
0x98: {  	s13 =	smov.u32 @p0 s12;
	s12 =	smov.u32 s5  }
0x99: {  	s12 =	smov.u32 @p0 s4;
	s13 =	sshrl.u32 s13, $0x3  }
0x9a: {  	s12 =	sadd.s32 s12, s13  }
0x9b: {  	[tilespmem:s31], [sflag:$0x3] =	stream.linear.gather [hbm4b:s12+s3], $0x80, $0x38;
	[tilespmem:$0x1A600] =	vst v63  }
0x9c: {  	_ =	swait.ge [sflag:s8], $0x80  }
0x9d: {  	[sflag:s8] =	ssyncset.done $0x0  }
0x9e: {  	s11 =	sadd.s32 $0x200, s11;
	s12 =	sadd.s32 $0x380, s6;
	[sflag:s8] =	ssyncadd.s32 $0xFFFFFF80  }
0x9f: {  	[spmem:s1] =	stream.indirect.scatter.add.f32 [tilespmem:s28], [sflag:$0x5], $0x80, s0, s30, $0xb8;
	[tilespmem:$0x1A600] =	vst v63  }
.Ltmp3:
0xa0: {  	s6 =	sadd.s32 $0xFFFB2180, s6;
	p0 =	slt.u32 s12, $0x4E200;
	(pc) =	sbr.rel .LBB2_2-.Ltmp3, $4  }
0xa1: {  	s6 =	smov.u32 @p0 s12;
	s12 =	smov.u32 s5;
	_ =	swait.ge [sflag:s29], $0x4000  }
0xa2: {  	s12 =	smov.u32 @p0 s4;
	s6 =	sshrl.u32 s6, $0x3;
	[sflag:s29] =	ssyncset.done $0x0  }
0xa3: {  	s26 =	sadd.s32 $0x40, s26;
	s6 =	sadd.s32 s12, s6;
	[sflag:s29] =	ssyncadd.s32 $0xFFFFC000  }
0xa4: {  	[tilespmem:s0], [sflag:$0x4] =	stream.linear.gather [hbm4b:s6+s3], $0x80, $0x38;
	[tilespmem:$0x1A600] =	vst v63  }
.LBB2_5:
0xa5: {  	_ =	sfence.sel $0x180000  }
0xa6: {  	[bflag:$0x0] =	sbarrier.arrive $0xFFFF  }
0xa7: {  	_ =	strace $0x90000047  }
0xa8: {  	s0 =	stileid.u32;
	[bflag:$0x2] =	sbarrier.arrive $0xFFFF  }
0xa9: {  	p0 =	sne.s32 s0, $0x0;
	s0 =	rddreg [dreg:$0x2]  }
0xaa: {  	s0 =	sadd.s32 @!p0 $0x100000, s0  }
0xab: {  	[sflag:s0] =	ssyncadd.tile.s32 @!p0 $0x1;
	_ =	shalt  }
.Lfunc_end2:
_tile_overlayer_lowered:
.L_overlay_start_2:
0xac: {  	(tag) =	ssettag $0x2  }
0xad: {  	s0 =	rddreg [dreg:$0x0];
	s2 =	stileid.u32  }
0xae: {  	s1 =	rddreg [dreg:$0x1];
	p0 =	sne.s32 s2, $0x0  }
0xaf: {  	s3 =	rddreg [dreg:$0x2];
	[bflag:$0x3] =	sbarrier.arrive $0xFFFF;
	s2 =	simm.s32 @!p0 $0x1C05  }
0xb0: {  	[timem:s3], [sflag:s2] =	dma.local @!p0 [hbm:s0], s1  }
0xb1: {  	s0 =	simm.s32 @!p0 $0x5  }
0xb2: {  	_ =	swait.ge @!p0 [sflag:s0], s1  }
0xb3: {  	s1 =	ssub.s32 @!p0 $0x0, s1;
	[sflag:s0] =	ssyncset.done @!p0 $0x0  }
0xb4: {  	[sflag:s0] =	ssyncadd.s32 @!p0 s1  }
0xb5: {  	[bflag:$0x3] =	sbarrier.arrive $0xFFFF  }
0xb6: {  	_ =	shalt  }

// kernel: kernel.16.cloned.1.call-start
scs
__scs_entry_jumppad:
0x0: {  	(pc) =	sbr.rel $0x88, $3  }
0x1: {  	(tag) =	ssettag $0x0;
	lr =	simm.s32 $0x1  }
0x2: {  	[smem:$0x3F92] =	sst lr;
	_ =	strace $0xD0000000  }
0x3: {  	_ = 	snop  }
0x4: {  	_ = 	snop  }
0x5: {  	_ = 	snop  }
0x6: {  	_ = 	snop  }
0x7: {  	_ = 	snop  }
__scs_overlays_trampoline_lowered:
0x8: {  	[smem:$0x3FA1] =	sst s0  }
0x9: {  	[smem:$0x3FA2] =	sst s1  }
0xa: {  	[smem:$0x3FA3] =	sst s2  }
0xb: {  	[smem:$0x3FA4] =	sst s3  }
0xc: {  	[smem:$0x3FA5] =	sst s4  }
0xd: {  	[smem:$0x3FA6] =	sst s5  }
0xe: {  	[smem:$0x3FA7] =	sst s6  }
0xf: {  	[smem:$0x3FA8] =	sst s7  }
0x10: {  	[smem:$0x3FA9] =	sst s8  }
0x11: {  	[smem:$0x3FAA] =	sst s9;
	s0 =	simm.s32 @!p0 $0x0  }
0x12: {  	s1 =	sld [smem:$0x3F90];
	s0 =	simm.s32 @p0 $0x1  }
0x13: {  	[smem:$0x3FAB] =	sst s0;
	s0 =	simm.s32 @!p1 $0x0  }
0x14: {  	s2 =	sld [smem:$0x3F8F];
	s0 =	simm.s32 @p1 $0x1  }
0x15: {  	[smem:$0x3FAC] =	sst s0;
	s0 =	simm.s32 @!p2 $0x0  }
0x16: {  	s3 =	sld [smem:$0x3FDB];
	s0 =	simm.s32 @p2 $0x1  }
0x17: {  	s4 =	simm.s32 $0x1BF5;
	[smem:$0x3FAE] =	sst s0  }
0x18: {  	s0 =	sld [smem:$0x3F91];
	_ =	swait.ge [sflag:s4], $0x0  }
0x19: {  	s7 =	sld [smem:$0x3F92]  }
0x1a: {  	s8 =	sadd.s32 $0xFFFFE003, lr  }
0x1b: {  	s9 =	sadd.s32 $0xFFFFFEF7, lr;
	s5 =	simm.s32 $0xFFFFFFFF;
	p2 =	slt.u32 s8, $0xFFFFF086  }
0x1c: {  	p1 =	slt.u32 s9, $0xF7A;
	s5 =	simm.s32 @!p2 $0x0  }
0x1d: {  	s5 =	simm.s32 @p1 $0x1;
	p0 =	seq.s32 s7, s2  }
0x1e: {  	s7 =	smul.u32 @!p0 $0xF7A, s2;
	p2 =	seq.s32 @!p0 s5, $0x0  }
0x1f: {  	s9 =	smul.u32 $0xF7A, s1;
	s8 =	simm.s32 @!p0 $0x1BF5;
	p2 =	por !p2, p0  }
0x20: {  	[sflag:s8] =	ssyncset.s32 @!p0 $0xFFFFF086;
	s6 =	sadd.s32 @!p0 s3, s7;
	s7 =	simm.s32 @!p0 $0x108  }
0x21: {  	s3 =	sadd.s32 s3, s9;
	s6 =	sadd.s32 @!p0 $0x88, s6;
	s7 =	simm.s32 @p2 $0x1082  }
0x22: {  	[simem:s7], [sflag:s8] =	dma.local @!p0 [hbm:s6], $0xF7A  }
0x23: {  	s9 =	sor.u32 $0xD0000000, s2;
	s6 =	simm.s32 $0x108;
	_ =	swait.ge @!p0 [sflag:s8], $0x0  }
0x24: {  	s3 =	sadd.s32 $0x88, s3;
	s6 =	simm.s32 @!p1 $0x1082;
	[sflag:s4] =	ssyncset.s32 $0xFFFFF086  }
0x25: {  	[simem:s6], [sflag:s4] =	dma.local [hbm:s3], $0xF7A  }
0x26: {  	[smem:$0x3F92] =	sst s1;
	(tag) =	ssettag s2;
	_ =	strace s9  }
0x27: {  	s1 =	sld [smem:$0x3FA2]  }
0x28: {  	s2 =	sld [smem:$0x3FA3]  }
0x29: {  	s4 =	sld [smem:$0x3FA5]  }
0x2a: {  	p0 =	seq.s32 s5, $0x0;
	s5 =	sld [smem:$0x3FA6]  }
0x2b: {  	s6 =	sld [smem:$0x3FA7]  }
0x2c: {  	s7 =	sld [smem:$0x3FA8]  }
0x2d: {  	s3 =	simm.s32 $0x108;
	s8 =	sld [smem:$0x3FA9]  }
0x2e: {  	s3 =	simm.s32 @!p0 $0x1082;
	s9 =	sld [smem:$0x3FAA]  }
0x2f: {  	lr =	sadd.s32 s0, s3;
	s0 =	sld [smem:$0x3FA1]  }
0x30: {  	s3 =	sld [smem:$0x3FA4]  }
0x31: {  	[smem:$0x3FAD] =	sst s10  }
0x32: {  	s10 =	sld [smem:$0x3FAB];
	_ =	sdelay $0x3  }
0x33: {  	p0 =	seq.s32 s10, $0x1;
	s10 =	sld [smem:$0x3FAD];
	_ =	sdelay $0x3  }
0x34: {  	[smem:$0x3FAD] =	sst s10  }
0x35: {  	s10 =	sld [smem:$0x3FAC];
	_ =	sdelay $0x3  }
0x36: {  	p1 =	seq.s32 s10, $0x1;
	s10 =	sld [smem:$0x3FAD];
	_ =	sdelay $0x3  }
0x37: {  	[smem:$0x3FAD] =	sst s10  }
0x38: {  	s10 =	sld [smem:$0x3FAE]  }
0x39: {  	_ = 	snop;
	(pc) =	sbr.ind lr, $3  }
0x3a: {  	_ = 	snop  }
0x3b: {  	_ = 	snop  }
0x3c: {  	p2 =	seq.s32 s10, $0x1;
	s10 =	sld [smem:$0x3FAD]  }
0x3d: {  	_ =	shalt  }
0x3e: {  	_ =	shalt  }
0x3f: {  	_ =	shalt  }
0x40: {  	_ =	shalt  }
0x41: {  	_ =	shalt  }
0x42: {  	_ =	shalt  }
0x43: {  	_ =	shalt  }
0x44: {  	_ =	shalt  }
0x45: {  	_ =	shalt  }
0x46: {  	_ =	shalt  }
0x47: {  	_ =	shalt  }
0x48: {  	_ =	shalt  }
0x49: {  	_ =	shalt  }
0x4a: {  	_ =	shalt  }
0x4b: {  	_ =	shalt  }
0x4c: {  	_ =	shalt  }
0x4d: {  	_ =	shalt  }
0x4e: {  	_ =	shalt  }
0x4f: {  	_ =	shalt  }
0x50: {  	_ =	shalt  }
0x51: {  	_ =	shalt  }
0x52: {  	_ =	shalt  }
0x53: {  	_ =	shalt  }
0x54: {  	_ =	shalt  }
0x55: {  	_ =	shalt  }
0x56: {  	_ =	shalt  }
0x57: {  	_ =	shalt  }
0x58: {  	_ =	shalt  }
0x59: {  	_ =	shalt  }
0x5a: {  	_ =	shalt  }
0x5b: {  	_ =	shalt  }
0x5c: {  	_ =	shalt  }
0x5d: {  	_ =	shalt  }
0x5e: {  	_ =	shalt  }
0x5f: {  	_ =	shalt  }
0x60: {  	_ =	shalt  }
0x61: {  	_ =	shalt  }
0x62: {  	_ =	shalt  }
0x63: {  	_ =	shalt  }
0x64: {  	_ =	shalt  }
0x65: {  	_ =	shalt  }
0x66: {  	_ =	shalt  }
0x67: {  	_ =	shalt  }
0x68: {  	_ =	shalt  }
0x69: {  	_ =	shalt  }
0x6a: {  	_ =	shalt  }
0x6b: {  	_ =	shalt  }
0x6c: {  	_ =	shalt  }
0x6d: {  	_ =	shalt  }
0x6e: {  	_ =	shalt  }
0x6f: {  	_ =	shalt  }
0x70: {  	_ =	shalt  }
0x71: {  	_ =	shalt  }
0x72: {  	_ =	shalt  }
0x73: {  	_ =	shalt  }
0x74: {  	_ =	shalt  }
0x75: {  	_ =	shalt  }
0x76: {  	_ =	shalt  }
0x77: {  	_ =	shalt  }
0x78: {  	_ =	shalt  }
0x79: {  	_ =	shalt  }
0x7a: {  	_ =	shalt  }
0x7b: {  	_ =	shalt  }
0x7c: {  	_ =	shalt  }
0x7d: {  	_ =	shalt  }
0x7e: {  	_ =	shalt  }
0x7f: {  	_ =	shalt  }
0x80: {  	_ =	shalt  }
0x81: {  	_ =	shalt  }
0x82: {  	_ =	shalt  }
0x83: {  	_ =	shalt  }
0x84: {  	_ =	shalt  }
0x85: {  	_ =	shalt  }
0x86: {  	_ =	shalt  }
0x87: {  	_ =	shalt  }
.Lfunc_end0:
.L_simem_size_0:
called_computation.1_lowered:
.L_overlay_start_0:
0x88: {  	s2 =	sld [smem:$0x3FD9]  }
0x89: {  	s3 =	sld [smem:$0x3FFE];
	_ =	sdelay $0x1  }
0x8a: {  	s1 =	srdreg.scid  }
0x8b: {  	s0 =	sand.u32 $0x1, s1  }
0x8c: {  	s16 =	sshll.u32 s0, $0xA;
	s2 =	sadd.s32 s3, s2  }
0x8d: {  	s2 =	sadd.s32 s2, s16  }
0x8e: {  	[smem:$0x3FB9] =	sst s2  }
0x8f: {  	_ = 	snop  }
0x90: {  	(tm) =	ssettm $0x1  }
0x91: {  	s17 =	sld [smem:$0x3FFB];
	_ =	sdelay $0x3  }
0x92: {  	_ =	strace s17  }
0x93: {  	s2 =	sld [smem:$0x3FFC];
	_ =	sdelay $0x3  }
0x94: {  	_ =	strace s2  }
0x95: {  	s2 =	sld [smem:$0x3FFD];
	_ =	sdelay $0x3  }
0x96: {  	_ =	strace s2  }
0x97: {  	_ =	strace $0x8FFFFFFF  }
0x98: {  	s18 =	sld [smem:$0x3FDB];
	_ =	sdelay $0x1  }
0x99: {  	s19 =	simm.s32 $_scs_section_size  }
0x9a: {  	s4 =	simm.s32 $_size__tile_overlayer_lowered;
	s5 =	simm.s32 $_tile_overlayer_lowered  }
0x9b: {  	s22 =	simm.s32 $0x1BFF;
	s21 =	sshll.u32 s5, $0x1;
	s2 =	sadd.s32 s19, s18  }
0x9c: {  	s6 =	simm.s32 $0x0;
	s20 =	sshll.u32 s4, $0x1;
	s4 =	sadd.s32 s21, s2  }
0x9d: {  	[timem:s6], [sflag:s22] =	dma.local [hbm:s4], s20  }
0x9e: {  	_ =	swait.ge [sflag:s22], s20  }
0x9f: {  	s3 =	ssub.s32 $0x0, s20;
	[sflag:s22] =	ssyncset.done $0x0  }
0xa0: {  	[sflag:s22] =	ssyncadd.s32 s3;
	_ =	sdelay $0x1  }
0xa1: {  	s23 =	simm.s32 $0x1B8B  }
0xa2: {  	_ =	swait.ge [sflag:s23], $0x1  }
0xa3: {  	[sflag:s23] =	ssyncset.done $0x0  }
0xa4: {  	s25 =	simm.s32 $0x1B8E;
	s24 =	sld [smem:$0x3FFE];
	[sflag:s23] =	ssyncadd.s32 $0xFFFFFFFF  }
0xa5: {  	s26 =	simm.s32 $execute0_lowered;
	[smem:$0x3FD2] =	sst s25  }
0xa6: {  	s4 =	sshll.u32 s26, $0x1;
	_ =	strace $0x80000049;
	[dreg:$0x1] =	wrdreg $0xFFFFFFFF  }
0xa7: {  	s28 =	simm.s32 $_size_execute0_lowered;
	s2 =	sadd.s32 s2, s4;
	[dreg:$0x0] =	wrdreg $0x0  }
0xa8: {  	s4 =	sshll.u32 s28, $0x1;
	[dreg:$0x2] =	wrdreg s2  }
0xa9: {  	[dreg:$0x3] =	wrdreg s4  }
0xaa: {  	[dreg:$0x4] =	wrdreg $0xC0  }
0xab: {  	_ =	task [dreg:s6], $0x5FFFF  }
0xac: {  	[dreg:$0x1] =	wrdreg $0xFFFFFFFF  }
0xad: {  	[dreg:$0x0] =	wrdreg $0x60  }
0xae: {  	[dreg:$0x2] =	wrdreg s24  }
0xaf: {  	[dreg:$0x3] =	wrdreg $0x84000  }
0xb0: {  	[dreg:$0x4] =	wrdreg $0x9  }
0xb1: {  	_ =	task.clear_ibuf [dreg:s6], $0x5FFFF;
	_ =	strace $0x90000049  }
0xb2: {  	s29 =	simm.s32 $0x9;
	_ =	strace $0x8000004B  }
0xb3: {  	_ =	swait.ge [sflag:s29], $0x1  }
0xb4: {  	[sflag:s29] =	ssyncadd.s32 $0xFFFFFFFF  }
0xb5: {  	_ =	strace $0x9000004B  }
0xb6: {  	_ =	sfence  }
0xb7: {  	s30 =	sld [smem:$0x0];
	_ =	sdelay $0x2  }
0xb8: {  	s31 =	sshll.u32 s1, $0xD;
	s1 =	sshrl.u32 s1, $0x2  }
0xb9: {  	s3 =	sand.u32 $0x4000, s31;
	s1 =	sadd.s32 s1, s30  }
0xba: {  	s0 =	sor.u32 s3, s0;
	s1 =	sshll.u32 s1, $0x11  }
0xbb: {  	s0 =	sor.u32 s1, s0  }
0xbc: {  	s0 =	sadd.s32 $0x8F2B, s0  }
0xbd: {  	[sflag:s0] =	ssyncadd.remote.s32 $0x1  }
0xbe: {  	_ =	sfence.sel $0xFFFF  }
0xbf: {  	[dreg:$0x0] =	wrdreg $0xFFFFFFFF;
	(pc) =	sbr.abs _section_cstart, $3  }
0xc0: {  	[dreg:$0x1] =	wrdreg $0xFFFFFFFF  }
0xc1: {  	_ =	task.clear_ibuf [dreg:s6], $0x2FFFF;
	_ =	strace $0x9FFFFFFF  }
0xc2: {  	(tm) =	ssettm $0x7FFFFFFF  }
0xc3: {  	_ =	shalt  }
tec
execute0_lowered:
.L_overlay_start_1:
0x0: {  	(tag) =	ssettag $0x1  }
0x1: {  	s0 =	rddreg [dreg:$0x0];
	s1 =	simm.s32 $0x0;
	s2 =	srdreg.scid  }
0x2: {  	s16 =	stileid.u32;
	s28 =	simm.s32 $0x8;
	[smem:$0x7FF] =	sst s1  }
0x3: {  	s3 =	sadd.s32 $0x73E00, s0;
	s4 =	sand.u32 $0x1, s2;
	s6 =	smul.u32 $0x280, s16  }
0x4: {  	s17 =	sshll.u32 s16, $0x1;
	s7 =	sadd.s32 $0x69E00, s0;
	s21 =	smul.u32 $0x14000, s16  }
0x5: {  	s10 =	sadd.s32 $0xA5E00, s0;
	s24 =	smul.u32 $0x5000, s16;
	s5 =	ssub.s32 $0x2, s4  }
0x6: {  	s2 =	sor.u32 s4, s17;
	p0 =	seq.s32 s4, $0x1;
	s4 =	smul.u32 $0x2800, s4  }
0x7: {  	s15 =	sadd.s32 $0xCDE00, s0;
	s8 =	sshrl.u32 s5, $0x1;
	s9 =	smul.u32 $0x2800, s2  }
0x8: {  	s11 =	sadd.s32 $0x180, s6;
	s23 =	sshrl.u32 s21, $0x3;
	s2 =	ssub.s32 s5, s8  }
0x9: {  	s5 =	sadd.s32 $0x80, s6;
	s8 =	sadd.s32 $0x100, s6;
	s6 =	sadd.s32 $0x200, s6  }
0xa: {  	s17 =	sshll.u32 s11, $0x4;
	s4 =	sadd.s32 s4, s24;
	s9 =	sshrl.u32 s9, $0x3  }
0xb: {  	s25 =	sshll.u32 s5, $0x4;
	s26 =	sshll.u32 s8, $0x4;
	s12 =	sadd.s32 s3, s9  }
0xc: {  	s18 =	sor.u32 $0x10, s9;
	s13 =	sadd.s32 s7, s9;
	[dreg:$0x3] =	wrdreg s12  }
0xd: {  	s24 =	sor.u32 $0x200, s4;
	[dreg:$0x4] =	wrdreg s13;
	s19 =	sadd.s32 s3, s18  }
0xe: {  	s20 =	sor.u32 $0x20, s9;
	s12 =	sadd.s32 s7, s18;
	[dreg:$0x5] =	wrdreg s19  }
0xf: {  	s9 =	sor.u32 $0x30, s9;
	s14 =	sadd.s32 s3, s20;
	[dreg:$0x6] =	wrdreg s12  }
0x10: {  	s22 =	sadd.s32 s3, s9;
	s9 =	sadd.s32 s7, s9;
	[dreg:$0x7] =	wrdreg s14  }
0x11: {  	s18 =	sshll.u32 s6, $0x4;
	s13 =	sadd.s32 $0xFE00, s0;
	[dreg:$0x9] =	wrdreg s22  }
0x12: {  	s12 =	sadd.s32 s7, s20;
	[dreg:$0xa] =	wrdreg s9;
	s9 =	smul.u32 $0x2800, s16  }
0x13: {  	s19 =	sor.u32 $0x300, s4;
	s22 =	sor.u32 $0x280, s4;
	s4 =	sor.u32 $0x380, s4  }
0x14: {  	[dreg:$0x8] =	wrdreg s12;
	s12 =	sadd.s32 $0x28000, s23;
	s20 =	sshrl.u32 s19, $0x3  }
0x15: {  	s23 =	sshrl.u32 s22, $0x3;
	s4 =	sshrl.u32 s4, $0x3;
	s9 =	smov.u32 @p0 s12  }
0x16: {  	s22 =	rddreg [dreg:$0x1];
	s21 =	sadd.s32 s20, s7;
	s9 =	sadd.s32 s10, s9  }
0x17: {  	s10 =	smov.u32 @p0 s15;
	[dreg:$0x10] =	wrdreg s21;
	s15 =	sshll.u32 s8, $0x7  }
0x18: {  	s8 =	simm.s32 $0x380;
	[dreg:$0xb] =	wrdreg s9;
	s14 =	sadd.s32 s25, s10  }
0x19: {  	s12 =	sadd.s32 s26, s10;
	s9 =	sadd.s32 s17, s10;
	s10 =	sadd.s32 s18, s10  }
0x1a: {  	s25 =	sadd.s32 s23, s7;
	s18 =	sadd.s32 s23, s3;
	[dreg:$0xc] =	wrdreg s14  }
0x1b: {  	s26 =	sshrl.u32 s24, $0x3;
	s24 =	sadd.s32 s4, s3;
	[dreg:$0xd] =	wrdreg s12  }
0x1c: {  	s29 =	sadd.s32 s15, s22;
	s17 =	sshll.u32 s6, $0x7;
	[dreg:$0xe] =	wrdreg s9  }
0x1d: {  	s6 =	simm.s32 $0x300;
	[dreg:$0xf] =	wrdreg s10;
	s9 =	sadd.s32 s20, s3  }
0x1e: {  	[dreg:$0x12] =	wrdreg s25;
	s19 =	sadd.s32 s26, s7;
	s20 =	sadd.s32 s26, s3  }
0x1f: {  	s10 =	smul.u32 $0x50000, s16;
	s7 =	sadd.s32 s4, s7;
	s26 =	sadd.s32 $0x7DE00, s0  }
0x20: {  	s14 =	sshll.u32 s5, $0x7;
	s16 =	sshll.u32 s11, $0x7;
	s31 =	sadd.s32 s17, s22  }
0x21: {  	s25 =	smax.u32 s2, $0x1;
	s2 =	simm.s32 $0x400;
	s3 =	simm.s32 $0xB  }
0x22: {  	s4 =	simm.s32 $0x80;
	s5 =	simm.s32 $0x100;
	[dreg:$0x11] =	wrdreg s9  }
0x23: {  	s11 =	simm.s32 $0x4400;
	s0 =	simm.s32 $0x7;
	[dreg:$0x13] =	wrdreg s7  }
0x24: {  	s23 =	sadd.s32 s14, s22;
	_ =	strace $0x8000004A;
	[dreg:$0x14] =	wrdreg s13  }
0x25: {  	s30 =	sadd.s32 s16, s22;
	s7 =	simm.s32 $0x180;
	[dreg:$0x1a] =	wrdreg s25  }
.Ltmp0:
0x26: {  	s9 =	simm.s32 $0x1;
	[dreg:$0x16] =	wrdreg s23;
	(pc) =	sbr.rel .LBB2_1-.Ltmp0, $4  }
0x27: {  	s14 =	simm.s32 $0xA;
	s16 =	simm.s32 $0x0;
	[dreg:$0x17] =	wrdreg s29  }
0x28: {  	s12 =	sshrl.u32 s10, $0x2;
	s10 =	simm.s32 $0x2;
	[dreg:$0x18] =	wrdreg s30  }
0x29: {  	s13 =	simm.s32 $0x3;
	[dreg:$0x19] =	wrdreg s31;
	s21 =	sadd.s32 s12, s22  }
0x2a: {  	s25 =	simm.s32 $0x4;
	s12 =	simm.s32 $0x9;
	[dreg:$0x15] =	wrdreg s21  }
.LBB2_4:
0x2b: {  	_ =	swait.ge [sflag:s0], $0x80  }
0x2c: {  	[sflag:s0] =	ssyncset.done $0x0  }
0x2d: {  	[sflag:s0] =	ssyncadd.s32 $0xFFFFFF80  }
0x2e: {  	[spmem:s22] =	stream.indirect.scatter.add.f32 [tilespmem:s2], [sflag:$0xB], $0x80, s6, s4, $0xb8;
	[tilespmem:$0x1C400] =	vst v63  }
0x2f: {  	_ =	swait.ge [sflag:s3], $0x4000  }
0x30: {  	[sflag:s3] =	ssyncset.done $0x0  }
0x31: {  	[sflag:s3] =	ssyncadd.s32 $0xFFFFC000  }
0x32: {  	_ =	swait.ge [sflag:s14], $0x4000  }
0x33: {  	[sflag:s14] =	ssyncset.done $0x0  }
0x34: {  	[sflag:s14] =	ssyncadd.s32 $0xFFFFC000  }
0x35: {  	_ =	swait.ge [sflag:s28], $0x80  }
0x36: {  	[sflag:s28] =	ssyncset.done $0x0  }
0x37: {  	[sflag:s28] =	ssyncadd.s32 $0xFFFFFF80  }
0x38: {  	[spmem:s22] =	stream.indirect.scatter.add.f32 [tilespmem:s11], [sflag:$0xB], $0x80, s8, s4, $0xb8;
	[tilespmem:$0x1C400] =	vst v63  }
0x39: {  	_ =	swait.ge [sflag:s3], $0x4000  }
0x3a: {  	[sflag:s3] =	ssyncset.done $0x0  }
0x3b: {  	[sflag:s3] =	ssyncadd.s32 $0xFFFFC000  }
0x3c: {  	s15 =	stileid.u32;
	[bflag:$0x0] =	sbarrier.arrive $0xFFFF  }
0x3d: {  	s15 =	sshll.u32 s15, $0x6;
	s21 =	rddreg [dreg:$0x15]  }
0x3e: {  	s15 =	sor.u32 $0x1C0B, s15;
	s17 =	rddreg [dreg:$0xb];
	s16 =	sshrl.u32 s21, $0x3  }
0x3f: {  	[hbm:s17], [sflag:s15] =	dma.local [spmem:s16], $0x800  }
0x40: {  	_ =	swait.ge [sflag:s3], $0x800  }
0x41: {  	[sflag:s3] =	ssyncset.done $0x0;
	s23 =	rddreg [dreg:$0x16]  }
0x42: {  	s17 =	rddreg [dreg:$0xc];
	[sflag:s3] =	ssyncadd.s32 $0xFFFFF800;
	s16 =	sshrl.u32 s23, $0x3  }
0x43: {  	[hbm:s17], [sflag:s15] =	dma.local [spmem:s16], $0x800  }
0x44: {  	_ =	swait.ge [sflag:s3], $0x800  }
0x45: {  	[sflag:s3] =	ssyncset.done $0x0;
	s29 =	rddreg [dreg:$0x17]  }
0x46: {  	s17 =	rddreg [dreg:$0xd];
	[sflag:s3] =	ssyncadd.s32 $0xFFFFF800;
	s16 =	sshrl.u32 s29, $0x3  }
0x47: {  	[hbm:s17], [sflag:s15] =	dma.local [spmem:s16], $0x800  }
0x48: {  	_ =	swait.ge [sflag:s3], $0x800  }
0x49: {  	[sflag:s3] =	ssyncset.done $0x0;
	s30 =	rddreg [dreg:$0x18]  }
0x4a: {  	s17 =	rddreg [dreg:$0xe];
	[sflag:s3] =	ssyncadd.s32 $0xFFFFF800;
	s16 =	sshrl.u32 s30, $0x3  }
0x4b: {  	[hbm:s17], [sflag:s15] =	dma.local [spmem:s16], $0x800  }
0x4c: {  	_ =	swait.ge [sflag:s3], $0x800  }
0x4d: {  	[sflag:s3] =	ssyncset.done $0x0;
	s31 =	rddreg [dreg:$0x19]  }
0x4e: {  	s17 =	rddreg [dreg:$0xf];
	[sflag:s3] =	ssyncadd.s32 $0xFFFFF800;
	s16 =	sshrl.u32 s31, $0x3  }
0x4f: {  	[hbm:s17], [sflag:s15] =	dma.local [spmem:s16], $0x800  }
0x50: {  	_ =	swait.ge [sflag:s3], $0x800  }
0x51: {  	s15 =	rddreg [dreg:$0x1b]  }
0x52: {  	s17 =	rddreg [dreg:$0x1a];
	s16 =	sadd.s32 $0x1, s15  }
0x53: {  	p0 =	sne.s32 s16, s17  }
.Ltmp1:
0x54: {  	_ = 	snop;
	(pc) =	sbr.rel @!p0 .LBB2_5-.Ltmp1, $3  }
0x55: {  	_ =	sdelay $0x1  }
0x56: {  	[sflag:s3] =	ssyncset.done $0x0  }
0x57: {  	[sflag:s3] =	ssyncadd.s32 $0xFFFFF800  }
.LBB2_1:
0x58: {  	[dreg:$0x1b] =	wrdreg s16  }
0x59: {  	s15 =	rddreg [dreg:$0x14]  }
0x5a: {  	[tilespmem:s2], [sflag:$0xB] =	stream.linear.gather [hbm4b:s15+s1], $0x4000, $0x38;
	[tilespmem:$0x1C400] =	vst v63  }
0x5b: {  	_ =	swait.ge [sflag:s3], $0x4000  }
0x5c: {  	[sflag:s3] =	ssyncset.done $0x0  }
0x5d: {  	[sflag:s3] =	ssyncadd.s32 $0xFFFFC000  }
0x5e: {  	[spmem:s21] =	stream.linear.scatter [tilespmem:s2], [sflag:$0xB], $0x4000, $0x38;
	[tilespmem:$0x1C400] =	vst v63  }
0x5f: {  	_ =	swait.ge [sflag:s3], $0x4000  }
0x60: {  	[sflag:s3] =	ssyncset.done $0x0  }
0x61: {  	[sflag:s3] =	ssyncadd.s32 $0xFFFFC000  }
0x62: {  	[spmem:s23] =	stream.linear.scatter [tilespmem:s2], [sflag:$0xB], $0x4000, $0x38;
	[tilespmem:$0x1C400] =	vst v63  }
0x63: {  	_ =	swait.ge [sflag:s3], $0x4000  }
0x64: {  	[sflag:s3] =	ssyncset.done $0x0  }
0x65: {  	[sflag:s3] =	ssyncadd.s32 $0xFFFFC000  }
0x66: {  	[spmem:s29] =	stream.linear.scatter [tilespmem:s2], [sflag:$0xB], $0x4000, $0x38;
	[tilespmem:$0x1C400] =	vst v63  }
0x67: {  	_ =	swait.ge [sflag:s3], $0x4000  }
0x68: {  	[sflag:s3] =	ssyncset.done $0x0  }
0x69: {  	[sflag:s3] =	ssyncadd.s32 $0xFFFFC000  }
0x6a: {  	[spmem:s30] =	stream.linear.scatter [tilespmem:s2], [sflag:$0xB], $0x4000, $0x38;
	[tilespmem:$0x1C400] =	vst v63  }
0x6b: {  	_ =	swait.ge [sflag:s3], $0x4000  }
0x6c: {  	[sflag:s3] =	ssyncset.done $0x0  }
0x6d: {  	[sflag:s3] =	ssyncadd.s32 $0xFFFFC000  }
0x6e: {  	[spmem:s31] =	stream.linear.scatter [tilespmem:s2], [sflag:$0xB], $0x4000, $0x38;
	[tilespmem:$0x1C400] =	vst v63  }
0x6f: {  	_ =	swait.ge [sflag:s3], $0x4000  }
0x70: {  	[sflag:s3] =	ssyncset.done $0x0  }
0x71: {  	[sflag:s3] =	ssyncadd.s32 $0xFFFFC000  }
0x72: {  	[bflag:$0x0] =	sbarrier.arrive $0xFFFF  }
0x73: {  	s21 =	rddreg [dreg:$0x3]  }
0x74: {  	[tilespmem:s1], [sflag:$0x1] =	stream.linear.gather [hbm4b:s21+s1], $0x80, $0x38;
	[tilespmem:$0x1C400] =	vst v63  }
0x75: {  	s29 =	simm.s32 $0x200;
	s23 =	rddreg [dreg:$0x4]  }
0x76: {  	[tilespmem:s29], [sflag:$0x5] =	stream.linear.gather [hbm4b:s23+s1], $0x80, $0x38;
	[tilespmem:$0x1C400] =	vst v63  }
0x77: {  	s31 =	rddreg [dreg:$0x5]  }
0x78: {  	[tilespmem:s4], [sflag:$0x2] =	stream.linear.gather [hbm4b:s31+s1], $0x80, $0x38;
	[tilespmem:$0x1C400] =	vst v63  }
0x79: {  	s17 =	simm.s32 $0x280;
	s16 =	rddreg [dreg:$0x6]  }
0x7a: {  	[tilespmem:s17], [sflag:$0x6] =	stream.linear.gather [hbm4b:s16+s1], $0x80, $0x38;
	[tilespmem:$0x1C400] =	vst v63  }
0x7b: {  	s21 =	rddreg [dreg:$0x7]  }
0x7c: {  	[tilespmem:s5], [sflag:$0x3] =	stream.linear.gather [hbm4b:s21+s1], $0x80, $0x38;
	[tilespmem:$0x1C400] =	vst v63  }
0x7d: {  	s23 =	rddreg [dreg:$0x8]  }
0x7e: {  	[tilespmem:s6], [sflag:$0x7] =	stream.linear.gather [hbm4b:s23+s1], $0x80, $0x38;
	[tilespmem:$0x1C400] =	vst v63  }
0x7f: {  	s29 =	rddreg [dreg:$0x9]  }
0x80: {  	[tilespmem:s7], [sflag:$0x4] =	stream.linear.gather [hbm4b:s29+s1], $0x80, $0x38;
	[tilespmem:$0x1C400] =	vst v63  }
0x81: {  	s31 =	rddreg [dreg:$0xa]  }
0x82: {  	[tilespmem:s8], [sflag:$0x8] =	stream.linear.gather [hbm4b:s31+s1], $0x80, $0x38;
	[tilespmem:$0x1C400] =	vst v63  }
0x83: {  	_ =	swait.ge [sflag:s9], $0x80  }
0x84: {  	[sflag:s9] =	ssyncset.done $0x0  }
0x85: {  	[sflag:s9] =	ssyncadd.s32 $0xFFFFFF80  }
0x86: {  	[tilespmem:s2], [sflag:$0x9] =	stream.indirect.gather [hbm4b:s26+s4], $0x80, s1, s4, $0xb8;
	[tilespmem:$0x1C400] =	vst v63  }
0x87: {  	_ =	swait.ge [sflag:s10], $0x80  }
0x88: {  	[sflag:s10] =	ssyncset.done $0x0  }
0x89: {  	s30 =	simm.s32 $0x0;
	[sflag:s10] =	ssyncadd.s32 $0xFFFFFF80  }
0x8a: {  	[tilespmem:s11], [sflag:$0xA] =	stream.indirect.gather [hbm4b:s26+s4], $0x80, s4, s4, $0xb8;
	[tilespmem:$0x1C400] =	vst v63  }
.LBB2_2:
0x8b: {  	_ =	swait.ge [sflag:s12], $0x4000  }
0x8c: {  	p0 =	seq.s32 s30, $0x4C0;
	[sflag:s12] =	ssyncset.done $0x0  }
0x8d: {  	s31 =	simm.s32 @p0 $0x5;
	[sflag:s12] =	ssyncadd.s32 $0xFFFFC000  }
0x8e: {  	_ =	swait.ge @p0 [sflag:s31], $0x80  }
0x8f: {  	s21 =	simm.s32 @p0 $0x200;
	[sflag:s31] =	ssyncset.done @p0 $0x0  }
0x90: {  	s29 =	simm.s32 @p0 $0x400;
	[sflag:s31] =	ssyncadd.s32 @p0 $0xFFFFFF80;
	s31 =	simm.s32 @p0 $0x80  }
0x91: {  	[spmem:s22] =	stream.indirect.scatter.add.f32 @p0 [tilespmem:s29], [sflag:$0xB], $0x80, s21, s31, $0xb8;
	[tilespmem:$0x1C400] =	vst v63  }
0x92: {  	s21 =	simm.s32 @p0 $0xB  }
0x93: {  	_ =	swait.ge @p0 [sflag:s21], $0x4000  }
0x94: {  	[sflag:s21] =	ssyncset.done @p0 $0x0  }
0x95: {  	s15 =	simm.s32 @!p0 $0x0;
	s29 =	sadd.s32 @!p0 s30, s20;
	[sflag:s21] =	ssyncadd.s32 @p0 $0xFFFFC000  }
0x96: {  	[tilespmem:s15], [sflag:$0x1] =	stream.linear.gather @!p0 [hbm4b:s29+s15], $0x80, $0x38;
	[tilespmem:$0x1C400] =	vst v63  }
0x97: {  	s29 =	simm.s32 @!p0 $0x5  }
0x98: {  	_ =	swait.ge @!p0 [sflag:s29], $0x80  }
0x99: {  	s16 =	simm.s32 @!p0 $0x200;
	[sflag:s29] =	ssyncset.done @!p0 $0x0  }
0x9a: {  	s17 =	simm.s32 @!p0 $0x400;
	[sflag:s29] =	ssyncadd.s32 @!p0 $0xFFFFFF80;
	s29 =	simm.s32 @!p0 $0x80  }
0x9b: {  	[spmem:s22] =	stream.indirect.scatter.add.f32 @!p0 [tilespmem:s17], [sflag:$0xB], $0x80, s16, s29, $0xb8;
	[tilespmem:$0x1C400] =	vst v63  }
0x9c: {  	s17 =	simm.s32 @!p0 $0xB  }
0x9d: {  	_ =	swait.ge @!p0 [sflag:s17], $0x4000  }
0x9e: {  	[sflag:s17] =	ssyncset.done @!p0 $0x0  }
0x9f: {  	s23 =	sadd.s32 @!p0 s30, s19;
	[sflag:s17] =	ssyncadd.s32 @!p0 $0xFFFFC000  }
0xa0: {  	[tilespmem:s16], [sflag:$0x5] =	stream.linear.gather @!p0 [hbm4b:s23+s15], $0x80, $0x38;
	[tilespmem:$0x1C400] =	vst v63  }
0xa1: {  	_ =	swait.ge [sflag:s13], $0x80  }
0xa2: {  	[sflag:s13] =	ssyncset.done $0x0  }
0xa3: {  	[sflag:s13] =	ssyncadd.s32 $0xFFFFFF80  }
0xa4: {  	[tilespmem:s2], [sflag:$0x9] =	stream.indirect.gather [hbm4b:s26+s4], $0x80, s5, s4, $0xb8;
	[tilespmem:$0x1C400] =	vst v63  }
0xa5: {  	_ =	swait.ge [sflag:s14], $0x4000  }
0xa6: {  	[sflag:s14] =	ssyncset.done $0x0  }
0xa7: {  	s16 =	simm.s32 @p0 $0x6;
	[sflag:s14] =	ssyncadd.s32 $0xFFFFC000  }
0xa8: {  	_ =	swait.ge @p0 [sflag:s16], $0x80  }
0xa9: {  	[sflag:s16] =	ssyncset.done @p0 $0x0  }
0xaa: {  	s23 =	simm.s32 @p0 $0x4400;
	[sflag:s16] =	ssyncadd.s32 @p0 $0xFFFFFF80;
	s16 =	simm.s32 @p0 $0x280  }
0xab: {  	[spmem:s22] =	stream.indirect.scatter.add.f32 @p0 [tilespmem:s23], [sflag:$0xB], $0x80, s16, s31, $0xb8;
	[tilespmem:$0x1C400] =	vst v63  }
0xac: {  	_ =	swait.ge @p0 [sflag:s21], $0x4000  }
0xad: {  	[sflag:s21] =	ssyncset.done @p0 $0x0  }
0xae: {  	s16 =	sadd.s32 @!p0 s30, s18;
	[sflag:s21] =	ssyncadd.s32 @p0 $0xFFFFC000  }
0xaf: {  	[tilespmem:s29], [sflag:$0x2] =	stream.linear.gather @!p0 [hbm4b:s16+s15], $0x80, $0x38;
	[tilespmem:$0x1C400] =	vst v63  }
0xb0: {  	s16 =	simm.s32 @!p0 $0x6  }
0xb1: {  	_ =	swait.ge @!p0 [sflag:s16], $0x80  }
0xb2: {  	[sflag:s16] =	ssyncset.done @!p0 $0x0  }
0xb3: {  	s21 =	simm.s32 @!p0 $0x4400;
	[sflag:s16] =	ssyncadd.s32 @!p0 $0xFFFFFF80;
	s16 =	simm.s32 @!p0 $0x280  }
0xb4: {  	[spmem:s22] =	stream.indirect.scatter.add.f32 @!p0 [tilespmem:s21], [sflag:$0xB], $0x80, s16, s29, $0xb8;
	[tilespmem:$0x1C400] =	vst v63  }
0xb5: {  	_ =	swait.ge @!p0 [sflag:s17], $0x4000  }
0xb6: {  	[sflag:s17] =	ssyncset.done @!p0 $0x0  }
0xb7: {  	[sflag:s17] =	ssyncadd.s32 @!p0 $0xFFFFC000;
	s17 =	rddreg [dreg:$0x12]  }
0xb8: {  	s17 =	sadd.s32 @!p0 s30, s17  }
0xb9: {  	[tilespmem:s16], [sflag:$0x6] =	stream.linear.gather @!p0 [hbm4b:s17+s15], $0x80, $0x38;
	[tilespmem:$0x1C400] =	vst v63  }
0xba: {  	_ =	swait.ge [sflag:s25], $0x80  }
0xbb: {  	[sflag:s25] =	ssyncset.done $0x0  }
.Ltmp2:
0xbc: {  	[sflag:s25] =	ssyncadd.s32 $0xFFFFFF80;
	(pc) =	sbr.rel @p0 .LBB2_4-.Ltmp2, $4  }
0xbd: {  	[tilespmem:s11], [sflag:$0xA] =	stream.indirect.gather [hbm4b:s26+s4], $0x80, s7, s4, $0xb8;
	[tilespmem:$0x1C400] =	vst v63  }
0xbe: {  	_ =	swait.ge [sflag:s12], $0x4000  }
0xbf: {  	[sflag:s12] =	ssyncset.done $0x0  }
0xc0: {  	[sflag:s12] =	ssyncadd.s32 $0xFFFFC000  }
0xc1: {  	s15 =	rddreg [dreg:$0x11]  }
0xc2: {  	s15 =	sadd.s32 s30, s15  }
0xc3: {  	[tilespmem:s5], [sflag:$0x3] =	stream.linear.gather [hbm4b:s15+s1], $0x80, $0x38;
	[tilespmem:$0x1C400] =	vst v63  }
0xc4: {  	_ =	swait.ge [sflag:s0], $0x80  }
0xc5: {  	[sflag:s0] =	ssyncset.done $0x0  }
0xc6: {  	[sflag:s0] =	ssyncadd.s32 $0xFFFFFF80  }
0xc7: {  	[spmem:s22] =	stream.indirect.scatter.add.f32 [tilespmem:s2], [sflag:$0xB], $0x80, s6, s4, $0xb8;
	[tilespmem:$0x1C400] =	vst v63  }
0xc8: {  	_ =	swait.ge [sflag:s3], $0x4000  }
0xc9: {  	[sflag:s3] =	ssyncset.done $0x0;
	s23 =	rddreg [dreg:$0x10]  }
0xca: {  	[sflag:s3] =	ssyncadd.s32 $0xFFFFC000;
	s15 =	sadd.s32 s30, s23  }
0xcb: {  	[tilespmem:s6], [sflag:$0x7] =	stream.linear.gather [hbm4b:s15+s1], $0x80, $0x38;
	[tilespmem:$0x1C400] =	vst v63  }
0xcc: {  	_ =	swait.ge [sflag:s9], $0x80  }
0xcd: {  	[sflag:s9] =	ssyncset.done $0x0  }
0xce: {  	[sflag:s9] =	ssyncadd.s32 $0xFFFFFF80  }
0xcf: {  	[tilespmem:s2], [sflag:$0x9] =	stream.indirect.gather [hbm4b:s26+s4], $0x80, s1, s4, $0xb8;
	[tilespmem:$0x1C400] =	vst v63  }
0xd0: {  	_ =	swait.ge [sflag:s14], $0x4000  }
0xd1: {  	[sflag:s14] =	ssyncset.done $0x0  }
0xd2: {  	s29 =	sadd.s32 s30, s24;
	[sflag:s14] =	ssyncadd.s32 $0xFFFFC000  }
0xd3: {  	[tilespmem:s7], [sflag:$0x4] =	stream.linear.gather [hbm4b:s29+s1], $0x80, $0x38;
	[tilespmem:$0x1C400] =	vst v63  }
0xd4: {  	_ =	swait.ge [sflag:s28], $0x80  }
0xd5: {  	[sflag:s28] =	ssyncset.done $0x0  }
0xd6: {  	[sflag:s28] =	ssyncadd.s32 $0xFFFFFF80  }
0xd7: {  	[spmem:s22] =	stream.indirect.scatter.add.f32 [tilespmem:s11], [sflag:$0xB], $0x80, s8, s4, $0xb8;
	[tilespmem:$0x1C400] =	vst v63  }
0xd8: {  	_ =	swait.ge [sflag:s3], $0x4000  }
0xd9: {  	[sflag:s3] =	ssyncset.done $0x0;
	s31 =	rddreg [dreg:$0x13]  }
0xda: {  	[sflag:s3] =	ssyncadd.s32 $0xFFFFC000;
	s15 =	sadd.s32 s30, s31  }
0xdb: {  	[tilespmem:s8], [sflag:$0x8] =	stream.linear.gather [hbm4b:s15+s1], $0x80, $0x38;
	[tilespmem:$0x1C400] =	vst v63  }
.Ltmp3:
0xdc: {  	_ = 	snop;
	(pc) =	sbr.rel .LBB2_2-.Ltmp3, $4  }
0xdd: {  	_ =	swait.ge [sflag:s10], $0x80  }
0xde: {  	[sflag:s10] =	ssyncset.done $0x0  }
0xdf: {  	s30 =	sadd.s32 $0x40, s30;
	[sflag:s10] =	ssyncadd.s32 $0xFFFFFF80  }
0xe0: {  	[tilespmem:s11], [sflag:$0xA] =	stream.indirect.gather [hbm4b:s26+s4], $0x80, s4, s4, $0xb8;
	[tilespmem:$0x1C400] =	vst v63  }
.LBB2_5:
0xe1: {  	_ =	sfence.sel $0x180000  }
0xe2: {  	[bflag:$0x0] =	sbarrier.arrive $0xFFFF  }
0xe3: {  	_ =	strace $0x9000004A  }
0xe4: {  	s0 =	stileid.u32;
	[bflag:$0x2] =	sbarrier.arrive $0xFFFF  }
0xe5: {  	p0 =	sne.s32 s0, $0x0;
	s0 =	rddreg [dreg:$0x2]  }
0xe6: {  	s0 =	sadd.s32 @!p0 $0x100000, s0  }
0xe7: {  	[sflag:s0] =	ssyncadd.tile.s32 @!p0 $0x1;
	_ =	shalt  }
.Lfunc_end2:
_tile_overlayer_lowered:
.L_overlay_start_2:
0xe8: {  	(tag) =	ssettag $0x2  }
0xe9: {  	s0 =	rddreg [dreg:$0x0];
	s2 =	stileid.u32  }
0xea: {  	s1 =	rddreg [dreg:$0x1];
	p0 =	sne.s32 s2, $0x0  }
0xeb: {  	s3 =	rddreg [dreg:$0x2];
	[bflag:$0x3] =	sbarrier.arrive $0xFFFF;
	s2 =	simm.s32 @!p0 $0x1C0B  }
0xec: {  	[timem:s3], [sflag:s2] =	dma.local @!p0 [hbm:s0], s1  }
0xed: {  	s0 =	simm.s32 @!p0 $0xB  }
0xee: {  	_ =	swait.ge @!p0 [sflag:s0], s1  }
0xef: {  	s1 =	ssub.s32 @!p0 $0x0, s1;
	[sflag:s0] =	ssyncset.done @!p0 $0x0  }
0xf0: {  	[sflag:s0] =	ssyncadd.s32 @!p0 s1  }
0xf1: {  	[bflag:$0x3] =	sbarrier.arrive $0xFFFF  }
0xf2: {  	_ =	shalt  }

// kernel: kernel.19.cloned.1.call-start
scs
__scs_entry_jumppad:
0x0: {  	(pc) =	sbr.rel $0x88, $3  }
0x1: {  	(tag) =	ssettag $0x0;
	lr =	simm.s32 $0x1  }
0x2: {  	[smem:$0x3F92] =	sst lr;
	_ =	strace $0xD0000000  }
0x3: {  	_ = 	snop  }
0x4: {  	_ = 	snop  }
0x5: {  	_ = 	snop  }
0x6: {  	_ = 	snop  }
0x7: {  	_ = 	snop  }
__scs_overlays_trampoline_lowered:
0x8: {  	[smem:$0x3FA1] =	sst s0  }
0x9: {  	[smem:$0x3FA2] =	sst s1  }
0xa: {  	[smem:$0x3FA3] =	sst s2  }
0xb: {  	[smem:$0x3FA4] =	sst s3  }
0xc: {  	[smem:$0x3FA5] =	sst s4  }
0xd: {  	[smem:$0x3FA6] =	sst s5  }
0xe: {  	[smem:$0x3FA7] =	sst s6  }
0xf: {  	[smem:$0x3FA8] =	sst s7  }
0x10: {  	[smem:$0x3FA9] =	sst s8  }
0x11: {  	[smem:$0x3FAA] =	sst s9;
	s0 =	simm.s32 @!p0 $0x0  }
0x12: {  	s1 =	sld [smem:$0x3F90];
	s0 =	simm.s32 @p0 $0x1  }
0x13: {  	[smem:$0x3FAB] =	sst s0;
	s0 =	simm.s32 @!p1 $0x0  }
0x14: {  	s2 =	sld [smem:$0x3F8F];
	s0 =	simm.s32 @p1 $0x1  }
0x15: {  	[smem:$0x3FAC] =	sst s0;
	s0 =	simm.s32 @!p2 $0x0  }
0x16: {  	s3 =	sld [smem:$0x3FDB];
	s0 =	simm.s32 @p2 $0x1  }
0x17: {  	s4 =	simm.s32 $0x1BF5;
	[smem:$0x3FAE] =	sst s0  }
0x18: {  	s0 =	sld [smem:$0x3F91];
	_ =	swait.ge [sflag:s4], $0x0  }
0x19: {  	s7 =	sld [smem:$0x3F92]  }
0x1a: {  	s8 =	sadd.s32 $0xFFFFE003, lr  }
0x1b: {  	s9 =	sadd.s32 $0xFFFFFEF7, lr;
	s5 =	simm.s32 $0xFFFFFFFF;
	p2 =	slt.u32 s8, $0xFFFFF086  }
0x1c: {  	p1 =	slt.u32 s9, $0xF7A;
	s5 =	simm.s32 @!p2 $0x0  }
0x1d: {  	s5 =	simm.s32 @p1 $0x1;
	p0 =	seq.s32 s7, s2  }
0x1e: {  	s7 =	smul.u32 @!p0 $0xF7A, s2;
	p2 =	seq.s32 @!p0 s5, $0x0  }
0x1f: {  	s9 =	smul.u32 $0xF7A, s1;
	s8 =	simm.s32 @!p0 $0x1BF5;
	p2 =	por !p2, p0  }
0x20: {  	[sflag:s8] =	ssyncset.s32 @!p0 $0xFFFFF086;
	s6 =	sadd.s32 @!p0 s3, s7;
	s7 =	simm.s32 @!p0 $0x108  }
0x21: {  	s3 =	sadd.s32 s3, s9;
	s6 =	sadd.s32 @!p0 $0x88, s6;
	s7 =	simm.s32 @p2 $0x1082  }
0x22: {  	[simem:s7], [sflag:s8] =	dma.local @!p0 [hbm:s6], $0xF7A  }
0x23: {  	s9 =	sor.u32 $0xD0000000, s2;
	s6 =	simm.s32 $0x108;
	_ =	swait.ge @!p0 [sflag:s8], $0x0  }
0x24: {  	s3 =	sadd.s32 $0x88, s3;
	s6 =	simm.s32 @!p1 $0x1082;
	[sflag:s4] =	ssyncset.s32 $0xFFFFF086  }
0x25: {  	[simem:s6], [sflag:s4] =	dma.local [hbm:s3], $0xF7A  }
0x26: {  	[smem:$0x3F92] =	sst s1;
	(tag) =	ssettag s2;
	_ =	strace s9  }
0x27: {  	s1 =	sld [smem:$0x3FA2]  }
0x28: {  	s2 =	sld [smem:$0x3FA3]  }
0x29: {  	s4 =	sld [smem:$0x3FA5]  }
0x2a: {  	p0 =	seq.s32 s5, $0x0;
	s5 =	sld [smem:$0x3FA6]  }
0x2b: {  	s6 =	sld [smem:$0x3FA7]  }
0x2c: {  	s7 =	sld [smem:$0x3FA8]  }
0x2d: {  	s3 =	simm.s32 $0x108;
	s8 =	sld [smem:$0x3FA9]  }
0x2e: {  	s3 =	simm.s32 @!p0 $0x1082;
	s9 =	sld [smem:$0x3FAA]  }
0x2f: {  	lr =	sadd.s32 s0, s3;
	s0 =	sld [smem:$0x3FA1]  }
0x30: {  	s3 =	sld [smem:$0x3FA4]  }
0x31: {  	[smem:$0x3FAD] =	sst s10  }
0x32: {  	s10 =	sld [smem:$0x3FAB];
	_ =	sdelay $0x3  }
0x33: {  	p0 =	seq.s32 s10, $0x1;
	s10 =	sld [smem:$0x3FAD];
	_ =	sdelay $0x3  }
0x34: {  	[smem:$0x3FAD] =	sst s10  }
0x35: {  	s10 =	sld [smem:$0x3FAC];
	_ =	sdelay $0x3  }
0x36: {  	p1 =	seq.s32 s10, $0x1;
	s10 =	sld [smem:$0x3FAD];
	_ =	sdelay $0x3  }
0x37: {  	[smem:$0x3FAD] =	sst s10  }
0x38: {  	s10 =	sld [smem:$0x3FAE]  }
0x39: {  	_ = 	snop;
	(pc) =	sbr.ind lr, $3  }
0x3a: {  	_ = 	snop  }
0x3b: {  	_ = 	snop  }
0x3c: {  	p2 =	seq.s32 s10, $0x1;
	s10 =	sld [smem:$0x3FAD]  }
0x3d: {  	_ =	shalt  }
0x3e: {  	_ =	shalt  }
0x3f: {  	_ =	shalt  }
0x40: {  	_ =	shalt  }
0x41: {  	_ =	shalt  }
0x42: {  	_ =	shalt  }
0x43: {  	_ =	shalt  }
0x44: {  	_ =	shalt  }
0x45: {  	_ =	shalt  }
0x46: {  	_ =	shalt  }
0x47: {  	_ =	shalt  }
0x48: {  	_ =	shalt  }
0x49: {  	_ =	shalt  }
0x4a: {  	_ =	shalt  }
0x4b: {  	_ =	shalt  }
0x4c: {  	_ =	shalt  }
0x4d: {  	_ =	shalt  }
0x4e: {  	_ =	shalt  }
0x4f: {  	_ =	shalt  }
0x50: {  	_ =	shalt  }
0x51: {  	_ =	shalt  }
0x52: {  	_ =	shalt  }
0x53: {  	_ =	shalt  }
0x54: {  	_ =	shalt  }
0x55: {  	_ =	shalt  }
0x56: {  	_ =	shalt  }
0x57: {  	_ =	shalt  }
0x58: {  	_ =	shalt  }
0x59: {  	_ =	shalt  }
0x5a: {  	_ =	shalt  }
0x5b: {  	_ =	shalt  }
0x5c: {  	_ =	shalt  }
0x5d: {  	_ =	shalt  }
0x5e: {  	_ =	shalt  }
0x5f: {  	_ =	shalt  }
0x60: {  	_ =	shalt  }
0x61: {  	_ =	shalt  }
0x62: {  	_ =	shalt  }
0x63: {  	_ =	shalt  }
0x64: {  	_ =	shalt  }
0x65: {  	_ =	shalt  }
0x66: {  	_ =	shalt  }
0x67: {  	_ =	shalt  }
0x68: {  	_ =	shalt  }
0x69: {  	_ =	shalt  }
0x6a: {  	_ =	shalt  }
0x6b: {  	_ =	shalt  }
0x6c: {  	_ =	shalt  }
0x6d: {  	_ =	shalt  }
0x6e: {  	_ =	shalt  }
0x6f: {  	_ =	shalt  }
0x70: {  	_ =	shalt  }
0x71: {  	_ =	shalt  }
0x72: {  	_ =	shalt  }
0x73: {  	_ =	shalt  }
0x74: {  	_ =	shalt  }
0x75: {  	_ =	shalt  }
0x76: {  	_ =	shalt  }
0x77: {  	_ =	shalt  }
0x78: {  	_ =	shalt  }
0x79: {  	_ =	shalt  }
0x7a: {  	_ =	shalt  }
0x7b: {  	_ =	shalt  }
0x7c: {  	_ =	shalt  }
0x7d: {  	_ =	shalt  }
0x7e: {  	_ =	shalt  }
0x7f: {  	_ =	shalt  }
0x80: {  	_ =	shalt  }
0x81: {  	_ =	shalt  }
0x82: {  	_ =	shalt  }
0x83: {  	_ =	shalt  }
0x84: {  	_ =	shalt  }
0x85: {  	_ =	shalt  }
0x86: {  	_ =	shalt  }
0x87: {  	_ =	shalt  }
.Lfunc_end0:
.L_simem_size_0:
called_computation.2_lowered:
.L_overlay_start_0:
0x88: {  	s2 =	sld [smem:$0x3FD9]  }
0x89: {  	s3 =	sld [smem:$0x3FFE];
	_ =	sdelay $0x1  }
0x8a: {  	s1 =	srdreg.scid  }
0x8b: {  	s0 =	sand.u32 $0x1, s1  }
0x8c: {  	s16 =	sshll.u32 s0, $0xA;
	s2 =	sadd.s32 s3, s2  }
0x8d: {  	s2 =	sadd.s32 s2, s16  }
0x8e: {  	[smem:$0x3FB9] =	sst s2  }
0x8f: {  	_ = 	snop  }
0x90: {  	(tm) =	ssettm $0x1  }
0x91: {  	s17 =	sld [smem:$0x3FFB];
	_ =	sdelay $0x3  }
0x92: {  	_ =	strace s17  }
0x93: {  	s2 =	sld [smem:$0x3FFC];
	_ =	sdelay $0x3  }
0x94: {  	_ =	strace s2  }
0x95: {  	s2 =	sld [smem:$0x3FFD];
	_ =	sdelay $0x3  }
0x96: {  	_ =	strace s2  }
0x97: {  	_ =	strace $0x8FFFFFFF  }
0x98: {  	s18 =	sld [smem:$0x3FDB];
	_ =	sdelay $0x1  }
0x99: {  	s19 =	simm.s32 $_scs_section_size  }
0x9a: {  	s4 =	simm.s32 $_size__tile_overlayer_lowered;
	s5 =	simm.s32 $_tile_overlayer_lowered  }
0x9b: {  	s22 =	simm.s32 $0x1BFF;
	s21 =	sshll.u32 s5, $0x1;
	s2 =	sadd.s32 s19, s18  }
0x9c: {  	s6 =	simm.s32 $0x0;
	s20 =	sshll.u32 s4, $0x1;
	s4 =	sadd.s32 s21, s2  }
0x9d: {  	[timem:s6], [sflag:s22] =	dma.local [hbm:s4], s20  }
0x9e: {  	_ =	swait.ge [sflag:s22], s20  }
0x9f: {  	s3 =	ssub.s32 $0x0, s20;
	[sflag:s22] =	ssyncset.done $0x0  }
0xa0: {  	[sflag:s22] =	ssyncadd.s32 s3;
	_ =	sdelay $0x1  }
0xa1: {  	s23 =	simm.s32 $0x1B8B  }
0xa2: {  	_ =	swait.ge [sflag:s23], $0x1  }
0xa3: {  	[sflag:s23] =	ssyncset.done $0x0  }
0xa4: {  	s25 =	simm.s32 $0x1B8E;
	s24 =	sld [smem:$0x3FFE];
	[sflag:s23] =	ssyncadd.s32 $0xFFFFFFFF  }
0xa5: {  	s26 =	simm.s32 $execute0_lowered;
	[smem:$0x3FD2] =	sst s25  }
0xa6: {  	s4 =	sshll.u32 s26, $0x1;
	_ =	strace $0x8000004C;
	[dreg:$0x1] =	wrdreg $0xFFFFFFFF  }
0xa7: {  	s28 =	simm.s32 $_size_execute0_lowered;
	s2 =	sadd.s32 s2, s4;
	[dreg:$0x0] =	wrdreg $0x0  }
0xa8: {  	s4 =	sshll.u32 s28, $0x1;
	[dreg:$0x2] =	wrdreg s2  }
0xa9: {  	[dreg:$0x3] =	wrdreg s4  }
0xaa: {  	[dreg:$0x4] =	wrdreg $0xC0  }
0xab: {  	_ =	task [dreg:s6], $0x5FFFF  }
0xac: {  	[dreg:$0x1] =	wrdreg $0xFFFFFFFF  }
0xad: {  	[dreg:$0x0] =	wrdreg $0x60  }
0xae: {  	[dreg:$0x2] =	wrdreg s24  }
0xaf: {  	[dreg:$0x3] =	wrdreg $0x84000  }
0xb0: {  	[dreg:$0x4] =	wrdreg $0x9  }
0xb1: {  	_ =	task.clear_ibuf [dreg:s6], $0x5FFFF;
	_ =	strace $0x9000004C  }
0xb2: {  	s29 =	simm.s32 $0x9;
	_ =	strace $0x8000004E  }
0xb3: {  	_ =	swait.ge [sflag:s29], $0x1  }
0xb4: {  	[sflag:s29] =	ssyncadd.s32 $0xFFFFFFFF  }
0xb5: {  	_ =	strace $0x9000004E  }
0xb6: {  	_ =	sfence  }
0xb7: {  	s30 =	sld [smem:$0x0];
	_ =	sdelay $0x2  }
0xb8: {  	s31 =	sshll.u32 s1, $0xD;
	s1 =	sshrl.u32 s1, $0x2  }
0xb9: {  	s3 =	sand.u32 $0x4000, s31;
	s1 =	sadd.s32 s1, s30  }
0xba: {  	s0 =	sor.u32 s3, s0;
	s1 =	sshll.u32 s1, $0x11  }
0xbb: {  	s0 =	sor.u32 s1, s0  }
0xbc: {  	s0 =	sadd.s32 $0x8F2B, s0  }
0xbd: {  	[sflag:s0] =	ssyncadd.remote.s32 $0x1  }
0xbe: {  	_ =	sfence.sel $0xFFFF  }
0xbf: {  	[dreg:$0x0] =	wrdreg $0xFFFFFFFF;
	(pc) =	sbr.abs _section_cstart, $3  }
0xc0: {  	[dreg:$0x1] =	wrdreg $0xFFFFFFFF  }
0xc1: {  	_ =	task.clear_ibuf [dreg:s6], $0x2FFFF;
	_ =	strace $0x9FFFFFFF  }
0xc2: {  	(tm) =	ssettm $0x7FFFFFFF  }
0xc3: {  	_ =	shalt  }
tec
execute0_lowered:
.L_overlay_start_1:
0x0: {  	(tag) =	ssettag $0x1  }
0x1: {  	s0 =	rddreg [dreg:$0x0];
	s1 =	simm.s32 $0x0;
	s2 =	srdreg.scid  }
0x2: {  	s16 =	stileid.u32;
	s28 =	simm.s32 $0x8;
	[smem:$0x7FF] =	sst s1  }
0x3: {  	s3 =	sadd.s32 $0x73E00, s0;
	s4 =	sand.u32 $0x1, s2;
	s6 =	smul.u32 $0x280, s16  }
0x4: {  	s17 =	sshll.u32 s16, $0x1;
	s7 =	sadd.s32 $0x69E00, s0;
	s21 =	smul.u32 $0x14000, s16  }
0x5: {  	s10 =	sadd.s32 $0xA5E00, s0;
	s24 =	smul.u32 $0x5000, s16;
	s5 =	ssub.s32 $0x2, s4  }
0x6: {  	s2 =	sor.u32 s4, s17;
	p0 =	seq.s32 s4, $0x1;
	s4 =	smul.u32 $0x2800, s4  }
0x7: {  	s15 =	sadd.s32 $0xCDE00, s0;
	s8 =	sshrl.u32 s5, $0x1;
	s9 =	smul.u32 $0x2800, s2  }
0x8: {  	s11 =	sadd.s32 $0x180, s6;
	s23 =	sshrl.u32 s21, $0x3;
	s2 =	ssub.s32 s5, s8  }
0x9: {  	s5 =	sadd.s32 $0x80, s6;
	s8 =	sadd.s32 $0x100, s6;
	s6 =	sadd.s32 $0x200, s6  }
0xa: {  	s17 =	sshll.u32 s11, $0x4;
	s4 =	sadd.s32 s4, s24;
	s9 =	sshrl.u32 s9, $0x3  }
0xb: {  	s25 =	sshll.u32 s5, $0x4;
	s26 =	sshll.u32 s8, $0x4;
	s12 =	sadd.s32 s3, s9  }
0xc: {  	s18 =	sor.u32 $0x10, s9;
	s13 =	sadd.s32 s7, s9;
	[dreg:$0x3] =	wrdreg s12  }
0xd: {  	s24 =	sor.u32 $0x200, s4;
	[dreg:$0x4] =	wrdreg s13;
	s19 =	sadd.s32 s3, s18  }
0xe: {  	s20 =	sor.u32 $0x20, s9;
	s12 =	sadd.s32 s7, s18;
	[dreg:$0x5] =	wrdreg s19  }
0xf: {  	s9 =	sor.u32 $0x30, s9;
	s14 =	sadd.s32 s3, s20;
	[dreg:$0x6] =	wrdreg s12  }
0x10: {  	s22 =	sadd.s32 s3, s9;
	s9 =	sadd.s32 s7, s9;
	[dreg:$0x7] =	wrdreg s14  }
0x11: {  	s18 =	sshll.u32 s6, $0x4;
	s13 =	sadd.s32 $0xFE00, s0;
	[dreg:$0x9] =	wrdreg s22  }
0x12: {  	s12 =	sadd.s32 s7, s20;
	[dreg:$0xa] =	wrdreg s9;
	s9 =	smul.u32 $0x2800, s16  }
0x13: {  	s19 =	sor.u32 $0x300, s4;
	s22 =	sor.u32 $0x280, s4;
	s4 =	sor.u32 $0x380, s4  }
0x14: {  	[dreg:$0x8] =	wrdreg s12;
	s12 =	sadd.s32 $0x28000, s23;
	s20 =	sshrl.u32 s19, $0x3  }
0x15: {  	s23 =	sshrl.u32 s22, $0x3;
	s4 =	sshrl.u32 s4, $0x3;
	s9 =	smov.u32 @p0 s12  }
0x16: {  	s22 =	rddreg [dreg:$0x1];
	s21 =	sadd.s32 s20, s7;
	s9 =	sadd.s32 s10, s9  }
0x17: {  	s10 =	smov.u32 @p0 s15;
	[dreg:$0x10] =	wrdreg s21;
	s15 =	sshll.u32 s8, $0x7  }
0x18: {  	s8 =	simm.s32 $0x380;
	[dreg:$0xb] =	wrdreg s9;
	s14 =	sadd.s32 s25, s10  }
0x19: {  	s12 =	sadd.s32 s26, s10;
	s9 =	sadd.s32 s17, s10;
	s10 =	sadd.s32 s18, s10  }
0x1a: {  	s25 =	sadd.s32 s23, s7;
	s18 =	sadd.s32 s23, s3;
	[dreg:$0xc] =	wrdreg s14  }
0x1b: {  	s26 =	sshrl.u32 s24, $0x3;
	s24 =	sadd.s32 s4, s3;
	[dreg:$0xd] =	wrdreg s12  }
0x1c: {  	s29 =	sadd.s32 s15, s22;
	s17 =	sshll.u32 s6, $0x7;
	[dreg:$0xe] =	wrdreg s9  }
0x1d: {  	s6 =	simm.s32 $0x300;
	[dreg:$0xf] =	wrdreg s10;
	s9 =	sadd.s32 s20, s3  }
0x1e: {  	[dreg:$0x12] =	wrdreg s25;
	s19 =	sadd.s32 s26, s7;
	s20 =	sadd.s32 s26, s3  }
0x1f: {  	s10 =	smul.u32 $0x50000, s16;
	s7 =	sadd.s32 s4, s7;
	s26 =	sadd.s32 $0x7DE00, s0  }
0x20: {  	s14 =	sshll.u32 s5, $0x7;
	s16 =	sshll.u32 s11, $0x7;
	s31 =	sadd.s32 s17, s22  }
0x21: {  	s25 =	smax.u32 s2, $0x1;
	s2 =	simm.s32 $0x400;
	s3 =	simm.s32 $0xB  }
0x22: {  	s4 =	simm.s32 $0x80;
	s5 =	simm.s32 $0x100;
	[dreg:$0x11] =	wrdreg s9  }
0x23: {  	s11 =	simm.s32 $0x4400;
	s0 =	simm.s32 $0x7;
	[dreg:$0x13] =	wrdreg s7  }
0x24: {  	s23 =	sadd.s32 s14, s22;
	_ =	strace $0x8000004D;
	[dreg:$0x14] =	wrdreg s13  }
0x25: {  	s30 =	sadd.s32 s16, s22;
	s7 =	simm.s32 $0x180;
	[dreg:$0x1a] =	wrdreg s25  }
.Ltmp0:
0x26: {  	s9 =	simm.s32 $0x1;
	[dreg:$0x16] =	wrdreg s23;
	(pc) =	sbr.rel .LBB2_1-.Ltmp0, $4  }
0x27: {  	s14 =	simm.s32 $0xA;
	s16 =	simm.s32 $0x0;
	[dreg:$0x17] =	wrdreg s29  }
0x28: {  	s12 =	sshrl.u32 s10, $0x2;
	s10 =	simm.s32 $0x2;
	[dreg:$0x18] =	wrdreg s30  }
0x29: {  	s13 =	simm.s32 $0x3;
	[dreg:$0x19] =	wrdreg s31;
	s21 =	sadd.s32 s12, s22  }
0x2a: {  	s25 =	simm.s32 $0x4;
	s12 =	simm.s32 $0x9;
	[dreg:$0x15] =	wrdreg s21  }
.LBB2_4:
0x2b: {  	_ =	swait.ge [sflag:s0], $0x80  }
0x2c: {  	[sflag:s0] =	ssyncset.done $0x0  }
0x2d: {  	[sflag:s0] =	ssyncadd.s32 $0xFFFFFF80  }
0x2e: {  	[spmem:s22] =	stream.indirect.scatter.add.f32 [tilespmem:s2], [sflag:$0xB], $0x80, s6, s4, $0xb8;
	[tilespmem:$0x1C400] =	vst v63  }
0x2f: {  	_ =	swait.ge [sflag:s3], $0x4000  }
0x30: {  	[sflag:s3] =	ssyncset.done $0x0  }
0x31: {  	[sflag:s3] =	ssyncadd.s32 $0xFFFFC000  }
0x32: {  	_ =	swait.ge [sflag:s14], $0x4000  }
0x33: {  	[sflag:s14] =	ssyncset.done $0x0  }
0x34: {  	[sflag:s14] =	ssyncadd.s32 $0xFFFFC000  }
0x35: {  	_ =	swait.ge [sflag:s28], $0x80  }
0x36: {  	[sflag:s28] =	ssyncset.done $0x0  }
0x37: {  	[sflag:s28] =	ssyncadd.s32 $0xFFFFFF80  }
0x38: {  	[spmem:s22] =	stream.indirect.scatter.add.f32 [tilespmem:s11], [sflag:$0xB], $0x80, s8, s4, $0xb8;
	[tilespmem:$0x1C400] =	vst v63  }
0x39: {  	_ =	swait.ge [sflag:s3], $0x4000  }
0x3a: {  	[sflag:s3] =	ssyncset.done $0x0  }
0x3b: {  	[sflag:s3] =	ssyncadd.s32 $0xFFFFC000  }
0x3c: {  	s15 =	stileid.u32;
	[bflag:$0x0] =	sbarrier.arrive $0xFFFF  }
0x3d: {  	s15 =	sshll.u32 s15, $0x6;
	s21 =	rddreg [dreg:$0x15]  }
0x3e: {  	s15 =	sor.u32 $0x1C0B, s15;
	s17 =	rddreg [dreg:$0xb];
	s16 =	sshrl.u32 s21, $0x3  }
0x3f: {  	[hbm:s17], [sflag:s15] =	dma.local [spmem:s16], $0x800  }
0x40: {  	_ =	swait.ge [sflag:s3], $0x800  }
0x41: {  	[sflag:s3] =	ssyncset.done $0x0;
	s23 =	rddreg [dreg:$0x16]  }
0x42: {  	s17 =	rddreg [dreg:$0xc];
	[sflag:s3] =	ssyncadd.s32 $0xFFFFF800;
	s16 =	sshrl.u32 s23, $0x3  }
0x43: {  	[hbm:s17], [sflag:s15] =	dma.local [spmem:s16], $0x800  }
0x44: {  	_ =	swait.ge [sflag:s3], $0x800  }
0x45: {  	[sflag:s3] =	ssyncset.done $0x0;
	s29 =	rddreg [dreg:$0x17]  }
0x46: {  	s17 =	rddreg [dreg:$0xd];
	[sflag:s3] =	ssyncadd.s32 $0xFFFFF800;
	s16 =	sshrl.u32 s29, $0x3  }
0x47: {  	[hbm:s17], [sflag:s15] =	dma.local [spmem:s16], $0x800  }
0x48: {  	_ =	swait.ge [sflag:s3], $0x800  }
0x49: {  	[sflag:s3] =	ssyncset.done $0x0;
	s30 =	rddreg [dreg:$0x18]  }
0x4a: {  	s17 =	rddreg [dreg:$0xe];
	[sflag:s3] =	ssyncadd.s32 $0xFFFFF800;
	s16 =	sshrl.u32 s30, $0x3  }
0x4b: {  	[hbm:s17], [sflag:s15] =	dma.local [spmem:s16], $0x800  }
0x4c: {  	_ =	swait.ge [sflag:s3], $0x800  }
0x4d: {  	[sflag:s3] =	ssyncset.done $0x0;
	s31 =	rddreg [dreg:$0x19]  }
0x4e: {  	s17 =	rddreg [dreg:$0xf];
	[sflag:s3] =	ssyncadd.s32 $0xFFFFF800;
	s16 =	sshrl.u32 s31, $0x3  }
0x4f: {  	[hbm:s17], [sflag:s15] =	dma.local [spmem:s16], $0x800  }
0x50: {  	_ =	swait.ge [sflag:s3], $0x800  }
0x51: {  	s15 =	rddreg [dreg:$0x1b]  }
0x52: {  	s17 =	rddreg [dreg:$0x1a];
	s16 =	sadd.s32 $0x1, s15  }
0x53: {  	p0 =	sne.s32 s16, s17  }
.Ltmp1:
0x54: {  	_ = 	snop;
	(pc) =	sbr.rel @!p0 .LBB2_5-.Ltmp1, $3  }
0x55: {  	_ =	sdelay $0x1  }
0x56: {  	[sflag:s3] =	ssyncset.done $0x0  }
0x57: {  	[sflag:s3] =	ssyncadd.s32 $0xFFFFF800  }
.LBB2_1:
0x58: {  	[dreg:$0x1b] =	wrdreg s16  }
0x59: {  	s15 =	rddreg [dreg:$0x14]  }
0x5a: {  	[tilespmem:s2], [sflag:$0xB] =	stream.linear.gather [hbm4b:s15+s1], $0x4000, $0x38;
	[tilespmem:$0x1C400] =	vst v63  }
0x5b: {  	_ =	swait.ge [sflag:s3], $0x4000  }
0x5c: {  	[sflag:s3] =	ssyncset.done $0x0  }
0x5d: {  	[sflag:s3] =	ssyncadd.s32 $0xFFFFC000  }
0x5e: {  	[spmem:s21] =	stream.linear.scatter [tilespmem:s2], [sflag:$0xB], $0x4000, $0x38;
	[tilespmem:$0x1C400] =	vst v63  }
0x5f: {  	_ =	swait.ge [sflag:s3], $0x4000  }
0x60: {  	[sflag:s3] =	ssyncset.done $0x0  }
0x61: {  	[sflag:s3] =	ssyncadd.s32 $0xFFFFC000  }
0x62: {  	[spmem:s23] =	stream.linear.scatter [tilespmem:s2], [sflag:$0xB], $0x4000, $0x38;
	[tilespmem:$0x1C400] =	vst v63  }
0x63: {  	_ =	swait.ge [sflag:s3], $0x4000  }
0x64: {  	[sflag:s3] =	ssyncset.done $0x0  }
0x65: {  	[sflag:s3] =	ssyncadd.s32 $0xFFFFC000  }
0x66: {  	[spmem:s29] =	stream.linear.scatter [tilespmem:s2], [sflag:$0xB], $0x4000, $0x38;
	[tilespmem:$0x1C400] =	vst v63  }
0x67: {  	_ =	swait.ge [sflag:s3], $0x4000  }
0x68: {  	[sflag:s3] =	ssyncset.done $0x0  }
0x69: {  	[sflag:s3] =	ssyncadd.s32 $0xFFFFC000  }
0x6a: {  	[spmem:s30] =	stream.linear.scatter [tilespmem:s2], [sflag:$0xB], $0x4000, $0x38;
	[tilespmem:$0x1C400] =	vst v63  }
0x6b: {  	_ =	swait.ge [sflag:s3], $0x4000  }
0x6c: {  	[sflag:s3] =	ssyncset.done $0x0  }
0x6d: {  	[sflag:s3] =	ssyncadd.s32 $0xFFFFC000  }
0x6e: {  	[spmem:s31] =	stream.linear.scatter [tilespmem:s2], [sflag:$0xB], $0x4000, $0x38;
	[tilespmem:$0x1C400] =	vst v63  }
0x6f: {  	_ =	swait.ge [sflag:s3], $0x4000  }
0x70: {  	[sflag:s3] =	ssyncset.done $0x0  }
0x71: {  	[sflag:s3] =	ssyncadd.s32 $0xFFFFC000  }
0x72: {  	[bflag:$0x0] =	sbarrier.arrive $0xFFFF  }
0x73: {  	s21 =	rddreg [dreg:$0x3]  }
0x74: {  	[tilespmem:s1], [sflag:$0x1] =	stream.linear.gather [hbm4b:s21+s1], $0x80, $0x38;
	[tilespmem:$0x1C400] =	vst v63  }
0x75: {  	s29 =	simm.s32 $0x200;
	s23 =	rddreg [dreg:$0x4]  }
0x76: {  	[tilespmem:s29], [sflag:$0x5] =	stream.linear.gather [hbm4b:s23+s1], $0x80, $0x38;
	[tilespmem:$0x1C400] =	vst v63  }
0x77: {  	s31 =	rddreg [dreg:$0x5]  }
0x78: {  	[tilespmem:s4], [sflag:$0x2] =	stream.linear.gather [hbm4b:s31+s1], $0x80, $0x38;
	[tilespmem:$0x1C400] =	vst v63  }
0x79: {  	s17 =	simm.s32 $0x280;
	s16 =	rddreg [dreg:$0x6]  }
0x7a: {  	[tilespmem:s17], [sflag:$0x6] =	stream.linear.gather [hbm4b:s16+s1], $0x80, $0x38;
	[tilespmem:$0x1C400] =	vst v63  }
0x7b: {  	s21 =	rddreg [dreg:$0x7]  }
0x7c: {  	[tilespmem:s5], [sflag:$0x3] =	stream.linear.gather [hbm4b:s21+s1], $0x80, $0x38;
	[tilespmem:$0x1C400] =	vst v63  }
0x7d: {  	s23 =	rddreg [dreg:$0x8]  }
0x7e: {  	[tilespmem:s6], [sflag:$0x7] =	stream.linear.gather [hbm4b:s23+s1], $0x80, $0x38;
	[tilespmem:$0x1C400] =	vst v63  }
0x7f: {  	s29 =	rddreg [dreg:$0x9]  }
0x80: {  	[tilespmem:s7], [sflag:$0x4] =	stream.linear.gather [hbm4b:s29+s1], $0x80, $0x38;
	[tilespmem:$0x1C400] =	vst v63  }
0x81: {  	s31 =	rddreg [dreg:$0xa]  }
0x82: {  	[tilespmem:s8], [sflag:$0x8] =	stream.linear.gather [hbm4b:s31+s1], $0x80, $0x38;
	[tilespmem:$0x1C400] =	vst v63  }
0x83: {  	_ =	swait.ge [sflag:s9], $0x80  }
0x84: {  	[sflag:s9] =	ssyncset.done $0x0  }
0x85: {  	[sflag:s9] =	ssyncadd.s32 $0xFFFFFF80  }
0x86: {  	[tilespmem:s2], [sflag:$0x9] =	stream.indirect.gather [hbm4b:s26+s4], $0x80, s1, s4, $0xb8;
	[tilespmem:$0x1C400] =	vst v63  }
0x87: {  	_ =	swait.ge [sflag:s10], $0x80  }
0x88: {  	[sflag:s10] =	ssyncset.done $0x0  }
0x89: {  	s30 =	simm.s32 $0x0;
	[sflag:s10] =	ssyncadd.s32 $0xFFFFFF80  }
0x8a: {  	[tilespmem:s11], [sflag:$0xA] =	stream.indirect.gather [hbm4b:s26+s4], $0x80, s4, s4, $0xb8;
	[tilespmem:$0x1C400] =	vst v63  }
.LBB2_2:
0x8b: {  	_ =	swait.ge [sflag:s12], $0x4000  }
0x8c: {  	p0 =	seq.s32 s30, $0x4C0;
	[sflag:s12] =	ssyncset.done $0x0  }
0x8d: {  	s31 =	simm.s32 @p0 $0x5;
	[sflag:s12] =	ssyncadd.s32 $0xFFFFC000  }
0x8e: {  	_ =	swait.ge @p0 [sflag:s31], $0x80  }
0x8f: {  	s21 =	simm.s32 @p0 $0x200;
	[sflag:s31] =	ssyncset.done @p0 $0x0  }
0x90: {  	s29 =	simm.s32 @p0 $0x400;
	[sflag:s31] =	ssyncadd.s32 @p0 $0xFFFFFF80;
	s31 =	simm.s32 @p0 $0x80  }
0x91: {  	[spmem:s22] =	stream.indirect.scatter.add.f32 @p0 [tilespmem:s29], [sflag:$0xB], $0x80, s21, s31, $0xb8;
	[tilespmem:$0x1C400] =	vst v63  }
0x92: {  	s21 =	simm.s32 @p0 $0xB  }
0x93: {  	_ =	swait.ge @p0 [sflag:s21], $0x4000  }
0x94: {  	[sflag:s21] =	ssyncset.done @p0 $0x0  }
0x95: {  	s15 =	simm.s32 @!p0 $0x0;
	s29 =	sadd.s32 @!p0 s30, s20;
	[sflag:s21] =	ssyncadd.s32 @p0 $0xFFFFC000  }
0x96: {  	[tilespmem:s15], [sflag:$0x1] =	stream.linear.gather @!p0 [hbm4b:s29+s15], $0x80, $0x38;
	[tilespmem:$0x1C400] =	vst v63  }
0x97: {  	s29 =	simm.s32 @!p0 $0x5  }
0x98: {  	_ =	swait.ge @!p0 [sflag:s29], $0x80  }
0x99: {  	s16 =	simm.s32 @!p0 $0x200;
	[sflag:s29] =	ssyncset.done @!p0 $0x0  }
0x9a: {  	s17 =	simm.s32 @!p0 $0x400;
	[sflag:s29] =	ssyncadd.s32 @!p0 $0xFFFFFF80;
	s29 =	simm.s32 @!p0 $0x80  }
0x9b: {  	[spmem:s22] =	stream.indirect.scatter.add.f32 @!p0 [tilespmem:s17], [sflag:$0xB], $0x80, s16, s29, $0xb8;
	[tilespmem:$0x1C400] =	vst v63  }
0x9c: {  	s17 =	simm.s32 @!p0 $0xB  }
0x9d: {  	_ =	swait.ge @!p0 [sflag:s17], $0x4000  }
0x9e: {  	[sflag:s17] =	ssyncset.done @!p0 $0x0  }
0x9f: {  	s23 =	sadd.s32 @!p0 s30, s19;
	[sflag:s17] =	ssyncadd.s32 @!p0 $0xFFFFC000  }
0xa0: {  	[tilespmem:s16], [sflag:$0x5] =	stream.linear.gather @!p0 [hbm4b:s23+s15], $0x80, $0x38;
	[tilespmem:$0x1C400] =	vst v63  }
0xa1: {  	_ =	swait.ge [sflag:s13], $0x80  }
0xa2: {  	[sflag:s13] =	ssyncset.done $0x0  }
0xa3: {  	[sflag:s13] =	ssyncadd.s32 $0xFFFFFF80  }
0xa4: {  	[tilespmem:s2], [sflag:$0x9] =	stream.indirect.gather [hbm4b:s26+s4], $0x80, s5, s4, $0xb8;
	[tilespmem:$0x1C400] =	vst v63  }
0xa5: {  	_ =	swait.ge [sflag:s14], $0x4000  }
0xa6: {  	[sflag:s14] =	ssyncset.done $0x0  }
0xa7: {  	s16 =	simm.s32 @p0 $0x6;
	[sflag:s14] =	ssyncadd.s32 $0xFFFFC000  }
0xa8: {  	_ =	swait.ge @p0 [sflag:s16], $0x80  }
0xa9: {  	[sflag:s16] =	ssyncset.done @p0 $0x0  }
0xaa: {  	s23 =	simm.s32 @p0 $0x4400;
	[sflag:s16] =	ssyncadd.s32 @p0 $0xFFFFFF80;
	s16 =	simm.s32 @p0 $0x280  }
0xab: {  	[spmem:s22] =	stream.indirect.scatter.add.f32 @p0 [tilespmem:s23], [sflag:$0xB], $0x80, s16, s31, $0xb8;
	[tilespmem:$0x1C400] =	vst v63  }
0xac: {  	_ =	swait.ge @p0 [sflag:s21], $0x4000  }
0xad: {  	[sflag:s21] =	ssyncset.done @p0 $0x0  }
0xae: {  	s16 =	sadd.s32 @!p0 s30, s18;
	[sflag:s21] =	ssyncadd.s32 @p0 $0xFFFFC000  }
0xaf: {  	[tilespmem:s29], [sflag:$0x2] =	stream.linear.gather @!p0 [hbm4b:s16+s15], $0x80, $0x38;
	[tilespmem:$0x1C400] =	vst v63  }
0xb0: {  	s16 =	simm.s32 @!p0 $0x6  }
0xb1: {  	_ =	swait.ge @!p0 [sflag:s16], $0x80  }
0xb2: {  	[sflag:s16] =	ssyncset.done @!p0 $0x0  }
0xb3: {  	s21 =	simm.s32 @!p0 $0x4400;
	[sflag:s16] =	ssyncadd.s32 @!p0 $0xFFFFFF80;
	s16 =	simm.s32 @!p0 $0x280  }
0xb4: {  	[spmem:s22] =	stream.indirect.scatter.add.f32 @!p0 [tilespmem:s21], [sflag:$0xB], $0x80, s16, s29, $0xb8;
	[tilespmem:$0x1C400] =	vst v63  }
0xb5: {  	_ =	swait.ge @!p0 [sflag:s17], $0x4000  }
0xb6: {  	[sflag:s17] =	ssyncset.done @!p0 $0x0  }
0xb7: {  	[sflag:s17] =	ssyncadd.s32 @!p0 $0xFFFFC000;
	s17 =	rddreg [dreg:$0x12]  }
0xb8: {  	s17 =	sadd.s32 @!p0 s30, s17  }
0xb9: {  	[tilespmem:s16], [sflag:$0x6] =	stream.linear.gather @!p0 [hbm4b:s17+s15], $0x80, $0x38;
	[tilespmem:$0x1C400] =	vst v63  }
0xba: {  	_ =	swait.ge [sflag:s25], $0x80  }
0xbb: {  	[sflag:s25] =	ssyncset.done $0x0  }
.Ltmp2:
0xbc: {  	[sflag:s25] =	ssyncadd.s32 $0xFFFFFF80;
	(pc) =	sbr.rel @p0 .LBB2_4-.Ltmp2, $4  }
0xbd: {  	[tilespmem:s11], [sflag:$0xA] =	stream.indirect.gather [hbm4b:s26+s4], $0x80, s7, s4, $0xb8;
	[tilespmem:$0x1C400] =	vst v63  }
0xbe: {  	_ =	swait.ge [sflag:s12], $0x4000  }
0xbf: {  	[sflag:s12] =	ssyncset.done $0x0  }
0xc0: {  	[sflag:s12] =	ssyncadd.s32 $0xFFFFC000  }
0xc1: {  	s15 =	rddreg [dreg:$0x11]  }
0xc2: {  	s15 =	sadd.s32 s30, s15  }
0xc3: {  	[tilespmem:s5], [sflag:$0x3] =	stream.linear.gather [hbm4b:s15+s1], $0x80, $0x38;
	[tilespmem:$0x1C400] =	vst v63  }
0xc4: {  	_ =	swait.ge [sflag:s0], $0x80  }
0xc5: {  	[sflag:s0] =	ssyncset.done $0x0  }
0xc6: {  	[sflag:s0] =	ssyncadd.s32 $0xFFFFFF80  }
0xc7: {  	[spmem:s22] =	stream.indirect.scatter.add.f32 [tilespmem:s2], [sflag:$0xB], $0x80, s6, s4, $0xb8;
	[tilespmem:$0x1C400] =	vst v63  }
0xc8: {  	_ =	swait.ge [sflag:s3], $0x4000  }
0xc9: {  	[sflag:s3] =	ssyncset.done $0x0;
	s23 =	rddreg [dreg:$0x10]  }
0xca: {  	[sflag:s3] =	ssyncadd.s32 $0xFFFFC000;
	s15 =	sadd.s32 s30, s23  }
0xcb: {  	[tilespmem:s6], [sflag:$0x7] =	stream.linear.gather [hbm4b:s15+s1], $0x80, $0x38;
	[tilespmem:$0x1C400] =	vst v63  }
0xcc: {  	_ =	swait.ge [sflag:s9], $0x80  }
0xcd: {  	[sflag:s9] =	ssyncset.done $0x0  }
0xce: {  	[sflag:s9] =	ssyncadd.s32 $0xFFFFFF80  }
0xcf: {  	[tilespmem:s2], [sflag:$0x9] =	stream.indirect.gather [hbm4b:s26+s4], $0x80, s1, s4, $0xb8;
	[tilespmem:$0x1C400] =	vst v63  }
0xd0: {  	_ =	swait.ge [sflag:s14], $0x4000  }
0xd1: {  	[sflag:s14] =	ssyncset.done $0x0  }
0xd2: {  	s29 =	sadd.s32 s30, s24;
	[sflag:s14] =	ssyncadd.s32 $0xFFFFC000  }
0xd3: {  	[tilespmem:s7], [sflag:$0x4] =	stream.linear.gather [hbm4b:s29+s1], $0x80, $0x38;
	[tilespmem:$0x1C400] =	vst v63  }
0xd4: {  	_ =	swait.ge [sflag:s28], $0x80  }
0xd5: {  	[sflag:s28] =	ssyncset.done $0x0  }
0xd6: {  	[sflag:s28] =	ssyncadd.s32 $0xFFFFFF80  }
0xd7: {  	[spmem:s22] =	stream.indirect.scatter.add.f32 [tilespmem:s11], [sflag:$0xB], $0x80, s8, s4, $0xb8;
	[tilespmem:$0x1C400] =	vst v63  }
0xd8: {  	_ =	swait.ge [sflag:s3], $0x4000  }
0xd9: {  	[sflag:s3] =	ssyncset.done $0x0;
	s31 =	rddreg [dreg:$0x13]  }
0xda: {  	[sflag:s3] =	ssyncadd.s32 $0xFFFFC000;
	s15 =	sadd.s32 s30, s31  }
0xdb: {  	[tilespmem:s8], [sflag:$0x8] =	stream.linear.gather [hbm4b:s15+s1], $0x80, $0x38;
	[tilespmem:$0x1C400] =	vst v63  }
.Ltmp3:
0xdc: {  	_ = 	snop;
	(pc) =	sbr.rel .LBB2_2-.Ltmp3, $4  }
0xdd: {  	_ =	swait.ge [sflag:s10], $0x80  }
0xde: {  	[sflag:s10] =	ssyncset.done $0x0  }
0xdf: {  	s30 =	sadd.s32 $0x40, s30;
	[sflag:s10] =	ssyncadd.s32 $0xFFFFFF80  }
0xe0: {  	[tilespmem:s11], [sflag:$0xA] =	stream.indirect.gather [hbm4b:s26+s4], $0x80, s4, s4, $0xb8;
	[tilespmem:$0x1C400] =	vst v63  }
.LBB2_5:
0xe1: {  	_ =	sfence.sel $0x180000  }
0xe2: {  	[bflag:$0x0] =	sbarrier.arrive $0xFFFF  }
0xe3: {  	_ =	strace $0x9000004D  }
0xe4: {  	s0 =	stileid.u32;
	[bflag:$0x2] =	sbarrier.arrive $0xFFFF  }
0xe5: {  	p0 =	sne.s32 s0, $0x0;
	s0 =	rddreg [dreg:$0x2]  }
0xe6: {  	s0 =	sadd.s32 @!p0 $0x100000, s0  }
0xe7: {  	[sflag:s0] =	ssyncadd.tile.s32 @!p0 $0x1;
	_ =	shalt  }
.Lfunc_end2:
_tile_overlayer_lowered:
.L_overlay_start_2:
0xe8: {  	(tag) =	ssettag $0x2  }
0xe9: {  	s0 =	rddreg [dreg:$0x0];
	s2 =	stileid.u32  }
0xea: {  	s1 =	rddreg [dreg:$0x1];
	p0 =	sne.s32 s2, $0x0  }
0xeb: {  	s3 =	rddreg [dreg:$0x2];
	[bflag:$0x3] =	sbarrier.arrive $0xFFFF;
	s2 =	simm.s32 @!p0 $0x1C0B  }
0xec: {  	[timem:s3], [sflag:s2] =	dma.local @!p0 [hbm:s0], s1  }
0xed: {  	s0 =	simm.s32 @!p0 $0xB  }
0xee: {  	_ =	swait.ge @!p0 [sflag:s0], s1  }
0xef: {  	s1 =	ssub.s32 @!p0 $0x0, s1;
	[sflag:s0] =	ssyncset.done @!p0 $0x0  }
0xf0: {  	[sflag:s0] =	ssyncadd.s32 @!p0 s1  }
0xf1: {  	[bflag:$0x3] =	sbarrier.arrive $0xFFFF  }
0xf2: {  	_ =	shalt  }

// kernel: kernel.22.cloned.1.call-start
scs
__scs_entry_jumppad:
0x0: {  	(pc) =	sbr.rel $0x88, $3  }
0x1: {  	(tag) =	ssettag $0x0;
	lr =	simm.s32 $0x1  }
0x2: {  	[smem:$0x3F92] =	sst lr;
	_ =	strace $0xD0000000  }
0x3: {  	_ = 	snop  }
0x4: {  	_ = 	snop  }
0x5: {  	_ = 	snop  }
0x6: {  	_ = 	snop  }
0x7: {  	_ = 	snop  }
__scs_overlays_trampoline_lowered:
0x8: {  	[smem:$0x3FA1] =	sst s0  }
0x9: {  	[smem:$0x3FA2] =	sst s1  }
0xa: {  	[smem:$0x3FA3] =	sst s2  }
0xb: {  	[smem:$0x3FA4] =	sst s3  }
0xc: {  	[smem:$0x3FA5] =	sst s4  }
0xd: {  	[smem:$0x3FA6] =	sst s5  }
0xe: {  	[smem:$0x3FA7] =	sst s6  }
0xf: {  	[smem:$0x3FA8] =	sst s7  }
0x10: {  	[smem:$0x3FA9] =	sst s8  }
0x11: {  	[smem:$0x3FAA] =	sst s9;
	s0 =	simm.s32 @!p0 $0x0  }
0x12: {  	s1 =	sld [smem:$0x3F90];
	s0 =	simm.s32 @p0 $0x1  }
0x13: {  	[smem:$0x3FAB] =	sst s0;
	s0 =	simm.s32 @!p1 $0x0  }
0x14: {  	s2 =	sld [smem:$0x3F8F];
	s0 =	simm.s32 @p1 $0x1  }
0x15: {  	[smem:$0x3FAC] =	sst s0;
	s0 =	simm.s32 @!p2 $0x0  }
0x16: {  	s3 =	sld [smem:$0x3FDB];
	s0 =	simm.s32 @p2 $0x1  }
0x17: {  	s4 =	simm.s32 $0x1BF5;
	[smem:$0x3FAE] =	sst s0  }
0x18: {  	s0 =	sld [smem:$0x3F91];
	_ =	swait.ge [sflag:s4], $0x0  }
0x19: {  	s7 =	sld [smem:$0x3F92]  }
0x1a: {  	s8 =	sadd.s32 $0xFFFFE003, lr  }
0x1b: {  	s9 =	sadd.s32 $0xFFFFFEF7, lr;
	s5 =	simm.s32 $0xFFFFFFFF;
	p2 =	slt.u32 s8, $0xFFFFF086  }
0x1c: {  	p1 =	slt.u32 s9, $0xF7A;
	s5 =	simm.s32 @!p2 $0x0  }
0x1d: {  	s5 =	simm.s32 @p1 $0x1;
	p0 =	seq.s32 s7, s2  }
0x1e: {  	s7 =	smul.u32 @!p0 $0xF7A, s2;
	p2 =	seq.s32 @!p0 s5, $0x0  }
0x1f: {  	s9 =	smul.u32 $0xF7A, s1;
	s8 =	simm.s32 @!p0 $0x1BF5;
	p2 =	por !p2, p0  }
0x20: {  	[sflag:s8] =	ssyncset.s32 @!p0 $0xFFFFF086;
	s6 =	sadd.s32 @!p0 s3, s7;
	s7 =	simm.s32 @!p0 $0x108  }
0x21: {  	s3 =	sadd.s32 s3, s9;
	s6 =	sadd.s32 @!p0 $0x88, s6;
	s7 =	simm.s32 @p2 $0x1082  }
0x22: {  	[simem:s7], [sflag:s8] =	dma.local @!p0 [hbm:s6], $0xF7A  }
0x23: {  	s9 =	sor.u32 $0xD0000000, s2;
	s6 =	simm.s32 $0x108;
	_ =	swait.ge @!p0 [sflag:s8], $0x0  }
0x24: {  	s3 =	sadd.s32 $0x88, s3;
	s6 =	simm.s32 @!p1 $0x1082;
	[sflag:s4] =	ssyncset.s32 $0xFFFFF086  }
0x25: {  	[simem:s6], [sflag:s4] =	dma.local [hbm:s3], $0xF7A  }
0x26: {  	[smem:$0x3F92] =	sst s1;
	(tag) =	ssettag s2;
	_ =	strace s9  }
0x27: {  	s1 =	sld [smem:$0x3FA2]  }
0x28: {  	s2 =	sld [smem:$0x3FA3]  }
0x29: {  	s4 =	sld [smem:$0x3FA5]  }
0x2a: {  	p0 =	seq.s32 s5, $0x0;
	s5 =	sld [smem:$0x3FA6]  }
0x2b: {  	s6 =	sld [smem:$0x3FA7]  }
0x2c: {  	s7 =	sld [smem:$0x3FA8]  }
0x2d: {  	s3 =	simm.s32 $0x108;
	s8 =	sld [smem:$0x3FA9]  }
0x2e: {  	s3 =	simm.s32 @!p0 $0x1082;
	s9 =	sld [smem:$0x3FAA]  }
0x2f: {  	lr =	sadd.s32 s0, s3;
	s0 =	sld [smem:$0x3FA1]  }
0x30: {  	s3 =	sld [smem:$0x3FA4]  }
0x31: {  	[smem:$0x3FAD] =	sst s10  }
0x32: {  	s10 =	sld [smem:$0x3FAB];
	_ =	sdelay $0x3  }
0x33: {  	p0 =	seq.s32 s10, $0x1;
	s10 =	sld [smem:$0x3FAD];
	_ =	sdelay $0x3  }
0x34: {  	[smem:$0x3FAD] =	sst s10  }
0x35: {  	s10 =	sld [smem:$0x3FAC];
	_ =	sdelay $0x3  }
0x36: {  	p1 =	seq.s32 s10, $0x1;
	s10 =	sld [smem:$0x3FAD];
	_ =	sdelay $0x3  }
0x37: {  	[smem:$0x3FAD] =	sst s10  }
0x38: {  	s10 =	sld [smem:$0x3FAE]  }
0x39: {  	_ = 	snop;
	(pc) =	sbr.ind lr, $3  }
0x3a: {  	_ = 	snop  }
0x3b: {  	_ = 	snop  }
0x3c: {  	p2 =	seq.s32 s10, $0x1;
	s10 =	sld [smem:$0x3FAD]  }
0x3d: {  	_ =	shalt  }
0x3e: {  	_ =	shalt  }
0x3f: {  	_ =	shalt  }
0x40: {  	_ =	shalt  }
0x41: {  	_ =	shalt  }
0x42: {  	_ =	shalt  }
0x43: {  	_ =	shalt  }
0x44: {  	_ =	shalt  }
0x45: {  	_ =	shalt  }
0x46: {  	_ =	shalt  }
0x47: {  	_ =	shalt  }
0x48: {  	_ =	shalt  }
0x49: {  	_ =	shalt  }
0x4a: {  	_ =	shalt  }
0x4b: {  	_ =	shalt  }
0x4c: {  	_ =	shalt  }
0x4d: {  	_ =	shalt  }
0x4e: {  	_ =	shalt  }
0x4f: {  	_ =	shalt  }
0x50: {  	_ =	shalt  }
0x51: {  	_ =	shalt  }
0x52: {  	_ =	shalt  }
0x53: {  	_ =	shalt  }
0x54: {  	_ =	shalt  }
0x55: {  	_ =	shalt  }
0x56: {  	_ =	shalt  }
0x57: {  	_ =	shalt  }
0x58: {  	_ =	shalt  }
0x59: {  	_ =	shalt  }
0x5a: {  	_ =	shalt  }
0x5b: {  	_ =	shalt  }
0x5c: {  	_ =	shalt  }
0x5d: {  	_ =	shalt  }
0x5e: {  	_ =	shalt  }
0x5f: {  	_ =	shalt  }
0x60: {  	_ =	shalt  }
0x61: {  	_ =	shalt  }
0x62: {  	_ =	shalt  }
0x63: {  	_ =	shalt  }
0x64: {  	_ =	shalt  }
0x65: {  	_ =	shalt  }
0x66: {  	_ =	shalt  }
0x67: {  	_ =	shalt  }
0x68: {  	_ =	shalt  }
0x69: {  	_ =	shalt  }
0x6a: {  	_ =	shalt  }
0x6b: {  	_ =	shalt  }
0x6c: {  	_ =	shalt  }
0x6d: {  	_ =	shalt  }
0x6e: {  	_ =	shalt  }
0x6f: {  	_ =	shalt  }
0x70: {  	_ =	shalt  }
0x71: {  	_ =	shalt  }
0x72: {  	_ =	shalt  }
0x73: {  	_ =	shalt  }
0x74: {  	_ =	shalt  }
0x75: {  	_ =	shalt  }
0x76: {  	_ =	shalt  }
0x77: {  	_ =	shalt  }
0x78: {  	_ =	shalt  }
0x79: {  	_ =	shalt  }
0x7a: {  	_ =	shalt  }
0x7b: {  	_ =	shalt  }
0x7c: {  	_ =	shalt  }
0x7d: {  	_ =	shalt  }
0x7e: {  	_ =	shalt  }
0x7f: {  	_ =	shalt  }
0x80: {  	_ =	shalt  }
0x81: {  	_ =	shalt  }
0x82: {  	_ =	shalt  }
0x83: {  	_ =	shalt  }
0x84: {  	_ =	shalt  }
0x85: {  	_ =	shalt  }
0x86: {  	_ =	shalt  }
0x87: {  	_ =	shalt  }
.Lfunc_end0:
.L_simem_size_0:
called_computation.3_lowered:
.L_overlay_start_0:
0x88: {  	s2 =	sld [smem:$0x3FD9]  }
0x89: {  	s3 =	sld [smem:$0x3FFE];
	_ =	sdelay $0x1  }
0x8a: {  	s1 =	srdreg.scid  }
0x8b: {  	s0 =	sand.u32 $0x1, s1  }
0x8c: {  	s16 =	sshll.u32 s0, $0xA;
	s2 =	sadd.s32 s3, s2  }
0x8d: {  	s2 =	sadd.s32 s2, s16  }
0x8e: {  	[smem:$0x3FB9] =	sst s2  }
0x8f: {  	_ = 	snop  }
0x90: {  	(tm) =	ssettm $0x1  }
0x91: {  	s17 =	sld [smem:$0x3FFB];
	_ =	sdelay $0x3  }
0x92: {  	_ =	strace s17  }
0x93: {  	s2 =	sld [smem:$0x3FFC];
	_ =	sdelay $0x3  }
0x94: {  	_ =	strace s2  }
0x95: {  	s2 =	sld [smem:$0x3FFD];
	_ =	sdelay $0x3  }
0x96: {  	_ =	strace s2  }
0x97: {  	_ =	strace $0x8FFFFFFF  }
0x98: {  	s18 =	sld [smem:$0x3FDB];
	_ =	sdelay $0x1  }
0x99: {  	s19 =	simm.s32 $_scs_section_size  }
0x9a: {  	s4 =	simm.s32 $_size__tile_overlayer_lowered;
	s5 =	simm.s32 $_tile_overlayer_lowered  }
0x9b: {  	s22 =	simm.s32 $0x1BFF;
	s21 =	sshll.u32 s5, $0x1;
	s2 =	sadd.s32 s19, s18  }
0x9c: {  	s6 =	simm.s32 $0x0;
	s20 =	sshll.u32 s4, $0x1;
	s4 =	sadd.s32 s21, s2  }
0x9d: {  	[timem:s6], [sflag:s22] =	dma.local [hbm:s4], s20  }
0x9e: {  	_ =	swait.ge [sflag:s22], s20  }
0x9f: {  	s3 =	ssub.s32 $0x0, s20;
	[sflag:s22] =	ssyncset.done $0x0  }
0xa0: {  	[sflag:s22] =	ssyncadd.s32 s3;
	_ =	sdelay $0x1  }
0xa1: {  	s23 =	simm.s32 $0x1B8B  }
0xa2: {  	_ =	swait.ge [sflag:s23], $0x1  }
0xa3: {  	[sflag:s23] =	ssyncset.done $0x0  }
0xa4: {  	s25 =	simm.s32 $0x1B8E;
	s24 =	sld [smem:$0x3FFE];
	[sflag:s23] =	ssyncadd.s32 $0xFFFFFFFF  }
0xa5: {  	s26 =	simm.s32 $execute0_lowered;
	[smem:$0x3FD2] =	sst s25  }
0xa6: {  	s4 =	sshll.u32 s26, $0x1;
	_ =	strace $0x8000004F;
	[dreg:$0x1] =	wrdreg $0xFFFFFFFF  }
0xa7: {  	s28 =	simm.s32 $_size_execute0_lowered;
	s2 =	sadd.s32 s2, s4;
	[dreg:$0x0] =	wrdreg $0x0  }
0xa8: {  	s4 =	sshll.u32 s28, $0x1;
	[dreg:$0x2] =	wrdreg s2  }
0xa9: {  	[dreg:$0x3] =	wrdreg s4  }
0xaa: {  	[dreg:$0x4] =	wrdreg $0xC0  }
0xab: {  	_ =	task [dreg:s6], $0x5FFFF  }
0xac: {  	[dreg:$0x1] =	wrdreg $0xFFFFFFFF  }
0xad: {  	[dreg:$0x0] =	wrdreg $0x60  }
0xae: {  	[dreg:$0x2] =	wrdreg s24  }
0xaf: {  	[dreg:$0x3] =	wrdreg $0x84000  }
0xb0: {  	[dreg:$0x4] =	wrdreg $0x9  }
0xb1: {  	_ =	task.clear_ibuf [dreg:s6], $0x5FFFF;
	_ =	strace $0x9000004F  }
0xb2: {  	s29 =	simm.s32 $0x9;
	_ =	strace $0x80000051  }
0xb3: {  	_ =	swait.ge [sflag:s29], $0x1  }
0xb4: {  	[sflag:s29] =	ssyncadd.s32 $0xFFFFFFFF  }
0xb5: {  	_ =	strace $0x90000051  }
0xb6: {  	_ =	sfence  }
0xb7: {  	s30 =	sld [smem:$0x0];
	_ =	sdelay $0x2  }
0xb8: {  	s31 =	sshll.u32 s1, $0xD;
	s1 =	sshrl.u32 s1, $0x2  }
0xb9: {  	s3 =	sand.u32 $0x4000, s31;
	s1 =	sadd.s32 s1, s30  }
0xba: {  	s0 =	sor.u32 s3, s0;
	s1 =	sshll.u32 s1, $0x11  }
0xbb: {  	s0 =	sor.u32 s1, s0  }
0xbc: {  	s0 =	sadd.s32 $0x8F2B, s0  }
0xbd: {  	[sflag:s0] =	ssyncadd.remote.s32 $0x1  }
0xbe: {  	_ =	sfence.sel $0xFFFF  }
0xbf: {  	[dreg:$0x0] =	wrdreg $0xFFFFFFFF;
	(pc) =	sbr.abs _section_cstart, $3  }
0xc0: {  	[dreg:$0x1] =	wrdreg $0xFFFFFFFF  }
0xc1: {  	_ =	task.clear_ibuf [dreg:s6], $0x2FFFF;
	_ =	strace $0x9FFFFFFF  }
0xc2: {  	(tm) =	ssettm $0x7FFFFFFF  }
0xc3: {  	_ =	shalt  }
tec
execute0_lowered:
.L_overlay_start_1:
0x0: {  	(tag) =	ssettag $0x1  }
0x1: {  	s0 =	rddreg [dreg:$0x0];
	s1 =	simm.s32 $0x0;
	s2 =	srdreg.scid  }
0x2: {  	s16 =	stileid.u32;
	s28 =	simm.s32 $0x8;
	[smem:$0x7FF] =	sst s1  }
0x3: {  	s3 =	sadd.s32 $0x73E00, s0;
	s4 =	sand.u32 $0x1, s2;
	s6 =	smul.u32 $0x280, s16  }
0x4: {  	s17 =	sshll.u32 s16, $0x1;
	s7 =	sadd.s32 $0x69E00, s0;
	s21 =	smul.u32 $0x14000, s16  }
0x5: {  	s10 =	sadd.s32 $0xA5E00, s0;
	s24 =	smul.u32 $0x5000, s16;
	s5 =	ssub.s32 $0x2, s4  }
0x6: {  	s2 =	sor.u32 s4, s17;
	p0 =	seq.s32 s4, $0x1;
	s4 =	smul.u32 $0x2800, s4  }
0x7: {  	s15 =	sadd.s32 $0xCDE00, s0;
	s8 =	sshrl.u32 s5, $0x1;
	s9 =	smul.u32 $0x2800, s2  }
0x8: {  	s11 =	sadd.s32 $0x180, s6;
	s23 =	sshrl.u32 s21, $0x3;
	s2 =	ssub.s32 s5, s8  }
0x9: {  	s5 =	sadd.s32 $0x80, s6;
	s8 =	sadd.s32 $0x100, s6;
	s6 =	sadd.s32 $0x200, s6  }
0xa: {  	s17 =	sshll.u32 s11, $0x4;
	s4 =	sadd.s32 s4, s24;
	s9 =	sshrl.u32 s9, $0x3  }
0xb: {  	s25 =	sshll.u32 s5, $0x4;
	s26 =	sshll.u32 s8, $0x4;
	s12 =	sadd.s32 s3, s9  }
0xc: {  	s18 =	sor.u32 $0x10, s9;
	s13 =	sadd.s32 s7, s9;
	[dreg:$0x3] =	wrdreg s12  }
0xd: {  	s24 =	sor.u32 $0x200, s4;
	[dreg:$0x4] =	wrdreg s13;
	s19 =	sadd.s32 s3, s18  }
0xe: {  	s20 =	sor.u32 $0x20, s9;
	s12 =	sadd.s32 s7, s18;
	[dreg:$0x5] =	wrdreg s19  }
0xf: {  	s9 =	sor.u32 $0x30, s9;
	s14 =	sadd.s32 s3, s20;
	[dreg:$0x6] =	wrdreg s12  }
0x10: {  	s22 =	sadd.s32 s3, s9;
	s9 =	sadd.s32 s7, s9;
	[dreg:$0x7] =	wrdreg s14  }
0x11: {  	s18 =	sshll.u32 s6, $0x4;
	s13 =	sadd.s32 $0xFE00, s0;
	[dreg:$0x9] =	wrdreg s22  }
0x12: {  	s12 =	sadd.s32 s7, s20;
	[dreg:$0xa] =	wrdreg s9;
	s9 =	smul.u32 $0x2800, s16  }
0x13: {  	s19 =	sor.u32 $0x300, s4;
	s22 =	sor.u32 $0x280, s4;
	s4 =	sor.u32 $0x380, s4  }
0x14: {  	[dreg:$0x8] =	wrdreg s12;
	s12 =	sadd.s32 $0x28000, s23;
	s20 =	sshrl.u32 s19, $0x3  }
0x15: {  	s23 =	sshrl.u32 s22, $0x3;
	s4 =	sshrl.u32 s4, $0x3;
	s9 =	smov.u32 @p0 s12  }
0x16: {  	s22 =	rddreg [dreg:$0x1];
	s21 =	sadd.s32 s20, s7;
	s9 =	sadd.s32 s10, s9  }
0x17: {  	s10 =	smov.u32 @p0 s15;
	[dreg:$0x10] =	wrdreg s21;
	s15 =	sshll.u32 s8, $0x7  }
0x18: {  	s8 =	simm.s32 $0x380;
	[dreg:$0xb] =	wrdreg s9;
	s14 =	sadd.s32 s25, s10  }
0x19: {  	s12 =	sadd.s32 s26, s10;
	s9 =	sadd.s32 s17, s10;
	s10 =	sadd.s32 s18, s10  }
0x1a: {  	s25 =	sadd.s32 s23, s7;
	s18 =	sadd.s32 s23, s3;
	[dreg:$0xc] =	wrdreg s14  }
0x1b: {  	s26 =	sshrl.u32 s24, $0x3;
	s24 =	sadd.s32 s4, s3;
	[dreg:$0xd] =	wrdreg s12  }
0x1c: {  	s29 =	sadd.s32 s15, s22;
	s17 =	sshll.u32 s6, $0x7;
	[dreg:$0xe] =	wrdreg s9  }
0x1d: {  	s6 =	simm.s32 $0x300;
	[dreg:$0xf] =	wrdreg s10;
	s9 =	sadd.s32 s20, s3  }
0x1e: {  	[dreg:$0x12] =	wrdreg s25;
	s19 =	sadd.s32 s26, s7;
	s20 =	sadd.s32 s26, s3  }
0x1f: {  	s10 =	smul.u32 $0x50000, s16;
	s7 =	sadd.s32 s4, s7;
	s26 =	sadd.s32 $0x7DE00, s0  }
0x20: {  	s14 =	sshll.u32 s5, $0x7;
	s16 =	sshll.u32 s11, $0x7;
	s31 =	sadd.s32 s17, s22  }
0x21: {  	s25 =	smax.u32 s2, $0x1;
	s2 =	simm.s32 $0x400;
	s3 =	simm.s32 $0xB  }
0x22: {  	s4 =	simm.s32 $0x80;
	s5 =	simm.s32 $0x100;
	[dreg:$0x11] =	wrdreg s9  }
0x23: {  	s11 =	simm.s32 $0x4400;
	s0 =	simm.s32 $0x7;
	[dreg:$0x13] =	wrdreg s7  }
0x24: {  	s23 =	sadd.s32 s14, s22;
	_ =	strace $0x80000050;
	[dreg:$0x14] =	wrdreg s13  }
0x25: {  	s30 =	sadd.s32 s16, s22;
	s7 =	simm.s32 $0x180;
	[dreg:$0x1a] =	wrdreg s25  }
.Ltmp0:
0x26: {  	s9 =	simm.s32 $0x1;
	[dreg:$0x16] =	wrdreg s23;
	(pc) =	sbr.rel .LBB2_1-.Ltmp0, $4  }
0x27: {  	s14 =	simm.s32 $0xA;
	s16 =	simm.s32 $0x0;
	[dreg:$0x17] =	wrdreg s29  }
0x28: {  	s12 =	sshrl.u32 s10, $0x2;
	s10 =	simm.s32 $0x2;
	[dreg:$0x18] =	wrdreg s30  }
0x29: {  	s13 =	simm.s32 $0x3;
	[dreg:$0x19] =	wrdreg s31;
	s21 =	sadd.s32 s12, s22  }
0x2a: {  	s25 =	simm.s32 $0x4;
	s12 =	simm.s32 $0x9;
	[dreg:$0x15] =	wrdreg s21  }
.LBB2_4:
0x2b: {  	_ =	swait.ge [sflag:s0], $0x80  }
0x2c: {  	[sflag:s0] =	ssyncset.done $0x0  }
0x2d: {  	[sflag:s0] =	ssyncadd.s32 $0xFFFFFF80  }
0x2e: {  	[spmem:s22] =	stream.indirect.scatter.add.f32 [tilespmem:s2], [sflag:$0xB], $0x80, s6, s4, $0xb8;
	[tilespmem:$0x1C400] =	vst v63  }
0x2f: {  	_ =	swait.ge [sflag:s3], $0x4000  }
0x30: {  	[sflag:s3] =	ssyncset.done $0x0  }
0x31: {  	[sflag:s3] =	ssyncadd.s32 $0xFFFFC000  }
0x32: {  	_ =	swait.ge [sflag:s14], $0x4000  }
0x33: {  	[sflag:s14] =	ssyncset.done $0x0  }
0x34: {  	[sflag:s14] =	ssyncadd.s32 $0xFFFFC000  }
0x35: {  	_ =	swait.ge [sflag:s28], $0x80  }
0x36: {  	[sflag:s28] =	ssyncset.done $0x0  }
0x37: {  	[sflag:s28] =	ssyncadd.s32 $0xFFFFFF80  }
0x38: {  	[spmem:s22] =	stream.indirect.scatter.add.f32 [tilespmem:s11], [sflag:$0xB], $0x80, s8, s4, $0xb8;
	[tilespmem:$0x1C400] =	vst v63  }
0x39: {  	_ =	swait.ge [sflag:s3], $0x4000  }
0x3a: {  	[sflag:s3] =	ssyncset.done $0x0  }
0x3b: {  	[sflag:s3] =	ssyncadd.s32 $0xFFFFC000  }
0x3c: {  	s15 =	stileid.u32;
	[bflag:$0x0] =	sbarrier.arrive $0xFFFF  }
0x3d: {  	s15 =	sshll.u32 s15, $0x6;
	s21 =	rddreg [dreg:$0x15]  }
0x3e: {  	s15 =	sor.u32 $0x1C0B, s15;
	s17 =	rddreg [dreg:$0xb];
	s16 =	sshrl.u32 s21, $0x3  }
0x3f: {  	[hbm:s17], [sflag:s15] =	dma.local [spmem:s16], $0x800  }
0x40: {  	_ =	swait.ge [sflag:s3], $0x800  }
0x41: {  	[sflag:s3] =	ssyncset.done $0x0;
	s23 =	rddreg [dreg:$0x16]  }
0x42: {  	s17 =	rddreg [dreg:$0xc];
	[sflag:s3] =	ssyncadd.s32 $0xFFFFF800;
	s16 =	sshrl.u32 s23, $0x3  }
0x43: {  	[hbm:s17], [sflag:s15] =	dma.local [spmem:s16], $0x800  }
0x44: {  	_ =	swait.ge [sflag:s3], $0x800  }
0x45: {  	[sflag:s3] =	ssyncset.done $0x0;
	s29 =	rddreg [dreg:$0x17]  }
0x46: {  	s17 =	rddreg [dreg:$0xd];
	[sflag:s3] =	ssyncadd.s32 $0xFFFFF800;
	s16 =	sshrl.u32 s29, $0x3  }
0x47: {  	[hbm:s17], [sflag:s15] =	dma.local [spmem:s16], $0x800  }
0x48: {  	_ =	swait.ge [sflag:s3], $0x800  }
0x49: {  	[sflag:s3] =	ssyncset.done $0x0;
	s30 =	rddreg [dreg:$0x18]  }
0x4a: {  	s17 =	rddreg [dreg:$0xe];
	[sflag:s3] =	ssyncadd.s32 $0xFFFFF800;
	s16 =	sshrl.u32 s30, $0x3  }
0x4b: {  	[hbm:s17], [sflag:s15] =	dma.local [spmem:s16], $0x800  }
0x4c: {  	_ =	swait.ge [sflag:s3], $0x800  }
0x4d: {  	[sflag:s3] =	ssyncset.done $0x0;
	s31 =	rddreg [dreg:$0x19]  }
0x4e: {  	s17 =	rddreg [dreg:$0xf];
	[sflag:s3] =	ssyncadd.s32 $0xFFFFF800;
	s16 =	sshrl.u32 s31, $0x3  }
0x4f: {  	[hbm:s17], [sflag:s15] =	dma.local [spmem:s16], $0x800  }
0x50: {  	_ =	swait.ge [sflag:s3], $0x800  }
0x51: {  	s15 =	rddreg [dreg:$0x1b]  }
0x52: {  	s17 =	rddreg [dreg:$0x1a];
	s16 =	sadd.s32 $0x1, s15  }
0x53: {  	p0 =	sne.s32 s16, s17  }
.Ltmp1:
0x54: {  	_ = 	snop;
	(pc) =	sbr.rel @!p0 .LBB2_5-.Ltmp1, $3  }
0x55: {  	_ =	sdelay $0x1  }
0x56: {  	[sflag:s3] =	ssyncset.done $0x0  }
0x57: {  	[sflag:s3] =	ssyncadd.s32 $0xFFFFF800  }
.LBB2_1:
0x58: {  	[dreg:$0x1b] =	wrdreg s16  }
0x59: {  	s15 =	rddreg [dreg:$0x14]  }
0x5a: {  	[tilespmem:s2], [sflag:$0xB] =	stream.linear.gather [hbm4b:s15+s1], $0x4000, $0x38;
	[tilespmem:$0x1C400] =	vst v63  }
0x5b: {  	_ =	swait.ge [sflag:s3], $0x4000  }
0x5c: {  	[sflag:s3] =	ssyncset.done $0x0  }
0x5d: {  	[sflag:s3] =	ssyncadd.s32 $0xFFFFC000  }
0x5e: {  	[spmem:s21] =	stream.linear.scatter [tilespmem:s2], [sflag:$0xB], $0x4000, $0x38;
	[tilespmem:$0x1C400] =	vst v63  }
0x5f: {  	_ =	swait.ge [sflag:s3], $0x4000  }
0x60: {  	[sflag:s3] =	ssyncset.done $0x0  }
0x61: {  	[sflag:s3] =	ssyncadd.s32 $0xFFFFC000  }
0x62: {  	[spmem:s23] =	stream.linear.scatter [tilespmem:s2], [sflag:$0xB], $0x4000, $0x38;
	[tilespmem:$0x1C400] =	vst v63  }
0x63: {  	_ =	swait.ge [sflag:s3], $0x4000  }
0x64: {  	[sflag:s3] =	ssyncset.done $0x0  }
0x65: {  	[sflag:s3] =	ssyncadd.s32 $0xFFFFC000  }
0x66: {  	[spmem:s29] =	stream.linear.scatter [tilespmem:s2], [sflag:$0xB], $0x4000, $0x38;
	[tilespmem:$0x1C400] =	vst v63  }
0x67: {  	_ =	swait.ge [sflag:s3], $0x4000  }
0x68: {  	[sflag:s3] =	ssyncset.done $0x0  }
0x69: {  	[sflag:s3] =	ssyncadd.s32 $0xFFFFC000  }
0x6a: {  	[spmem:s30] =	stream.linear.scatter [tilespmem:s2], [sflag:$0xB], $0x4000, $0x38;
	[tilespmem:$0x1C400] =	vst v63  }
0x6b: {  	_ =	swait.ge [sflag:s3], $0x4000  }
0x6c: {  	[sflag:s3] =	ssyncset.done $0x0  }
0x6d: {  	[sflag:s3] =	ssyncadd.s32 $0xFFFFC000  }
0x6e: {  	[spmem:s31] =	stream.linear.scatter [tilespmem:s2], [sflag:$0xB], $0x4000, $0x38;
	[tilespmem:$0x1C400] =	vst v63  }
0x6f: {  	_ =	swait.ge [sflag:s3], $0x4000  }
0x70: {  	[sflag:s3] =	ssyncset.done $0x0  }
0x71: {  	[sflag:s3] =	ssyncadd.s32 $0xFFFFC000  }
0x72: {  	[bflag:$0x0] =	sbarrier.arrive $0xFFFF  }
0x73: {  	s21 =	rddreg [dreg:$0x3]  }
0x74: {  	[tilespmem:s1], [sflag:$0x1] =	stream.linear.gather [hbm4b:s21+s1], $0x80, $0x38;
	[tilespmem:$0x1C400] =	vst v63  }
0x75: {  	s29 =	simm.s32 $0x200;
	s23 =	rddreg [dreg:$0x4]  }
0x76: {  	[tilespmem:s29], [sflag:$0x5] =	stream.linear.gather [hbm4b:s23+s1], $0x80, $0x38;
	[tilespmem:$0x1C400] =	vst v63  }
0x77: {  	s31 =	rddreg [dreg:$0x5]  }
0x78: {  	[tilespmem:s4], [sflag:$0x2] =	stream.linear.gather [hbm4b:s31+s1], $0x80, $0x38;
	[tilespmem:$0x1C400] =	vst v63  }
0x79: {  	s17 =	simm.s32 $0x280;
	s16 =	rddreg [dreg:$0x6]  }
0x7a: {  	[tilespmem:s17], [sflag:$0x6] =	stream.linear.gather [hbm4b:s16+s1], $0x80, $0x38;
	[tilespmem:$0x1C400] =	vst v63  }
0x7b: {  	s21 =	rddreg [dreg:$0x7]  }
0x7c: {  	[tilespmem:s5], [sflag:$0x3] =	stream.linear.gather [hbm4b:s21+s1], $0x80, $0x38;
	[tilespmem:$0x1C400] =	vst v63  }
0x7d: {  	s23 =	rddreg [dreg:$0x8]  }
0x7e: {  	[tilespmem:s6], [sflag:$0x7] =	stream.linear.gather [hbm4b:s23+s1], $0x80, $0x38;
	[tilespmem:$0x1C400] =	vst v63  }
0x7f: {  	s29 =	rddreg [dreg:$0x9]  }
0x80: {  	[tilespmem:s7], [sflag:$0x4] =	stream.linear.gather [hbm4b:s29+s1], $0x80, $0x38;
	[tilespmem:$0x1C400] =	vst v63  }
0x81: {  	s31 =	rddreg [dreg:$0xa]  }
0x82: {  	[tilespmem:s8], [sflag:$0x8] =	stream.linear.gather [hbm4b:s31+s1], $0x80, $0x38;
	[tilespmem:$0x1C400] =	vst v63  }
0x83: {  	_ =	swait.ge [sflag:s9], $0x80  }
0x84: {  	[sflag:s9] =	ssyncset.done $0x0  }
0x85: {  	[sflag:s9] =	ssyncadd.s32 $0xFFFFFF80  }
0x86: {  	[tilespmem:s2], [sflag:$0x9] =	stream.indirect.gather [hbm4b:s26+s4], $0x80, s1, s4, $0xb8;
	[tilespmem:$0x1C400] =	vst v63  }
0x87: {  	_ =	swait.ge [sflag:s10], $0x80  }
0x88: {  	[sflag:s10] =	ssyncset.done $0x0  }
0x89: {  	s30 =	simm.s32 $0x0;
	[sflag:s10] =	ssyncadd.s32 $0xFFFFFF80  }
0x8a: {  	[tilespmem:s11], [sflag:$0xA] =	stream.indirect.gather [hbm4b:s26+s4], $0x80, s4, s4, $0xb8;
	[tilespmem:$0x1C400] =	vst v63  }
.LBB2_2:
0x8b: {  	_ =	swait.ge [sflag:s12], $0x4000  }
0x8c: {  	p0 =	seq.s32 s30, $0x4C0;
	[sflag:s12] =	ssyncset.done $0x0  }
0x8d: {  	s31 =	simm.s32 @p0 $0x5;
	[sflag:s12] =	ssyncadd.s32 $0xFFFFC000  }
0x8e: {  	_ =	swait.ge @p0 [sflag:s31], $0x80  }
0x8f: {  	s21 =	simm.s32 @p0 $0x200;
	[sflag:s31] =	ssyncset.done @p0 $0x0  }
0x90: {  	s29 =	simm.s32 @p0 $0x400;
	[sflag:s31] =	ssyncadd.s32 @p0 $0xFFFFFF80;
	s31 =	simm.s32 @p0 $0x80  }
0x91: {  	[spmem:s22] =	stream.indirect.scatter.add.f32 @p0 [tilespmem:s29], [sflag:$0xB], $0x80, s21, s31, $0xb8;
	[tilespmem:$0x1C400] =	vst v63  }
0x92: {  	s21 =	simm.s32 @p0 $0xB  }
0x93: {  	_ =	swait.ge @p0 [sflag:s21], $0x4000  }
0x94: {  	[sflag:s21] =	ssyncset.done @p0 $0x0  }
0x95: {  	s15 =	simm.s32 @!p0 $0x0;
	s29 =	sadd.s32 @!p0 s30, s20;
	[sflag:s21] =	ssyncadd.s32 @p0 $0xFFFFC000  }
0x96: {  	[tilespmem:s15], [sflag:$0x1] =	stream.linear.gather @!p0 [hbm4b:s29+s15], $0x80, $0x38;
	[tilespmem:$0x1C400] =	vst v63  }
0x97: {  	s29 =	simm.s32 @!p0 $0x5  }
0x98: {  	_ =	swait.ge @!p0 [sflag:s29], $0x80  }
0x99: {  	s16 =	simm.s32 @!p0 $0x200;
	[sflag:s29] =	ssyncset.done @!p0 $0x0  }
0x9a: {  	s17 =	simm.s32 @!p0 $0x400;
	[sflag:s29] =	ssyncadd.s32 @!p0 $0xFFFFFF80;
	s29 =	simm.s32 @!p0 $0x80  }
0x9b: {  	[spmem:s22] =	stream.indirect.scatter.add.f32 @!p0 [tilespmem:s17], [sflag:$0xB], $0x80, s16, s29, $0xb8;
	[tilespmem:$0x1C400] =	vst v63  }
0x9c: {  	s17 =	simm.s32 @!p0 $0xB  }
0x9d: {  	_ =	swait.ge @!p0 [sflag:s17], $0x4000  }
0x9e: {  	[sflag:s17] =	ssyncset.done @!p0 $0x0  }
0x9f: {  	s23 =	sadd.s32 @!p0 s30, s19;
	[sflag:s17] =	ssyncadd.s32 @!p0 $0xFFFFC000  }
0xa0: {  	[tilespmem:s16], [sflag:$0x5] =	stream.linear.gather @!p0 [hbm4b:s23+s15], $0x80, $0x38;
	[tilespmem:$0x1C400] =	vst v63  }
0xa1: {  	_ =	swait.ge [sflag:s13], $0x80  }
0xa2: {  	[sflag:s13] =	ssyncset.done $0x0  }
0xa3: {  	[sflag:s13] =	ssyncadd.s32 $0xFFFFFF80  }
0xa4: {  	[tilespmem:s2], [sflag:$0x9] =	stream.indirect.gather [hbm4b:s26+s4], $0x80, s5, s4, $0xb8;
	[tilespmem:$0x1C400] =	vst v63  }
0xa5: {  	_ =	swait.ge [sflag:s14], $0x4000  }
0xa6: {  	[sflag:s14] =	ssyncset.done $0x0  }
0xa7: {  	s16 =	simm.s32 @p0 $0x6;
	[sflag:s14] =	ssyncadd.s32 $0xFFFFC000  }
0xa8: {  	_ =	swait.ge @p0 [sflag:s16], $0x80  }
0xa9: {  	[sflag:s16] =	ssyncset.done @p0 $0x0  }
0xaa: {  	s23 =	simm.s32 @p0 $0x4400;
	[sflag:s16] =	ssyncadd.s32 @p0 $0xFFFFFF80;
	s16 =	simm.s32 @p0 $0x280  }
0xab: {  	[spmem:s22] =	stream.indirect.scatter.add.f32 @p0 [tilespmem:s23], [sflag:$0xB], $0x80, s16, s31, $0xb8;
	[tilespmem:$0x1C400] =	vst v63  }
0xac: {  	_ =	swait.ge @p0 [sflag:s21], $0x4000  }
0xad: {  	[sflag:s21] =	ssyncset.done @p0 $0x0  }
0xae: {  	s16 =	sadd.s32 @!p0 s30, s18;
	[sflag:s21] =	ssyncadd.s32 @p0 $0xFFFFC000  }
0xaf: {  	[tilespmem:s29], [sflag:$0x2] =	stream.linear.gather @!p0 [hbm4b:s16+s15], $0x80, $0x38;
	[tilespmem:$0x1C400] =	vst v63  }
0xb0: {  	s16 =	simm.s32 @!p0 $0x6  }
0xb1: {  	_ =	swait.ge @!p0 [sflag:s16], $0x80  }
0xb2: {  	[sflag:s16] =	ssyncset.done @!p0 $0x0  }
0xb3: {  	s21 =	simm.s32 @!p0 $0x4400;
	[sflag:s16] =	ssyncadd.s32 @!p0 $0xFFFFFF80;
	s16 =	simm.s32 @!p0 $0x280  }
0xb4: {  	[spmem:s22] =	stream.indirect.scatter.add.f32 @!p0 [tilespmem:s21], [sflag:$0xB], $0x80, s16, s29, $0xb8;
	[tilespmem:$0x1C400] =	vst v63  }
0xb5: {  	_ =	swait.ge @!p0 [sflag:s17], $0x4000  }
0xb6: {  	[sflag:s17] =	ssyncset.done @!p0 $0x0  }
0xb7: {  	[sflag:s17] =	ssyncadd.s32 @!p0 $0xFFFFC000;
	s17 =	rddreg [dreg:$0x12]  }
0xb8: {  	s17 =	sadd.s32 @!p0 s30, s17  }
0xb9: {  	[tilespmem:s16], [sflag:$0x6] =	stream.linear.gather @!p0 [hbm4b:s17+s15], $0x80, $0x38;
	[tilespmem:$0x1C400] =	vst v63  }
0xba: {  	_ =	swait.ge [sflag:s25], $0x80  }
0xbb: {  	[sflag:s25] =	ssyncset.done $0x0  }
.Ltmp2:
0xbc: {  	[sflag:s25] =	ssyncadd.s32 $0xFFFFFF80;
	(pc) =	sbr.rel @p0 .LBB2_4-.Ltmp2, $4  }
0xbd: {  	[tilespmem:s11], [sflag:$0xA] =	stream.indirect.gather [hbm4b:s26+s4], $0x80, s7, s4, $0xb8;
	[tilespmem:$0x1C400] =	vst v63  }
0xbe: {  	_ =	swait.ge [sflag:s12], $0x4000  }
0xbf: {  	[sflag:s12] =	ssyncset.done $0x0  }
0xc0: {  	[sflag:s12] =	ssyncadd.s32 $0xFFFFC000  }
0xc1: {  	s15 =	rddreg [dreg:$0x11]  }
0xc2: {  	s15 =	sadd.s32 s30, s15  }
0xc3: {  	[tilespmem:s5], [sflag:$0x3] =	stream.linear.gather [hbm4b:s15+s1], $0x80, $0x38;
	[tilespmem:$0x1C400] =	vst v63  }
0xc4: {  	_ =	swait.ge [sflag:s0], $0x80  }
0xc5: {  	[sflag:s0] =	ssyncset.done $0x0  }
0xc6: {  	[sflag:s0] =	ssyncadd.s32 $0xFFFFFF80  }
0xc7: {  	[spmem:s22] =	stream.indirect.scatter.add.f32 [tilespmem:s2], [sflag:$0xB], $0x80, s6, s4, $0xb8;
	[tilespmem:$0x1C400] =	vst v63  }
0xc8: {  	_ =	swait.ge [sflag:s3], $0x4000  }
0xc9: {  	[sflag:s3] =	ssyncset.done $0x0;
	s23 =	rddreg [dreg:$0x10]  }
0xca: {  	[sflag:s3] =	ssyncadd.s32 $0xFFFFC000;
	s15 =	sadd.s32 s30, s23  }
0xcb: {  	[tilespmem:s6], [sflag:$0x7] =	stream.linear.gather [hbm4b:s15+s1], $0x80, $0x38;
	[tilespmem:$0x1C400] =	vst v63  }
0xcc: {  	_ =	swait.ge [sflag:s9], $0x80  }
0xcd: {  	[sflag:s9] =	ssyncset.done $0x0  }
0xce: {  	[sflag:s9] =	ssyncadd.s32 $0xFFFFFF80  }
0xcf: {  	[tilespmem:s2], [sflag:$0x9] =	stream.indirect.gather [hbm4b:s26+s4], $0x80, s1, s4, $0xb8;
	[tilespmem:$0x1C400] =	vst v63  }
0xd0: {  	_ =	swait.ge [sflag:s14], $0x4000  }
0xd1: {  	[sflag:s14] =	ssyncset.done $0x0  }
0xd2: {  	s29 =	sadd.s32 s30, s24;
	[sflag:s14] =	ssyncadd.s32 $0xFFFFC000  }
0xd3: {  	[tilespmem:s7], [sflag:$0x4] =	stream.linear.gather [hbm4b:s29+s1], $0x80, $0x38;
	[tilespmem:$0x1C400] =	vst v63  }
0xd4: {  	_ =	swait.ge [sflag:s28], $0x80  }
0xd5: {  	[sflag:s28] =	ssyncset.done $0x0  }
0xd6: {  	[sflag:s28] =	ssyncadd.s32 $0xFFFFFF80  }
0xd7: {  	[spmem:s22] =	stream.indirect.scatter.add.f32 [tilespmem:s11], [sflag:$0xB], $0x80, s8, s4, $0xb8;
	[tilespmem:$0x1C400] =	vst v63  }
0xd8: {  	_ =	swait.ge [sflag:s3], $0x4000  }
0xd9: {  	[sflag:s3] =	ssyncset.done $0x0;
	s31 =	rddreg [dreg:$0x13]  }
0xda: {  	[sflag:s3] =	ssyncadd.s32 $0xFFFFC000;
	s15 =	sadd.s32 s30, s31  }
0xdb: {  	[tilespmem:s8], [sflag:$0x8] =	stream.linear.gather [hbm4b:s15+s1], $0x80, $0x38;
	[tilespmem:$0x1C400] =	vst v63  }
.Ltmp3:
0xdc: {  	_ = 	snop;
	(pc) =	sbr.rel .LBB2_2-.Ltmp3, $4  }
0xdd: {  	_ =	swait.ge [sflag:s10], $0x80  }
0xde: {  	[sflag:s10] =	ssyncset.done $0x0  }
0xdf: {  	s30 =	sadd.s32 $0x40, s30;
	[sflag:s10] =	ssyncadd.s32 $0xFFFFFF80  }
0xe0: {  	[tilespmem:s11], [sflag:$0xA] =	stream.indirect.gather [hbm4b:s26+s4], $0x80, s4, s4, $0xb8;
	[tilespmem:$0x1C400] =	vst v63  }
.LBB2_5:
0xe1: {  	_ =	sfence.sel $0x180000  }
0xe2: {  	[bflag:$0x0] =	sbarrier.arrive $0xFFFF  }
0xe3: {  	_ =	strace $0x90000050  }
0xe4: {  	s0 =	stileid.u32;
	[bflag:$0x2] =	sbarrier.arrive $0xFFFF  }
0xe5: {  	p0 =	sne.s32 s0, $0x0;
	s0 =	rddreg [dreg:$0x2]  }
0xe6: {  	s0 =	sadd.s32 @!p0 $0x100000, s0  }
0xe7: {  	[sflag:s0] =	ssyncadd.tile.s32 @!p0 $0x1;
	_ =	shalt  }
.Lfunc_end2:
_tile_overlayer_lowered:
.L_overlay_start_2:
0xe8: {  	(tag) =	ssettag $0x2  }
0xe9: {  	s0 =	rddreg [dreg:$0x0];
	s2 =	stileid.u32  }
0xea: {  	s1 =	rddreg [dreg:$0x1];
	p0 =	sne.s32 s2, $0x0  }
0xeb: {  	s3 =	rddreg [dreg:$0x2];
	[bflag:$0x3] =	sbarrier.arrive $0xFFFF;
	s2 =	simm.s32 @!p0 $0x1C0B  }
0xec: {  	[timem:s3], [sflag:s2] =	dma.local @!p0 [hbm:s0], s1  }
0xed: {  	s0 =	simm.s32 @!p0 $0xB  }
0xee: {  	_ =	swait.ge @!p0 [sflag:s0], s1  }
0xef: {  	s1 =	ssub.s32 @!p0 $0x0, s1;
	[sflag:s0] =	ssyncset.done @!p0 $0x0  }
0xf0: {  	[sflag:s0] =	ssyncadd.s32 @!p0 s1  }
0xf1: {  	[bflag:$0x3] =	sbarrier.arrive $0xFFFF  }
0xf2: {  	_ =	shalt  }

// kernel: kernel.25.cloned.1.call-start
scs
__scs_entry_jumppad:
0x0: {  	(pc) =	sbr.rel $0x88, $3  }
0x1: {  	(tag) =	ssettag $0x0;
	lr =	simm.s32 $0x1  }
0x2: {  	[smem:$0x3F92] =	sst lr;
	_ =	strace $0xD0000000  }
0x3: {  	_ = 	snop  }
0x4: {  	_ = 	snop  }
0x5: {  	_ = 	snop  }
0x6: {  	_ = 	snop  }
0x7: {  	_ = 	snop  }
__scs_overlays_trampoline_lowered:
0x8: {  	[smem:$0x3FA1] =	sst s0  }
0x9: {  	[smem:$0x3FA2] =	sst s1  }
0xa: {  	[smem:$0x3FA3] =	sst s2  }
0xb: {  	[smem:$0x3FA4] =	sst s3  }
0xc: {  	[smem:$0x3FA5] =	sst s4  }
0xd: {  	[smem:$0x3FA6] =	sst s5  }
0xe: {  	[smem:$0x3FA7] =	sst s6  }
0xf: {  	[smem:$0x3FA8] =	sst s7  }
0x10: {  	[smem:$0x3FA9] =	sst s8  }
0x11: {  	[smem:$0x3FAA] =	sst s9;
	s0 =	simm.s32 @!p0 $0x0  }
0x12: {  	s1 =	sld [smem:$0x3F90];
	s0 =	simm.s32 @p0 $0x1  }
0x13: {  	[smem:$0x3FAB] =	sst s0;
	s0 =	simm.s32 @!p1 $0x0  }
0x14: {  	s2 =	sld [smem:$0x3F8F];
	s0 =	simm.s32 @p1 $0x1  }
0x15: {  	[smem:$0x3FAC] =	sst s0;
	s0 =	simm.s32 @!p2 $0x0  }
0x16: {  	s3 =	sld [smem:$0x3FDB];
	s0 =	simm.s32 @p2 $0x1  }
0x17: {  	s4 =	simm.s32 $0x1BF5;
	[smem:$0x3FAE] =	sst s0  }
0x18: {  	s0 =	sld [smem:$0x3F91];
	_ =	swait.ge [sflag:s4], $0x0  }
0x19: {  	s7 =	sld [smem:$0x3F92]  }
0x1a: {  	s8 =	sadd.s32 $0xFFFFE003, lr  }
0x1b: {  	s9 =	sadd.s32 $0xFFFFFEF7, lr;
	s5 =	simm.s32 $0xFFFFFFFF;
	p2 =	slt.u32 s8, $0xFFFFF086  }
0x1c: {  	p1 =	slt.u32 s9, $0xF7A;
	s5 =	simm.s32 @!p2 $0x0  }
0x1d: {  	s5 =	simm.s32 @p1 $0x1;
	p0 =	seq.s32 s7, s2  }
0x1e: {  	s7 =	smul.u32 @!p0 $0xF7A, s2;
	p2 =	seq.s32 @!p0 s5, $0x0  }
0x1f: {  	s9 =	smul.u32 $0xF7A, s1;
	s8 =	simm.s32 @!p0 $0x1BF5;
	p2 =	por !p2, p0  }
0x20: {  	[sflag:s8] =	ssyncset.s32 @!p0 $0xFFFFF086;
	s6 =	sadd.s32 @!p0 s3, s7;
	s7 =	simm.s32 @!p0 $0x108  }
0x21: {  	s3 =	sadd.s32 s3, s9;
	s6 =	sadd.s32 @!p0 $0x88, s6;
	s7 =	simm.s32 @p2 $0x1082  }
0x22: {  	[simem:s7], [sflag:s8] =	dma.local @!p0 [hbm:s6], $0xF7A  }
0x23: {  	s9 =	sor.u32 $0xD0000000, s2;
	s6 =	simm.s32 $0x108;
	_ =	swait.ge @!p0 [sflag:s8], $0x0  }
0x24: {  	s3 =	sadd.s32 $0x88, s3;
	s6 =	simm.s32 @!p1 $0x1082;
	[sflag:s4] =	ssyncset.s32 $0xFFFFF086  }
0x25: {  	[simem:s6], [sflag:s4] =	dma.local [hbm:s3], $0xF7A  }
0x26: {  	[smem:$0x3F92] =	sst s1;
	(tag) =	ssettag s2;
	_ =	strace s9  }
0x27: {  	s1 =	sld [smem:$0x3FA2]  }
0x28: {  	s2 =	sld [smem:$0x3FA3]  }
0x29: {  	s4 =	sld [smem:$0x3FA5]  }
0x2a: {  	p0 =	seq.s32 s5, $0x0;
	s5 =	sld [smem:$0x3FA6]  }
0x2b: {  	s6 =	sld [smem:$0x3FA7]  }
0x2c: {  	s7 =	sld [smem:$0x3FA8]  }
0x2d: {  	s3 =	simm.s32 $0x108;
	s8 =	sld [smem:$0x3FA9]  }
0x2e: {  	s3 =	simm.s32 @!p0 $0x1082;
	s9 =	sld [smem:$0x3FAA]  }
0x2f: {  	lr =	sadd.s32 s0, s3;
	s0 =	sld [smem:$0x3FA1]  }
0x30: {  	s3 =	sld [smem:$0x3FA4]  }
0x31: {  	[smem:$0x3FAD] =	sst s10  }
0x32: {  	s10 =	sld [smem:$0x3FAB];
	_ =	sdelay $0x3  }
0x33: {  	p0 =	seq.s32 s10, $0x1;
	s10 =	sld [smem:$0x3FAD];
	_ =	sdelay $0x3  }
0x34: {  	[smem:$0x3FAD] =	sst s10  }
0x35: {  	s10 =	sld [smem:$0x3FAC];
	_ =	sdelay $0x3  }
0x36: {  	p1 =	seq.s32 s10, $0x1;
	s10 =	sld [smem:$0x3FAD];
	_ =	sdelay $0x3  }
0x37: {  	[smem:$0x3FAD] =	sst s10  }
0x38: {  	s10 =	sld [smem:$0x3FAE]  }
0x39: {  	_ = 	snop;
	(pc) =	sbr.ind lr, $3  }
0x3a: {  	_ = 	snop  }
0x3b: {  	_ = 	snop  }
0x3c: {  	p2 =	seq.s32 s10, $0x1;
	s10 =	sld [smem:$0x3FAD]  }
0x3d: {  	_ =	shalt  }
0x3e: {  	_ =	shalt  }
0x3f: {  	_ =	shalt  }
0x40: {  	_ =	shalt  }
0x41: {  	_ =	shalt  }
0x42: {  	_ =	shalt  }
0x43: {  	_ =	shalt  }
0x44: {  	_ =	shalt  }
0x45: {  	_ =	shalt  }
0x46: {  	_ =	shalt  }
0x47: {  	_ =	shalt  }
0x48: {  	_ =	shalt  }
0x49: {  	_ =	shalt  }
0x4a: {  	_ =	shalt  }
0x4b: {  	_ =	shalt  }
0x4c: {  	_ =	shalt  }
0x4d: {  	_ =	shalt  }
0x4e: {  	_ =	shalt  }
0x4f: {  	_ =	shalt  }
0x50: {  	_ =	shalt  }
0x51: {  	_ =	shalt  }
0x52: {  	_ =	shalt  }
0x53: {  	_ =	shalt  }
0x54: {  	_ =	shalt  }
0x55: {  	_ =	shalt  }
0x56: {  	_ =	shalt  }
0x57: {  	_ =	shalt  }
0x58: {  	_ =	shalt  }
0x59: {  	_ =	shalt  }
0x5a: {  	_ =	shalt  }
0x5b: {  	_ =	shalt  }
0x5c: {  	_ =	shalt  }
0x5d: {  	_ =	shalt  }
0x5e: {  	_ =	shalt  }
0x5f: {  	_ =	shalt  }
0x60: {  	_ =	shalt  }
0x61: {  	_ =	shalt  }
0x62: {  	_ =	shalt  }
0x63: {  	_ =	shalt  }
0x64: {  	_ =	shalt  }
0x65: {  	_ =	shalt  }
0x66: {  	_ =	shalt  }
0x67: {  	_ =	shalt  }
0x68: {  	_ =	shalt  }
0x69: {  	_ =	shalt  }
0x6a: {  	_ =	shalt  }
0x6b: {  	_ =	shalt  }
0x6c: {  	_ =	shalt  }
0x6d: {  	_ =	shalt  }
0x6e: {  	_ =	shalt  }
0x6f: {  	_ =	shalt  }
0x70: {  	_ =	shalt  }
0x71: {  	_ =	shalt  }
0x72: {  	_ =	shalt  }
0x73: {  	_ =	shalt  }
0x74: {  	_ =	shalt  }
0x75: {  	_ =	shalt  }
0x76: {  	_ =	shalt  }
0x77: {  	_ =	shalt  }
0x78: {  	_ =	shalt  }
0x79: {  	_ =	shalt  }
0x7a: {  	_ =	shalt  }
0x7b: {  	_ =	shalt  }
0x7c: {  	_ =	shalt  }
0x7d: {  	_ =	shalt  }
0x7e: {  	_ =	shalt  }
0x7f: {  	_ =	shalt  }
0x80: {  	_ =	shalt  }
0x81: {  	_ =	shalt  }
0x82: {  	_ =	shalt  }
0x83: {  	_ =	shalt  }
0x84: {  	_ =	shalt  }
0x85: {  	_ =	shalt  }
0x86: {  	_ =	shalt  }
0x87: {  	_ =	shalt  }
.Lfunc_end0:
.L_simem_size_0:
called_computation.4_lowered:
.L_overlay_start_0:
0x88: {  	s2 =	sld [smem:$0x3FD9]  }
0x89: {  	s3 =	sld [smem:$0x3FFE];
	_ =	sdelay $0x1  }
0x8a: {  	s1 =	srdreg.scid  }
0x8b: {  	s0 =	sand.u32 $0x1, s1  }
0x8c: {  	s16 =	sshll.u32 s0, $0xA;
	s2 =	sadd.s32 s3, s2  }
0x8d: {  	s2 =	sadd.s32 s2, s16  }
0x8e: {  	[smem:$0x3FB9] =	sst s2  }
0x8f: {  	_ = 	snop  }
0x90: {  	(tm) =	ssettm $0x1  }
0x91: {  	s17 =	sld [smem:$0x3FFB];
	_ =	sdelay $0x3  }
0x92: {  	_ =	strace s17  }
0x93: {  	s2 =	sld [smem:$0x3FFC];
	_ =	sdelay $0x3  }
0x94: {  	_ =	strace s2  }
0x95: {  	s2 =	sld [smem:$0x3FFD];
	_ =	sdelay $0x3  }
0x96: {  	_ =	strace s2  }
0x97: {  	_ =	strace $0x8FFFFFFF  }
0x98: {  	s18 =	sld [smem:$0x3FDB];
	_ =	sdelay $0x1  }
0x99: {  	s19 =	simm.s32 $_scs_section_size  }
0x9a: {  	s4 =	simm.s32 $_size__tile_overlayer_lowered;
	s5 =	simm.s32 $_tile_overlayer_lowered  }
0x9b: {  	s22 =	simm.s32 $0x1BFF;
	s21 =	sshll.u32 s5, $0x1;
	s2 =	sadd.s32 s19, s18  }
0x9c: {  	s6 =	simm.s32 $0x0;
	s20 =	sshll.u32 s4, $0x1;
	s4 =	sadd.s32 s21, s2  }
0x9d: {  	[timem:s6], [sflag:s22] =	dma.local [hbm:s4], s20  }
0x9e: {  	_ =	swait.ge [sflag:s22], s20  }
0x9f: {  	s3 =	ssub.s32 $0x0, s20;
	[sflag:s22] =	ssyncset.done $0x0  }
0xa0: {  	[sflag:s22] =	ssyncadd.s32 s3;
	_ =	sdelay $0x1  }
0xa1: {  	s23 =	simm.s32 $0x1B8B  }
0xa2: {  	_ =	swait.ge [sflag:s23], $0x1  }
0xa3: {  	[sflag:s23] =	ssyncset.done $0x0  }
0xa4: {  	s25 =	simm.s32 $0x1B8E;
	s24 =	sld [smem:$0x3FFE];
	[sflag:s23] =	ssyncadd.s32 $0xFFFFFFFF  }
0xa5: {  	s26 =	simm.s32 $execute0_lowered;
	[smem:$0x3FD2] =	sst s25  }
0xa6: {  	s4 =	sshll.u32 s26, $0x1;
	_ =	strace $0x80000052;
	[dreg:$0x1] =	wrdreg $0xFFFFFFFF  }
0xa7: {  	s28 =	simm.s32 $_size_execute0_lowered;
	s2 =	sadd.s32 s2, s4;
	[dreg:$0x0] =	wrdreg $0x0  }
0xa8: {  	s4 =	sshll.u32 s28, $0x1;
	[dreg:$0x2] =	wrdreg s2  }
0xa9: {  	[dreg:$0x3] =	wrdreg s4  }
0xaa: {  	[dreg:$0x4] =	wrdreg $0xC0  }
0xab: {  	_ =	task [dreg:s6], $0x5FFFF  }
0xac: {  	[dreg:$0x1] =	wrdreg $0xFFFFFFFF  }
0xad: {  	[dreg:$0x0] =	wrdreg $0x60  }
0xae: {  	[dreg:$0x2] =	wrdreg s24  }
0xaf: {  	[dreg:$0x3] =	wrdreg $0x84000  }
0xb0: {  	[dreg:$0x4] =	wrdreg $0x9  }
0xb1: {  	_ =	task.clear_ibuf [dreg:s6], $0x5FFFF;
	_ =	strace $0x90000052  }
0xb2: {  	s29 =	simm.s32 $0x9;
	_ =	strace $0x80000054  }
0xb3: {  	_ =	swait.ge [sflag:s29], $0x1  }
0xb4: {  	[sflag:s29] =	ssyncadd.s32 $0xFFFFFFFF  }
0xb5: {  	_ =	strace $0x90000054  }
0xb6: {  	_ =	sfence  }
0xb7: {  	s30 =	sld [smem:$0x0];
	_ =	sdelay $0x2  }
0xb8: {  	s31 =	sshll.u32 s1, $0xD;
	s1 =	sshrl.u32 s1, $0x2  }
0xb9: {  	s3 =	sand.u32 $0x4000, s31;
	s1 =	sadd.s32 s1, s30  }
0xba: {  	s0 =	sor.u32 s3, s0;
	s1 =	sshll.u32 s1, $0x11  }
0xbb: {  	s0 =	sor.u32 s1, s0  }
0xbc: {  	s0 =	sadd.s32 $0x8F2B, s0  }
0xbd: {  	[sflag:s0] =	ssyncadd.remote.s32 $0x1  }
0xbe: {  	_ =	sfence.sel $0xFFFF  }
0xbf: {  	[dreg:$0x0] =	wrdreg $0xFFFFFFFF;
	(pc) =	sbr.abs _section_cstart, $3  }
0xc0: {  	[dreg:$0x1] =	wrdreg $0xFFFFFFFF  }
0xc1: {  	_ =	task.clear_ibuf [dreg:s6], $0x2FFFF;
	_ =	strace $0x9FFFFFFF  }
0xc2: {  	(tm) =	ssettm $0x7FFFFFFF  }
0xc3: {  	_ =	shalt  }
tec
execute0_lowered:
.L_overlay_start_1:
0x0: {  	(tag) =	ssettag $0x1  }
0x1: {  	s0 =	rddreg [dreg:$0x0]  }
0x2: {  	s2 =	rddreg [dreg:$0x1]  }
0x3: {  	s28 =	rddreg [dreg:$0x2];
	s7 =	simm.s32 $0x0;
	s3 =	srdreg.scid  }
0x4: {  	s29 =	stileid.u32;
	[smem:$0x7FF] =	sst s7;
	s1 =	sadd.s32 $0xFE00, s0  }
0x5: {  	s5 =	sadd.s32 $0x5400, s0;
	s6 =	sadd.s32 $0x10600, s0;
	s8 =	sand.u32 $0x1, s3  }
0x6: {  	s9 =	sshll.u32 s29, $0x7;
	s4 =	sadd.s32 $0x69E00, s0;
	s13 =	smul.u32 $0x19000, s29  }
0x7: {  	_ =	strace $0x80000053;
	[dreg:$0x3] =	wrdreg s1;
	s3 =	ssub.s32 $0x2, s8  }
0x8: {  	s10 =	sshll.u32 s8, $0x6;
	p0 =	seq.s32 s8, $0x1;
	s11 =	sshrl.u32 s3, $0x1  }
0x9: {  	s9 =	sor.u32 s10, s9;
	s10 =	sadd.s32 $0x91E00, s0;
	s13 =	sshrl.u32 s13, $0x2  }
0xa: {  	s0 =	sadd.s32 $0x9E600, s0;
	s11 =	ssub.s32 s3, s11;
	s14 =	sadd.s32 s5, s9  }
0xb: {  	s15 =	sadd.s32 s6, s9;
	s12 =	sor.u32 $0x10, s9;
	s18 =	sor.u32 $0x20, s9  }
0xc: {  	s3 =	sadd.s32 s13, s2;
	s9 =	sor.u32 $0x30, s9;
	[dreg:$0x4] =	wrdreg s14  }
0xd: {  	s13 =	simm.s32 $0xA;
	[dreg:$0x5] =	wrdreg s15;
	s16 =	sadd.s32 s5, s12  }
0xe: {  	s17 =	sadd.s32 s6, s12;
	s19 =	sadd.s32 s5, s18;
	s14 =	smul.u32 $0x6400, s29  }
0xf: {  	s12 =	sadd.s32 s6, s18;
	s15 =	smul.u32 $0xC8, s29;
	[dreg:$0x6] =	wrdreg s16  }
0x10: {  	s5 =	sadd.s32 s5, s9;
	s22 =	sadd.s32 s6, s9;
	[dreg:$0x7] =	wrdreg s17  }
0x11: {  	s30 =	smax.u32 s11, $0x1;
	s6 =	simm.s32 $0xB;
	[dreg:$0x8] =	wrdreg s19  }
0x12: {  	s9 =	simm.s32 $0x380;
	s11 =	simm.s32 $0x4400;
	[dreg:$0x9] =	wrdreg s12  }
0x13: {  	s18 =	simm.s32 $0x7;
	s12 =	smul.u32 $0xC80, s29;
	[dreg:$0xa] =	wrdreg s5  }
0x14: {  	[dreg:$0xb] =	wrdreg s22;
	s17 =	simm.s32 $0x280;
	s16 =	simm.s32 $0x9  }
0x15: {  	s22 =	simm.s32 $0x6;
	s19 =	simm.s32 $0x4;
	p1 =	sne.s32 s30, $0x1  }
0x16: {  	s31 =	sadd.s32 $0xFFFFFFFF, s30;
	s20 =	sshrl.u32 s14, $0x3;
	s21 =	sadd.s32 $0x80, s15  }
0x17: {  	s15 =	simm.s32 $0x180;
	s14 =	simm.s32 $0x8;
	s8 =	sadd.s32 $0xC800, s20  }
0x18: {  	s24 =	sshll.u32 s21, $0x4;
	s25 =	sshll.u32 s21, $0x7;
	s21 =	simm.s32 $0x200  }
0x19: {  	s20 =	simm.s32 $0x100;
	s12 =	smov.u32 @p0 s8;
	s5 =	sadd.s32 s25, s2  }
.Ltmp0:
0x1a: {  	s8 =	simm.s32 $0x80;
	s25 =	simm.s32 $0x2;
	(pc) =	sbr.rel @!p1 .LBB2_5-.Ltmp0, $4  }
0x1b: {  	s23 =	sadd.s32 s10, s12;
	s10 =	smov.u32 @p0 s0;
	s0 =	rddreg [dreg:$0x3]  }
0x1c: {  	s12 =	simm.s32 $0x300;
	p0 =	por $0x0, $0x0;
	[dreg:$0xc] =	wrdreg s23  }
0x1d: {  	s26 =	sadd.s32 s24, s10;
	s10 =	simm.s32 $0x400;
	s24 =	simm.s32 $0x5  }
0x1e: {  	s23 =	simm.s32 $0x3;
	[dreg:$0xd] =	wrdreg s26;
	s26 =	simm.s32 $0x1  }
0x1f: {  	[tilespmem:s10], [sflag:$0xB] =	stream.linear.gather [hbm4b:s0+s7], $0x4000, $0x38;
	[tilespmem:$0xE800] =	vst v63  }
0x20: {  	_ =	swait.ge [sflag:s6], $0x4000  }
0x21: {  	[sflag:s6] =	ssyncset.done $0x0  }
0x22: {  	[sflag:s6] =	ssyncadd.s32 $0xFFFFC000  }
0x23: {  	[spmem:s3] =	stream.linear.scatter [tilespmem:s10], [sflag:$0xB], $0x4000, $0x38;
	[tilespmem:$0xE800] =	vst v63  }
0x24: {  	_ =	swait.ge [sflag:s6], $0x4000  }
0x25: {  	[sflag:s6] =	ssyncset.done $0x0  }
0x26: {  	[sflag:s6] =	ssyncadd.s32 $0xFFFFC000  }
0x27: {  	[spmem:s5] =	stream.linear.scatter [tilespmem:s10], [sflag:$0xB], $0x2400, $0x38;
	[tilespmem:$0xE800] =	vst v63  }
0x28: {  	_ =	swait.ge [sflag:s6], $0x2400  }
0x29: {  	[sflag:s6] =	ssyncset.done $0x0  }
0x2a: {  	[sflag:s6] =	ssyncadd.s32 $0xFFFFDC00  }
0x2b: {  	[bflag:$0x0] =	sbarrier.arrive $0xFFFF  }
0x2c: {  	s1 =	rddreg [dreg:$0x4]  }
0x2d: {  	[tilespmem:s7], [sflag:$0x1] =	stream.linear.gather [hbm4b:s1+s7], $0x80, $0x38;
	[tilespmem:$0xE800] =	vst v63  }
0x2e: {  	s28 =	rddreg [dreg:$0x5]  }
0x2f: {  	[tilespmem:s21], [sflag:$0x5] =	stream.linear.gather [hbm4b:s28+s7], $0x80, $0x38;
	[tilespmem:$0xE800] =	vst v63  }
0x30: {  	s1 =	rddreg [dreg:$0x6]  }
0x31: {  	[tilespmem:s8], [sflag:$0x2] =	stream.linear.gather [hbm4b:s1+s7], $0x80, $0x38;
	[tilespmem:$0xE800] =	vst v63  }
0x32: {  	s28 =	rddreg [dreg:$0x7]  }
0x33: {  	[tilespmem:s17], [sflag:$0x6] =	stream.linear.gather [hbm4b:s28+s7], $0x80, $0x38;
	[tilespmem:$0xE800] =	vst v63  }
0x34: {  	s1 =	rddreg [dreg:$0x8]  }
0x35: {  	[tilespmem:s20], [sflag:$0x3] =	stream.linear.gather [hbm4b:s1+s7], $0x80, $0x38;
	[tilespmem:$0xE800] =	vst v63  }
0x36: {  	s28 =	rddreg [dreg:$0x9]  }
0x37: {  	[tilespmem:s12], [sflag:$0x7] =	stream.linear.gather [hbm4b:s28+s7], $0x80, $0x38;
	[tilespmem:$0xE800] =	vst v63  }
0x38: {  	s1 =	rddreg [dreg:$0xa]  }
0x39: {  	[tilespmem:s15], [sflag:$0x4] =	stream.linear.gather [hbm4b:s1+s7], $0x80, $0x38;
	[tilespmem:$0xE800] =	vst v63  }
0x3a: {  	s28 =	rddreg [dreg:$0xb]  }
0x3b: {  	[tilespmem:s9], [sflag:$0x8] =	stream.linear.gather [hbm4b:s28+s7], $0x80, $0x38;
	[tilespmem:$0xE800] =	vst v63  }
0x3c: {  	_ =	swait.ge [sflag:s26], $0x80  }
0x3d: {  	[sflag:s26] =	ssyncset.done $0x0  }
0x3e: {  	[sflag:s26] =	ssyncadd.s32 $0xFFFFFF80  }
0x3f: {  	[tilespmem:s10], [sflag:$0x9] =	stream.indirect.gather [hbm4b:s4+s8], $0x80, s7, s8, $0xb8;
	[tilespmem:$0xE800] =	vst v63  }
0x40: {  	_ =	swait.ge [sflag:s25], $0x80  }
0x41: {  	[sflag:s25] =	ssyncset.done $0x0  }
0x42: {  	[sflag:s25] =	ssyncadd.s32 $0xFFFFFF80  }
0x43: {  	[tilespmem:s11], [sflag:$0xA] =	stream.indirect.gather [hbm4b:s4+s8], $0x80, s8, s8, $0xb8;
	[tilespmem:$0xE800] =	vst v63  }
0x44: {  	_ =	swait.ge [sflag:s16], $0x4000  }
0x45: {  	[sflag:s16] =	ssyncset.done $0x0  }
0x46: {  	[sflag:s16] =	ssyncadd.s32 $0xFFFFC000  }
0x47: {  	_ =	swait.ge [sflag:s24], $0x80  }
0x48: {  	[sflag:s24] =	ssyncset.done $0x0  }
0x49: {  	[sflag:s24] =	ssyncadd.s32 $0xFFFFFF80  }
0x4a: {  	[spmem:s2] =	stream.indirect.scatter.add.f32 [tilespmem:s10], [sflag:$0xB], $0x80, s21, s8, $0xb8;
	[tilespmem:$0xE800] =	vst v63  }
0x4b: {  	_ =	swait.ge [sflag:s6], $0x4000  }
0x4c: {  	[sflag:s6] =	ssyncset.done $0x0  }
0x4d: {  	[sflag:s6] =	ssyncadd.s32 $0xFFFFC000  }
0x4e: {  	_ =	swait.ge [sflag:s23], $0x80  }
0x4f: {  	[sflag:s23] =	ssyncset.done $0x0  }
0x50: {  	[sflag:s23] =	ssyncadd.s32 $0xFFFFFF80  }
0x51: {  	[tilespmem:s10], [sflag:$0x9] =	stream.indirect.gather [hbm4b:s4+s8], $0x80, s20, s8, $0xb8;
	[tilespmem:$0xE800] =	vst v63  }
0x52: {  	_ =	swait.ge [sflag:s13], $0x4000  }
0x53: {  	[sflag:s13] =	ssyncset.done $0x0  }
0x54: {  	[sflag:s13] =	ssyncadd.s32 $0xFFFFC000  }
0x55: {  	_ =	swait.ge [sflag:s22], $0x80  }
0x56: {  	[sflag:s22] =	ssyncset.done $0x0  }
0x57: {  	[sflag:s22] =	ssyncadd.s32 $0xFFFFFF80  }
0x58: {  	[spmem:s2] =	stream.indirect.scatter.add.f32 [tilespmem:s11], [sflag:$0xB], $0x80, s17, s8, $0xb8;
	[tilespmem:$0xE800] =	vst v63  }
0x59: {  	_ =	swait.ge [sflag:s6], $0x4000  }
0x5a: {  	[sflag:s6] =	ssyncset.done $0x0  }
0x5b: {  	[sflag:s6] =	ssyncadd.s32 $0xFFFFC000  }
0x5c: {  	_ =	swait.ge [sflag:s19], $0x80  }
0x5d: {  	[sflag:s19] =	ssyncset.done $0x0  }
0x5e: {  	[sflag:s19] =	ssyncadd.s32 $0xFFFFFF80  }
0x5f: {  	[tilespmem:s11], [sflag:$0xA] =	stream.indirect.gather [hbm4b:s4+s8], $0x80, s15, s8, $0xb8;
	[tilespmem:$0xE800] =	vst v63  }
0x60: {  	_ =	swait.ge [sflag:s16], $0x4000  }
0x61: {  	[sflag:s16] =	ssyncset.done $0x0  }
0x62: {  	[sflag:s16] =	ssyncadd.s32 $0xFFFFC000  }
0x63: {  	_ =	swait.ge [sflag:s18], $0x80  }
0x64: {  	[sflag:s18] =	ssyncset.done $0x0  }
0x65: {  	[sflag:s18] =	ssyncadd.s32 $0xFFFFFF80  }
0x66: {  	[spmem:s2] =	stream.indirect.scatter.add.f32 [tilespmem:s10], [sflag:$0xB], $0x80, s12, s8, $0xb8;
	[tilespmem:$0xE800] =	vst v63  }
0x67: {  	_ =	swait.ge [sflag:s6], $0x4000  }
0x68: {  	[sflag:s6] =	ssyncset.done $0x0  }
0x69: {  	[sflag:s6] =	ssyncadd.s32 $0xFFFFC000  }
0x6a: {  	_ =	swait.ge [sflag:s13], $0x4000  }
0x6b: {  	[sflag:s13] =	ssyncset.done $0x0  }
0x6c: {  	[sflag:s13] =	ssyncadd.s32 $0xFFFFC000  }
0x6d: {  	_ =	swait.ge [sflag:s14], $0x80  }
0x6e: {  	[sflag:s14] =	ssyncset.done $0x0  }
0x6f: {  	[sflag:s14] =	ssyncadd.s32 $0xFFFFFF80  }
0x70: {  	[spmem:s2] =	stream.indirect.scatter.add.f32 [tilespmem:s11], [sflag:$0xB], $0x80, s9, s8, $0xb8;
	[tilespmem:$0xE800] =	vst v63  }
0x71: {  	_ =	swait.ge [sflag:s6], $0x4000  }
0x72: {  	[sflag:s6] =	ssyncset.done $0x0  }
0x73: {  	[sflag:s6] =	ssyncadd.s32 $0xFFFFC000  }
0x74: {  	s28 =	sshll.u32 s29, $0x6;
	[bflag:$0x0] =	sbarrier.arrive $0xFFFF  }
0x75: {  	s29 =	sshrl.u32 s3, $0x3;
	s28 =	sor.u32 $0x1C0B, s28;
	s1 =	rddreg [dreg:$0xc]  }
0x76: {  	[hbm:s1], [sflag:s28] =	dma.local [spmem:s29], $0x800  }
0x77: {  	p1 =	sne.s32 s31, $0x1;
	_ =	swait.ge [sflag:s6], $0x800  }
.Ltmp1:
0x78: {  	[sflag:s6] =	ssyncset.done $0x0;
	(pc) =	sbr.rel @!p1 .LBB2_2-.Ltmp1, $4  }
0x79: {  	s30 =	sshrl.u32 s5, $0x3;
	s1 =	rddreg [dreg:$0xd];
	[sflag:s6] =	ssyncadd.s32 $0xFFFFF800  }
0x7a: {  	[hbm:s1], [sflag:s28] =	dma.local [spmem:s30], $0x480  }
0x7b: {  	s31 =	sadd.s32 $0xFFFFFFFF, s31;
	_ =	swait.ge [sflag:s6], $0x480  }
0x7c: {  	p0 =	por $0x1, $0x1;
	s0 =	rddreg [dreg:$0x3];
	[sflag:s6] =	ssyncset.done $0x0  }
.LBB2_3:
0x7d: {  	[sflag:s6] =	ssyncadd.s32 $0xFFFFFB80  }
0x7e: {  	[tilespmem:s10], [sflag:$0xB] =	stream.linear.gather [hbm4b:s0+s7], $0x4000, $0x38;
	[tilespmem:$0xE800] =	vst v63  }
0x7f: {  	_ =	swait.ge [sflag:s6], $0x4000  }
0x80: {  	[sflag:s6] =	ssyncset.done $0x0  }
0x81: {  	[sflag:s6] =	ssyncadd.s32 $0xFFFFC000  }
0x82: {  	[spmem:s3] =	stream.linear.scatter [tilespmem:s10], [sflag:$0xB], $0x4000, $0x38;
	[tilespmem:$0xE800] =	vst v63  }
0x83: {  	_ =	swait.ge [sflag:s6], $0x4000  }
0x84: {  	[sflag:s6] =	ssyncset.done $0x0  }
0x85: {  	[sflag:s6] =	ssyncadd.s32 $0xFFFFC000  }
0x86: {  	[spmem:s5] =	stream.linear.scatter [tilespmem:s10], [sflag:$0xB], $0x2400, $0x38;
	[tilespmem:$0xE800] =	vst v63  }
0x87: {  	_ =	swait.ge [sflag:s6], $0x2400  }
0x88: {  	[sflag:s6] =	ssyncset.done $0x0  }
0x89: {  	[sflag:s6] =	ssyncadd.s32 $0xFFFFDC00  }
0x8a: {  	[bflag:$0x0] =	sbarrier.arrive $0xFFFF  }
0x8b: {  	s0 =	rddreg [dreg:$0x4]  }
0x8c: {  	[tilespmem:s7], [sflag:$0x1] =	stream.linear.gather [hbm4b:s0+s7], $0x80, $0x38;
	[tilespmem:$0xE800] =	vst v63  }
0x8d: {  	s1 =	rddreg [dreg:$0x5]  }
0x8e: {  	[tilespmem:s21], [sflag:$0x5] =	stream.linear.gather [hbm4b:s1+s7], $0x80, $0x38;
	[tilespmem:$0xE800] =	vst v63  }
0x8f: {  	s0 =	rddreg [dreg:$0x6]  }
0x90: {  	[tilespmem:s8], [sflag:$0x2] =	stream.linear.gather [hbm4b:s0+s7], $0x80, $0x38;
	[tilespmem:$0xE800] =	vst v63  }
0x91: {  	s1 =	rddreg [dreg:$0x7]  }
0x92: {  	[tilespmem:s17], [sflag:$0x6] =	stream.linear.gather [hbm4b:s1+s7], $0x80, $0x38;
	[tilespmem:$0xE800] =	vst v63  }
0x93: {  	s0 =	rddreg [dreg:$0x8]  }
0x94: {  	[tilespmem:s20], [sflag:$0x3] =	stream.linear.gather [hbm4b:s0+s7], $0x80, $0x38;
	[tilespmem:$0xE800] =	vst v63  }
0x95: {  	s1 =	rddreg [dreg:$0x9]  }
0x96: {  	[tilespmem:s12], [sflag:$0x7] =	stream.linear.gather [hbm4b:s1+s7], $0x80, $0x38;
	[tilespmem:$0xE800] =	vst v63  }
0x97: {  	s0 =	rddreg [dreg:$0xa]  }
0x98: {  	[tilespmem:s15], [sflag:$0x4] =	stream.linear.gather [hbm4b:s0+s7], $0x80, $0x38;
	[tilespmem:$0xE800] =	vst v63  }
0x99: {  	s1 =	rddreg [dreg:$0xb]  }
0x9a: {  	[tilespmem:s9], [sflag:$0x8] =	stream.linear.gather [hbm4b:s1+s7], $0x80, $0x38;
	[tilespmem:$0xE800] =	vst v63  }
0x9b: {  	_ =	swait.ge [sflag:s26], $0x80  }
0x9c: {  	[sflag:s26] =	ssyncset.done $0x0  }
0x9d: {  	[sflag:s26] =	ssyncadd.s32 $0xFFFFFF80  }
0x9e: {  	[tilespmem:s10], [sflag:$0x9] =	stream.indirect.gather [hbm4b:s4+s8], $0x80, s7, s8, $0xb8;
	[tilespmem:$0xE800] =	vst v63  }
0x9f: {  	_ =	swait.ge [sflag:s25], $0x80  }
0xa0: {  	[sflag:s25] =	ssyncset.done $0x0  }
0xa1: {  	[sflag:s25] =	ssyncadd.s32 $0xFFFFFF80  }
0xa2: {  	[tilespmem:s11], [sflag:$0xA] =	stream.indirect.gather [hbm4b:s4+s8], $0x80, s8, s8, $0xb8;
	[tilespmem:$0xE800] =	vst v63  }
0xa3: {  	_ =	swait.ge [sflag:s16], $0x4000  }
0xa4: {  	[sflag:s16] =	ssyncset.done $0x0  }
0xa5: {  	[sflag:s16] =	ssyncadd.s32 $0xFFFFC000  }
0xa6: {  	_ =	swait.ge [sflag:s24], $0x80  }
0xa7: {  	[sflag:s24] =	ssyncset.done $0x0  }
0xa8: {  	[sflag:s24] =	ssyncadd.s32 $0xFFFFFF80  }
0xa9: {  	[spmem:s2] =	stream.indirect.scatter.add.f32 [tilespmem:s10], [sflag:$0xB], $0x80, s21, s8, $0xb8;
	[tilespmem:$0xE800] =	vst v63  }
0xaa: {  	_ =	swait.ge [sflag:s6], $0x4000  }
0xab: {  	[sflag:s6] =	ssyncset.done $0x0  }
0xac: {  	[sflag:s6] =	ssyncadd.s32 $0xFFFFC000  }
0xad: {  	_ =	swait.ge [sflag:s23], $0x80  }
0xae: {  	[sflag:s23] =	ssyncset.done $0x0  }
0xaf: {  	[sflag:s23] =	ssyncadd.s32 $0xFFFFFF80  }
0xb0: {  	[tilespmem:s10], [sflag:$0x9] =	stream.indirect.gather [hbm4b:s4+s8], $0x80, s20, s8, $0xb8;
	[tilespmem:$0xE800] =	vst v63  }
0xb1: {  	_ =	swait.ge [sflag:s13], $0x4000  }
0xb2: {  	[sflag:s13] =	ssyncset.done $0x0  }
0xb3: {  	[sflag:s13] =	ssyncadd.s32 $0xFFFFC000  }
0xb4: {  	_ =	swait.ge [sflag:s22], $0x80  }
0xb5: {  	[sflag:s22] =	ssyncset.done $0x0  }
0xb6: {  	[sflag:s22] =	ssyncadd.s32 $0xFFFFFF80  }
0xb7: {  	[spmem:s2] =	stream.indirect.scatter.add.f32 [tilespmem:s11], [sflag:$0xB], $0x80, s17, s8, $0xb8;
	[tilespmem:$0xE800] =	vst v63  }
0xb8: {  	_ =	swait.ge [sflag:s6], $0x4000  }
0xb9: {  	[sflag:s6] =	ssyncset.done $0x0  }
0xba: {  	[sflag:s6] =	ssyncadd.s32 $0xFFFFC000  }
0xbb: {  	_ =	swait.ge [sflag:s19], $0x80  }
0xbc: {  	[sflag:s19] =	ssyncset.done $0x0  }
0xbd: {  	[sflag:s19] =	ssyncadd.s32 $0xFFFFFF80  }
0xbe: {  	[tilespmem:s11], [sflag:$0xA] =	stream.indirect.gather [hbm4b:s4+s8], $0x80, s15, s8, $0xb8;
	[tilespmem:$0xE800] =	vst v63  }
0xbf: {  	_ =	swait.ge [sflag:s16], $0x4000  }
0xc0: {  	[sflag:s16] =	ssyncset.done $0x0  }
0xc1: {  	[sflag:s16] =	ssyncadd.s32 $0xFFFFC000  }
0xc2: {  	_ =	swait.ge [sflag:s18], $0x80  }
0xc3: {  	[sflag:s18] =	ssyncset.done $0x0  }
0xc4: {  	[sflag:s18] =	ssyncadd.s32 $0xFFFFFF80  }
0xc5: {  	[spmem:s2] =	stream.indirect.scatter.add.f32 [tilespmem:s10], [sflag:$0xB], $0x80, s12, s8, $0xb8;
	[tilespmem:$0xE800] =	vst v63  }
0xc6: {  	_ =	swait.ge [sflag:s6], $0x4000  }
0xc7: {  	[sflag:s6] =	ssyncset.done $0x0  }
0xc8: {  	[sflag:s6] =	ssyncadd.s32 $0xFFFFC000  }
0xc9: {  	_ =	swait.ge [sflag:s13], $0x4000  }
0xca: {  	[sflag:s13] =	ssyncset.done $0x0  }
0xcb: {  	[sflag:s13] =	ssyncadd.s32 $0xFFFFC000  }
0xcc: {  	_ =	swait.ge [sflag:s14], $0x80  }
0xcd: {  	[sflag:s14] =	ssyncset.done $0x0  }
0xce: {  	[sflag:s14] =	ssyncadd.s32 $0xFFFFFF80  }
0xcf: {  	[spmem:s2] =	stream.indirect.scatter.add.f32 [tilespmem:s11], [sflag:$0xB], $0x80, s9, s8, $0xb8;
	[tilespmem:$0xE800] =	vst v63  }
0xd0: {  	_ =	swait.ge [sflag:s6], $0x4000  }
0xd1: {  	[sflag:s6] =	ssyncset.done $0x0  }
0xd2: {  	[sflag:s6] =	ssyncadd.s32 $0xFFFFC000  }
0xd3: {  	[bflag:$0x0] =	sbarrier.arrive $0xFFFF  }
0xd4: {  	s1 =	rddreg [dreg:$0xc]  }
0xd5: {  	[hbm:s1], [sflag:s28] =	dma.local [spmem:s29], $0x800  }
0xd6: {  	p1 =	sne.s32 s31, $0x1;
	_ =	swait.ge [sflag:s6], $0x800  }
.Ltmp2:
0xd7: {  	[sflag:s6] =	ssyncset.done $0x0;
	(pc) =	sbr.rel @p1 .LBB2_3-.Ltmp2, $4  }
0xd8: {  	s1 =	rddreg [dreg:$0xd];
	[sflag:s6] =	ssyncadd.s32 $0xFFFFF800  }
0xd9: {  	[hbm:s1], [sflag:s28] =	dma.local [spmem:s30], $0x480  }
0xda: {  	_ =	swait.ge [sflag:s6], $0x480  }
0xdb: {  	s31 =	sadd.s32 $0xFFFFFFFF, s31;
	s0 =	rddreg [dreg:$0x3];
	[sflag:s6] =	ssyncset.done $0x0  }
0xdc: {  	s28 =	rddreg [dreg:$0x2];
	s29 =	stileid.u32  }
.LBB2_5:
0xdd: {  	[sflag:s6] =	ssyncadd.s32 @p0 $0xFFFFFB80  }
0xde: {  	[tilespmem:s10], [sflag:$0xB] =	stream.linear.gather [hbm4b:s0+s7], $0x4000, $0x38;
	[tilespmem:$0xE800] =	vst v63  }
0xdf: {  	_ =	swait.ge [sflag:s6], $0x4000  }
0xe0: {  	[sflag:s6] =	ssyncset.done $0x0  }
0xe1: {  	[sflag:s6] =	ssyncadd.s32 $0xFFFFC000  }
0xe2: {  	[spmem:s3] =	stream.linear.scatter [tilespmem:s10], [sflag:$0xB], $0x4000, $0x38;
	[tilespmem:$0xE800] =	vst v63  }
0xe3: {  	_ =	swait.ge [sflag:s6], $0x4000  }
0xe4: {  	[sflag:s6] =	ssyncset.done $0x0  }
0xe5: {  	[sflag:s6] =	ssyncadd.s32 $0xFFFFC000  }
0xe6: {  	[spmem:s5] =	stream.linear.scatter [tilespmem:s10], [sflag:$0xB], $0x2400, $0x38;
	[tilespmem:$0xE800] =	vst v63  }
0xe7: {  	_ =	swait.ge [sflag:s6], $0x2400  }
0xe8: {  	[sflag:s6] =	ssyncset.done $0x0  }
0xe9: {  	[sflag:s6] =	ssyncadd.s32 $0xFFFFDC00  }
0xea: {  	[bflag:$0x0] =	sbarrier.arrive $0xFFFF  }
0xeb: {  	s31 =	rddreg [dreg:$0x4]  }
0xec: {  	[tilespmem:s7], [sflag:$0x1] =	stream.linear.gather [hbm4b:s31+s7], $0x80, $0x38;
	[tilespmem:$0xE800] =	vst v63  }
0xed: {  	s1 =	rddreg [dreg:$0x5]  }
0xee: {  	[tilespmem:s21], [sflag:$0x5] =	stream.linear.gather [hbm4b:s1+s7], $0x80, $0x38;
	[tilespmem:$0xE800] =	vst v63  }
0xef: {  	s30 =	rddreg [dreg:$0x6]  }
0xf0: {  	[tilespmem:s8], [sflag:$0x2] =	stream.linear.gather [hbm4b:s30+s7], $0x80, $0x38;
	[tilespmem:$0xE800] =	vst v63  }
0xf1: {  	s31 =	rddreg [dreg:$0x7]  }
0xf2: {  	[tilespmem:s17], [sflag:$0x6] =	stream.linear.gather [hbm4b:s31+s7], $0x80, $0x38;
	[tilespmem:$0xE800] =	vst v63  }
0xf3: {  	s30 =	rddreg [dreg:$0x8]  }
0xf4: {  	[tilespmem:s20], [sflag:$0x3] =	stream.linear.gather [hbm4b:s30+s7], $0x80, $0x38;
	[tilespmem:$0xE800] =	vst v63  }
0xf5: {  	s31 =	rddreg [dreg:$0x9]  }
0xf6: {  	[tilespmem:s12], [sflag:$0x7] =	stream.linear.gather [hbm4b:s31+s7], $0x80, $0x38;
	[tilespmem:$0xE800] =	vst v63  }
0xf7: {  	s30 =	rddreg [dreg:$0xa]  }
0xf8: {  	[tilespmem:s15], [sflag:$0x4] =	stream.linear.gather [hbm4b:s30+s7], $0x80, $0x38;
	[tilespmem:$0xE800] =	vst v63  }
0xf9: {  	s31 =	rddreg [dreg:$0xb]  }
0xfa: {  	[tilespmem:s9], [sflag:$0x8] =	stream.linear.gather [hbm4b:s31+s7], $0x80, $0x38;
	[tilespmem:$0xE800] =	vst v63  }
0xfb: {  	_ =	swait.ge [sflag:s26], $0x80  }
0xfc: {  	[sflag:s26] =	ssyncset.done $0x0  }
0xfd: {  	[sflag:s26] =	ssyncadd.s32 $0xFFFFFF80  }
0xfe: {  	[tilespmem:s10], [sflag:$0x9] =	stream.indirect.gather [hbm4b:s4+s8], $0x80, s7, s8, $0xb8;
	[tilespmem:$0xE800] =	vst v63  }
0xff: {  	_ =	swait.ge [sflag:s25], $0x80  }
0x100: {  	[sflag:s25] =	ssyncset.done $0x0  }
0x101: {  	[sflag:s25] =	ssyncadd.s32 $0xFFFFFF80  }
0x102: {  	[tilespmem:s11], [sflag:$0xA] =	stream.indirect.gather [hbm4b:s4+s8], $0x80, s8, s8, $0xb8;
	[tilespmem:$0xE800] =	vst v63  }
0x103: {  	_ =	swait.ge [sflag:s16], $0x4000  }
0x104: {  	[sflag:s16] =	ssyncset.done $0x0  }
0x105: {  	[sflag:s16] =	ssyncadd.s32 $0xFFFFC000  }
0x106: {  	_ =	swait.ge [sflag:s24], $0x80  }
0x107: {  	[sflag:s24] =	ssyncset.done $0x0  }
0x108: {  	[sflag:s24] =	ssyncadd.s32 $0xFFFFFF80  }
0x109: {  	[spmem:s2] =	stream.indirect.scatter.add.f32 [tilespmem:s10], [sflag:$0xB], $0x80, s21, s8, $0xb8;
	[tilespmem:$0xE800] =	vst v63  }
0x10a: {  	_ =	swait.ge [sflag:s6], $0x4000  }
0x10b: {  	[sflag:s6] =	ssyncset.done $0x0  }
0x10c: {  	[sflag:s6] =	ssyncadd.s32 $0xFFFFC000  }
0x10d: {  	_ =	swait.ge [sflag:s23], $0x80  }
0x10e: {  	[sflag:s23] =	ssyncset.done $0x0  }
0x10f: {  	[sflag:s23] =	ssyncadd.s32 $0xFFFFFF80  }
0x110: {  	[tilespmem:s10], [sflag:$0x9] =	stream.indirect.gather [hbm4b:s4+s8], $0x80, s20, s8, $0xb8;
	[tilespmem:$0xE800] =	vst v63  }
0x111: {  	_ =	swait.ge [sflag:s13], $0x4000  }
0x112: {  	[sflag:s13] =	ssyncset.done $0x0  }
0x113: {  	[sflag:s13] =	ssyncadd.s32 $0xFFFFC000  }
0x114: {  	_ =	swait.ge [sflag:s22], $0x80  }
0x115: {  	[sflag:s22] =	ssyncset.done $0x0  }
0x116: {  	[sflag:s22] =	ssyncadd.s32 $0xFFFFFF80  }
0x117: {  	[spmem:s2] =	stream.indirect.scatter.add.f32 [tilespmem:s11], [sflag:$0xB], $0x80, s17, s8, $0xb8;
	[tilespmem:$0xE800] =	vst v63  }
0x118: {  	_ =	swait.ge [sflag:s6], $0x4000  }
0x119: {  	[sflag:s6] =	ssyncset.done $0x0  }
0x11a: {  	[sflag:s6] =	ssyncadd.s32 $0xFFFFC000  }
0x11b: {  	_ =	swait.ge [sflag:s19], $0x80  }
0x11c: {  	[sflag:s19] =	ssyncset.done $0x0  }
0x11d: {  	[sflag:s19] =	ssyncadd.s32 $0xFFFFFF80  }
0x11e: {  	[tilespmem:s11], [sflag:$0xA] =	stream.indirect.gather [hbm4b:s4+s8], $0x80, s15, s8, $0xb8;
	[tilespmem:$0xE800] =	vst v63  }
0x11f: {  	_ =	swait.ge [sflag:s16], $0x4000  }
0x120: {  	[sflag:s16] =	ssyncset.done $0x0  }
0x121: {  	[sflag:s16] =	ssyncadd.s32 $0xFFFFC000  }
0x122: {  	_ =	swait.ge [sflag:s18], $0x80  }
0x123: {  	[sflag:s18] =	ssyncset.done $0x0  }
0x124: {  	[sflag:s18] =	ssyncadd.s32 $0xFFFFFF80  }
0x125: {  	[spmem:s2] =	stream.indirect.scatter.add.f32 [tilespmem:s10], [sflag:$0xB], $0x80, s12, s8, $0xb8;
	[tilespmem:$0xE800] =	vst v63  }
0x126: {  	_ =	swait.ge [sflag:s6], $0x4000  }
0x127: {  	[sflag:s6] =	ssyncset.done $0x0  }
0x128: {  	[sflag:s6] =	ssyncadd.s32 $0xFFFFC000  }
0x129: {  	_ =	swait.ge [sflag:s13], $0x4000  }
0x12a: {  	[sflag:s13] =	ssyncset.done $0x0  }
0x12b: {  	[sflag:s13] =	ssyncadd.s32 $0xFFFFC000  }
0x12c: {  	_ =	swait.ge [sflag:s14], $0x80  }
0x12d: {  	[sflag:s14] =	ssyncset.done $0x0  }
0x12e: {  	[sflag:s14] =	ssyncadd.s32 $0xFFFFFF80  }
0x12f: {  	[spmem:s2] =	stream.indirect.scatter.add.f32 [tilespmem:s11], [sflag:$0xB], $0x80, s9, s8, $0xb8;
	[tilespmem:$0xE800] =	vst v63  }
0x130: {  	_ =	swait.ge [sflag:s6], $0x4000  }
0x131: {  	[sflag:s6] =	ssyncset.done $0x0  }
0x132: {  	[sflag:s6] =	ssyncadd.s32 $0xFFFFC000  }
0x133: {  	s25 =	sshll.u32 s29, $0x6;
	[bflag:$0x0] =	sbarrier.arrive $0xFFFF  }
0x134: {  	s26 =	sshrl.u32 s3, $0x3;
	s1 =	sor.u32 $0x1C0B, s25;
	s24 =	rddreg [dreg:$0xc]  }
0x135: {  	[hbm:s24], [sflag:s1] =	dma.local [spmem:s26], $0x800  }
0x136: {  	_ =	swait.ge [sflag:s6], $0x800  }
0x137: {  	[sflag:s6] =	ssyncset.done $0x0  }
0x138: {  	s31 =	sshrl.u32 s5, $0x3;
	s30 =	rddreg [dreg:$0xd];
	[sflag:s6] =	ssyncadd.s32 $0xFFFFF800  }
0x139: {  	[hbm:s30], [sflag:s1] =	dma.local [spmem:s31], $0x480  }
0x13a: {  	_ =	swait.ge [sflag:s6], $0x480  }
0x13b: {  	[sflag:s6] =	ssyncset.done $0x0  }
0x13c: {  	[sflag:s6] =	ssyncadd.s32 $0xFFFFFB80  }
0x13d: {  	_ =	sfence.sel $0x180000  }
0x13e: {  	[bflag:$0x0] =	sbarrier.arrive $0xFFFF  }
0x13f: {  	p0 =	sne.s32 s29, $0x0;
	_ =	strace $0x90000053  }
0x140: {  	s0 =	sadd.s32 @!p0 $0x100000, s28;
	[bflag:$0x2] =	sbarrier.arrive $0xFFFF  }
0x141: {  	[sflag:s0] =	ssyncadd.tile.s32 @!p0 $0x1;
	_ =	shalt  }
.LBB2_2:
.Ltmp3:
0x142: {  	(pc) =	sbr.rel .LBB2_5-.Ltmp3, $2  }
0x143: {  	_ =	sdelay $0x2  }
0x144: {  	s28 =	rddreg [dreg:$0x2];
	s29 =	stileid.u32  }
.Lfunc_end2:
_tile_overlayer_lowered:
.L_overlay_start_2:
0x145: {  	(tag) =	ssettag $0x2  }
0x146: {  	s0 =	rddreg [dreg:$0x0];
	s2 =	stileid.u32  }
0x147: {  	s1 =	rddreg [dreg:$0x1];
	p0 =	sne.s32 s2, $0x0  }
0x148: {  	s3 =	rddreg [dreg:$0x2];
	[bflag:$0x3] =	sbarrier.arrive $0xFFFF;
	s2 =	simm.s32 @!p0 $0x1C0B  }
0x149: {  	[timem:s3], [sflag:s2] =	dma.local @!p0 [hbm:s0], s1  }
0x14a: {  	s0 =	simm.s32 @!p0 $0xB  }
0x14b: {  	_ =	swait.ge @!p0 [sflag:s0], s1  }
0x14c: {  	s1 =	ssub.s32 @!p0 $0x0, s1;
	[sflag:s0] =	ssyncset.done @!p0 $0x0  }
0x14d: {  	[sflag:s0] =	ssyncadd.s32 @!p0 s1  }
0x14e: {  	[bflag:$0x3] =	sbarrier.arrive $0xFFFF  }
0x14f: {  	_ =	shalt  }

</sc_bundles>
